<compile_context>
chip_gen: v7x
topology: tpu7x:2x2x1
jax: 0.10.2.dev20260603
libtpu: 0.0.44.dev20260713+nightly
codegen_flags: <defaults>
</compile_context>

<pallas_src>
import functools

import jax
import jax.numpy as jnp
from jax import lax
from jax.experimental import pallas as pl
from jax.experimental.pallas import tpu as pltpu
from jax.experimental.pallas import tpu_sc as plsc

N = 4096
F_IN = 256
H1 = 128
H2 = 64
NNZ = 65536

BM = 512
DB = 512


def _matmul_bf16_kernel(x_ref, w_ref, o_ref):
    o_ref[...] = lax.dot_general(
        x_ref[...], w_ref[...], (((1,), (0,)), ((), ())),
        preferred_element_type=jnp.float32).astype(jnp.bfloat16)
def _gcn_kernel(a_ref, xw1_ref, w23_ref, eps_ref,
                zm_ref, z_ref, zb_ref, kl_ref,
                adjb, h1s, hw23b, klacc):
    i = pl.program_id(0)

    @pl.when(i < 8)
    def _():
        blkb = a_ref[...].astype(jnp.bfloat16)
        acc = lax.dot_general(
            blkb, xw1_ref[...], (((1,), (0,)), ((), ())),
            preferred_element_type=jnp.float32)
        h1s[pl.ds(i * BM, BM), :] = jnp.maximum(acc, 0.0)
        adjb[pl.ds(i * BM, BM), :] = blkb

    @pl.when(i == 8)
    def _():
        hw = lax.dot_general(
            h1s[...], w23_ref[...], (((1,), (0,)), ((), ())),
            preferred_element_type=jnp.float32)
        hw23b[...] = hw.astype(jnp.bfloat16)

    @pl.when(i >= 8)
    def _():
        r = jnp.maximum(i - 8, 0)
        zc = lax.dot_general(
            adjb[pl.ds(r * BM, BM), :], hw23b[...], (((1,), (0,)), ((), ())),
            preferred_element_type=jnp.float32)
        zm = zc[:, :H2]
        zs = zc[:, H2:]
        ez = jnp.exp(zs)
        zv = zm + eps_ref[...] * ez
        zm_ref[...] = zm
        z_ref[...] = zv
        zb_ref[...] = zv.astype(jnp.bfloat16)
        term = 1.0 + 2.0 * zs - zm * zm - ez * ez

        @pl.when(i == 8)
        def _():
            klacc[...] = term

        @pl.when(i > 8)
        def _():
            klacc[...] += term

        @pl.when(i == 15)
        def _():
            kl_ref[...] = jnp.sum(klacc[...], keepdims=True)


def _decode_kernel(zi_ref, zf_ref, s1_ref, cge_ref, accs, accc):
    i = pl.program_id(0)
    j = pl.program_id(1)

    @pl.when(jnp.logical_and(i == 0, j == 0))
    def _():
        accs[...] = jnp.zeros_like(accs)
        accc[...] = jnp.zeros_like(accc)

    @pl.when(j >= i)
    def _():
        zj = zf_ref[pl.ds(j * DB, DB), :]
        x = lax.dot_general(
            zi_ref[...], zj, (((1,), (1,)), ((), ())),
            preferred_element_type=jnp.float32)
        sp = jnp.maximum(x, 0.0) + jnp.log1p(jnp.exp(-jnp.abs(x)))
        ge = (x >= 0.0).astype(jnp.float32)
        w = jnp.where(i == j, 1.0, 2.0).astype(jnp.float32)
        accs[...] += w * jnp.sum(sp, axis=0, keepdims=True)
        accc[...] += w * jnp.sum(ge, axis=0, keepdims=True)

    @pl.when(jnp.logical_and(i == pl.num_programs(0) - 1,
                             j == pl.num_programs(1) - 1))
    def _():
        s1_ref[...] = jnp.sum(accs[...], keepdims=True)
        cge_ref[...] = jnp.sum(accc[...], keepdims=True)


def _dense_chain(features, adj, eps, W1, W23):
    xw1 = pl.pallas_call(
        _matmul_bf16_kernel,
        grid=(N // BM,),
        in_specs=[pl.BlockSpec((BM, F_IN), lambda i: (i, 0)),
                  pl.BlockSpec((F_IN, H1), lambda i: (0, 0))],
        out_specs=pl.BlockSpec((BM, H1), lambda i: (i, 0)),
        out_shape=jax.ShapeDtypeStruct((N, H1), jnp.bfloat16),
    )(features, W1)

    z_mean, z, zb, klsum = pl.pallas_call(
        _gcn_kernel,
        grid=(16,),
        in_specs=[pl.BlockSpec((BM, N), lambda i: (jnp.minimum(i, 7), 0)),
                  pl.BlockSpec((N, H1), lambda i: (0, 0)),
                  pl.BlockSpec((H1, 2 * H2), lambda i: (0, 0)),
                  pl.BlockSpec((BM, H2), lambda i: (jnp.maximum(i - 8, 0), 0))],
        out_specs=[pl.BlockSpec((BM, H2), lambda i: (jnp.maximum(i - 8, 0), 0)),
                   pl.BlockSpec((BM, H2), lambda i: (jnp.maximum(i - 8, 0), 0)),
                   pl.BlockSpec((BM, H2), lambda i: (jnp.maximum(i - 8, 0), 0)),
                   pl.BlockSpec((1, 1), lambda i: (0, 0))],
        out_shape=[jax.ShapeDtypeStruct((N, H2), jnp.float32),
                   jax.ShapeDtypeStruct((N, H2), jnp.float32),
                   jax.ShapeDtypeStruct((N, H2), jnp.bfloat16),
                   jax.ShapeDtypeStruct((1, 1), jnp.float32)],
        scratch_shapes=[pltpu.VMEM((N, N), jnp.bfloat16),
                        pltpu.VMEM((N, H1), jnp.float32),
                        pltpu.VMEM((N, 2 * H2), jnp.bfloat16),
                        pltpu.VMEM((BM, H2), jnp.float32)],
        compiler_params=pltpu.CompilerParams(
            vmem_limit_bytes=100 * 1024 * 1024),
    )(adj, xw1, W23, eps)
    return z_mean, z, zb, klsum


def _decode(z):
    s1, cge = pl.pallas_call(
        _decode_kernel,
        grid=(N // DB, N // DB),
        in_specs=[pl.BlockSpec((DB, H2), lambda i, j: (i, 0)),
                  pl.BlockSpec((N, H2), lambda i, j: (0, 0))],
        out_specs=[pl.BlockSpec((1, 1), lambda i, j: (0, 0)),
                   pl.BlockSpec((1, 1), lambda i, j: (0, 0))],
        out_shape=[jax.ShapeDtypeStruct((1, 1), jnp.float32),
                   jax.ShapeDtypeStruct((1, 1), jnp.float32)],
        scratch_shapes=[pltpu.VMEM((1, DB), jnp.float32),
                        pltpu.VMEM((1, DB), jnp.float32)],
    )(z, z)
    return s1[0, 0], cge[0, 0]



_E_PER_TILE = NNZ // 32
_CHUNK = 256
_GROUPS = _CHUNK // 16


def _sc_sparse_body(z_hbm, ii_hbm, jj_hbm, vv_hbm, out_hbm,
                    ii_v, jj_v, vv_v, zi0_v, zj0_v, zi1_v, zj1_v, q_v, o_v,
                    sem_i0, sem_j0, sem_i1, sem_j1):
    c = lax.axis_index("c")
    s = lax.axis_index("s")
    wid = s * 2 + c
    base = wid * _E_PER_TILE
    pltpu.sync_copy(ii_hbm.at[pl.ds(base, _E_PER_TILE)], ii_v)
    pltpu.sync_copy(jj_hbm.at[pl.ds(base, _E_PER_TILE)], jj_v)
    pltpu.sync_copy(vv_hbm.at[pl.ds(base, _E_PER_TILE)], vv_v)

    lanes = lax.iota(jnp.int32, 16)
    zero16 = jnp.zeros((16,), jnp.float32)
    n_chunks = _E_PER_TILE // _CHUNK
    bufs = ((zi0_v, zj0_v, sem_i0, sem_j0), (zi1_v, zj1_v, sem_i1, sem_j1))

    def issue(ck, buf):
        zi_b, zj_b, s_i, s_j = buf
        off = ck * _CHUNK
        cp_i = pltpu.async_copy(z_hbm.at[ii_v.at[pl.ds(off, _CHUNK)]], zi_b, s_i)
        cp_j = pltpu.async_copy(z_hbm.at[jj_v.at[pl.ds(off, _CHUNK)]], zj_b, s_j)
        return cp_i, cp_j

    acc_s2 = zero16
    acc_corr = zero16
    pend = issue(0, bufs[0])
    for ck in range(n_chunks):
        zi_b, zj_b, s_i, s_j = bufs[ck % 2]
        pend[0].wait()
        pend[1].wait()
        if ck + 1 < n_chunks:
            pend = issue(ck + 1, bufs[(ck + 1) % 2])

        def row_body(r4, _, zi_b=zi_b, zj_b=zj_b):
            for u in range(4):
                r = r4 * 4 + u
                p0 = zi_b[r, pl.ds(0, 16)] * zj_b[r, pl.ds(0, 16)]
                p1 = zi_b[r, pl.ds(16, 16)] * zj_b[r, pl.ds(16, 16)]
                p2 = zi_b[r, pl.ds(32, 16)] * zj_b[r, pl.ds(32, 16)]
                p3 = zi_b[r, pl.ds(48, 16)] * zj_b[r, pl.ds(48, 16)]
                q_v[pl.ds(r * 16, 16)] = (p0 + p1) + (p2 + p3)
            return 0

        lax.fori_loop(0, _CHUNK // 4, row_body, 0)

        off = ck * _CHUNK

        def group_body(g, carry2, off=off):
            a_s2, a_corr = carry2
            flat0 = (g * 16 + lanes) * 16
            x = zero16
            for l in range(16):
                x = x + plsc.load_gather(q_v, [flat0 + l])
            vals = vv_v[pl.ds(off + g * 16, 16)]
            a_s2 = a_s2 + vals * x
            a_corr = a_corr + jnp.where(x >= 0.0, 1.0, -1.0)
            return (a_s2, a_corr)

        acc_s2, acc_corr = lax.fori_loop(
            0, _GROUPS, group_body, (acc_s2, acc_corr))

    o_v[0, :] = acc_s2
    o_v[1, :] = acc_corr
    pltpu.sync_copy(o_v, out_hbm.at[wid])


def _sc_sparse(z, idx_i, idx_j, values):
    mesh = plsc.VectorSubcoreMesh(core_axis_name="c", subcore_axis_name="s")
    run = pl.kernel(
        _sc_sparse_body,
        out_type=jax.ShapeDtypeStruct((32, 2, 16), jnp.float32),
        mesh=mesh,
        compiler_params=pltpu.CompilerParams(needs_layout_passes=False,
                                             use_tc_tiling_on_sc=False,
                                             has_side_effects=False),
        scratch_types=[
            pltpu.VMEM((_E_PER_TILE,), jnp.int32),
            pltpu.VMEM((_E_PER_TILE,), jnp.int32),
            pltpu.VMEM((_E_PER_TILE,), jnp.float32),
            pltpu.VMEM((_CHUNK, H2), jnp.float32),
            pltpu.VMEM((_CHUNK, H2), jnp.float32),
            pltpu.VMEM((_CHUNK, H2), jnp.float32),
            pltpu.VMEM((_CHUNK, H2), jnp.float32),
            pltpu.VMEM((_CHUNK * 16,), jnp.float32),
            pltpu.VMEM((2, 16), jnp.float32),
            pltpu.SemaphoreType.DMA,
            pltpu.SemaphoreType.DMA,
            pltpu.SemaphoreType.DMA,
            pltpu.SemaphoreType.DMA,
        ],
    )
    return run(z, idx_i, idx_j, values)


def kernel(features, adj, labels_indices, labels_values, W1, W2, W3):
    W23 = jnp.concatenate([W2, W3], axis=1)
    eps = jax.random.normal(jax.random.key(42), (N, H2), dtype=jnp.float32)

    z_mean, z, zb, klsum = _dense_chain(features, adj, eps, W1, W23)
    idx_i = labels_indices[:, 0].astype(jnp.int32)
    idx_j = labels_indices[:, 1].astype(jnp.int32)
    sc_out = _sc_sparse(z, idx_i, idx_j, labels_values)
    s1, cge = _decode(zb)
    s2 = jnp.sum(sc_out[:, 0, :])
    corr = jnp.sum(sc_out[:, 1, :])

    n2 = jnp.float32(N * N)
    cost_pre = (s1 - s2) / n2
    kl = 0.5 * klsum[0, 0] / n2
    cost = cost_pre - kl
    accuracy = ((n2 - cge) + corr) / n2
    return (cost, accuracy, z_mean, cost_pre)

# --- scband reference (transcript-rebuilt; emitter-appended) ---
"""Pipeline reference for scband-gcnmodel-vae-59691455479817 (READ-ONLY COPY).

The authoritative reference and input builder live on the scoring server;
editing this copy changes nothing except your own understanding.
"""

import jax, jax.numpy as jnp
import numpy as np

N = 4096
F_IN = 256
H1 = 128
H2 = 64
NNZ = 65536


def setup_inputs(seed: int = 0) -> dict:
    key = jax.random.key(seed)
    k1, k2, k3, k4, k5, k6 = jax.random.split(key, 6)
    features = jax.random.normal(k1, (N, F_IN), dtype=jnp.float32)
    adj = jax.random.uniform(k2, (N, N), dtype=jnp.float32)
    labels_indices = jax.random.randint(k3, (NNZ, 2), 0, N).astype(jnp.int64)
    labels_values = jnp.ones((NNZ,), dtype=jnp.float32)
    # glorot-uniform initialized GCN weights
    def glorot(k, fan_in, fan_out):
        lim = np.sqrt(6.0 / (fan_in + fan_out))
        return jax.random.uniform(k, (fan_in, fan_out), dtype=jnp.float32, minval=-lim, maxval=lim)
    W1 = glorot(k4, F_IN, H1)
    W2 = glorot(k5, H1, H2)
    W3 = glorot(k6, H1, H2)
    return {"features": features, "adj": adj, "labels_indices": labels_indices,
            "labels_values": labels_values, "W1": W1, "W2": W2, "W3": W3}


def reference(features, adj, labels_indices, labels_values, W1, W2, W3):
    pos_weight = 1.0
    # GraphConvolutionSparse: relu(adj @ (x @ W1))
    hidden1 = jax.nn.relu(adj @ (features @ W1))
    # GraphConvolution with identity activation
    z_mean = adj @ (hidden1 @ W2)
    z_std = adj @ (hidden1 @ W3)
    # reparameterization (deterministic key stands in for torch.randn)
    eps = jax.random.normal(jax.random.key(42), (N, H2), dtype=jnp.float32)
    z = z_mean + eps * jnp.exp(z_std)
    # InnerProductDecoder with identity activation, flattened
    reconstructions = (z @ z.T).reshape(-1)
    # densify sparse COO labels (duplicates sum, as in torch to_dense)
    flat_idx = labels_indices[:, 0] * N + labels_indices[:, 1]
    labels = jnp.zeros((N * N,), dtype=jnp.float32).at[flat_idx].add(labels_values)
    # BCEWithLogitsLoss with pos_weight (numerically stable)
    x = reconstructions
    y = labels
    loss = pos_weight * y * jax.nn.softplus(-x) + (1.0 - y) * jax.nn.softplus(x)
    cost = jnp.mean(loss)
    log_like = cost
    kl = 0.5 / N * jnp.mean(jnp.sum(1.0 + 2.0 * z_std - jnp.square(z_mean) - jnp.square(jnp.exp(z_std)), axis=1))
    cost = cost - kl
    correct = (jax.nn.sigmoid(x) >= 0.5).astype(jnp.int32) == y.astype(jnp.int32)
    accuracy = jnp.mean(correct.astype(jnp.float32))
    return (cost, accuracy, z_mean, log_like)

if __name__ == "__main__":
    import jax
    _d = setup_inputs()
    print(jax.jit(kernel)(*tuple(_d.values())))

</pallas_src>

<mosaic_0001>
#map = affine_map<(d0, d1) -> (0, 0)>
#map1 = affine_map<(d0, d1) -> (0)>
#map2 = affine_map<(d0, d1) -> (0, 0, 0)>
module attributes {stable_mosaic.version = 14 : i64} {
  func.func @_sc_sparse_body(%arg0: i32, %arg1: i32, %arg2: memref<4096x64xf32, #tpu.memory_space<hbm>>, %arg3: memref<65536xi32, #tpu.memory_space<hbm>>, %arg4: memref<65536xi32, #tpu.memory_space<hbm>>, %arg5: memref<65536xf32, #tpu.memory_space<hbm>>, %arg6: memref<32x2x16xf32, #tpu.memory_space<hbm>>, %arg7: memref<2048xi32, #tpu.memory_space<vmem>>, %arg8: memref<2048xi32, #tpu.memory_space<vmem>>, %arg9: memref<2048xf32, #tpu.memory_space<vmem>>, %arg10: memref<256x64xf32, #tpu.memory_space<vmem>>, %arg11: memref<256x64xf32, #tpu.memory_space<vmem>>, %arg12: memref<256x64xf32, #tpu.memory_space<vmem>>, %arg13: memref<256x64xf32, #tpu.memory_space<vmem>>, %arg14: memref<4096xf32, #tpu.memory_space<vmem>>, %arg15: memref<2x16xf32, #tpu.memory_space<vmem>>, %arg16: memref<!tpu.dma_semaphore, #tpu.memory_space<semaphore_mem>>, %arg17: memref<!tpu.dma_semaphore, #tpu.memory_space<semaphore_mem>>, %arg18: memref<!tpu.dma_semaphore, #tpu.memory_space<semaphore_mem>>, %arg19: memref<!tpu.dma_semaphore, #tpu.memory_space<semaphore_mem>>) attributes {dimension_semantics = [#tpu.dimension_semantics<core_parallel>, #tpu.dimension_semantics<subcore_parallel>], iteration_bounds = array<i64: 2, 16>, scalar_prefetch = 0 : i64, scratch_operands = 13 : i64, tpu.core_type = #tpu.core_type<sc_vector_subcore>, window_params = [{transform_indices = #map}, {transform_indices = #map1}, {transform_indices = #map1}, {transform_indices = #map1}, {transform_indices = #map2}]} {
    %mul3A = arith.constant 2 : i32
    %mul3A_0 = arith.muli %arg1, %mul3A : i32
    %add3A = arith.addi %mul3A_0, %arg0 : i32
    %mul3A_1 = arith.constant 2048 : i32
    %mul3A_2 = arith.muli %add3A, %mul3A_1 : i32
    "tpu.region"() ({
      %run_scoped3A = tpu.sem_alloc : memref<!tpu.dma_semaphore, #tpu.memory_space<semaphore_mem>>
      %dma_start3A_272 = tpu.memref_slice %arg3[%mul3A_2] : memref<65536xi32, #tpu.memory_space<hbm>> -> memref<2048xi32, #tpu.memory_space<hbm>>
      %dma_start3A_273 = tpu.memref_slice %arg3[%mul3A_2] : memref<65536xi32, #tpu.memory_space<hbm>> -> memref<2048xi32, #tpu.memory_space<hbm>>
      tpu.enqueue_dma source(%dma_start3A_273 : memref<2048xi32, #tpu.memory_space<hbm>>) target(%arg7 : memref<2048xi32, #tpu.memory_space<vmem>>) target_semaphore(%run_scoped3A : memref<!tpu.dma_semaphore, #tpu.memory_space<semaphore_mem>>)
      %dma_wait3A_274 = tpu.memref_slice %arg3[%mul3A_2] : memref<65536xi32, #tpu.memory_space<hbm>> -> memref<2048xi32, #tpu.memory_space<hbm>>
      %dma_wait3A_275 = tpu.memref_slice %arg3[%mul3A_2] : memref<65536xi32, #tpu.memory_space<hbm>> -> memref<2048xi32, #tpu.memory_space<hbm>>
      tpu.wait_dma2 semaphore(%run_scoped3A : memref<!tpu.dma_semaphore, #tpu.memory_space<semaphore_mem>>) src(%dma_wait3A_275 : memref<2048xi32, #tpu.memory_space<hbm>>) dst(%arg7 : memref<2048xi32, #tpu.memory_space<vmem>>)
      tpu.yield
    }) : () -> ()
    "tpu.region"() ({
      %run_scoped3A = tpu.sem_alloc : memref<!tpu.dma_semaphore, #tpu.memory_space<semaphore_mem>>
      %dma_start3A_272 = tpu.memref_slice %arg4[%mul3A_2] : memref<65536xi32, #tpu.memory_space<hbm>> -> memref<2048xi32, #tpu.memory_space<hbm>>
      %dma_start3A_273 = tpu.memref_slice %arg4[%mul3A_2] : memref<65536xi32, #tpu.memory_space<hbm>> -> memref<2048xi32, #tpu.memory_space<hbm>>
      tpu.enqueue_dma source(%dma_start3A_273 : memref<2048xi32, #tpu.memory_space<hbm>>) target(%arg8 : memref<2048xi32, #tpu.memory_space<vmem>>) target_semaphore(%run_scoped3A : memref<!tpu.dma_semaphore, #tpu.memory_space<semaphore_mem>>)
      %dma_wait3A_274 = tpu.memref_slice %arg4[%mul3A_2] : memref<65536xi32, #tpu.memory_space<hbm>> -> memref<2048xi32, #tpu.memory_space<hbm>>
      %dma_wait3A_275 = tpu.memref_slice %arg4[%mul3A_2] : memref<65536xi32, #tpu.memory_space<hbm>> -> memref<2048xi32, #tpu.memory_space<hbm>>
      tpu.wait_dma2 semaphore(%run_scoped3A : memref<!tpu.dma_semaphore, #tpu.memory_space<semaphore_mem>>) src(%dma_wait3A_275 : memref<2048xi32, #tpu.memory_space<hbm>>) dst(%arg8 : memref<2048xi32, #tpu.memory_space<vmem>>)
      tpu.yield
    }) : () -> ()
    "tpu.region"() ({
      %run_scoped3A = tpu.sem_alloc : memref<!tpu.dma_semaphore, #tpu.memory_space<semaphore_mem>>
      %dma_start3A_272 = tpu.memref_slice %arg5[%mul3A_2] : memref<65536xf32, #tpu.memory_space<hbm>> -> memref<2048xf32, #tpu.memory_space<hbm>>
      %dma_start3A_273 = tpu.memref_slice %arg5[%mul3A_2] : memref<65536xf32, #tpu.memory_space<hbm>> -> memref<2048xf32, #tpu.memory_space<hbm>>
      tpu.enqueue_dma source(%dma_start3A_273 : memref<2048xf32, #tpu.memory_space<hbm>>) target(%arg9 : memref<2048xf32, #tpu.memory_space<vmem>>) target_semaphore(%run_scoped3A : memref<!tpu.dma_semaphore, #tpu.memory_space<semaphore_mem>>)
      %dma_wait3A_274 = tpu.memref_slice %arg5[%mul3A_2] : memref<65536xf32, #tpu.memory_space<hbm>> -> memref<2048xf32, #tpu.memory_space<hbm>>
      %dma_wait3A_275 = tpu.memref_slice %arg5[%mul3A_2] : memref<65536xf32, #tpu.memory_space<hbm>> -> memref<2048xf32, #tpu.memory_space<hbm>>
      tpu.wait_dma2 semaphore(%run_scoped3A : memref<!tpu.dma_semaphore, #tpu.memory_space<semaphore_mem>>) src(%dma_wait3A_275 : memref<2048xf32, #tpu.memory_space<hbm>>) dst(%arg9 : memref<2048xf32, #tpu.memory_space<vmem>>)
      tpu.yield
    }) : () -> ()
    %iota3A = tpu.iota {dimensions = array<i32: 0>} : vector<16xi32>
    %broadcast_in_dim3A = arith.constant 0.000000e+00 : f32
    %broadcast_in_dim3A_3 = vector.broadcast %broadcast_in_dim3A : f32 to vector<16xf32>
    %dma_start3A = arith.constant 0 : i32
    %dma_start3A_4 = tpu.memref_slice %arg7[%dma_start3A] : memref<2048xi32, #tpu.memory_space<vmem>> -> memref<256xi32, #tpu.memory_space<vmem>>
    %dma_start3A_5 = arith.constant 0 : i32
    %dma_start3A_6 = arith.constant 0 : i32
    %dma_start3A_7 = tpu.memref_slice %arg2[%dma_start3A_5, %dma_start3A_6] : memref<4096x64xf32, #tpu.memory_space<hbm>> -> memref<4096x64xf32, #tpu.memory_space<hbm>>
    tpu.enqueue_indirect_dma source(%dma_start3A_7 : memref<4096x64xf32, #tpu.memory_space<hbm>>) target(%arg10 : memref<256x64xf32, #tpu.memory_space<vmem>>) offsets(%dma_start3A_4 : memref<256xi32, #tpu.memory_space<vmem>>) semaphore(%arg16 : memref<!tpu.dma_semaphore, #tpu.memory_space<semaphore_mem>>)
    %dma_start3A_8 = arith.constant 0 : i32
    %dma_start3A_9 = tpu.memref_slice %arg8[%dma_start3A_8] : memref<2048xi32, #tpu.memory_space<vmem>> -> memref<256xi32, #tpu.memory_space<vmem>>
    %dma_start3A_10 = arith.constant 0 : i32
    %dma_start3A_11 = arith.constant 0 : i32
    %dma_start3A_12 = tpu.memref_slice %arg2[%dma_start3A_10, %dma_start3A_11] : memref<4096x64xf32, #tpu.memory_space<hbm>> -> memref<4096x64xf32, #tpu.memory_space<hbm>>
    tpu.enqueue_indirect_dma source(%dma_start3A_12 : memref<4096x64xf32, #tpu.memory_space<hbm>>) target(%arg11 : memref<256x64xf32, #tpu.memory_space<vmem>>) offsets(%dma_start3A_9 : memref<256xi32, #tpu.memory_space<vmem>>) semaphore(%arg17 : memref<!tpu.dma_semaphore, #tpu.memory_space<semaphore_mem>>)
    %dma_wait3A = arith.constant 0 : i32
    %dma_wait3A_13 = tpu.memref_slice %arg7[%dma_wait3A] : memref<2048xi32, #tpu.memory_space<vmem>> -> memref<256xi32, #tpu.memory_space<vmem>>
    %dma_wait3A_14 = arith.constant 0 : i32
    %dma_wait3A_15 = arith.constant 0 : i32
    %dma_wait3A_16 = tpu.memref_slice %arg2[%dma_wait3A_14, %dma_wait3A_15] : memref<4096x64xf32, #tpu.memory_space<hbm>> -> memref<4096x64xf32, #tpu.memory_space<hbm>>
    tpu.wait_indirect_dma semaphore(%arg16 : memref<!tpu.dma_semaphore, #tpu.memory_space<semaphore_mem>>) src(%dma_wait3A_16 : memref<4096x64xf32, #tpu.memory_space<hbm>>) dst(%arg10 : memref<256x64xf32, #tpu.memory_space<vmem>>)
    %dma_wait3A_17 = arith.constant 0 : i32
    %dma_wait3A_18 = tpu.memref_slice %arg8[%dma_wait3A_17] : memref<2048xi32, #tpu.memory_space<vmem>> -> memref<256xi32, #tpu.memory_space<vmem>>
    %dma_wait3A_19 = arith.constant 0 : i32
    %dma_wait3A_20 = arith.constant 0 : i32
    %dma_wait3A_21 = tpu.memref_slice %arg2[%dma_wait3A_19, %dma_wait3A_20] : memref<4096x64xf32, #tpu.memory_space<hbm>> -> memref<4096x64xf32, #tpu.memory_space<hbm>>
    tpu.wait_indirect_dma semaphore(%arg17 : memref<!tpu.dma_semaphore, #tpu.memory_space<semaphore_mem>>) src(%dma_wait3A_21 : memref<4096x64xf32, #tpu.memory_space<hbm>>) dst(%arg11 : memref<256x64xf32, #tpu.memory_space<vmem>>)
    %dma_start3A_22 = arith.constant 256 : i32
    %dma_start3A_23 = tpu.memref_slice %arg7[%dma_start3A_22] : memref<2048xi32, #tpu.memory_space<vmem>> -> memref<256xi32, #tpu.memory_space<vmem>>
    %dma_start3A_24 = arith.constant 0 : i32
    %dma_start3A_25 = arith.constant 0 : i32
    %dma_start3A_26 = tpu.memref_slice %arg2[%dma_start3A_24, %dma_start3A_25] : memref<4096x64xf32, #tpu.memory_space<hbm>> -> memref<4096x64xf32, #tpu.memory_space<hbm>>
    tpu.enqueue_indirect_dma source(%dma_start3A_26 : memref<4096x64xf32, #tpu.memory_space<hbm>>) target(%arg12 : memref<256x64xf32, #tpu.memory_space<vmem>>) offsets(%dma_start3A_23 : memref<256xi32, #tpu.memory_space<vmem>>) semaphore(%arg18 : memref<!tpu.dma_semaphore, #tpu.memory_space<semaphore_mem>>)
    %dma_start3A_27 = arith.constant 256 : i32
    %dma_start3A_28 = tpu.memref_slice %arg8[%dma_start3A_27] : memref<2048xi32, #tpu.memory_space<vmem>> -> memref<256xi32, #tpu.memory_space<vmem>>
    %dma_start3A_29 = arith.constant 0 : i32
    %dma_start3A_30 = arith.constant 0 : i32
    %dma_start3A_31 = tpu.memref_slice %arg2[%dma_start3A_29, %dma_start3A_30] : memref<4096x64xf32, #tpu.memory_space<hbm>> -> memref<4096x64xf32, #tpu.memory_space<hbm>>
    tpu.enqueue_indirect_dma source(%dma_start3A_31 : memref<4096x64xf32, #tpu.memory_space<hbm>>) target(%arg13 : memref<256x64xf32, #tpu.memory_space<vmem>>) offsets(%dma_start3A_28 : memref<256xi32, #tpu.memory_space<vmem>>) semaphore(%arg19 : memref<!tpu.dma_semaphore, #tpu.memory_space<semaphore_mem>>)
    %scan3A = arith.constant 0 : i32
    %scan3A_32 = arith.constant 0 : i32
    %scan3A_33 = arith.constant 64 : i32
    %scan3A_34 = arith.addi %scan3A_32, %scan3A_33 : i32
    %scan3A_35 = arith.constant 1 : i32
    %scan3A_36 = scf.for %scan3A_272 = %scan3A_32 to %scan3A_34 step %scan3A_35 iter_args(%scan3A_273 = %scan3A) -> (i32)  : i32 {
      %mul3A_274 = arith.constant 4 : i32
      %mul3A_275 = arith.muli %scan3A_272, %mul3A_274 : i32
      %add3A_276 = arith.constant 0 : i32
      %add3A_277 = arith.addi %mul3A_275, %add3A_276 : i32
      %get3A = arith.index_cast %add3A_277 : i32 to index
      %get3A_278 = arith.constant 0 : index
      %get3A_279 = tpu.vector_load %arg10[%get3A, %get3A_278] {strides = array<i32>} : memref<256x64xf32, #tpu.memory_space<vmem>>, vector<16xf32>,
      %get3A_280 = arith.index_cast %add3A_277 : i32 to index
      %get3A_281 = arith.constant 0 : index
      %get3A_282 = tpu.vector_load %arg11[%get3A_280, %get3A_281] {strides = array<i32>} : memref<256x64xf32, #tpu.memory_space<vmem>>, vector<16xf32>,
      %mul3A_283 = arith.mulf %get3A_279, %get3A_282 : vector<16xf32>
      %get3A_284 = arith.index_cast %add3A_277 : i32 to index
      %get3A_285 = arith.constant 16 : index
      %get3A_286 = tpu.vector_load %arg10[%get3A_284, %get3A_285] {strides = array<i32>} : memref<256x64xf32, #tpu.memory_space<vmem>>, vector<16xf32>,
      %get3A_287 = arith.index_cast %add3A_277 : i32 to index
      %get3A_288 = arith.constant 16 : index
      %get3A_289 = tpu.vector_load %arg11[%get3A_287, %get3A_288] {strides = array<i32>} : memref<256x64xf32, #tpu.memory_space<vmem>>, vector<16xf32>,
      %mul3A_290 = arith.mulf %get3A_286, %get3A_289 : vector<16xf32>
      %get3A_291 = arith.index_cast %add3A_277 : i32 to index
      %get3A_292 = arith.constant 32 : index
      %get3A_293 = tpu.vector_load %arg10[%get3A_291, %get3A_292] {strides = array<i32>} : memref<256x64xf32, #tpu.memory_space<vmem>>, vector<16xf32>,
      %get3A_294 = arith.index_cast %add3A_277 : i32 to index
      %get3A_295 = arith.constant 32 : index
      %get3A_296 = tpu.vector_load %arg11[%get3A_294, %get3A_295] {strides = array<i32>} : memref<256x64xf32, #tpu.memory_space<vmem>>, vector<16xf32>,
      %mul3A_297 = arith.mulf %get3A_293, %get3A_296 : vector<16xf32>
      %get3A_298 = arith.index_cast %add3A_277 : i32 to index
      %get3A_299 = arith.constant 48 : index
      %get3A_300 = tpu.vector_load %arg10[%get3A_298, %get3A_299] {strides = array<i32>} : memref<256x64xf32, #tpu.memory_space<vmem>>, vector<16xf32>,
      %get3A_301 = arith.index_cast %add3A_277 : i32 to index
      %get3A_302 = arith.constant 48 : index
      %get3A_303 = tpu.vector_load %arg11[%get3A_301, %get3A_302] {strides = array<i32>} : memref<256x64xf32, #tpu.memory_space<vmem>>, vector<16xf32>,
      %mul3A_304 = arith.mulf %get3A_300, %get3A_303 : vector<16xf32>
      %add3A_305 = arith.addf %mul3A_283, %mul3A_290 : vector<16xf32>
      %add3A_306 = arith.addf %mul3A_297, %mul3A_304 : vector<16xf32>
      %add3A_307 = arith.addf %add3A_305, %add3A_306 : vector<16xf32>
      %mul3A_308 = arith.constant 16 : i32
      %mul3A_309 = arith.muli %add3A_277, %mul3A_308 : i32
      %swap3A_310 = arith.index_cast %mul3A_309 : i32 to index
      %swap3A_311 = tpu.vector_load %arg14[%swap3A_310] {strides = array<i32>} : memref<4096xf32, #tpu.memory_space<vmem>>, vector<16xf32>,
      tpu.vector_store %arg14[%swap3A_310], %add3A_307 {strides = array<i32>} : memref<4096xf32, #tpu.memory_space<vmem>>, vector<16xf32>,
      %mul3A_312 = arith.constant 4 : i32
      %mul3A_313 = arith.muli %scan3A_272, %mul3A_312 : i32
      %add3A_314 = arith.constant 1 : i32
      %add3A_315 = arith.addi %mul3A_313, %add3A_314 : i32
      %get3A_316 = arith.index_cast %add3A_315 : i32 to index
      %get3A_317 = arith.constant 0 : index
      %get3A_318 = tpu.vector_load %arg10[%get3A_316, %get3A_317] {strides = array<i32>} : memref<256x64xf32, #tpu.memory_space<vmem>>, vector<16xf32>,
      %get3A_319 = arith.index_cast %add3A_315 : i32 to index
      %get3A_320 = arith.constant 0 : index
      %get3A_321 = tpu.vector_load %arg11[%get3A_319, %get3A_320] {strides = array<i32>} : memref<256x64xf32, #tpu.memory_space<vmem>>, vector<16xf32>,
      %mul3A_322 = arith.mulf %get3A_318, %get3A_321 : vector<16xf32>
      %get3A_323 = arith.index_cast %add3A_315 : i32 to index
      %get3A_324 = arith.constant 16 : index
      %get3A_325 = tpu.vector_load %arg10[%get3A_323, %get3A_324] {strides = array<i32>} : memref<256x64xf32, #tpu.memory_space<vmem>>, vector<16xf32>,
      %get3A_326 = arith.index_cast %add3A_315 : i32 to index
      %get3A_327 = arith.constant 16 : index
      %get3A_328 = tpu.vector_load %arg11[%get3A_326, %get3A_327] {strides = array<i32>} : memref<256x64xf32, #tpu.memory_space<vmem>>, vector<16xf32>,
      %mul3A_329 = arith.mulf %get3A_325, %get3A_328 : vector<16xf32>
      %get3A_330 = arith.index_cast %add3A_315 : i32 to index
      %get3A_331 = arith.constant 32 : index
      %get3A_332 = tpu.vector_load %arg10[%get3A_330, %get3A_331] {strides = array<i32>} : memref<256x64xf32, #tpu.memory_space<vmem>>, vector<16xf32>,
      %get3A_333 = arith.index_cast %add3A_315 : i32 to index
      %get3A_334 = arith.constant 32 : index
      %get3A_335 = tpu.vector_load %arg11[%get3A_333, %get3A_334] {strides = array<i32>} : memref<256x64xf32, #tpu.memory_space<vmem>>, vector<16xf32>,
      %mul3A_336 = arith.mulf %get3A_332, %get3A_335 : vector<16xf32>
      %get3A_337 = arith.index_cast %add3A_315 : i32 to index
      %get3A_338 = arith.constant 48 : index
      %get3A_339 = tpu.vector_load %arg10[%get3A_337, %get3A_338] {strides = array<i32>} : memref<256x64xf32, #tpu.memory_space<vmem>>, vector<16xf32>,
      %get3A_340 = arith.index_cast %add3A_315 : i32 to index
      %get3A_341 = arith.constant 48 : index
      %get3A_342 = tpu.vector_load %arg11[%get3A_340, %get3A_341] {strides = array<i32>} : memref<256x64xf32, #tpu.memory_space<vmem>>, vector<16xf32>,
      %mul3A_343 = arith.mulf %get3A_339, %get3A_342 : vector<16xf32>
      %add3A_344 = arith.addf %mul3A_322, %mul3A_329 : vector<16xf32>
      %add3A_345 = arith.addf %mul3A_336, %mul3A_343 : vector<16xf32>
      %add3A_346 = arith.addf %add3A_344, %add3A_345 : vector<16xf32>
      %mul3A_347 = arith.constant 16 : i32
      %mul3A_348 = arith.muli %add3A_315, %mul3A_347 : i32
      %swap3A_349 = arith.index_cast %mul3A_348 : i32 to index
      %swap3A_350 = tpu.vector_load %arg14[%swap3A_349] {strides = array<i32>} : memref<4096xf32, #tpu.memory_space<vmem>>, vector<16xf32>,
      tpu.vector_store %arg14[%swap3A_349], %add3A_346 {strides = array<i32>} : memref<4096xf32, #tpu.memory_space<vmem>>, vector<16xf32>,
      %mul3A_351 = arith.constant 4 : i32
      %mul3A_352 = arith.muli %scan3A_272, %mul3A_351 : i32
      %add3A_353 = arith.constant 2 : i32
      %add3A_354 = arith.addi %mul3A_352, %add3A_353 : i32
      %get3A_355 = arith.index_cast %add3A_354 : i32 to index
      %get3A_356 = arith.constant 0 : index
      %get3A_357 = tpu.vector_load %arg10[%get3A_355, %get3A_356] {strides = array<i32>} : memref<256x64xf32, #tpu.memory_space<vmem>>, vector<16xf32>,
      %get3A_358 = arith.index_cast %add3A_354 : i32 to index
      %get3A_359 = arith.constant 0 : index
      %get3A_360 = tpu.vector_load %arg11[%get3A_358, %get3A_359] {strides = array<i32>} : memref<256x64xf32, #tpu.memory_space<vmem>>, vector<16xf32>,
      %mul3A_361 = arith.mulf %get3A_357, %get3A_360 : vector<16xf32>
      %get3A_362 = arith.index_cast %add3A_354 : i32 to index
      %get3A_363 = arith.constant 16 : index
      %get3A_364 = tpu.vector_load %arg10[%get3A_362, %get3A_363] {strides = array<i32>} : memref<256x64xf32, #tpu.memory_space<vmem>>, vector<16xf32>,
      %get3A_365 = arith.index_cast %add3A_354 : i32 to index
      %get3A_366 = arith.constant 16 : index
      %get3A_367 = tpu.vector_load %arg11[%get3A_365, %get3A_366] {strides = array<i32>} : memref<256x64xf32, #tpu.memory_space<vmem>>, vector<16xf32>,
      %mul3A_368 = arith.mulf %get3A_364, %get3A_367 : vector<16xf32>
      %get3A_369 = arith.index_cast %add3A_354 : i32 to index
      %get3A_370 = arith.constant 32 : index
      %get3A_371 = tpu.vector_load %arg10[%get3A_369, %get3A_370] {strides = array<i32>} : memref<256x64xf32, #tpu.memory_space<vmem>>, vector<16xf32>,
      %get3A_372 = arith.index_cast %add3A_354 : i32 to index
      %get3A_373 = arith.constant 32 : index
      %get3A_374 = tpu.vector_load %arg11[%get3A_372, %get3A_373] {strides = array<i32>} : memref<256x64xf32, #tpu.memory_space<vmem>>, vector<16xf32>,
      %mul3A_375 = arith.mulf %get3A_371, %get3A_374 : vector<16xf32>
      %get3A_376 = arith.index_cast %add3A_354 : i32 to index
      %get3A_377 = arith.constant 48 : index
      %get3A_378 = tpu.vector_load %arg10[%get3A_376, %get3A_377] {strides = array<i32>} : memref<256x64xf32, #tpu.memory_space<vmem>>, vector<16xf32>,
      %get3A_379 = arith.index_cast %add3A_354 : i32 to index
      %get3A_380 = arith.constant 48 : index
      %get3A_381 = tpu.vector_load %arg11[%get3A_379, %get3A_380] {strides = array<i32>} : memref<256x64xf32, #tpu.memory_space<vmem>>, vector<16xf32>,
      %mul3A_382 = arith.mulf %get3A_378, %get3A_381 : vector<16xf32>
      %add3A_383 = arith.addf %mul3A_361, %mul3A_368 : vector<16xf32>
      %add3A_384 = arith.addf %mul3A_375, %mul3A_382 : vector<16xf32>
      %add3A_385 = arith.addf %add3A_383, %add3A_384 : vector<16xf32>
      %mul3A_386 = arith.constant 16 : i32
      %mul3A_387 = arith.muli %add3A_354, %mul3A_386 : i32
      %swap3A_388 = arith.index_cast %mul3A_387 : i32 to index
      %swap3A_389 = tpu.vector_load %arg14[%swap3A_388] {strides = array<i32>} : memref<4096xf32, #tpu.memory_space<vmem>>, vector<16xf32>,
      tpu.vector_store %arg14[%swap3A_388], %add3A_385 {strides = array<i32>} : memref<4096xf32, #tpu.memory_space<vmem>>, vector<16xf32>,
      %mul3A_390 = arith.constant 4 : i32
      %mul3A_391 = arith.muli %scan3A_272, %mul3A_390 : i32
      %add3A_392 = arith.constant 3 : i32
      %add3A_393 = arith.addi %mul3A_391, %add3A_392 : i32
      %get3A_394 = arith.index_cast %add3A_393 : i32 to index
      %get3A_395 = arith.constant 0 : index
      %get3A_396 = tpu.vector_load %arg10[%get3A_394, %get3A_395] {strides = array<i32>} : memref<256x64xf32, #tpu.memory_space<vmem>>, vector<16xf32>,
      %get3A_397 = arith.index_cast %add3A_393 : i32 to index
      %get3A_398 = arith.constant 0 : index
      %get3A_399 = tpu.vector_load %arg11[%get3A_397, %get3A_398] {strides = array<i32>} : memref<256x64xf32, #tpu.memory_space<vmem>>, vector<16xf32>,
      %mul3A_400 = arith.mulf %get3A_396, %get3A_399 : vector<16xf32>
      %get3A_401 = arith.index_cast %add3A_393 : i32 to index
      %get3A_402 = arith.constant 16 : index
      %get3A_403 = tpu.vector_load %arg10[%get3A_401, %get3A_402] {strides = array<i32>} : memref<256x64xf32, #tpu.memory_space<vmem>>, vector<16xf32>,
      %get3A_404 = arith.index_cast %add3A_393 : i32 to index
      %get3A_405 = arith.constant 16 : index
      %get3A_406 = tpu.vector_load %arg11[%get3A_404, %get3A_405] {strides = array<i32>} : memref<256x64xf32, #tpu.memory_space<vmem>>, vector<16xf32>,
      %mul3A_407 = arith.mulf %get3A_403, %get3A_406 : vector<16xf32>
      %get3A_408 = arith.index_cast %add3A_393 : i32 to index
      %get3A_409 = arith.constant 32 : index
      %get3A_410 = tpu.vector_load %arg10[%get3A_408, %get3A_409] {strides = array<i32>} : memref<256x64xf32, #tpu.memory_space<vmem>>, vector<16xf32>,
      %get3A_411 = arith.index_cast %add3A_393 : i32 to index
      %get3A_412 = arith.constant 32 : index
      %get3A_413 = tpu.vector_load %arg11[%get3A_411, %get3A_412] {strides = array<i32>} : memref<256x64xf32, #tpu.memory_space<vmem>>, vector<16xf32>,
      %mul3A_414 = arith.mulf %get3A_410, %get3A_413 : vector<16xf32>
      %get3A_415 = arith.index_cast %add3A_393 : i32 to index
      %get3A_416 = arith.constant 48 : index
      %get3A_417 = tpu.vector_load %arg10[%get3A_415, %get3A_416] {strides = array<i32>} : memref<256x64xf32, #tpu.memory_space<vmem>>, vector<16xf32>,
      %get3A_418 = arith.index_cast %add3A_393 : i32 to index
      %get3A_419 = arith.constant 48 : index
      %get3A_420 = tpu.vector_load %arg11[%get3A_418, %get3A_419] {strides = array<i32>} : memref<256x64xf32, #tpu.memory_space<vmem>>, vector<16xf32>,
      %mul3A_421 = arith.mulf %get3A_417, %get3A_420 : vector<16xf32>
      %add3A_422 = arith.addf %mul3A_400, %mul3A_407 : vector<16xf32>
      %add3A_423 = arith.addf %mul3A_414, %mul3A_421 : vector<16xf32>
      %add3A_424 = arith.addf %add3A_422, %add3A_423 : vector<16xf32>
      %mul3A_425 = arith.constant 16 : i32
      %mul3A_426 = arith.muli %add3A_393, %mul3A_425 : i32
      %swap3A_427 = arith.index_cast %mul3A_426 : i32 to index
      %swap3A_428 = tpu.vector_load %arg14[%swap3A_427] {strides = array<i32>} : memref<4096xf32, #tpu.memory_space<vmem>>, vector<16xf32>,
      tpu.vector_store %arg14[%swap3A_427], %add3A_424 {strides = array<i32>} : memref<4096xf32, #tpu.memory_space<vmem>>, vector<16xf32>,
      %scan3A_429 = arith.constant 0 : i32
      scf.yield %scan3A_429 : i32
    }
    %scan3A_37 = arith.constant 64 : i32
    %scan3A_38 = arith.constant 0 : i32
    %scan3A_39 = arith.constant 16 : i32
    %scan3A_40 = arith.addi %scan3A_38, %scan3A_39 : i32
    %scan3A_41 = arith.constant 1 : i32
    %scan3A_42:2 = scf.for %scan3A_272 = %scan3A_38 to %scan3A_40 step %scan3A_41 iter_args(%scan3A_273 = %broadcast_in_dim3A_3, %scan3A_274 = %broadcast_in_dim3A_3) -> (vector<16xf32>, vector<16xf32>)  : i32 {
      %mul3A_275 = arith.constant 16 : i32
      %mul3A_276 = arith.muli %scan3A_272, %mul3A_275 : i32
      %add3A_277 = vector.broadcast %mul3A_276 : i32 to vector<16xi32>
      %add3A_278 = arith.addi %add3A_277, %iota3A : vector<16xi32>
      %mul3A_279 = arith.constant 16 : i32
      %mul3A_280 = vector.broadcast %mul3A_279 : i32 to vector<16xi32>
      %mul3A_281 = arith.muli %add3A_278, %mul3A_280 : vector<16xi32>
      %add3A_282 = arith.constant 0 : i32
      %add3A_283 = vector.broadcast %add3A_282 : i32 to vector<16xi32>
      %add3A_284 = arith.addi %mul3A_281, %add3A_283 : vector<16xi32>
      %gather3A = tpu.vector_load_idx %arg14[%add3A_284] : memref<4096xf32, #tpu.memory_space<vmem>>[vector<16xi32>], vector<16xf32>,
      %add3A_285 = arith.addf %broadcast_in_dim3A_3, %gather3A : vector<16xf32>
      %add3A_286 = arith.constant 1 : i32
      %add3A_287 = vector.broadcast %add3A_286 : i32 to vector<16xi32>
      %add3A_288 = arith.addi %mul3A_281, %add3A_287 : vector<16xi32>
      %gather3A_289 = tpu.vector_load_idx %arg14[%add3A_288] : memref<4096xf32, #tpu.memory_space<vmem>>[vector<16xi32>], vector<16xf32>,
      %add3A_290 = arith.addf %add3A_285, %gather3A_289 : vector<16xf32>
      %add3A_291 = arith.constant 2 : i32
      %add3A_292 = vector.broadcast %add3A_291 : i32 to vector<16xi32>
      %add3A_293 = arith.addi %mul3A_281, %add3A_292 : vector<16xi32>
      %gather3A_294 = tpu.vector_load_idx %arg14[%add3A_293] : memref<4096xf32, #tpu.memory_space<vmem>>[vector<16xi32>], vector<16xf32>,
      %add3A_295 = arith.addf %add3A_290, %gather3A_294 : vector<16xf32>
      %add3A_296 = arith.constant 3 : i32
      %add3A_297 = vector.broadcast %add3A_296 : i32 to vector<16xi32>
      %add3A_298 = arith.addi %mul3A_281, %add3A_297 : vector<16xi32>
      %gather3A_299 = tpu.vector_load_idx %arg14[%add3A_298] : memref<4096xf32, #tpu.memory_space<vmem>>[vector<16xi32>], vector<16xf32>,
      %add3A_300 = arith.addf %add3A_295, %gather3A_299 : vector<16xf32>
      %add3A_301 = arith.constant 4 : i32
      %add3A_302 = vector.broadcast %add3A_301 : i32 to vector<16xi32>
      %add3A_303 = arith.addi %mul3A_281, %add3A_302 : vector<16xi32>
      %gather3A_304 = tpu.vector_load_idx %arg14[%add3A_303] : memref<4096xf32, #tpu.memory_space<vmem>>[vector<16xi32>], vector<16xf32>,
      %add3A_305 = arith.addf %add3A_300, %gather3A_304 : vector<16xf32>
      %add3A_306 = arith.constant 5 : i32
      %add3A_307 = vector.broadcast %add3A_306 : i32 to vector<16xi32>
      %add3A_308 = arith.addi %mul3A_281, %add3A_307 : vector<16xi32>
      %gather3A_309 = tpu.vector_load_idx %arg14[%add3A_308] : memref<4096xf32, #tpu.memory_space<vmem>>[vector<16xi32>], vector<16xf32>,
      %add3A_310 = arith.addf %add3A_305, %gather3A_309 : vector<16xf32>
      %add3A_311 = arith.constant 6 : i32
      %add3A_312 = vector.broadcast %add3A_311 : i32 to vector<16xi32>
      %add3A_313 = arith.addi %mul3A_281, %add3A_312 : vector<16xi32>
      %gather3A_314 = tpu.vector_load_idx %arg14[%add3A_313] : memref<4096xf32, #tpu.memory_space<vmem>>[vector<16xi32>], vector<16xf32>,
      %add3A_315 = arith.addf %add3A_310, %gather3A_314 : vector<16xf32>
      %add3A_316 = arith.constant 7 : i32
      %add3A_317 = vector.broadcast %add3A_316 : i32 to vector<16xi32>
      %add3A_318 = arith.addi %mul3A_281, %add3A_317 : vector<16xi32>
      %gather3A_319 = tpu.vector_load_idx %arg14[%add3A_318] : memref<4096xf32, #tpu.memory_space<vmem>>[vector<16xi32>], vector<16xf32>,
      %add3A_320 = arith.addf %add3A_315, %gather3A_319 : vector<16xf32>
      %add3A_321 = arith.constant 8 : i32
      %add3A_322 = vector.broadcast %add3A_321 : i32 to vector<16xi32>
      %add3A_323 = arith.addi %mul3A_281, %add3A_322 : vector<16xi32>
      %gather3A_324 = tpu.vector_load_idx %arg14[%add3A_323] : memref<4096xf32, #tpu.memory_space<vmem>>[vector<16xi32>], vector<16xf32>,
      %add3A_325 = arith.addf %add3A_320, %gather3A_324 : vector<16xf32>
      %add3A_326 = arith.constant 9 : i32
      %add3A_327 = vector.broadcast %add3A_326 : i32 to vector<16xi32>
      %add3A_328 = arith.addi %mul3A_281, %add3A_327 : vector<16xi32>
      %gather3A_329 = tpu.vector_load_idx %arg14[%add3A_328] : memref<4096xf32, #tpu.memory_space<vmem>>[vector<16xi32>], vector<16xf32>,
      %add3A_330 = arith.addf %add3A_325, %gather3A_329 : vector<16xf32>
      %add3A_331 = arith.constant 10 : i32
      %add3A_332 = vector.broadcast %add3A_331 : i32 to vector<16xi32>
      %add3A_333 = arith.addi %mul3A_281, %add3A_332 : vector<16xi32>
      %gather3A_334 = tpu.vector_load_idx %arg14[%add3A_333] : memref<4096xf32, #tpu.memory_space<vmem>>[vector<16xi32>], vector<16xf32>,
      %add3A_335 = arith.addf %add3A_330, %gather3A_334 : vector<16xf32>
      %add3A_336 = arith.constant 11 : i32
      %add3A_337 = vector.broadcast %add3A_336 : i32 to vector<16xi32>
      %add3A_338 = arith.addi %mul3A_281, %add3A_337 : vector<16xi32>
      %gather3A_339 = tpu.vector_load_idx %arg14[%add3A_338] : memref<4096xf32, #tpu.memory_space<vmem>>[vector<16xi32>], vector<16xf32>,
      %add3A_340 = arith.addf %add3A_335, %gather3A_339 : vector<16xf32>
      %add3A_341 = arith.constant 12 : i32
      %add3A_342 = vector.broadcast %add3A_341 : i32 to vector<16xi32>
      %add3A_343 = arith.addi %mul3A_281, %add3A_342 : vector<16xi32>
      %gather3A_344 = tpu.vector_load_idx %arg14[%add3A_343] : memref<4096xf32, #tpu.memory_space<vmem>>[vector<16xi32>], vector<16xf32>,
      %add3A_345 = arith.addf %add3A_340, %gather3A_344 : vector<16xf32>
      %add3A_346 = arith.constant 13 : i32
      %add3A_347 = vector.broadcast %add3A_346 : i32 to vector<16xi32>
      %add3A_348 = arith.addi %mul3A_281, %add3A_347 : vector<16xi32>
      %gather3A_349 = tpu.vector_load_idx %arg14[%add3A_348] : memref<4096xf32, #tpu.memory_space<vmem>>[vector<16xi32>], vector<16xf32>,
      %add3A_350 = arith.addf %add3A_345, %gather3A_349 : vector<16xf32>
      %add3A_351 = arith.constant 14 : i32
      %add3A_352 = vector.broadcast %add3A_351 : i32 to vector<16xi32>
      %add3A_353 = arith.addi %mul3A_281, %add3A_352 : vector<16xi32>
      %gather3A_354 = tpu.vector_load_idx %arg14[%add3A_353] : memref<4096xf32, #tpu.memory_space<vmem>>[vector<16xi32>], vector<16xf32>,
      %add3A_355 = arith.addf %add3A_350, %gather3A_354 : vector<16xf32>
      %add3A_356 = arith.constant 15 : i32
      %add3A_357 = vector.broadcast %add3A_356 : i32 to vector<16xi32>
      %add3A_358 = arith.addi %mul3A_281, %add3A_357 : vector<16xi32>
      %gather3A_359 = tpu.vector_load_idx %arg14[%add3A_358] : memref<4096xf32, #tpu.memory_space<vmem>>[vector<16xi32>], vector<16xf32>,
      %add3A_360 = arith.addf %add3A_355, %gather3A_359 : vector<16xf32>
      %mul3A_361 = arith.constant 16 : i32
      %mul3A_362 = arith.muli %scan3A_272, %mul3A_361 : i32
      %add3A_363 = arith.constant 0 : i32
      %add3A_364 = arith.addi %add3A_363, %mul3A_362 : i32
      %get3A = arith.index_cast %add3A_364 : i32 to index
      %get3A_365 = tpu.vector_load %arg9[%get3A] {strides = array<i32>} : memref<2048xf32, #tpu.memory_space<vmem>>, vector<16xf32>,
      %mul3A_366 = arith.mulf %get3A_365, %add3A_360 : vector<16xf32>
      %add3A_367 = arith.addf %scan3A_273, %mul3A_366 : vector<16xf32>
      %ge3A = arith.constant 0.000000e+00 : f32
      %ge3A_368 = vector.broadcast %ge3A : f32 to vector<16xf32>
      %ge3A_369 = arith.cmpf oge, %add3A_360, %ge3A_368 : vector<16xf32>
      %jit3A = arith.constant 1.000000e+00 : f32
      %jit3A_370 = arith.constant -1.000000e+00 : f32
      %broadcast_in_dim3A_371 = vector.broadcast %jit3A : f32 to vector<16xf32>
      %broadcast_in_dim3A_372 = vector.broadcast %jit3A_370 : f32 to vector<16xf32>
      %select_n3A = arith.select %ge3A_369, %broadcast_in_dim3A_371, %broadcast_in_dim3A_372 : vector<16xi1>, vector<16xf32>
      %add3A_373 = arith.addf %scan3A_274, %select_n3A : vector<16xf32>
      scf.yield %add3A_367, %add3A_373 : vector<16xf32>, vector<16xf32>
    }
    %scan3A_43 = arith.constant 16 : i32
    %dma_wait3A_44 = arith.constant 256 : i32
    %dma_wait3A_45 = tpu.memref_slice %arg7[%dma_wait3A_44] : memref<2048xi32, #tpu.memory_space<vmem>> -> memref<256xi32, #tpu.memory_space<vmem>>
    %dma_wait3A_46 = arith.constant 0 : i32
    %dma_wait3A_47 = arith.constant 0 : i32
    %dma_wait3A_48 = tpu.memref_slice %arg2[%dma_wait3A_46, %dma_wait3A_47] : memref<4096x64xf32, #tpu.memory_space<hbm>> -> memref<4096x64xf32, #tpu.memory_space<hbm>>
    tpu.wait_indirect_dma semaphore(%arg18 : memref<!tpu.dma_semaphore, #tpu.memory_space<semaphore_mem>>) src(%dma_wait3A_48 : memref<4096x64xf32, #tpu.memory_space<hbm>>) dst(%arg12 : memref<256x64xf32, #tpu.memory_space<vmem>>)
    %dma_wait3A_49 = arith.constant 256 : i32
    %dma_wait3A_50 = tpu.memref_slice %arg8[%dma_wait3A_49] : memref<2048xi32, #tpu.memory_space<vmem>> -> memref<256xi32, #tpu.memory_space<vmem>>
    %dma_wait3A_51 = arith.constant 0 : i32
    %dma_wait3A_52 = arith.constant 0 : i32
    %dma_wait3A_53 = tpu.memref_slice %arg2[%dma_wait3A_51, %dma_wait3A_52] : memref<4096x64xf32, #tpu.memory_space<hbm>> -> memref<4096x64xf32, #tpu.memory_space<hbm>>
    tpu.wait_indirect_dma semaphore(%arg19 : memref<!tpu.dma_semaphore, #tpu.memory_space<semaphore_mem>>) src(%dma_wait3A_53 : memref<4096x64xf32, #tpu.memory_space<hbm>>) dst(%arg13 : memref<256x64xf32, #tpu.memory_space<vmem>>)
    %dma_start3A_54 = arith.constant 512 : i32
    %dma_start3A_55 = tpu.memref_slice %arg7[%dma_start3A_54] : memref<2048xi32, #tpu.memory_space<vmem>> -> memref<256xi32, #tpu.memory_space<vmem>>
    %dma_start3A_56 = arith.constant 0 : i32
    %dma_start3A_57 = arith.constant 0 : i32
    %dma_start3A_58 = tpu.memref_slice %arg2[%dma_start3A_56, %dma_start3A_57] : memref<4096x64xf32, #tpu.memory_space<hbm>> -> memref<4096x64xf32, #tpu.memory_space<hbm>>
    tpu.enqueue_indirect_dma source(%dma_start3A_58 : memref<4096x64xf32, #tpu.memory_space<hbm>>) target(%arg10 : memref<256x64xf32, #tpu.memory_space<vmem>>) offsets(%dma_start3A_55 : memref<256xi32, #tpu.memory_space<vmem>>) semaphore(%arg16 : memref<!tpu.dma_semaphore, #tpu.memory_space<semaphore_mem>>)
    %dma_start3A_59 = arith.constant 512 : i32
    %dma_start3A_60 = tpu.memref_slice %arg8[%dma_start3A_59] : memref<2048xi32, #tpu.memory_space<vmem>> -> memref<256xi32, #tpu.memory_space<vmem>>
    %dma_start3A_61 = arith.constant 0 : i32
    %dma_start3A_62 = arith.constant 0 : i32
    %dma_start3A_63 = tpu.memref_slice %arg2[%dma_start3A_61, %dma_start3A_62] : memref<4096x64xf32, #tpu.memory_space<hbm>> -> memref<4096x64xf32, #tpu.memory_space<hbm>>
    tpu.enqueue_indirect_dma source(%dma_start3A_63 : memref<4096x64xf32, #tpu.memory_space<hbm>>) target(%arg11 : memref<256x64xf32, #tpu.memory_space<vmem>>) offsets(%dma_start3A_60 : memref<256xi32, #tpu.memory_space<vmem>>) semaphore(%arg17 : memref<!tpu.dma_semaphore, #tpu.memory_space<semaphore_mem>>)
    %scan3A_64 = arith.constant 0 : i32
    %scan3A_65 = arith.constant 0 : i32
    %scan3A_66 = arith.constant 64 : i32
    %scan3A_67 = arith.addi %scan3A_65, %scan3A_66 : i32
    %scan3A_68 = arith.constant 1 : i32
    %scan3A_69 = scf.for %scan3A_272 = %scan3A_65 to %scan3A_67 step %scan3A_68 iter_args(%scan3A_273 = %scan3A_64) -> (i32)  : i32 {
      %mul3A_274 = arith.constant 4 : i32
      %mul3A_275 = arith.muli %scan3A_272, %mul3A_274 : i32
      %add3A_276 = arith.constant 0 : i32
      %add3A_277 = arith.addi %mul3A_275, %add3A_276 : i32
      %get3A = arith.index_cast %add3A_277 : i32 to index
      %get3A_278 = arith.constant 0 : index
      %get3A_279 = tpu.vector_load %arg12[%get3A, %get3A_278] {strides = array<i32>} : memref<256x64xf32, #tpu.memory_space<vmem>>, vector<16xf32>,
      %get3A_280 = arith.index_cast %add3A_277 : i32 to index
      %get3A_281 = arith.constant 0 : index
      %get3A_282 = tpu.vector_load %arg13[%get3A_280, %get3A_281] {strides = array<i32>} : memref<256x64xf32, #tpu.memory_space<vmem>>, vector<16xf32>,
      %mul3A_283 = arith.mulf %get3A_279, %get3A_282 : vector<16xf32>
      %get3A_284 = arith.index_cast %add3A_277 : i32 to index
      %get3A_285 = arith.constant 16 : index
      %get3A_286 = tpu.vector_load %arg12[%get3A_284, %get3A_285] {strides = array<i32>} : memref<256x64xf32, #tpu.memory_space<vmem>>, vector<16xf32>,
      %get3A_287 = arith.index_cast %add3A_277 : i32 to index
      %get3A_288 = arith.constant 16 : index
      %get3A_289 = tpu.vector_load %arg13[%get3A_287, %get3A_288] {strides = array<i32>} : memref<256x64xf32, #tpu.memory_space<vmem>>, vector<16xf32>,
      %mul3A_290 = arith.mulf %get3A_286, %get3A_289 : vector<16xf32>
      %get3A_291 = arith.index_cast %add3A_277 : i32 to index
      %get3A_292 = arith.constant 32 : index
      %get3A_293 = tpu.vector_load %arg12[%get3A_291, %get3A_292] {strides = array<i32>} : memref<256x64xf32, #tpu.memory_space<vmem>>, vector<16xf32>,
      %get3A_294 = arith.index_cast %add3A_277 : i32 to index
      %get3A_295 = arith.constant 32 : index
      %get3A_296 = tpu.vector_load %arg13[%get3A_294, %get3A_295] {strides = array<i32>} : memref<256x64xf32, #tpu.memory_space<vmem>>, vector<16xf32>,
      %mul3A_297 = arith.mulf %get3A_293, %get3A_296 : vector<16xf32>
      %get3A_298 = arith.index_cast %add3A_277 : i32 to index
      %get3A_299 = arith.constant 48 : index
      %get3A_300 = tpu.vector_load %arg12[%get3A_298, %get3A_299] {strides = array<i32>} : memref<256x64xf32, #tpu.memory_space<vmem>>, vector<16xf32>,
      %get3A_301 = arith.index_cast %add3A_277 : i32 to index
      %get3A_302 = arith.constant 48 : index
      %get3A_303 = tpu.vector_load %arg13[%get3A_301, %get3A_302] {strides = array<i32>} : memref<256x64xf32, #tpu.memory_space<vmem>>, vector<16xf32>,
      %mul3A_304 = arith.mulf %get3A_300, %get3A_303 : vector<16xf32>
      %add3A_305 = arith.addf %mul3A_283, %mul3A_290 : vector<16xf32>
      %add3A_306 = arith.addf %mul3A_297, %mul3A_304 : vector<16xf32>
      %add3A_307 = arith.addf %add3A_305, %add3A_306 : vector<16xf32>
      %mul3A_308 = arith.constant 16 : i32
      %mul3A_309 = arith.muli %add3A_277, %mul3A_308 : i32
      %swap3A_310 = arith.index_cast %mul3A_309 : i32 to index
      %swap3A_311 = tpu.vector_load %arg14[%swap3A_310] {strides = array<i32>} : memref<4096xf32, #tpu.memory_space<vmem>>, vector<16xf32>,
      tpu.vector_store %arg14[%swap3A_310], %add3A_307 {strides = array<i32>} : memref<4096xf32, #tpu.memory_space<vmem>>, vector<16xf32>,
      %mul3A_312 = arith.constant 4 : i32
      %mul3A_313 = arith.muli %scan3A_272, %mul3A_312 : i32
      %add3A_314 = arith.constant 1 : i32
      %add3A_315 = arith.addi %mul3A_313, %add3A_314 : i32
      %get3A_316 = arith.index_cast %add3A_315 : i32 to index
      %get3A_317 = arith.constant 0 : index
      %get3A_318 = tpu.vector_load %arg12[%get3A_316, %get3A_317] {strides = array<i32>} : memref<256x64xf32, #tpu.memory_space<vmem>>, vector<16xf32>,
      %get3A_319 = arith.index_cast %add3A_315 : i32 to index
      %get3A_320 = arith.constant 0 : index
      %get3A_321 = tpu.vector_load %arg13[%get3A_319, %get3A_320] {strides = array<i32>} : memref<256x64xf32, #tpu.memory_space<vmem>>, vector<16xf32>,
      %mul3A_322 = arith.mulf %get3A_318, %get3A_321 : vector<16xf32>
      %get3A_323 = arith.index_cast %add3A_315 : i32 to index
      %get3A_324 = arith.constant 16 : index
      %get3A_325 = tpu.vector_load %arg12[%get3A_323, %get3A_324] {strides = array<i32>} : memref<256x64xf32, #tpu.memory_space<vmem>>, vector<16xf32>,
      %get3A_326 = arith.index_cast %add3A_315 : i32 to index
      %get3A_327 = arith.constant 16 : index
      %get3A_328 = tpu.vector_load %arg13[%get3A_326, %get3A_327] {strides = array<i32>} : memref<256x64xf32, #tpu.memory_space<vmem>>, vector<16xf32>,
      %mul3A_329 = arith.mulf %get3A_325, %get3A_328 : vector<16xf32>
      %get3A_330 = arith.index_cast %add3A_315 : i32 to index
      %get3A_331 = arith.constant 32 : index
      %get3A_332 = tpu.vector_load %arg12[%get3A_330, %get3A_331] {strides = array<i32>} : memref<256x64xf32, #tpu.memory_space<vmem>>, vector<16xf32>,
      %get3A_333 = arith.index_cast %add3A_315 : i32 to index
      %get3A_334 = arith.constant 32 : index
      %get3A_335 = tpu.vector_load %arg13[%get3A_333, %get3A_334] {strides = array<i32>} : memref<256x64xf32, #tpu.memory_space<vmem>>, vector<16xf32>,
      %mul3A_336 = arith.mulf %get3A_332, %get3A_335 : vector<16xf32>
      %get3A_337 = arith.index_cast %add3A_315 : i32 to index
      %get3A_338 = arith.constant 48 : index
      %get3A_339 = tpu.vector_load %arg12[%get3A_337, %get3A_338] {strides = array<i32>} : memref<256x64xf32, #tpu.memory_space<vmem>>, vector<16xf32>,
      %get3A_340 = arith.index_cast %add3A_315 : i32 to index
      %get3A_341 = arith.constant 48 : index
      %get3A_342 = tpu.vector_load %arg13[%get3A_340, %get3A_341] {strides = array<i32>} : memref<256x64xf32, #tpu.memory_space<vmem>>, vector<16xf32>,
      %mul3A_343 = arith.mulf %get3A_339, %get3A_342 : vector<16xf32>
      %add3A_344 = arith.addf %mul3A_322, %mul3A_329 : vector<16xf32>
      %add3A_345 = arith.addf %mul3A_336, %mul3A_343 : vector<16xf32>
      %add3A_346 = arith.addf %add3A_344, %add3A_345 : vector<16xf32>
      %mul3A_347 = arith.constant 16 : i32
      %mul3A_348 = arith.muli %add3A_315, %mul3A_347 : i32
      %swap3A_349 = arith.index_cast %mul3A_348 : i32 to index
      %swap3A_350 = tpu.vector_load %arg14[%swap3A_349] {strides = array<i32>} : memref<4096xf32, #tpu.memory_space<vmem>>, vector<16xf32>,
      tpu.vector_store %arg14[%swap3A_349], %add3A_346 {strides = array<i32>} : memref<4096xf32, #tpu.memory_space<vmem>>, vector<16xf32>,
      %mul3A_351 = arith.constant 4 : i32
      %mul3A_352 = arith.muli %scan3A_272, %mul3A_351 : i32
      %add3A_353 = arith.constant 2 : i32
      %add3A_354 = arith.addi %mul3A_352, %add3A_353 : i32
      %get3A_355 = arith.index_cast %add3A_354 : i32 to index
      %get3A_356 = arith.constant 0 : index
      %get3A_357 = tpu.vector_load %arg12[%get3A_355, %get3A_356] {strides = array<i32>} : memref<256x64xf32, #tpu.memory_space<vmem>>, vector<16xf32>,
      %get3A_358 = arith.index_cast %add3A_354 : i32 to index
      %get3A_359 = arith.constant 0 : index
      %get3A_360 = tpu.vector_load %arg13[%get3A_358, %get3A_359] {strides = array<i32>} : memref<256x64xf32, #tpu.memory_space<vmem>>, vector<16xf32>,
      %mul3A_361 = arith.mulf %get3A_357, %get3A_360 : vector<16xf32>
      %get3A_362 = arith.index_cast %add3A_354 : i32 to index
      %get3A_363 = arith.constant 16 : index
      %get3A_364 = tpu.vector_load %arg12[%get3A_362, %get3A_363] {strides = array<i32>} : memref<256x64xf32, #tpu.memory_space<vmem>>, vector<16xf32>,
      %get3A_365 = arith.index_cast %add3A_354 : i32 to index
      %get3A_366 = arith.constant 16 : index
      %get3A_367 = tpu.vector_load %arg13[%get3A_365, %get3A_366] {strides = array<i32>} : memref<256x64xf32, #tpu.memory_space<vmem>>, vector<16xf32>,
      %mul3A_368 = arith.mulf %get3A_364, %get3A_367 : vector<16xf32>
      %get3A_369 = arith.index_cast %add3A_354 : i32 to index
      %get3A_370 = arith.constant 32 : index
      %get3A_371 = tpu.vector_load %arg12[%get3A_369, %get3A_370] {strides = array<i32>} : memref<256x64xf32, #tpu.memory_space<vmem>>, vector<16xf32>,
      %get3A_372 = arith.index_cast %add3A_354 : i32 to index
      %get3A_373 = arith.constant 32 : index
      %get3A_374 = tpu.vector_load %arg13[%get3A_372, %get3A_373] {strides = array<i32>} : memref<256x64xf32, #tpu.memory_space<vmem>>, vector<16xf32>,
      %mul3A_375 = arith.mulf %get3A_371, %get3A_374 : vector<16xf32>
      %get3A_376 = arith.index_cast %add3A_354 : i32 to index
      %get3A_377 = arith.constant 48 : index
      %get3A_378 = tpu.vector_load %arg12[%get3A_376, %get3A_377] {strides = array<i32>} : memref<256x64xf32, #tpu.memory_space<vmem>>, vector<16xf32>,
      %get3A_379 = arith.index_cast %add3A_354 : i32 to index
      %get3A_380 = arith.constant 48 : index
      %get3A_381 = tpu.vector_load %arg13[%get3A_379, %get3A_380] {strides = array<i32>} : memref<256x64xf32, #tpu.memory_space<vmem>>, vector<16xf32>,
      %mul3A_382 = arith.mulf %get3A_378, %get3A_381 : vector<16xf32>
      %add3A_383 = arith.addf %mul3A_361, %mul3A_368 : vector<16xf32>
      %add3A_384 = arith.addf %mul3A_375, %mul3A_382 : vector<16xf32>
      %add3A_385 = arith.addf %add3A_383, %add3A_384 : vector<16xf32>
      %mul3A_386 = arith.constant 16 : i32
      %mul3A_387 = arith.muli %add3A_354, %mul3A_386 : i32
      %swap3A_388 = arith.index_cast %mul3A_387 : i32 to index
      %swap3A_389 = tpu.vector_load %arg14[%swap3A_388] {strides = array<i32>} : memref<4096xf32, #tpu.memory_space<vmem>>, vector<16xf32>,
      tpu.vector_store %arg14[%swap3A_388], %add3A_385 {strides = array<i32>} : memref<4096xf32, #tpu.memory_space<vmem>>, vector<16xf32>,
      %mul3A_390 = arith.constant 4 : i32
      %mul3A_391 = arith.muli %scan3A_272, %mul3A_390 : i32
      %add3A_392 = arith.constant 3 : i32
      %add3A_393 = arith.addi %mul3A_391, %add3A_392 : i32
      %get3A_394 = arith.index_cast %add3A_393 : i32 to index
      %get3A_395 = arith.constant 0 : index
      %get3A_396 = tpu.vector_load %arg12[%get3A_394, %get3A_395] {strides = array<i32>} : memref<256x64xf32, #tpu.memory_space<vmem>>, vector<16xf32>,
      %get3A_397 = arith.index_cast %add3A_393 : i32 to index
      %get3A_398 = arith.constant 0 : index
      %get3A_399 = tpu.vector_load %arg13[%get3A_397, %get3A_398] {strides = array<i32>} : memref<256x64xf32, #tpu.memory_space<vmem>>, vector<16xf32>,
      %mul3A_400 = arith.mulf %get3A_396, %get3A_399 : vector<16xf32>
      %get3A_401 = arith.index_cast %add3A_393 : i32 to index
      %get3A_402 = arith.constant 16 : index
      %get3A_403 = tpu.vector_load %arg12[%get3A_401, %get3A_402] {strides = array<i32>} : memref<256x64xf32, #tpu.memory_space<vmem>>, vector<16xf32>,
      %get3A_404 = arith.index_cast %add3A_393 : i32 to index
      %get3A_405 = arith.constant 16 : index
      %get3A_406 = tpu.vector_load %arg13[%get3A_404, %get3A_405] {strides = array<i32>} : memref<256x64xf32, #tpu.memory_space<vmem>>, vector<16xf32>,
      %mul3A_407 = arith.mulf %get3A_403, %get3A_406 : vector<16xf32>
      %get3A_408 = arith.index_cast %add3A_393 : i32 to index
      %get3A_409 = arith.constant 32 : index
      %get3A_410 = tpu.vector_load %arg12[%get3A_408, %get3A_409] {strides = array<i32>} : memref<256x64xf32, #tpu.memory_space<vmem>>, vector<16xf32>,
      %get3A_411 = arith.index_cast %add3A_393 : i32 to index
      %get3A_412 = arith.constant 32 : index
      %get3A_413 = tpu.vector_load %arg13[%get3A_411, %get3A_412] {strides = array<i32>} : memref<256x64xf32, #tpu.memory_space<vmem>>, vector<16xf32>,
      %mul3A_414 = arith.mulf %get3A_410, %get3A_413 : vector<16xf32>
      %get3A_415 = arith.index_cast %add3A_393 : i32 to index
      %get3A_416 = arith.constant 48 : index
      %get3A_417 = tpu.vector_load %arg12[%get3A_415, %get3A_416] {strides = array<i32>} : memref<256x64xf32, #tpu.memory_space<vmem>>, vector<16xf32>,
      %get3A_418 = arith.index_cast %add3A_393 : i32 to index
      %get3A_419 = arith.constant 48 : index
      %get3A_420 = tpu.vector_load %arg13[%get3A_418, %get3A_419] {strides = array<i32>} : memref<256x64xf32, #tpu.memory_space<vmem>>, vector<16xf32>,
      %mul3A_421 = arith.mulf %get3A_417, %get3A_420 : vector<16xf32>
      %add3A_422 = arith.addf %mul3A_400, %mul3A_407 : vector<16xf32>
      %add3A_423 = arith.addf %mul3A_414, %mul3A_421 : vector<16xf32>
      %add3A_424 = arith.addf %add3A_422, %add3A_423 : vector<16xf32>
      %mul3A_425 = arith.constant 16 : i32
      %mul3A_426 = arith.muli %add3A_393, %mul3A_425 : i32
      %swap3A_427 = arith.index_cast %mul3A_426 : i32 to index
      %swap3A_428 = tpu.vector_load %arg14[%swap3A_427] {strides = array<i32>} : memref<4096xf32, #tpu.memory_space<vmem>>, vector<16xf32>,
      tpu.vector_store %arg14[%swap3A_427], %add3A_424 {strides = array<i32>} : memref<4096xf32, #tpu.memory_space<vmem>>, vector<16xf32>,
      %scan3A_429 = arith.constant 0 : i32
      scf.yield %scan3A_429 : i32
    }
    %scan3A_70 = arith.constant 64 : i32
    %scan3A_71 = arith.constant 0 : i32
    %scan3A_72 = arith.constant 16 : i32
    %scan3A_73 = arith.addi %scan3A_71, %scan3A_72 : i32
    %scan3A_74 = arith.constant 1 : i32
    %scan3A_75:2 = scf.for %scan3A_272 = %scan3A_71 to %scan3A_73 step %scan3A_74 iter_args(%scan3A_273 = %scan3A_42#0, %scan3A_274 = %scan3A_42#1) -> (vector<16xf32>, vector<16xf32>)  : i32 {
      %mul3A_275 = arith.constant 16 : i32
      %mul3A_276 = arith.muli %scan3A_272, %mul3A_275 : i32
      %add3A_277 = vector.broadcast %mul3A_276 : i32 to vector<16xi32>
      %add3A_278 = arith.addi %add3A_277, %iota3A : vector<16xi32>
      %mul3A_279 = arith.constant 16 : i32
      %mul3A_280 = vector.broadcast %mul3A_279 : i32 to vector<16xi32>
      %mul3A_281 = arith.muli %add3A_278, %mul3A_280 : vector<16xi32>
      %add3A_282 = arith.constant 0 : i32
      %add3A_283 = vector.broadcast %add3A_282 : i32 to vector<16xi32>
      %add3A_284 = arith.addi %mul3A_281, %add3A_283 : vector<16xi32>
      %gather3A = tpu.vector_load_idx %arg14[%add3A_284] : memref<4096xf32, #tpu.memory_space<vmem>>[vector<16xi32>], vector<16xf32>,
      %add3A_285 = arith.addf %broadcast_in_dim3A_3, %gather3A : vector<16xf32>
      %add3A_286 = arith.constant 1 : i32
      %add3A_287 = vector.broadcast %add3A_286 : i32 to vector<16xi32>
      %add3A_288 = arith.addi %mul3A_281, %add3A_287 : vector<16xi32>
      %gather3A_289 = tpu.vector_load_idx %arg14[%add3A_288] : memref<4096xf32, #tpu.memory_space<vmem>>[vector<16xi32>], vector<16xf32>,
      %add3A_290 = arith.addf %add3A_285, %gather3A_289 : vector<16xf32>
      %add3A_291 = arith.constant 2 : i32
      %add3A_292 = vector.broadcast %add3A_291 : i32 to vector<16xi32>
      %add3A_293 = arith.addi %mul3A_281, %add3A_292 : vector<16xi32>
      %gather3A_294 = tpu.vector_load_idx %arg14[%add3A_293] : memref<4096xf32, #tpu.memory_space<vmem>>[vector<16xi32>], vector<16xf32>,
      %add3A_295 = arith.addf %add3A_290, %gather3A_294 : vector<16xf32>
      %add3A_296 = arith.constant 3 : i32
      %add3A_297 = vector.broadcast %add3A_296 : i32 to vector<16xi32>
      %add3A_298 = arith.addi %mul3A_281, %add3A_297 : vector<16xi32>
      %gather3A_299 = tpu.vector_load_idx %arg14[%add3A_298] : memref<4096xf32, #tpu.memory_space<vmem>>[vector<16xi32>], vector<16xf32>,
      %add3A_300 = arith.addf %add3A_295, %gather3A_299 : vector<16xf32>
      %add3A_301 = arith.constant 4 : i32
      %add3A_302 = vector.broadcast %add3A_301 : i32 to vector<16xi32>
      %add3A_303 = arith.addi %mul3A_281, %add3A_302 : vector<16xi32>
      %gather3A_304 = tpu.vector_load_idx %arg14[%add3A_303] : memref<4096xf32, #tpu.memory_space<vmem>>[vector<16xi32>], vector<16xf32>,
      %add3A_305 = arith.addf %add3A_300, %gather3A_304 : vector<16xf32>
      %add3A_306 = arith.constant 5 : i32
      %add3A_307 = vector.broadcast %add3A_306 : i32 to vector<16xi32>
      %add3A_308 = arith.addi %mul3A_281, %add3A_307 : vector<16xi32>
      %gather3A_309 = tpu.vector_load_idx %arg14[%add3A_308] : memref<4096xf32, #tpu.memory_space<vmem>>[vector<16xi32>], vector<16xf32>,
      %add3A_310 = arith.addf %add3A_305, %gather3A_309 : vector<16xf32>
      %add3A_311 = arith.constant 6 : i32
      %add3A_312 = vector.broadcast %add3A_311 : i32 to vector<16xi32>
      %add3A_313 = arith.addi %mul3A_281, %add3A_312 : vector<16xi32>
      %gather3A_314 = tpu.vector_load_idx %arg14[%add3A_313] : memref<4096xf32, #tpu.memory_space<vmem>>[vector<16xi32>], vector<16xf32>,
      %add3A_315 = arith.addf %add3A_310, %gather3A_314 : vector<16xf32>
      %add3A_316 = arith.constant 7 : i32
      %add3A_317 = vector.broadcast %add3A_316 : i32 to vector<16xi32>
      %add3A_318 = arith.addi %mul3A_281, %add3A_317 : vector<16xi32>
      %gather3A_319 = tpu.vector_load_idx %arg14[%add3A_318] : memref<4096xf32, #tpu.memory_space<vmem>>[vector<16xi32>], vector<16xf32>,
      %add3A_320 = arith.addf %add3A_315, %gather3A_319 : vector<16xf32>
      %add3A_321 = arith.constant 8 : i32
      %add3A_322 = vector.broadcast %add3A_321 : i32 to vector<16xi32>
      %add3A_323 = arith.addi %mul3A_281, %add3A_322 : vector<16xi32>
      %gather3A_324 = tpu.vector_load_idx %arg14[%add3A_323] : memref<4096xf32, #tpu.memory_space<vmem>>[vector<16xi32>], vector<16xf32>,
      %add3A_325 = arith.addf %add3A_320, %gather3A_324 : vector<16xf32>
      %add3A_326 = arith.constant 9 : i32
      %add3A_327 = vector.broadcast %add3A_326 : i32 to vector<16xi32>
      %add3A_328 = arith.addi %mul3A_281, %add3A_327 : vector<16xi32>
      %gather3A_329 = tpu.vector_load_idx %arg14[%add3A_328] : memref<4096xf32, #tpu.memory_space<vmem>>[vector<16xi32>], vector<16xf32>,
      %add3A_330 = arith.addf %add3A_325, %gather3A_329 : vector<16xf32>
      %add3A_331 = arith.constant 10 : i32
      %add3A_332 = vector.broadcast %add3A_331 : i32 to vector<16xi32>
      %add3A_333 = arith.addi %mul3A_281, %add3A_332 : vector<16xi32>
      %gather3A_334 = tpu.vector_load_idx %arg14[%add3A_333] : memref<4096xf32, #tpu.memory_space<vmem>>[vector<16xi32>], vector<16xf32>,
      %add3A_335 = arith.addf %add3A_330, %gather3A_334 : vector<16xf32>
      %add3A_336 = arith.constant 11 : i32
      %add3A_337 = vector.broadcast %add3A_336 : i32 to vector<16xi32>
      %add3A_338 = arith.addi %mul3A_281, %add3A_337 : vector<16xi32>
      %gather3A_339 = tpu.vector_load_idx %arg14[%add3A_338] : memref<4096xf32, #tpu.memory_space<vmem>>[vector<16xi32>], vector<16xf32>,
      %add3A_340 = arith.addf %add3A_335, %gather3A_339 : vector<16xf32>
      %add3A_341 = arith.constant 12 : i32
      %add3A_342 = vector.broadcast %add3A_341 : i32 to vector<16xi32>
      %add3A_343 = arith.addi %mul3A_281, %add3A_342 : vector<16xi32>
      %gather3A_344 = tpu.vector_load_idx %arg14[%add3A_343] : memref<4096xf32, #tpu.memory_space<vmem>>[vector<16xi32>], vector<16xf32>,
      %add3A_345 = arith.addf %add3A_340, %gather3A_344 : vector<16xf32>
      %add3A_346 = arith.constant 13 : i32
      %add3A_347 = vector.broadcast %add3A_346 : i32 to vector<16xi32>
      %add3A_348 = arith.addi %mul3A_281, %add3A_347 : vector<16xi32>
      %gather3A_349 = tpu.vector_load_idx %arg14[%add3A_348] : memref<4096xf32, #tpu.memory_space<vmem>>[vector<16xi32>], vector<16xf32>,
      %add3A_350 = arith.addf %add3A_345, %gather3A_349 : vector<16xf32>
      %add3A_351 = arith.constant 14 : i32
      %add3A_352 = vector.broadcast %add3A_351 : i32 to vector<16xi32>
      %add3A_353 = arith.addi %mul3A_281, %add3A_352 : vector<16xi32>
      %gather3A_354 = tpu.vector_load_idx %arg14[%add3A_353] : memref<4096xf32, #tpu.memory_space<vmem>>[vector<16xi32>], vector<16xf32>,
      %add3A_355 = arith.addf %add3A_350, %gather3A_354 : vector<16xf32>
      %add3A_356 = arith.constant 15 : i32
      %add3A_357 = vector.broadcast %add3A_356 : i32 to vector<16xi32>
      %add3A_358 = arith.addi %mul3A_281, %add3A_357 : vector<16xi32>
      %gather3A_359 = tpu.vector_load_idx %arg14[%add3A_358] : memref<4096xf32, #tpu.memory_space<vmem>>[vector<16xi32>], vector<16xf32>,
      %add3A_360 = arith.addf %add3A_355, %gather3A_359 : vector<16xf32>
      %mul3A_361 = arith.constant 16 : i32
      %mul3A_362 = arith.muli %scan3A_272, %mul3A_361 : i32
      %add3A_363 = arith.constant 256 : i32
      %add3A_364 = arith.addi %add3A_363, %mul3A_362 : i32
      %get3A = arith.index_cast %add3A_364 : i32 to index
      %get3A_365 = tpu.vector_load %arg9[%get3A] {strides = array<i32>} : memref<2048xf32, #tpu.memory_space<vmem>>, vector<16xf32>,
      %mul3A_366 = arith.mulf %get3A_365, %add3A_360 : vector<16xf32>
      %add3A_367 = arith.addf %scan3A_273, %mul3A_366 : vector<16xf32>
      %ge3A = arith.constant 0.000000e+00 : f32
      %ge3A_368 = vector.broadcast %ge3A : f32 to vector<16xf32>
      %ge3A_369 = arith.cmpf oge, %add3A_360, %ge3A_368 : vector<16xf32>
      %jit3A = arith.constant 1.000000e+00 : f32
      %jit3A_370 = arith.constant -1.000000e+00 : f32
      %broadcast_in_dim3A_371 = vector.broadcast %jit3A : f32 to vector<16xf32>
      %broadcast_in_dim3A_372 = vector.broadcast %jit3A_370 : f32 to vector<16xf32>
      %select_n3A = arith.select %ge3A_369, %broadcast_in_dim3A_371, %broadcast_in_dim3A_372 : vector<16xi1>, vector<16xf32>
      %add3A_373 = arith.addf %scan3A_274, %select_n3A : vector<16xf32>
      scf.yield %add3A_367, %add3A_373 : vector<16xf32>, vector<16xf32>
    }
    %scan3A_76 = arith.constant 16 : i32
    %dma_wait3A_77 = arith.constant 512 : i32
    %dma_wait3A_78 = tpu.memref_slice %arg7[%dma_wait3A_77] : memref<2048xi32, #tpu.memory_space<vmem>> -> memref<256xi32, #tpu.memory_space<vmem>>
    %dma_wait3A_79 = arith.constant 0 : i32
    %dma_wait3A_80 = arith.constant 0 : i32
    %dma_wait3A_81 = tpu.memref_slice %arg2[%dma_wait3A_79, %dma_wait3A_80] : memref<4096x64xf32, #tpu.memory_space<hbm>> -> memref<4096x64xf32, #tpu.memory_space<hbm>>
    tpu.wait_indirect_dma semaphore(%arg16 : memref<!tpu.dma_semaphore, #tpu.memory_space<semaphore_mem>>) src(%dma_wait3A_81 : memref<4096x64xf32, #tpu.memory_space<hbm>>) dst(%arg10 : memref<256x64xf32, #tpu.memory_space<vmem>>)
    %dma_wait3A_82 = arith.constant 512 : i32
    %dma_wait3A_83 = tpu.memref_slice %arg8[%dma_wait3A_82] : memref<2048xi32, #tpu.memory_space<vmem>> -> memref<256xi32, #tpu.memory_space<vmem>>
    %dma_wait3A_84 = arith.constant 0 : i32
    %dma_wait3A_85 = arith.constant 0 : i32
    %dma_wait3A_86 = tpu.memref_slice %arg2[%dma_wait3A_84, %dma_wait3A_85] : memref<4096x64xf32, #tpu.memory_space<hbm>> -> memref<4096x64xf32, #tpu.memory_space<hbm>>
    tpu.wait_indirect_dma semaphore(%arg17 : memref<!tpu.dma_semaphore, #tpu.memory_space<semaphore_mem>>) src(%dma_wait3A_86 : memref<4096x64xf32, #tpu.memory_space<hbm>>) dst(%arg11 : memref<256x64xf32, #tpu.memory_space<vmem>>)
    %dma_start3A_87 = arith.constant 768 : i32
    %dma_start3A_88 = tpu.memref_slice %arg7[%dma_start3A_87] : memref<2048xi32, #tpu.memory_space<vmem>> -> memref<256xi32, #tpu.memory_space<vmem>>
    %dma_start3A_89 = arith.constant 0 : i32
    %dma_start3A_90 = arith.constant 0 : i32
    %dma_start3A_91 = tpu.memref_slice %arg2[%dma_start3A_89, %dma_start3A_90] : memref<4096x64xf32, #tpu.memory_space<hbm>> -> memref<4096x64xf32, #tpu.memory_space<hbm>>
    tpu.enqueue_indirect_dma source(%dma_start3A_91 : memref<4096x64xf32, #tpu.memory_space<hbm>>) target(%arg12 : memref<256x64xf32, #tpu.memory_space<vmem>>) offsets(%dma_start3A_88 : memref<256xi32, #tpu.memory_space<vmem>>) semaphore(%arg18 : memref<!tpu.dma_semaphore, #tpu.memory_space<semaphore_mem>>)
    %dma_start3A_92 = arith.constant 768 : i32
    %dma_start3A_93 = tpu.memref_slice %arg8[%dma_start3A_92] : memref<2048xi32, #tpu.memory_space<vmem>> -> memref<256xi32, #tpu.memory_space<vmem>>
    %dma_start3A_94 = arith.constant 0 : i32
    %dma_start3A_95 = arith.constant 0 : i32
    %dma_start3A_96 = tpu.memref_slice %arg2[%dma_start3A_94, %dma_start3A_95] : memref<4096x64xf32, #tpu.memory_space<hbm>> -> memref<4096x64xf32, #tpu.memory_space<hbm>>
    tpu.enqueue_indirect_dma source(%dma_start3A_96 : memref<4096x64xf32, #tpu.memory_space<hbm>>) target(%arg13 : memref<256x64xf32, #tpu.memory_space<vmem>>) offsets(%dma_start3A_93 : memref<256xi32, #tpu.memory_space<vmem>>) semaphore(%arg19 : memref<!tpu.dma_semaphore, #tpu.memory_space<semaphore_mem>>)
    %scan3A_97 = arith.constant 0 : i32
    %scan3A_98 = arith.constant 0 : i32
    %scan3A_99 = arith.constant 64 : i32
    %scan3A_100 = arith.addi %scan3A_98, %scan3A_99 : i32
    %scan3A_101 = arith.constant 1 : i32
    %scan3A_102 = scf.for %scan3A_272 = %scan3A_98 to %scan3A_100 step %scan3A_101 iter_args(%scan3A_273 = %scan3A_97) -> (i32)  : i32 {
      %mul3A_274 = arith.constant 4 : i32
      %mul3A_275 = arith.muli %scan3A_272, %mul3A_274 : i32
      %add3A_276 = arith.constant 0 : i32
      %add3A_277 = arith.addi %mul3A_275, %add3A_276 : i32
      %get3A = arith.index_cast %add3A_277 : i32 to index
      %get3A_278 = arith.constant 0 : index
      %get3A_279 = tpu.vector_load %arg10[%get3A, %get3A_278] {strides = array<i32>} : memref<256x64xf32, #tpu.memory_space<vmem>>, vector<16xf32>,
      %get3A_280 = arith.index_cast %add3A_277 : i32 to index
      %get3A_281 = arith.constant 0 : index
      %get3A_282 = tpu.vector_load %arg11[%get3A_280, %get3A_281] {strides = array<i32>} : memref<256x64xf32, #tpu.memory_space<vmem>>, vector<16xf32>,
      %mul3A_283 = arith.mulf %get3A_279, %get3A_282 : vector<16xf32>
      %get3A_284 = arith.index_cast %add3A_277 : i32 to index
      %get3A_285 = arith.constant 16 : index
      %get3A_286 = tpu.vector_load %arg10[%get3A_284, %get3A_285] {strides = array<i32>} : memref<256x64xf32, #tpu.memory_space<vmem>>, vector<16xf32>,
      %get3A_287 = arith.index_cast %add3A_277 : i32 to index
      %get3A_288 = arith.constant 16 : index
      %get3A_289 = tpu.vector_load %arg11[%get3A_287, %get3A_288] {strides = array<i32>} : memref<256x64xf32, #tpu.memory_space<vmem>>, vector<16xf32>,
      %mul3A_290 = arith.mulf %get3A_286, %get3A_289 : vector<16xf32>
      %get3A_291 = arith.index_cast %add3A_277 : i32 to index
      %get3A_292 = arith.constant 32 : index
      %get3A_293 = tpu.vector_load %arg10[%get3A_291, %get3A_292] {strides = array<i32>} : memref<256x64xf32, #tpu.memory_space<vmem>>, vector<16xf32>,
      %get3A_294 = arith.index_cast %add3A_277 : i32 to index
      %get3A_295 = arith.constant 32 : index
      %get3A_296 = tpu.vector_load %arg11[%get3A_294, %get3A_295] {strides = array<i32>} : memref<256x64xf32, #tpu.memory_space<vmem>>, vector<16xf32>,
      %mul3A_297 = arith.mulf %get3A_293, %get3A_296 : vector<16xf32>
      %get3A_298 = arith.index_cast %add3A_277 : i32 to index
      %get3A_299 = arith.constant 48 : index
      %get3A_300 = tpu.vector_load %arg10[%get3A_298, %get3A_299] {strides = array<i32>} : memref<256x64xf32, #tpu.memory_space<vmem>>, vector<16xf32>,
      %get3A_301 = arith.index_cast %add3A_277 : i32 to index
      %get3A_302 = arith.constant 48 : index
      %get3A_303 = tpu.vector_load %arg11[%get3A_301, %get3A_302] {strides = array<i32>} : memref<256x64xf32, #tpu.memory_space<vmem>>, vector<16xf32>,
      %mul3A_304 = arith.mulf %get3A_300, %get3A_303 : vector<16xf32>
      %add3A_305 = arith.addf %mul3A_283, %mul3A_290 : vector<16xf32>
      %add3A_306 = arith.addf %mul3A_297, %mul3A_304 : vector<16xf32>
      %add3A_307 = arith.addf %add3A_305, %add3A_306 : vector<16xf32>
      %mul3A_308 = arith.constant 16 : i32
      %mul3A_309 = arith.muli %add3A_277, %mul3A_308 : i32
      %swap3A_310 = arith.index_cast %mul3A_309 : i32 to index
      %swap3A_311 = tpu.vector_load %arg14[%swap3A_310] {strides = array<i32>} : memref<4096xf32, #tpu.memory_space<vmem>>, vector<16xf32>,
      tpu.vector_store %arg14[%swap3A_310], %add3A_307 {strides = array<i32>} : memref<4096xf32, #tpu.memory_space<vmem>>, vector<16xf32>,
      %mul3A_312 = arith.constant 4 : i32
      %mul3A_313 = arith.muli %scan3A_272, %mul3A_312 : i32
      %add3A_314 = arith.constant 1 : i32
      %add3A_315 = arith.addi %mul3A_313, %add3A_314 : i32
      %get3A_316 = arith.index_cast %add3A_315 : i32 to index
      %get3A_317 = arith.constant 0 : index
      %get3A_318 = tpu.vector_load %arg10[%get3A_316, %get3A_317] {strides = array<i32>} : memref<256x64xf32, #tpu.memory_space<vmem>>, vector<16xf32>,
      %get3A_319 = arith.index_cast %add3A_315 : i32 to index
      %get3A_320 = arith.constant 0 : index
      %get3A_321 = tpu.vector_load %arg11[%get3A_319, %get3A_320] {strides = array<i32>} : memref<256x64xf32, #tpu.memory_space<vmem>>, vector<16xf32>,
      %mul3A_322 = arith.mulf %get3A_318, %get3A_321 : vector<16xf32>
      %get3A_323 = arith.index_cast %add3A_315 : i32 to index
      %get3A_324 = arith.constant 16 : index
      %get3A_325 = tpu.vector_load %arg10[%get3A_323, %get3A_324] {strides = array<i32>} : memref<256x64xf32, #tpu.memory_space<vmem>>, vector<16xf32>,
      %get3A_326 = arith.index_cast %add3A_315 : i32 to index
      %get3A_327 = arith.constant 16 : index
      %get3A_328 = tpu.vector_load %arg11[%get3A_326, %get3A_327] {strides = array<i32>} : memref<256x64xf32, #tpu.memory_space<vmem>>, vector<16xf32>,
      %mul3A_329 = arith.mulf %get3A_325, %get3A_328 : vector<16xf32>
      %get3A_330 = arith.index_cast %add3A_315 : i32 to index
      %get3A_331 = arith.constant 32 : index
      %get3A_332 = tpu.vector_load %arg10[%get3A_330, %get3A_331] {strides = array<i32>} : memref<256x64xf32, #tpu.memory_space<vmem>>, vector<16xf32>,
      %get3A_333 = arith.index_cast %add3A_315 : i32 to index
      %get3A_334 = arith.constant 32 : index
      %get3A_335 = tpu.vector_load %arg11[%get3A_333, %get3A_334] {strides = array<i32>} : memref<256x64xf32, #tpu.memory_space<vmem>>, vector<16xf32>,
      %mul3A_336 = arith.mulf %get3A_332, %get3A_335 : vector<16xf32>
      %get3A_337 = arith.index_cast %add3A_315 : i32 to index
      %get3A_338 = arith.constant 48 : index
      %get3A_339 = tpu.vector_load %arg10[%get3A_337, %get3A_338] {strides = array<i32>} : memref<256x64xf32, #tpu.memory_space<vmem>>, vector<16xf32>,
      %get3A_340 = arith.index_cast %add3A_315 : i32 to index
      %get3A_341 = arith.constant 48 : index
      %get3A_342 = tpu.vector_load %arg11[%get3A_340, %get3A_341] {strides = array<i32>} : memref<256x64xf32, #tpu.memory_space<vmem>>, vector<16xf32>,
      %mul3A_343 = arith.mulf %get3A_339, %get3A_342 : vector<16xf32>
      %add3A_344 = arith.addf %mul3A_322, %mul3A_329 : vector<16xf32>
      %add3A_345 = arith.addf %mul3A_336, %mul3A_343 : vector<16xf32>
      %add3A_346 = arith.addf %add3A_344, %add3A_345 : vector<16xf32>
      %mul3A_347 = arith.constant 16 : i32
      %mul3A_348 = arith.muli %add3A_315, %mul3A_347 : i32
      %swap3A_349 = arith.index_cast %mul3A_348 : i32 to index
      %swap3A_350 = tpu.vector_load %arg14[%swap3A_349] {strides = array<i32>} : memref<4096xf32, #tpu.memory_space<vmem>>, vector<16xf32>,
      tpu.vector_store %arg14[%swap3A_349], %add3A_346 {strides = array<i32>} : memref<4096xf32, #tpu.memory_space<vmem>>, vector<16xf32>,
      %mul3A_351 = arith.constant 4 : i32
      %mul3A_352 = arith.muli %scan3A_272, %mul3A_351 : i32
      %add3A_353 = arith.constant 2 : i32
      %add3A_354 = arith.addi %mul3A_352, %add3A_353 : i32
      %get3A_355 = arith.index_cast %add3A_354 : i32 to index
      %get3A_356 = arith.constant 0 : index
      %get3A_357 = tpu.vector_load %arg10[%get3A_355, %get3A_356] {strides = array<i32>} : memref<256x64xf32, #tpu.memory_space<vmem>>, vector<16xf32>,
      %get3A_358 = arith.index_cast %add3A_354 : i32 to index
      %get3A_359 = arith.constant 0 : index
      %get3A_360 = tpu.vector_load %arg11[%get3A_358, %get3A_359] {strides = array<i32>} : memref<256x64xf32, #tpu.memory_space<vmem>>, vector<16xf32>,
      %mul3A_361 = arith.mulf %get3A_357, %get3A_360 : vector<16xf32>
      %get3A_362 = arith.index_cast %add3A_354 : i32 to index
      %get3A_363 = arith.constant 16 : index
      %get3A_364 = tpu.vector_load %arg10[%get3A_362, %get3A_363] {strides = array<i32>} : memref<256x64xf32, #tpu.memory_space<vmem>>, vector<16xf32>,
      %get3A_365 = arith.index_cast %add3A_354 : i32 to index
      %get3A_366 = arith.constant 16 : index
      %get3A_367 = tpu.vector_load %arg11[%get3A_365, %get3A_366] {strides = array<i32>} : memref<256x64xf32, #tpu.memory_space<vmem>>, vector<16xf32>,
      %mul3A_368 = arith.mulf %get3A_364, %get3A_367 : vector<16xf32>
      %get3A_369 = arith.index_cast %add3A_354 : i32 to index
      %get3A_370 = arith.constant 32 : index
      %get3A_371 = tpu.vector_load %arg10[%get3A_369, %get3A_370] {strides = array<i32>} : memref<256x64xf32, #tpu.memory_space<vmem>>, vector<16xf32>,
      %get3A_372 = arith.index_cast %add3A_354 : i32 to index
      %get3A_373 = arith.constant 32 : index
      %get3A_374 = tpu.vector_load %arg11[%get3A_372, %get3A_373] {strides = array<i32>} : memref<256x64xf32, #tpu.memory_space<vmem>>, vector<16xf32>,
      %mul3A_375 = arith.mulf %get3A_371, %get3A_374 : vector<16xf32>
      %get3A_376 = arith.index_cast %add3A_354 : i32 to index
      %get3A_377 = arith.constant 48 : index
      %get3A_378 = tpu.vector_load %arg10[%get3A_376, %get3A_377] {strides = array<i32>} : memref<256x64xf32, #tpu.memory_space<vmem>>, vector<16xf32>,
      %get3A_379 = arith.index_cast %add3A_354 : i32 to index
      %get3A_380 = arith.constant 48 : index
      %get3A_381 = tpu.vector_load %arg11[%get3A_379, %get3A_380] {strides = array<i32>} : memref<256x64xf32, #tpu.memory_space<vmem>>, vector<16xf32>,
      %mul3A_382 = arith.mulf %get3A_378, %get3A_381 : vector<16xf32>
      %add3A_383 = arith.addf %mul3A_361, %mul3A_368 : vector<16xf32>
      %add3A_384 = arith.addf %mul3A_375, %mul3A_382 : vector<16xf32>
      %add3A_385 = arith.addf %add3A_383, %add3A_384 : vector<16xf32>
      %mul3A_386 = arith.constant 16 : i32
      %mul3A_387 = arith.muli %add3A_354, %mul3A_386 : i32
      %swap3A_388 = arith.index_cast %mul3A_387 : i32 to index
      %swap3A_389 = tpu.vector_load %arg14[%swap3A_388] {strides = array<i32>} : memref<4096xf32, #tpu.memory_space<vmem>>, vector<16xf32>,
      tpu.vector_store %arg14[%swap3A_388], %add3A_385 {strides = array<i32>} : memref<4096xf32, #tpu.memory_space<vmem>>, vector<16xf32>,
      %mul3A_390 = arith.constant 4 : i32
      %mul3A_391 = arith.muli %scan3A_272, %mul3A_390 : i32
      %add3A_392 = arith.constant 3 : i32
      %add3A_393 = arith.addi %mul3A_391, %add3A_392 : i32
      %get3A_394 = arith.index_cast %add3A_393 : i32 to index
      %get3A_395 = arith.constant 0 : index
      %get3A_396 = tpu.vector_load %arg10[%get3A_394, %get3A_395] {strides = array<i32>} : memref<256x64xf32, #tpu.memory_space<vmem>>, vector<16xf32>,
      %get3A_397 = arith.index_cast %add3A_393 : i32 to index
      %get3A_398 = arith.constant 0 : index
      %get3A_399 = tpu.vector_load %arg11[%get3A_397, %get3A_398] {strides = array<i32>} : memref<256x64xf32, #tpu.memory_space<vmem>>, vector<16xf32>,
      %mul3A_400 = arith.mulf %get3A_396, %get3A_399 : vector<16xf32>
      %get3A_401 = arith.index_cast %add3A_393 : i32 to index
      %get3A_402 = arith.constant 16 : index
      %get3A_403 = tpu.vector_load %arg10[%get3A_401, %get3A_402] {strides = array<i32>} : memref<256x64xf32, #tpu.memory_space<vmem>>, vector<16xf32>,
      %get3A_404 = arith.index_cast %add3A_393 : i32 to index
      %get3A_405 = arith.constant 16 : index
      %get3A_406 = tpu.vector_load %arg11[%get3A_404, %get3A_405] {strides = array<i32>} : memref<256x64xf32, #tpu.memory_space<vmem>>, vector<16xf32>,
      %mul3A_407 = arith.mulf %get3A_403, %get3A_406 : vector<16xf32>
      %get3A_408 = arith.index_cast %add3A_393 : i32 to index
      %get3A_409 = arith.constant 32 : index
      %get3A_410 = tpu.vector_load %arg10[%get3A_408, %get3A_409] {strides = array<i32>} : memref<256x64xf32, #tpu.memory_space<vmem>>, vector<16xf32>,
      %get3A_411 = arith.index_cast %add3A_393 : i32 to index
      %get3A_412 = arith.constant 32 : index
      %get3A_413 = tpu.vector_load %arg11[%get3A_411, %get3A_412] {strides = array<i32>} : memref<256x64xf32, #tpu.memory_space<vmem>>, vector<16xf32>,
      %mul3A_414 = arith.mulf %get3A_410, %get3A_413 : vector<16xf32>
      %get3A_415 = arith.index_cast %add3A_393 : i32 to index
      %get3A_416 = arith.constant 48 : index
      %get3A_417 = tpu.vector_load %arg10[%get3A_415, %get3A_416] {strides = array<i32>} : memref<256x64xf32, #tpu.memory_space<vmem>>, vector<16xf32>,
      %get3A_418 = arith.index_cast %add3A_393 : i32 to index
      %get3A_419 = arith.constant 48 : index
      %get3A_420 = tpu.vector_load %arg11[%get3A_418, %get3A_419] {strides = array<i32>} : memref<256x64xf32, #tpu.memory_space<vmem>>, vector<16xf32>,
      %mul3A_421 = arith.mulf %get3A_417, %get3A_420 : vector<16xf32>
      %add3A_422 = arith.addf %mul3A_400, %mul3A_407 : vector<16xf32>
      %add3A_423 = arith.addf %mul3A_414, %mul3A_421 : vector<16xf32>
      %add3A_424 = arith.addf %add3A_422, %add3A_423 : vector<16xf32>
      %mul3A_425 = arith.constant 16 : i32
      %mul3A_426 = arith.muli %add3A_393, %mul3A_425 : i32
      %swap3A_427 = arith.index_cast %mul3A_426 : i32 to index
      %swap3A_428 = tpu.vector_load %arg14[%swap3A_427] {strides = array<i32>} : memref<4096xf32, #tpu.memory_space<vmem>>, vector<16xf32>,
      tpu.vector_store %arg14[%swap3A_427], %add3A_424 {strides = array<i32>} : memref<4096xf32, #tpu.memory_space<vmem>>, vector<16xf32>,
      %scan3A_429 = arith.constant 0 : i32
      scf.yield %scan3A_429 : i32
    }
    %scan3A_103 = arith.constant 64 : i32
    %scan3A_104 = arith.constant 0 : i32
    %scan3A_105 = arith.constant 16 : i32
    %scan3A_106 = arith.addi %scan3A_104, %scan3A_105 : i32
    %scan3A_107 = arith.constant 1 : i32
    %scan3A_108:2 = scf.for %scan3A_272 = %scan3A_104 to %scan3A_106 step %scan3A_107 iter_args(%scan3A_273 = %scan3A_75#0, %scan3A_274 = %scan3A_75#1) -> (vector<16xf32>, vector<16xf32>)  : i32 {
      %mul3A_275 = arith.constant 16 : i32
      %mul3A_276 = arith.muli %scan3A_272, %mul3A_275 : i32
      %add3A_277 = vector.broadcast %mul3A_276 : i32 to vector<16xi32>
      %add3A_278 = arith.addi %add3A_277, %iota3A : vector<16xi32>
      %mul3A_279 = arith.constant 16 : i32
      %mul3A_280 = vector.broadcast %mul3A_279 : i32 to vector<16xi32>
      %mul3A_281 = arith.muli %add3A_278, %mul3A_280 : vector<16xi32>
      %add3A_282 = arith.constant 0 : i32
      %add3A_283 = vector.broadcast %add3A_282 : i32 to vector<16xi32>
      %add3A_284 = arith.addi %mul3A_281, %add3A_283 : vector<16xi32>
      %gather3A = tpu.vector_load_idx %arg14[%add3A_284] : memref<4096xf32, #tpu.memory_space<vmem>>[vector<16xi32>], vector<16xf32>,
      %add3A_285 = arith.addf %broadcast_in_dim3A_3, %gather3A : vector<16xf32>
      %add3A_286 = arith.constant 1 : i32
      %add3A_287 = vector.broadcast %add3A_286 : i32 to vector<16xi32>
      %add3A_288 = arith.addi %mul3A_281, %add3A_287 : vector<16xi32>
      %gather3A_289 = tpu.vector_load_idx %arg14[%add3A_288] : memref<4096xf32, #tpu.memory_space<vmem>>[vector<16xi32>], vector<16xf32>,
      %add3A_290 = arith.addf %add3A_285, %gather3A_289 : vector<16xf32>
      %add3A_291 = arith.constant 2 : i32
      %add3A_292 = vector.broadcast %add3A_291 : i32 to vector<16xi32>
      %add3A_293 = arith.addi %mul3A_281, %add3A_292 : vector<16xi32>
      %gather3A_294 = tpu.vector_load_idx %arg14[%add3A_293] : memref<4096xf32, #tpu.memory_space<vmem>>[vector<16xi32>], vector<16xf32>,
      %add3A_295 = arith.addf %add3A_290, %gather3A_294 : vector<16xf32>
      %add3A_296 = arith.constant 3 : i32
      %add3A_297 = vector.broadcast %add3A_296 : i32 to vector<16xi32>
      %add3A_298 = arith.addi %mul3A_281, %add3A_297 : vector<16xi32>
      %gather3A_299 = tpu.vector_load_idx %arg14[%add3A_298] : memref<4096xf32, #tpu.memory_space<vmem>>[vector<16xi32>], vector<16xf32>,
      %add3A_300 = arith.addf %add3A_295, %gather3A_299 : vector<16xf32>
      %add3A_301 = arith.constant 4 : i32
      %add3A_302 = vector.broadcast %add3A_301 : i32 to vector<16xi32>
      %add3A_303 = arith.addi %mul3A_281, %add3A_302 : vector<16xi32>
      %gather3A_304 = tpu.vector_load_idx %arg14[%add3A_303] : memref<4096xf32, #tpu.memory_space<vmem>>[vector<16xi32>], vector<16xf32>,
      %add3A_305 = arith.addf %add3A_300, %gather3A_304 : vector<16xf32>
      %add3A_306 = arith.constant 5 : i32
      %add3A_307 = vector.broadcast %add3A_306 : i32 to vector<16xi32>
      %add3A_308 = arith.addi %mul3A_281, %add3A_307 : vector<16xi32>
      %gather3A_309 = tpu.vector_load_idx %arg14[%add3A_308] : memref<4096xf32, #tpu.memory_space<vmem>>[vector<16xi32>], vector<16xf32>,
      %add3A_310 = arith.addf %add3A_305, %gather3A_309 : vector<16xf32>
      %add3A_311 = arith.constant 6 : i32
      %add3A_312 = vector.broadcast %add3A_311 : i32 to vector<16xi32>
      %add3A_313 = arith.addi %mul3A_281, %add3A_312 : vector<16xi32>
      %gather3A_314 = tpu.vector_load_idx %arg14[%add3A_313] : memref<4096xf32, #tpu.memory_space<vmem>>[vector<16xi32>], vector<16xf32>,
      %add3A_315 = arith.addf %add3A_310, %gather3A_314 : vector<16xf32>
      %add3A_316 = arith.constant 7 : i32
      %add3A_317 = vector.broadcast %add3A_316 : i32 to vector<16xi32>
      %add3A_318 = arith.addi %mul3A_281, %add3A_317 : vector<16xi32>
      %gather3A_319 = tpu.vector_load_idx %arg14[%add3A_318] : memref<4096xf32, #tpu.memory_space<vmem>>[vector<16xi32>], vector<16xf32>,
      %add3A_320 = arith.addf %add3A_315, %gather3A_319 : vector<16xf32>
      %add3A_321 = arith.constant 8 : i32
      %add3A_322 = vector.broadcast %add3A_321 : i32 to vector<16xi32>
      %add3A_323 = arith.addi %mul3A_281, %add3A_322 : vector<16xi32>
      %gather3A_324 = tpu.vector_load_idx %arg14[%add3A_323] : memref<4096xf32, #tpu.memory_space<vmem>>[vector<16xi32>], vector<16xf32>,
      %add3A_325 = arith.addf %add3A_320, %gather3A_324 : vector<16xf32>
      %add3A_326 = arith.constant 9 : i32
      %add3A_327 = vector.broadcast %add3A_326 : i32 to vector<16xi32>
      %add3A_328 = arith.addi %mul3A_281, %add3A_327 : vector<16xi32>
      %gather3A_329 = tpu.vector_load_idx %arg14[%add3A_328] : memref<4096xf32, #tpu.memory_space<vmem>>[vector<16xi32>], vector<16xf32>,
      %add3A_330 = arith.addf %add3A_325, %gather3A_329 : vector<16xf32>
      %add3A_331 = arith.constant 10 : i32
      %add3A_332 = vector.broadcast %add3A_331 : i32 to vector<16xi32>
      %add3A_333 = arith.addi %mul3A_281, %add3A_332 : vector<16xi32>
      %gather3A_334 = tpu.vector_load_idx %arg14[%add3A_333] : memref<4096xf32, #tpu.memory_space<vmem>>[vector<16xi32>], vector<16xf32>,
      %add3A_335 = arith.addf %add3A_330, %gather3A_334 : vector<16xf32>
      %add3A_336 = arith.constant 11 : i32
      %add3A_337 = vector.broadcast %add3A_336 : i32 to vector<16xi32>
      %add3A_338 = arith.addi %mul3A_281, %add3A_337 : vector<16xi32>
      %gather3A_339 = tpu.vector_load_idx %arg14[%add3A_338] : memref<4096xf32, #tpu.memory_space<vmem>>[vector<16xi32>], vector<16xf32>,
      %add3A_340 = arith.addf %add3A_335, %gather3A_339 : vector<16xf32>
      %add3A_341 = arith.constant 12 : i32
      %add3A_342 = vector.broadcast %add3A_341 : i32 to vector<16xi32>
      %add3A_343 = arith.addi %mul3A_281, %add3A_342 : vector<16xi32>
      %gather3A_344 = tpu.vector_load_idx %arg14[%add3A_343] : memref<4096xf32, #tpu.memory_space<vmem>>[vector<16xi32>], vector<16xf32>,
      %add3A_345 = arith.addf %add3A_340, %gather3A_344 : vector<16xf32>
      %add3A_346 = arith.constant 13 : i32
      %add3A_347 = vector.broadcast %add3A_346 : i32 to vector<16xi32>
      %add3A_348 = arith.addi %mul3A_281, %add3A_347 : vector<16xi32>
      %gather3A_349 = tpu.vector_load_idx %arg14[%add3A_348] : memref<4096xf32, #tpu.memory_space<vmem>>[vector<16xi32>], vector<16xf32>,
      %add3A_350 = arith.addf %add3A_345, %gather3A_349 : vector<16xf32>
      %add3A_351 = arith.constant 14 : i32
      %add3A_352 = vector.broadcast %add3A_351 : i32 to vector<16xi32>
      %add3A_353 = arith.addi %mul3A_281, %add3A_352 : vector<16xi32>
      %gather3A_354 = tpu.vector_load_idx %arg14[%add3A_353] : memref<4096xf32, #tpu.memory_space<vmem>>[vector<16xi32>], vector<16xf32>,
      %add3A_355 = arith.addf %add3A_350, %gather3A_354 : vector<16xf32>
      %add3A_356 = arith.constant 15 : i32
      %add3A_357 = vector.broadcast %add3A_356 : i32 to vector<16xi32>
      %add3A_358 = arith.addi %mul3A_281, %add3A_357 : vector<16xi32>
      %gather3A_359 = tpu.vector_load_idx %arg14[%add3A_358] : memref<4096xf32, #tpu.memory_space<vmem>>[vector<16xi32>], vector<16xf32>,
      %add3A_360 = arith.addf %add3A_355, %gather3A_359 : vector<16xf32>
      %mul3A_361 = arith.constant 16 : i32
      %mul3A_362 = arith.muli %scan3A_272, %mul3A_361 : i32
      %add3A_363 = arith.constant 512 : i32
      %add3A_364 = arith.addi %add3A_363, %mul3A_362 : i32
      %get3A = arith.index_cast %add3A_364 : i32 to index
      %get3A_365 = tpu.vector_load %arg9[%get3A] {strides = array<i32>} : memref<2048xf32, #tpu.memory_space<vmem>>, vector<16xf32>,
      %mul3A_366 = arith.mulf %get3A_365, %add3A_360 : vector<16xf32>
      %add3A_367 = arith.addf %scan3A_273, %mul3A_366 : vector<16xf32>
      %ge3A = arith.constant 0.000000e+00 : f32
      %ge3A_368 = vector.broadcast %ge3A : f32 to vector<16xf32>
      %ge3A_369 = arith.cmpf oge, %add3A_360, %ge3A_368 : vector<16xf32>
      %jit3A = arith.constant 1.000000e+00 : f32
      %jit3A_370 = arith.constant -1.000000e+00 : f32
      %broadcast_in_dim3A_371 = vector.broadcast %jit3A : f32 to vector<16xf32>
      %broadcast_in_dim3A_372 = vector.broadcast %jit3A_370 : f32 to vector<16xf32>
      %select_n3A = arith.select %ge3A_369, %broadcast_in_dim3A_371, %broadcast_in_dim3A_372 : vector<16xi1>, vector<16xf32>
      %add3A_373 = arith.addf %scan3A_274, %select_n3A : vector<16xf32>
      scf.yield %add3A_367, %add3A_373 : vector<16xf32>, vector<16xf32>
    }
    %scan3A_109 = arith.constant 16 : i32
    %dma_wait3A_110 = arith.constant 768 : i32
    %dma_wait3A_111 = tpu.memref_slice %arg7[%dma_wait3A_110] : memref<2048xi32, #tpu.memory_space<vmem>> -> memref<256xi32, #tpu.memory_space<vmem>>
    %dma_wait3A_112 = arith.constant 0 : i32
    %dma_wait3A_113 = arith.constant 0 : i32
    %dma_wait3A_114 = tpu.memref_slice %arg2[%dma_wait3A_112, %dma_wait3A_113] : memref<4096x64xf32, #tpu.memory_space<hbm>> -> memref<4096x64xf32, #tpu.memory_space<hbm>>
    tpu.wait_indirect_dma semaphore(%arg18 : memref<!tpu.dma_semaphore, #tpu.memory_space<semaphore_mem>>) src(%dma_wait3A_114 : memref<4096x64xf32, #tpu.memory_space<hbm>>) dst(%arg12 : memref<256x64xf32, #tpu.memory_space<vmem>>)
    %dma_wait3A_115 = arith.constant 768 : i32
    %dma_wait3A_116 = tpu.memref_slice %arg8[%dma_wait3A_115] : memref<2048xi32, #tpu.memory_space<vmem>> -> memref<256xi32, #tpu.memory_space<vmem>>
    %dma_wait3A_117 = arith.constant 0 : i32
    %dma_wait3A_118 = arith.constant 0 : i32
    %dma_wait3A_119 = tpu.memref_slice %arg2[%dma_wait3A_117, %dma_wait3A_118] : memref<4096x64xf32, #tpu.memory_space<hbm>> -> memref<4096x64xf32, #tpu.memory_space<hbm>>
    tpu.wait_indirect_dma semaphore(%arg19 : memref<!tpu.dma_semaphore, #tpu.memory_space<semaphore_mem>>) src(%dma_wait3A_119 : memref<4096x64xf32, #tpu.memory_space<hbm>>) dst(%arg13 : memref<256x64xf32, #tpu.memory_space<vmem>>)
    %dma_start3A_120 = arith.constant 1024 : i32
    %dma_start3A_121 = tpu.memref_slice %arg7[%dma_start3A_120] : memref<2048xi32, #tpu.memory_space<vmem>> -> memref<256xi32, #tpu.memory_space<vmem>>
    %dma_start3A_122 = arith.constant 0 : i32
    %dma_start3A_123 = arith.constant 0 : i32
    %dma_start3A_124 = tpu.memref_slice %arg2[%dma_start3A_122, %dma_start3A_123] : memref<4096x64xf32, #tpu.memory_space<hbm>> -> memref<4096x64xf32, #tpu.memory_space<hbm>>
    tpu.enqueue_indirect_dma source(%dma_start3A_124 : memref<4096x64xf32, #tpu.memory_space<hbm>>) target(%arg10 : memref<256x64xf32, #tpu.memory_space<vmem>>) offsets(%dma_start3A_121 : memref<256xi32, #tpu.memory_space<vmem>>) semaphore(%arg16 : memref<!tpu.dma_semaphore, #tpu.memory_space<semaphore_mem>>)
    %dma_start3A_125 = arith.constant 1024 : i32
    %dma_start3A_126 = tpu.memref_slice %arg8[%dma_start3A_125] : memref<2048xi32, #tpu.memory_space<vmem>> -> memref<256xi32, #tpu.memory_space<vmem>>
    %dma_start3A_127 = arith.constant 0 : i32
    %dma_start3A_128 = arith.constant 0 : i32
    %dma_start3A_129 = tpu.memref_slice %arg2[%dma_start3A_127, %dma_start3A_128] : memref<4096x64xf32, #tpu.memory_space<hbm>> -> memref<4096x64xf32, #tpu.memory_space<hbm>>
    tpu.enqueue_indirect_dma source(%dma_start3A_129 : memref<4096x64xf32, #tpu.memory_space<hbm>>) target(%arg11 : memref<256x64xf32, #tpu.memory_space<vmem>>) offsets(%dma_start3A_126 : memref<256xi32, #tpu.memory_space<vmem>>) semaphore(%arg17 : memref<!tpu.dma_semaphore, #tpu.memory_space<semaphore_mem>>)
    %scan3A_130 = arith.constant 0 : i32
    %scan3A_131 = arith.constant 0 : i32
    %scan3A_132 = arith.constant 64 : i32
    %scan3A_133 = arith.addi %scan3A_131, %scan3A_132 : i32
    %scan3A_134 = arith.constant 1 : i32
    %scan3A_135 = scf.for %scan3A_272 = %scan3A_131 to %scan3A_133 step %scan3A_134 iter_args(%scan3A_273 = %scan3A_130) -> (i32)  : i32 {
      %mul3A_274 = arith.constant 4 : i32
      %mul3A_275 = arith.muli %scan3A_272, %mul3A_274 : i32
      %add3A_276 = arith.constant 0 : i32
      %add3A_277 = arith.addi %mul3A_275, %add3A_276 : i32
      %get3A = arith.index_cast %add3A_277 : i32 to index
      %get3A_278 = arith.constant 0 : index
      %get3A_279 = tpu.vector_load %arg12[%get3A, %get3A_278] {strides = array<i32>} : memref<256x64xf32, #tpu.memory_space<vmem>>, vector<16xf32>,
      %get3A_280 = arith.index_cast %add3A_277 : i32 to index
      %get3A_281 = arith.constant 0 : index
      %get3A_282 = tpu.vector_load %arg13[%get3A_280, %get3A_281] {strides = array<i32>} : memref<256x64xf32, #tpu.memory_space<vmem>>, vector<16xf32>,
      %mul3A_283 = arith.mulf %get3A_279, %get3A_282 : vector<16xf32>
      %get3A_284 = arith.index_cast %add3A_277 : i32 to index
      %get3A_285 = arith.constant 16 : index
      %get3A_286 = tpu.vector_load %arg12[%get3A_284, %get3A_285] {strides = array<i32>} : memref<256x64xf32, #tpu.memory_space<vmem>>, vector<16xf32>,
      %get3A_287 = arith.index_cast %add3A_277 : i32 to index
      %get3A_288 = arith.constant 16 : index
      %get3A_289 = tpu.vector_load %arg13[%get3A_287, %get3A_288] {strides = array<i32>} : memref<256x64xf32, #tpu.memory_space<vmem>>, vector<16xf32>,
      %mul3A_290 = arith.mulf %get3A_286, %get3A_289 : vector<16xf32>
      %get3A_291 = arith.index_cast %add3A_277 : i32 to index
      %get3A_292 = arith.constant 32 : index
      %get3A_293 = tpu.vector_load %arg12[%get3A_291, %get3A_292] {strides = array<i32>} : memref<256x64xf32, #tpu.memory_space<vmem>>, vector<16xf32>,
      %get3A_294 = arith.index_cast %add3A_277 : i32 to index
      %get3A_295 = arith.constant 32 : index
      %get3A_296 = tpu.vector_load %arg13[%get3A_294, %get3A_295] {strides = array<i32>} : memref<256x64xf32, #tpu.memory_space<vmem>>, vector<16xf32>,
      %mul3A_297 = arith.mulf %get3A_293, %get3A_296 : vector<16xf32>
      %get3A_298 = arith.index_cast %add3A_277 : i32 to index
      %get3A_299 = arith.constant 48 : index
      %get3A_300 = tpu.vector_load %arg12[%get3A_298, %get3A_299] {strides = array<i32>} : memref<256x64xf32, #tpu.memory_space<vmem>>, vector<16xf32>,
      %get3A_301 = arith.index_cast %add3A_277 : i32 to index
      %get3A_302 = arith.constant 48 : index
      %get3A_303 = tpu.vector_load %arg13[%get3A_301, %get3A_302] {strides = array<i32>} : memref<256x64xf32, #tpu.memory_space<vmem>>, vector<16xf32>,
      %mul3A_304 = arith.mulf %get3A_300, %get3A_303 : vector<16xf32>
      %add3A_305 = arith.addf %mul3A_283, %mul3A_290 : vector<16xf32>
      %add3A_306 = arith.addf %mul3A_297, %mul3A_304 : vector<16xf32>
      %add3A_307 = arith.addf %add3A_305, %add3A_306 : vector<16xf32>
      %mul3A_308 = arith.constant 16 : i32
      %mul3A_309 = arith.muli %add3A_277, %mul3A_308 : i32
      %swap3A_310 = arith.index_cast %mul3A_309 : i32 to index
      %swap3A_311 = tpu.vector_load %arg14[%swap3A_310] {strides = array<i32>} : memref<4096xf32, #tpu.memory_space<vmem>>, vector<16xf32>,
      tpu.vector_store %arg14[%swap3A_310], %add3A_307 {strides = array<i32>} : memref<4096xf32, #tpu.memory_space<vmem>>, vector<16xf32>,
      %mul3A_312 = arith.constant 4 : i32
      %mul3A_313 = arith.muli %scan3A_272, %mul3A_312 : i32
      %add3A_314 = arith.constant 1 : i32
      %add3A_315 = arith.addi %mul3A_313, %add3A_314 : i32
      %get3A_316 = arith.index_cast %add3A_315 : i32 to index
      %get3A_317 = arith.constant 0 : index
      %get3A_318 = tpu.vector_load %arg12[%get3A_316, %get3A_317] {strides = array<i32>} : memref<256x64xf32, #tpu.memory_space<vmem>>, vector<16xf32>,
      %get3A_319 = arith.index_cast %add3A_315 : i32 to index
      %get3A_320 = arith.constant 0 : index
      %get3A_321 = tpu.vector_load %arg13[%get3A_319, %get3A_320] {strides = array<i32>} : memref<256x64xf32, #tpu.memory_space<vmem>>, vector<16xf32>,
      %mul3A_322 = arith.mulf %get3A_318, %get3A_321 : vector<16xf32>
      %get3A_323 = arith.index_cast %add3A_315 : i32 to index
      %get3A_324 = arith.constant 16 : index
      %get3A_325 = tpu.vector_load %arg12[%get3A_323, %get3A_324] {strides = array<i32>} : memref<256x64xf32, #tpu.memory_space<vmem>>, vector<16xf32>,
      %get3A_326 = arith.index_cast %add3A_315 : i32 to index
      %get3A_327 = arith.constant 16 : index
      %get3A_328 = tpu.vector_load %arg13[%get3A_326, %get3A_327] {strides = array<i32>} : memref<256x64xf32, #tpu.memory_space<vmem>>, vector<16xf32>,
      %mul3A_329 = arith.mulf %get3A_325, %get3A_328 : vector<16xf32>
      %get3A_330 = arith.index_cast %add3A_315 : i32 to index
      %get3A_331 = arith.constant 32 : index
      %get3A_332 = tpu.vector_load %arg12[%get3A_330, %get3A_331] {strides = array<i32>} : memref<256x64xf32, #tpu.memory_space<vmem>>, vector<16xf32>,
      %get3A_333 = arith.index_cast %add3A_315 : i32 to index
      %get3A_334 = arith.constant 32 : index
      %get3A_335 = tpu.vector_load %arg13[%get3A_333, %get3A_334] {strides = array<i32>} : memref<256x64xf32, #tpu.memory_space<vmem>>, vector<16xf32>,
      %mul3A_336 = arith.mulf %get3A_332, %get3A_335 : vector<16xf32>
      %get3A_337 = arith.index_cast %add3A_315 : i32 to index
      %get3A_338 = arith.constant 48 : index
      %get3A_339 = tpu.vector_load %arg12[%get3A_337, %get3A_338] {strides = array<i32>} : memref<256x64xf32, #tpu.memory_space<vmem>>, vector<16xf32>,
      %get3A_340 = arith.index_cast %add3A_315 : i32 to index
      %get3A_341 = arith.constant 48 : index
      %get3A_342 = tpu.vector_load %arg13[%get3A_340, %get3A_341] {strides = array<i32>} : memref<256x64xf32, #tpu.memory_space<vmem>>, vector<16xf32>,
      %mul3A_343 = arith.mulf %get3A_339, %get3A_342 : vector<16xf32>
      %add3A_344 = arith.addf %mul3A_322, %mul3A_329 : vector<16xf32>
      %add3A_345 = arith.addf %mul3A_336, %mul3A_343 : vector<16xf32>
      %add3A_346 = arith.addf %add3A_344, %add3A_345 : vector<16xf32>
      %mul3A_347 = arith.constant 16 : i32
      %mul3A_348 = arith.muli %add3A_315, %mul3A_347 : i32
      %swap3A_349 = arith.index_cast %mul3A_348 : i32 to index
      %swap3A_350 = tpu.vector_load %arg14[%swap3A_349] {strides = array<i32>} : memref<4096xf32, #tpu.memory_space<vmem>>, vector<16xf32>,
      tpu.vector_store %arg14[%swap3A_349], %add3A_346 {strides = array<i32>} : memref<4096xf32, #tpu.memory_space<vmem>>, vector<16xf32>,
      %mul3A_351 = arith.constant 4 : i32
      %mul3A_352 = arith.muli %scan3A_272, %mul3A_351 : i32
      %add3A_353 = arith.constant 2 : i32
      %add3A_354 = arith.addi %mul3A_352, %add3A_353 : i32
      %get3A_355 = arith.index_cast %add3A_354 : i32 to index
      %get3A_356 = arith.constant 0 : index
      %get3A_357 = tpu.vector_load %arg12[%get3A_355, %get3A_356] {strides = array<i32>} : memref<256x64xf32, #tpu.memory_space<vmem>>, vector<16xf32>,
      %get3A_358 = arith.index_cast %add3A_354 : i32 to index
      %get3A_359 = arith.constant 0 : index
      %get3A_360 = tpu.vector_load %arg13[%get3A_358, %get3A_359] {strides = array<i32>} : memref<256x64xf32, #tpu.memory_space<vmem>>, vector<16xf32>,
      %mul3A_361 = arith.mulf %get3A_357, %get3A_360 : vector<16xf32>
      %get3A_362 = arith.index_cast %add3A_354 : i32 to index
      %get3A_363 = arith.constant 16 : index
      %get3A_364 = tpu.vector_load %arg12[%get3A_362, %get3A_363] {strides = array<i32>} : memref<256x64xf32, #tpu.memory_space<vmem>>, vector<16xf32>,
      %get3A_365 = arith.index_cast %add3A_354 : i32 to index
      %get3A_366 = arith.constant 16 : index
      %get3A_367 = tpu.vector_load %arg13[%get3A_365, %get3A_366] {strides = array<i32>} : memref<256x64xf32, #tpu.memory_space<vmem>>, vector<16xf32>,
      %mul3A_368 = arith.mulf %get3A_364, %get3A_367 : vector<16xf32>
      %get3A_369 = arith.index_cast %add3A_354 : i32 to index
      %get3A_370 = arith.constant 32 : index
      %get3A_371 = tpu.vector_load %arg12[%get3A_369, %get3A_370] {strides = array<i32>} : memref<256x64xf32, #tpu.memory_space<vmem>>, vector<16xf32>,
      %get3A_372 = arith.index_cast %add3A_354 : i32 to index
      %get3A_373 = arith.constant 32 : index
      %get3A_374 = tpu.vector_load %arg13[%get3A_372, %get3A_373] {strides = array<i32>} : memref<256x64xf32, #tpu.memory_space<vmem>>, vector<16xf32>,
      %mul3A_375 = arith.mulf %get3A_371, %get3A_374 : vector<16xf32>
      %get3A_376 = arith.index_cast %add3A_354 : i32 to index
      %get3A_377 = arith.constant 48 : index
      %get3A_378 = tpu.vector_load %arg12[%get3A_376, %get3A_377] {strides = array<i32>} : memref<256x64xf32, #tpu.memory_space<vmem>>, vector<16xf32>,
      %get3A_379 = arith.index_cast %add3A_354 : i32 to index
      %get3A_380 = arith.constant 48 : index
      %get3A_381 = tpu.vector_load %arg13[%get3A_379, %get3A_380] {strides = array<i32>} : memref<256x64xf32, #tpu.memory_space<vmem>>, vector<16xf32>,
      %mul3A_382 = arith.mulf %get3A_378, %get3A_381 : vector<16xf32>
      %add3A_383 = arith.addf %mul3A_361, %mul3A_368 : vector<16xf32>
      %add3A_384 = arith.addf %mul3A_375, %mul3A_382 : vector<16xf32>
      %add3A_385 = arith.addf %add3A_383, %add3A_384 : vector<16xf32>
      %mul3A_386 = arith.constant 16 : i32
      %mul3A_387 = arith.muli %add3A_354, %mul3A_386 : i32
      %swap3A_388 = arith.index_cast %mul3A_387 : i32 to index
      %swap3A_389 = tpu.vector_load %arg14[%swap3A_388] {strides = array<i32>} : memref<4096xf32, #tpu.memory_space<vmem>>, vector<16xf32>,
      tpu.vector_store %arg14[%swap3A_388], %add3A_385 {strides = array<i32>} : memref<4096xf32, #tpu.memory_space<vmem>>, vector<16xf32>,
      %mul3A_390 = arith.constant 4 : i32
      %mul3A_391 = arith.muli %scan3A_272, %mul3A_390 : i32
      %add3A_392 = arith.constant 3 : i32
      %add3A_393 = arith.addi %mul3A_391, %add3A_392 : i32
      %get3A_394 = arith.index_cast %add3A_393 : i32 to index
      %get3A_395 = arith.constant 0 : index
      %get3A_396 = tpu.vector_load %arg12[%get3A_394, %get3A_395] {strides = array<i32>} : memref<256x64xf32, #tpu.memory_space<vmem>>, vector<16xf32>,
      %get3A_397 = arith.index_cast %add3A_393 : i32 to index
      %get3A_398 = arith.constant 0 : index
      %get3A_399 = tpu.vector_load %arg13[%get3A_397, %get3A_398] {strides = array<i32>} : memref<256x64xf32, #tpu.memory_space<vmem>>, vector<16xf32>,
      %mul3A_400 = arith.mulf %get3A_396, %get3A_399 : vector<16xf32>
      %get3A_401 = arith.index_cast %add3A_393 : i32 to index
      %get3A_402 = arith.constant 16 : index
      %get3A_403 = tpu.vector_load %arg12[%get3A_401, %get3A_402] {strides = array<i32>} : memref<256x64xf32, #tpu.memory_space<vmem>>, vector<16xf32>,
      %get3A_404 = arith.index_cast %add3A_393 : i32 to index
      %get3A_405 = arith.constant 16 : index
      %get3A_406 = tpu.vector_load %arg13[%get3A_404, %get3A_405] {strides = array<i32>} : memref<256x64xf32, #tpu.memory_space<vmem>>, vector<16xf32>,
      %mul3A_407 = arith.mulf %get3A_403, %get3A_406 : vector<16xf32>
      %get3A_408 = arith.index_cast %add3A_393 : i32 to index
      %get3A_409 = arith.constant 32 : index
      %get3A_410 = tpu.vector_load %arg12[%get3A_408, %get3A_409] {strides = array<i32>} : memref<256x64xf32, #tpu.memory_space<vmem>>, vector<16xf32>,
      %get3A_411 = arith.index_cast %add3A_393 : i32 to index
      %get3A_412 = arith.constant 32 : index
      %get3A_413 = tpu.vector_load %arg13[%get3A_411, %get3A_412] {strides = array<i32>} : memref<256x64xf32, #tpu.memory_space<vmem>>, vector<16xf32>,
      %mul3A_414 = arith.mulf %get3A_410, %get3A_413 : vector<16xf32>
      %get3A_415 = arith.index_cast %add3A_393 : i32 to index
      %get3A_416 = arith.constant 48 : index
      %get3A_417 = tpu.vector_load %arg12[%get3A_415, %get3A_416] {strides = array<i32>} : memref<256x64xf32, #tpu.memory_space<vmem>>, vector<16xf32>,
      %get3A_418 = arith.index_cast %add3A_393 : i32 to index
      %get3A_419 = arith.constant 48 : index
      %get3A_420 = tpu.vector_load %arg13[%get3A_418, %get3A_419] {strides = array<i32>} : memref<256x64xf32, #tpu.memory_space<vmem>>, vector<16xf32>,
      %mul3A_421 = arith.mulf %get3A_417, %get3A_420 : vector<16xf32>
      %add3A_422 = arith.addf %mul3A_400, %mul3A_407 : vector<16xf32>
      %add3A_423 = arith.addf %mul3A_414, %mul3A_421 : vector<16xf32>
      %add3A_424 = arith.addf %add3A_422, %add3A_423 : vector<16xf32>
      %mul3A_425 = arith.constant 16 : i32
      %mul3A_426 = arith.muli %add3A_393, %mul3A_425 : i32
      %swap3A_427 = arith.index_cast %mul3A_426 : i32 to index
      %swap3A_428 = tpu.vector_load %arg14[%swap3A_427] {strides = array<i32>} : memref<4096xf32, #tpu.memory_space<vmem>>, vector<16xf32>,
      tpu.vector_store %arg14[%swap3A_427], %add3A_424 {strides = array<i32>} : memref<4096xf32, #tpu.memory_space<vmem>>, vector<16xf32>,
      %scan3A_429 = arith.constant 0 : i32
      scf.yield %scan3A_429 : i32
    }
    %scan3A_136 = arith.constant 64 : i32
    %scan3A_137 = arith.constant 0 : i32
    %scan3A_138 = arith.constant 16 : i32
    %scan3A_139 = arith.addi %scan3A_137, %scan3A_138 : i32
    %scan3A_140 = arith.constant 1 : i32
    %scan3A_141:2 = scf.for %scan3A_272 = %scan3A_137 to %scan3A_139 step %scan3A_140 iter_args(%scan3A_273 = %scan3A_108#0, %scan3A_274 = %scan3A_108#1) -> (vector<16xf32>, vector<16xf32>)  : i32 {
      %mul3A_275 = arith.constant 16 : i32
      %mul3A_276 = arith.muli %scan3A_272, %mul3A_275 : i32
      %add3A_277 = vector.broadcast %mul3A_276 : i32 to vector<16xi32>
      %add3A_278 = arith.addi %add3A_277, %iota3A : vector<16xi32>
      %mul3A_279 = arith.constant 16 : i32
      %mul3A_280 = vector.broadcast %mul3A_279 : i32 to vector<16xi32>
      %mul3A_281 = arith.muli %add3A_278, %mul3A_280 : vector<16xi32>
      %add3A_282 = arith.constant 0 : i32
      %add3A_283 = vector.broadcast %add3A_282 : i32 to vector<16xi32>
      %add3A_284 = arith.addi %mul3A_281, %add3A_283 : vector<16xi32>
      %gather3A = tpu.vector_load_idx %arg14[%add3A_284] : memref<4096xf32, #tpu.memory_space<vmem>>[vector<16xi32>], vector<16xf32>,
      %add3A_285 = arith.addf %broadcast_in_dim3A_3, %gather3A : vector<16xf32>
      %add3A_286 = arith.constant 1 : i32
      %add3A_287 = vector.broadcast %add3A_286 : i32 to vector<16xi32>
      %add3A_288 = arith.addi %mul3A_281, %add3A_287 : vector<16xi32>
      %gather3A_289 = tpu.vector_load_idx %arg14[%add3A_288] : memref<4096xf32, #tpu.memory_space<vmem>>[vector<16xi32>], vector<16xf32>,
      %add3A_290 = arith.addf %add3A_285, %gather3A_289 : vector<16xf32>
      %add3A_291 = arith.constant 2 : i32
      %add3A_292 = vector.broadcast %add3A_291 : i32 to vector<16xi32>
      %add3A_293 = arith.addi %mul3A_281, %add3A_292 : vector<16xi32>
      %gather3A_294 = tpu.vector_load_idx %arg14[%add3A_293] : memref<4096xf32, #tpu.memory_space<vmem>>[vector<16xi32>], vector<16xf32>,
      %add3A_295 = arith.addf %add3A_290, %gather3A_294 : vector<16xf32>
      %add3A_296 = arith.constant 3 : i32
      %add3A_297 = vector.broadcast %add3A_296 : i32 to vector<16xi32>
      %add3A_298 = arith.addi %mul3A_281, %add3A_297 : vector<16xi32>
      %gather3A_299 = tpu.vector_load_idx %arg14[%add3A_298] : memref<4096xf32, #tpu.memory_space<vmem>>[vector<16xi32>], vector<16xf32>,
      %add3A_300 = arith.addf %add3A_295, %gather3A_299 : vector<16xf32>
      %add3A_301 = arith.constant 4 : i32
      %add3A_302 = vector.broadcast %add3A_301 : i32 to vector<16xi32>
      %add3A_303 = arith.addi %mul3A_281, %add3A_302 : vector<16xi32>
      %gather3A_304 = tpu.vector_load_idx %arg14[%add3A_303] : memref<4096xf32, #tpu.memory_space<vmem>>[vector<16xi32>], vector<16xf32>,
      %add3A_305 = arith.addf %add3A_300, %gather3A_304 : vector<16xf32>
      %add3A_306 = arith.constant 5 : i32
      %add3A_307 = vector.broadcast %add3A_306 : i32 to vector<16xi32>
      %add3A_308 = arith.addi %mul3A_281, %add3A_307 : vector<16xi32>
      %gather3A_309 = tpu.vector_load_idx %arg14[%add3A_308] : memref<4096xf32, #tpu.memory_space<vmem>>[vector<16xi32>], vector<16xf32>,
      %add3A_310 = arith.addf %add3A_305, %gather3A_309 : vector<16xf32>
      %add3A_311 = arith.constant 6 : i32
      %add3A_312 = vector.broadcast %add3A_311 : i32 to vector<16xi32>
      %add3A_313 = arith.addi %mul3A_281, %add3A_312 : vector<16xi32>
      %gather3A_314 = tpu.vector_load_idx %arg14[%add3A_313] : memref<4096xf32, #tpu.memory_space<vmem>>[vector<16xi32>], vector<16xf32>,
      %add3A_315 = arith.addf %add3A_310, %gather3A_314 : vector<16xf32>
      %add3A_316 = arith.constant 7 : i32
      %add3A_317 = vector.broadcast %add3A_316 : i32 to vector<16xi32>
      %add3A_318 = arith.addi %mul3A_281, %add3A_317 : vector<16xi32>
      %gather3A_319 = tpu.vector_load_idx %arg14[%add3A_318] : memref<4096xf32, #tpu.memory_space<vmem>>[vector<16xi32>], vector<16xf32>,
      %add3A_320 = arith.addf %add3A_315, %gather3A_319 : vector<16xf32>
      %add3A_321 = arith.constant 8 : i32
      %add3A_322 = vector.broadcast %add3A_321 : i32 to vector<16xi32>
      %add3A_323 = arith.addi %mul3A_281, %add3A_322 : vector<16xi32>
      %gather3A_324 = tpu.vector_load_idx %arg14[%add3A_323] : memref<4096xf32, #tpu.memory_space<vmem>>[vector<16xi32>], vector<16xf32>,
      %add3A_325 = arith.addf %add3A_320, %gather3A_324 : vector<16xf32>
      %add3A_326 = arith.constant 9 : i32
      %add3A_327 = vector.broadcast %add3A_326 : i32 to vector<16xi32>
      %add3A_328 = arith.addi %mul3A_281, %add3A_327 : vector<16xi32>
      %gather3A_329 = tpu.vector_load_idx %arg14[%add3A_328] : memref<4096xf32, #tpu.memory_space<vmem>>[vector<16xi32>], vector<16xf32>,
      %add3A_330 = arith.addf %add3A_325, %gather3A_329 : vector<16xf32>
      %add3A_331 = arith.constant 10 : i32
      %add3A_332 = vector.broadcast %add3A_331 : i32 to vector<16xi32>
      %add3A_333 = arith.addi %mul3A_281, %add3A_332 : vector<16xi32>
      %gather3A_334 = tpu.vector_load_idx %arg14[%add3A_333] : memref<4096xf32, #tpu.memory_space<vmem>>[vector<16xi32>], vector<16xf32>,
      %add3A_335 = arith.addf %add3A_330, %gather3A_334 : vector<16xf32>
      %add3A_336 = arith.constant 11 : i32
      %add3A_337 = vector.broadcast %add3A_336 : i32 to vector<16xi32>
      %add3A_338 = arith.addi %mul3A_281, %add3A_337 : vector<16xi32>
      %gather3A_339 = tpu.vector_load_idx %arg14[%add3A_338] : memref<4096xf32, #tpu.memory_space<vmem>>[vector<16xi32>], vector<16xf32>,
      %add3A_340 = arith.addf %add3A_335, %gather3A_339 : vector<16xf32>
      %add3A_341 = arith.constant 12 : i32
      %add3A_342 = vector.broadcast %add3A_341 : i32 to vector<16xi32>
      %add3A_343 = arith.addi %mul3A_281, %add3A_342 : vector<16xi32>
      %gather3A_344 = tpu.vector_load_idx %arg14[%add3A_343] : memref<4096xf32, #tpu.memory_space<vmem>>[vector<16xi32>], vector<16xf32>,
      %add3A_345 = arith.addf %add3A_340, %gather3A_344 : vector<16xf32>
      %add3A_346 = arith.constant 13 : i32
      %add3A_347 = vector.broadcast %add3A_346 : i32 to vector<16xi32>
      %add3A_348 = arith.addi %mul3A_281, %add3A_347 : vector<16xi32>
      %gather3A_349 = tpu.vector_load_idx %arg14[%add3A_348] : memref<4096xf32, #tpu.memory_space<vmem>>[vector<16xi32>], vector<16xf32>,
      %add3A_350 = arith.addf %add3A_345, %gather3A_349 : vector<16xf32>
      %add3A_351 = arith.constant 14 : i32
      %add3A_352 = vector.broadcast %add3A_351 : i32 to vector<16xi32>
      %add3A_353 = arith.addi %mul3A_281, %add3A_352 : vector<16xi32>
      %gather3A_354 = tpu.vector_load_idx %arg14[%add3A_353] : memref<4096xf32, #tpu.memory_space<vmem>>[vector<16xi32>], vector<16xf32>,
      %add3A_355 = arith.addf %add3A_350, %gather3A_354 : vector<16xf32>
      %add3A_356 = arith.constant 15 : i32
      %add3A_357 = vector.broadcast %add3A_356 : i32 to vector<16xi32>
      %add3A_358 = arith.addi %mul3A_281, %add3A_357 : vector<16xi32>
      %gather3A_359 = tpu.vector_load_idx %arg14[%add3A_358] : memref<4096xf32, #tpu.memory_space<vmem>>[vector<16xi32>], vector<16xf32>,
      %add3A_360 = arith.addf %add3A_355, %gather3A_359 : vector<16xf32>
      %mul3A_361 = arith.constant 16 : i32
      %mul3A_362 = arith.muli %scan3A_272, %mul3A_361 : i32
      %add3A_363 = arith.constant 768 : i32
      %add3A_364 = arith.addi %add3A_363, %mul3A_362 : i32
      %get3A = arith.index_cast %add3A_364 : i32 to index
      %get3A_365 = tpu.vector_load %arg9[%get3A] {strides = array<i32>} : memref<2048xf32, #tpu.memory_space<vmem>>, vector<16xf32>,
      %mul3A_366 = arith.mulf %get3A_365, %add3A_360 : vector<16xf32>
      %add3A_367 = arith.addf %scan3A_273, %mul3A_366 : vector<16xf32>
      %ge3A = arith.constant 0.000000e+00 : f32
      %ge3A_368 = vector.broadcast %ge3A : f32 to vector<16xf32>
      %ge3A_369 = arith.cmpf oge, %add3A_360, %ge3A_368 : vector<16xf32>
      %jit3A = arith.constant 1.000000e+00 : f32
      %jit3A_370 = arith.constant -1.000000e+00 : f32
      %broadcast_in_dim3A_371 = vector.broadcast %jit3A : f32 to vector<16xf32>
      %broadcast_in_dim3A_372 = vector.broadcast %jit3A_370 : f32 to vector<16xf32>
      %select_n3A = arith.select %ge3A_369, %broadcast_in_dim3A_371, %broadcast_in_dim3A_372 : vector<16xi1>, vector<16xf32>
      %add3A_373 = arith.addf %scan3A_274, %select_n3A : vector<16xf32>
      scf.yield %add3A_367, %add3A_373 : vector<16xf32>, vector<16xf32>
    }
    %scan3A_142 = arith.constant 16 : i32
    %dma_wait3A_143 = arith.constant 1024 : i32
    %dma_wait3A_144 = tpu.memref_slice %arg7[%dma_wait3A_143] : memref<2048xi32, #tpu.memory_space<vmem>> -> memref<256xi32, #tpu.memory_space<vmem>>
    %dma_wait3A_145 = arith.constant 0 : i32
    %dma_wait3A_146 = arith.constant 0 : i32
    %dma_wait3A_147 = tpu.memref_slice %arg2[%dma_wait3A_145, %dma_wait3A_146] : memref<4096x64xf32, #tpu.memory_space<hbm>> -> memref<4096x64xf32, #tpu.memory_space<hbm>>
    tpu.wait_indirect_dma semaphore(%arg16 : memref<!tpu.dma_semaphore, #tpu.memory_space<semaphore_mem>>) src(%dma_wait3A_147 : memref<4096x64xf32, #tpu.memory_space<hbm>>) dst(%arg10 : memref<256x64xf32, #tpu.memory_space<vmem>>)
    %dma_wait3A_148 = arith.constant 1024 : i32
    %dma_wait3A_149 = tpu.memref_slice %arg8[%dma_wait3A_148] : memref<2048xi32, #tpu.memory_space<vmem>> -> memref<256xi32, #tpu.memory_space<vmem>>
    %dma_wait3A_150 = arith.constant 0 : i32
    %dma_wait3A_151 = arith.constant 0 : i32
    %dma_wait3A_152 = tpu.memref_slice %arg2[%dma_wait3A_150, %dma_wait3A_151] : memref<4096x64xf32, #tpu.memory_space<hbm>> -> memref<4096x64xf32, #tpu.memory_space<hbm>>
    tpu.wait_indirect_dma semaphore(%arg17 : memref<!tpu.dma_semaphore, #tpu.memory_space<semaphore_mem>>) src(%dma_wait3A_152 : memref<4096x64xf32, #tpu.memory_space<hbm>>) dst(%arg11 : memref<256x64xf32, #tpu.memory_space<vmem>>)
    %dma_start3A_153 = arith.constant 1280 : i32
    %dma_start3A_154 = tpu.memref_slice %arg7[%dma_start3A_153] : memref<2048xi32, #tpu.memory_space<vmem>> -> memref<256xi32, #tpu.memory_space<vmem>>
    %dma_start3A_155 = arith.constant 0 : i32
    %dma_start3A_156 = arith.constant 0 : i32
    %dma_start3A_157 = tpu.memref_slice %arg2[%dma_start3A_155, %dma_start3A_156] : memref<4096x64xf32, #tpu.memory_space<hbm>> -> memref<4096x64xf32, #tpu.memory_space<hbm>>
    tpu.enqueue_indirect_dma source(%dma_start3A_157 : memref<4096x64xf32, #tpu.memory_space<hbm>>) target(%arg12 : memref<256x64xf32, #tpu.memory_space<vmem>>) offsets(%dma_start3A_154 : memref<256xi32, #tpu.memory_space<vmem>>) semaphore(%arg18 : memref<!tpu.dma_semaphore, #tpu.memory_space<semaphore_mem>>)
    %dma_start3A_158 = arith.constant 1280 : i32
    %dma_start3A_159 = tpu.memref_slice %arg8[%dma_start3A_158] : memref<2048xi32, #tpu.memory_space<vmem>> -> memref<256xi32, #tpu.memory_space<vmem>>
    %dma_start3A_160 = arith.constant 0 : i32
    %dma_start3A_161 = arith.constant 0 : i32
    %dma_start3A_162 = tpu.memref_slice %arg2[%dma_start3A_160, %dma_start3A_161] : memref<4096x64xf32, #tpu.memory_space<hbm>> -> memref<4096x64xf32, #tpu.memory_space<hbm>>
    tpu.enqueue_indirect_dma source(%dma_start3A_162 : memref<4096x64xf32, #tpu.memory_space<hbm>>) target(%arg13 : memref<256x64xf32, #tpu.memory_space<vmem>>) offsets(%dma_start3A_159 : memref<256xi32, #tpu.memory_space<vmem>>) semaphore(%arg19 : memref<!tpu.dma_semaphore, #tpu.memory_space<semaphore_mem>>)
    %scan3A_163 = arith.constant 0 : i32
    %scan3A_164 = arith.constant 0 : i32
    %scan3A_165 = arith.constant 64 : i32
    %scan3A_166 = arith.addi %scan3A_164, %scan3A_165 : i32
    %scan3A_167 = arith.constant 1 : i32
    %scan3A_168 = scf.for %scan3A_272 = %scan3A_164 to %scan3A_166 step %scan3A_167 iter_args(%scan3A_273 = %scan3A_163) -> (i32)  : i32 {
      %mul3A_274 = arith.constant 4 : i32
      %mul3A_275 = arith.muli %scan3A_272, %mul3A_274 : i32
      %add3A_276 = arith.constant 0 : i32
      %add3A_277 = arith.addi %mul3A_275, %add3A_276 : i32
      %get3A = arith.index_cast %add3A_277 : i32 to index
      %get3A_278 = arith.constant 0 : index
      %get3A_279 = tpu.vector_load %arg10[%get3A, %get3A_278] {strides = array<i32>} : memref<256x64xf32, #tpu.memory_space<vmem>>, vector<16xf32>,
      %get3A_280 = arith.index_cast %add3A_277 : i32 to index
      %get3A_281 = arith.constant 0 : index
      %get3A_282 = tpu.vector_load %arg11[%get3A_280, %get3A_281] {strides = array<i32>} : memref<256x64xf32, #tpu.memory_space<vmem>>, vector<16xf32>,
      %mul3A_283 = arith.mulf %get3A_279, %get3A_282 : vector<16xf32>
      %get3A_284 = arith.index_cast %add3A_277 : i32 to index
      %get3A_285 = arith.constant 16 : index
      %get3A_286 = tpu.vector_load %arg10[%get3A_284, %get3A_285] {strides = array<i32>} : memref<256x64xf32, #tpu.memory_space<vmem>>, vector<16xf32>,
      %get3A_287 = arith.index_cast %add3A_277 : i32 to index
      %get3A_288 = arith.constant 16 : index
      %get3A_289 = tpu.vector_load %arg11[%get3A_287, %get3A_288] {strides = array<i32>} : memref<256x64xf32, #tpu.memory_space<vmem>>, vector<16xf32>,
      %mul3A_290 = arith.mulf %get3A_286, %get3A_289 : vector<16xf32>
      %get3A_291 = arith.index_cast %add3A_277 : i32 to index
      %get3A_292 = arith.constant 32 : index
      %get3A_293 = tpu.vector_load %arg10[%get3A_291, %get3A_292] {strides = array<i32>} : memref<256x64xf32, #tpu.memory_space<vmem>>, vector<16xf32>,
      %get3A_294 = arith.index_cast %add3A_277 : i32 to index
      %get3A_295 = arith.constant 32 : index
      %get3A_296 = tpu.vector_load %arg11[%get3A_294, %get3A_295] {strides = array<i32>} : memref<256x64xf32, #tpu.memory_space<vmem>>, vector<16xf32>,
      %mul3A_297 = arith.mulf %get3A_293, %get3A_296 : vector<16xf32>
      %get3A_298 = arith.index_cast %add3A_277 : i32 to index
      %get3A_299 = arith.constant 48 : index
      %get3A_300 = tpu.vector_load %arg10[%get3A_298, %get3A_299] {strides = array<i32>} : memref<256x64xf32, #tpu.memory_space<vmem>>, vector<16xf32>,
      %get3A_301 = arith.index_cast %add3A_277 : i32 to index
      %get3A_302 = arith.constant 48 : index
      %get3A_303 = tpu.vector_load %arg11[%get3A_301, %get3A_302] {strides = array<i32>} : memref<256x64xf32, #tpu.memory_space<vmem>>, vector<16xf32>,
      %mul3A_304 = arith.mulf %get3A_300, %get3A_303 : vector<16xf32>
      %add3A_305 = arith.addf %mul3A_283, %mul3A_290 : vector<16xf32>
      %add3A_306 = arith.addf %mul3A_297, %mul3A_304 : vector<16xf32>
      %add3A_307 = arith.addf %add3A_305, %add3A_306 : vector<16xf32>
      %mul3A_308 = arith.constant 16 : i32
      %mul3A_309 = arith.muli %add3A_277, %mul3A_308 : i32
      %swap3A_310 = arith.index_cast %mul3A_309 : i32 to index
      %swap3A_311 = tpu.vector_load %arg14[%swap3A_310] {strides = array<i32>} : memref<4096xf32, #tpu.memory_space<vmem>>, vector<16xf32>,
      tpu.vector_store %arg14[%swap3A_310], %add3A_307 {strides = array<i32>} : memref<4096xf32, #tpu.memory_space<vmem>>, vector<16xf32>,
      %mul3A_312 = arith.constant 4 : i32
      %mul3A_313 = arith.muli %scan3A_272, %mul3A_312 : i32
      %add3A_314 = arith.constant 1 : i32
      %add3A_315 = arith.addi %mul3A_313, %add3A_314 : i32
      %get3A_316 = arith.index_cast %add3A_315 : i32 to index
      %get3A_317 = arith.constant 0 : index
      %get3A_318 = tpu.vector_load %arg10[%get3A_316, %get3A_317] {strides = array<i32>} : memref<256x64xf32, #tpu.memory_space<vmem>>, vector<16xf32>,
      %get3A_319 = arith.index_cast %add3A_315 : i32 to index
      %get3A_320 = arith.constant 0 : index
      %get3A_321 = tpu.vector_load %arg11[%get3A_319, %get3A_320] {strides = array<i32>} : memref<256x64xf32, #tpu.memory_space<vmem>>, vector<16xf32>,
      %mul3A_322 = arith.mulf %get3A_318, %get3A_321 : vector<16xf32>
      %get3A_323 = arith.index_cast %add3A_315 : i32 to index
      %get3A_324 = arith.constant 16 : index
      %get3A_325 = tpu.vector_load %arg10[%get3A_323, %get3A_324] {strides = array<i32>} : memref<256x64xf32, #tpu.memory_space<vmem>>, vector<16xf32>,
      %get3A_326 = arith.index_cast %add3A_315 : i32 to index
      %get3A_327 = arith.constant 16 : index
      %get3A_328 = tpu.vector_load %arg11[%get3A_326, %get3A_327] {strides = array<i32>} : memref<256x64xf32, #tpu.memory_space<vmem>>, vector<16xf32>,
      %mul3A_329 = arith.mulf %get3A_325, %get3A_328 : vector<16xf32>
      %get3A_330 = arith.index_cast %add3A_315 : i32 to index
      %get3A_331 = arith.constant 32 : index
      %get3A_332 = tpu.vector_load %arg10[%get3A_330, %get3A_331] {strides = array<i32>} : memref<256x64xf32, #tpu.memory_space<vmem>>, vector<16xf32>,
      %get3A_333 = arith.index_cast %add3A_315 : i32 to index
      %get3A_334 = arith.constant 32 : index
      %get3A_335 = tpu.vector_load %arg11[%get3A_333, %get3A_334] {strides = array<i32>} : memref<256x64xf32, #tpu.memory_space<vmem>>, vector<16xf32>,
      %mul3A_336 = arith.mulf %get3A_332, %get3A_335 : vector<16xf32>
      %get3A_337 = arith.index_cast %add3A_315 : i32 to index
      %get3A_338 = arith.constant 48 : index
      %get3A_339 = tpu.vector_load %arg10[%get3A_337, %get3A_338] {strides = array<i32>} : memref<256x64xf32, #tpu.memory_space<vmem>>, vector<16xf32>,
      %get3A_340 = arith.index_cast %add3A_315 : i32 to index
      %get3A_341 = arith.constant 48 : index
      %get3A_342 = tpu.vector_load %arg11[%get3A_340, %get3A_341] {strides = array<i32>} : memref<256x64xf32, #tpu.memory_space<vmem>>, vector<16xf32>,
      %mul3A_343 = arith.mulf %get3A_339, %get3A_342 : vector<16xf32>
      %add3A_344 = arith.addf %mul3A_322, %mul3A_329 : vector<16xf32>
      %add3A_345 = arith.addf %mul3A_336, %mul3A_343 : vector<16xf32>
      %add3A_346 = arith.addf %add3A_344, %add3A_345 : vector<16xf32>
      %mul3A_347 = arith.constant 16 : i32
      %mul3A_348 = arith.muli %add3A_315, %mul3A_347 : i32
      %swap3A_349 = arith.index_cast %mul3A_348 : i32 to index
      %swap3A_350 = tpu.vector_load %arg14[%swap3A_349] {strides = array<i32>} : memref<4096xf32, #tpu.memory_space<vmem>>, vector<16xf32>,
      tpu.vector_store %arg14[%swap3A_349], %add3A_346 {strides = array<i32>} : memref<4096xf32, #tpu.memory_space<vmem>>, vector<16xf32>,
      %mul3A_351 = arith.constant 4 : i32
      %mul3A_352 = arith.muli %scan3A_272, %mul3A_351 : i32
      %add3A_353 = arith.constant 2 : i32
      %add3A_354 = arith.addi %mul3A_352, %add3A_353 : i32
      %get3A_355 = arith.index_cast %add3A_354 : i32 to index
      %get3A_356 = arith.constant 0 : index
      %get3A_357 = tpu.vector_load %arg10[%get3A_355, %get3A_356] {strides = array<i32>} : memref<256x64xf32, #tpu.memory_space<vmem>>, vector<16xf32>,
      %get3A_358 = arith.index_cast %add3A_354 : i32 to index
      %get3A_359 = arith.constant 0 : index
      %get3A_360 = tpu.vector_load %arg11[%get3A_358, %get3A_359] {strides = array<i32>} : memref<256x64xf32, #tpu.memory_space<vmem>>, vector<16xf32>,
      %mul3A_361 = arith.mulf %get3A_357, %get3A_360 : vector<16xf32>
      %get3A_362 = arith.index_cast %add3A_354 : i32 to index
      %get3A_363 = arith.constant 16 : index
      %get3A_364 = tpu.vector_load %arg10[%get3A_362, %get3A_363] {strides = array<i32>} : memref<256x64xf32, #tpu.memory_space<vmem>>, vector<16xf32>,
      %get3A_365 = arith.index_cast %add3A_354 : i32 to index
      %get3A_366 = arith.constant 16 : index
      %get3A_367 = tpu.vector_load %arg11[%get3A_365, %get3A_366] {strides = array<i32>} : memref<256x64xf32, #tpu.memory_space<vmem>>, vector<16xf32>,
      %mul3A_368 = arith.mulf %get3A_364, %get3A_367 : vector<16xf32>
      %get3A_369 = arith.index_cast %add3A_354 : i32 to index
      %get3A_370 = arith.constant 32 : index
      %get3A_371 = tpu.vector_load %arg10[%get3A_369, %get3A_370] {strides = array<i32>} : memref<256x64xf32, #tpu.memory_space<vmem>>, vector<16xf32>,
      %get3A_372 = arith.index_cast %add3A_354 : i32 to index
      %get3A_373 = arith.constant 32 : index
      %get3A_374 = tpu.vector_load %arg11[%get3A_372, %get3A_373] {strides = array<i32>} : memref<256x64xf32, #tpu.memory_space<vmem>>, vector<16xf32>,
      %mul3A_375 = arith.mulf %get3A_371, %get3A_374 : vector<16xf32>
      %get3A_376 = arith.index_cast %add3A_354 : i32 to index
      %get3A_377 = arith.constant 48 : index
      %get3A_378 = tpu.vector_load %arg10[%get3A_376, %get3A_377] {strides = array<i32>} : memref<256x64xf32, #tpu.memory_space<vmem>>, vector<16xf32>,
      %get3A_379 = arith.index_cast %add3A_354 : i32 to index
      %get3A_380 = arith.constant 48 : index
      %get3A_381 = tpu.vector_load %arg11[%get3A_379, %get3A_380] {strides = array<i32>} : memref<256x64xf32, #tpu.memory_space<vmem>>, vector<16xf32>,
      %mul3A_382 = arith.mulf %get3A_378, %get3A_381 : vector<16xf32>
      %add3A_383 = arith.addf %mul3A_361, %mul3A_368 : vector<16xf32>
      %add3A_384 = arith.addf %mul3A_375, %mul3A_382 : vector<16xf32>
      %add3A_385 = arith.addf %add3A_383, %add3A_384 : vector<16xf32>
      %mul3A_386 = arith.constant 16 : i32
      %mul3A_387 = arith.muli %add3A_354, %mul3A_386 : i32
      %swap3A_388 = arith.index_cast %mul3A_387 : i32 to index
      %swap3A_389 = tpu.vector_load %arg14[%swap3A_388] {strides = array<i32>} : memref<4096xf32, #tpu.memory_space<vmem>>, vector<16xf32>,
      tpu.vector_store %arg14[%swap3A_388], %add3A_385 {strides = array<i32>} : memref<4096xf32, #tpu.memory_space<vmem>>, vector<16xf32>,
      %mul3A_390 = arith.constant 4 : i32
      %mul3A_391 = arith.muli %scan3A_272, %mul3A_390 : i32
      %add3A_392 = arith.constant 3 : i32
      %add3A_393 = arith.addi %mul3A_391, %add3A_392 : i32
      %get3A_394 = arith.index_cast %add3A_393 : i32 to index
      %get3A_395 = arith.constant 0 : index
      %get3A_396 = tpu.vector_load %arg10[%get3A_394, %get3A_395] {strides = array<i32>} : memref<256x64xf32, #tpu.memory_space<vmem>>, vector<16xf32>,
      %get3A_397 = arith.index_cast %add3A_393 : i32 to index
      %get3A_398 = arith.constant 0 : index
      %get3A_399 = tpu.vector_load %arg11[%get3A_397, %get3A_398] {strides = array<i32>} : memref<256x64xf32, #tpu.memory_space<vmem>>, vector<16xf32>,
      %mul3A_400 = arith.mulf %get3A_396, %get3A_399 : vector<16xf32>
      %get3A_401 = arith.index_cast %add3A_393 : i32 to index
      %get3A_402 = arith.constant 16 : index
      %get3A_403 = tpu.vector_load %arg10[%get3A_401, %get3A_402] {strides = array<i32>} : memref<256x64xf32, #tpu.memory_space<vmem>>, vector<16xf32>,
      %get3A_404 = arith.index_cast %add3A_393 : i32 to index
      %get3A_405 = arith.constant 16 : index
      %get3A_406 = tpu.vector_load %arg11[%get3A_404, %get3A_405] {strides = array<i32>} : memref<256x64xf32, #tpu.memory_space<vmem>>, vector<16xf32>,
      %mul3A_407 = arith.mulf %get3A_403, %get3A_406 : vector<16xf32>
      %get3A_408 = arith.index_cast %add3A_393 : i32 to index
      %get3A_409 = arith.constant 32 : index
      %get3A_410 = tpu.vector_load %arg10[%get3A_408, %get3A_409] {strides = array<i32>} : memref<256x64xf32, #tpu.memory_space<vmem>>, vector<16xf32>,
      %get3A_411 = arith.index_cast %add3A_393 : i32 to index
      %get3A_412 = arith.constant 32 : index
      %get3A_413 = tpu.vector_load %arg11[%get3A_411, %get3A_412] {strides = array<i32>} : memref<256x64xf32, #tpu.memory_space<vmem>>, vector<16xf32>,
      %mul3A_414 = arith.mulf %get3A_410, %get3A_413 : vector<16xf32>
      %get3A_415 = arith.index_cast %add3A_393 : i32 to index
      %get3A_416 = arith.constant 48 : index
      %get3A_417 = tpu.vector_load %arg10[%get3A_415, %get3A_416] {strides = array<i32>} : memref<256x64xf32, #tpu.memory_space<vmem>>, vector<16xf32>,
      %get3A_418 = arith.index_cast %add3A_393 : i32 to index
      %get3A_419 = arith.constant 48 : index
      %get3A_420 = tpu.vector_load %arg11[%get3A_418, %get3A_419] {strides = array<i32>} : memref<256x64xf32, #tpu.memory_space<vmem>>, vector<16xf32>,
      %mul3A_421 = arith.mulf %get3A_417, %get3A_420 : vector<16xf32>
      %add3A_422 = arith.addf %mul3A_400, %mul3A_407 : vector<16xf32>
      %add3A_423 = arith.addf %mul3A_414, %mul3A_421 : vector<16xf32>
      %add3A_424 = arith.addf %add3A_422, %add3A_423 : vector<16xf32>
      %mul3A_425 = arith.constant 16 : i32
      %mul3A_426 = arith.muli %add3A_393, %mul3A_425 : i32
      %swap3A_427 = arith.index_cast %mul3A_426 : i32 to index
      %swap3A_428 = tpu.vector_load %arg14[%swap3A_427] {strides = array<i32>} : memref<4096xf32, #tpu.memory_space<vmem>>, vector<16xf32>,
      tpu.vector_store %arg14[%swap3A_427], %add3A_424 {strides = array<i32>} : memref<4096xf32, #tpu.memory_space<vmem>>, vector<16xf32>,
      %scan3A_429 = arith.constant 0 : i32
      scf.yield %scan3A_429 : i32
    }
    %scan3A_169 = arith.constant 64 : i32
    %scan3A_170 = arith.constant 0 : i32
    %scan3A_171 = arith.constant 16 : i32
    %scan3A_172 = arith.addi %scan3A_170, %scan3A_171 : i32
    %scan3A_173 = arith.constant 1 : i32
    %scan3A_174:2 = scf.for %scan3A_272 = %scan3A_170 to %scan3A_172 step %scan3A_173 iter_args(%scan3A_273 = %scan3A_141#0, %scan3A_274 = %scan3A_141#1) -> (vector<16xf32>, vector<16xf32>)  : i32 {
      %mul3A_275 = arith.constant 16 : i32
      %mul3A_276 = arith.muli %scan3A_272, %mul3A_275 : i32
      %add3A_277 = vector.broadcast %mul3A_276 : i32 to vector<16xi32>
      %add3A_278 = arith.addi %add3A_277, %iota3A : vector<16xi32>
      %mul3A_279 = arith.constant 16 : i32
      %mul3A_280 = vector.broadcast %mul3A_279 : i32 to vector<16xi32>
      %mul3A_281 = arith.muli %add3A_278, %mul3A_280 : vector<16xi32>
      %add3A_282 = arith.constant 0 : i32
      %add3A_283 = vector.broadcast %add3A_282 : i32 to vector<16xi32>
      %add3A_284 = arith.addi %mul3A_281, %add3A_283 : vector<16xi32>
      %gather3A = tpu.vector_load_idx %arg14[%add3A_284] : memref<4096xf32, #tpu.memory_space<vmem>>[vector<16xi32>], vector<16xf32>,
      %add3A_285 = arith.addf %broadcast_in_dim3A_3, %gather3A : vector<16xf32>
      %add3A_286 = arith.constant 1 : i32
      %add3A_287 = vector.broadcast %add3A_286 : i32 to vector<16xi32>
      %add3A_288 = arith.addi %mul3A_281, %add3A_287 : vector<16xi32>
      %gather3A_289 = tpu.vector_load_idx %arg14[%add3A_288] : memref<4096xf32, #tpu.memory_space<vmem>>[vector<16xi32>], vector<16xf32>,
      %add3A_290 = arith.addf %add3A_285, %gather3A_289 : vector<16xf32>
      %add3A_291 = arith.constant 2 : i32
      %add3A_292 = vector.broadcast %add3A_291 : i32 to vector<16xi32>
      %add3A_293 = arith.addi %mul3A_281, %add3A_292 : vector<16xi32>
      %gather3A_294 = tpu.vector_load_idx %arg14[%add3A_293] : memref<4096xf32, #tpu.memory_space<vmem>>[vector<16xi32>], vector<16xf32>,
      %add3A_295 = arith.addf %add3A_290, %gather3A_294 : vector<16xf32>
      %add3A_296 = arith.constant 3 : i32
      %add3A_297 = vector.broadcast %add3A_296 : i32 to vector<16xi32>
      %add3A_298 = arith.addi %mul3A_281, %add3A_297 : vector<16xi32>
      %gather3A_299 = tpu.vector_load_idx %arg14[%add3A_298] : memref<4096xf32, #tpu.memory_space<vmem>>[vector<16xi32>], vector<16xf32>,
      %add3A_300 = arith.addf %add3A_295, %gather3A_299 : vector<16xf32>
      %add3A_301 = arith.constant 4 : i32
      %add3A_302 = vector.broadcast %add3A_301 : i32 to vector<16xi32>
      %add3A_303 = arith.addi %mul3A_281, %add3A_302 : vector<16xi32>
      %gather3A_304 = tpu.vector_load_idx %arg14[%add3A_303] : memref<4096xf32, #tpu.memory_space<vmem>>[vector<16xi32>], vector<16xf32>,
      %add3A_305 = arith.addf %add3A_300, %gather3A_304 : vector<16xf32>
      %add3A_306 = arith.constant 5 : i32
      %add3A_307 = vector.broadcast %add3A_306 : i32 to vector<16xi32>
      %add3A_308 = arith.addi %mul3A_281, %add3A_307 : vector<16xi32>
      %gather3A_309 = tpu.vector_load_idx %arg14[%add3A_308] : memref<4096xf32, #tpu.memory_space<vmem>>[vector<16xi32>], vector<16xf32>,
      %add3A_310 = arith.addf %add3A_305, %gather3A_309 : vector<16xf32>
      %add3A_311 = arith.constant 6 : i32
      %add3A_312 = vector.broadcast %add3A_311 : i32 to vector<16xi32>
      %add3A_313 = arith.addi %mul3A_281, %add3A_312 : vector<16xi32>
      %gather3A_314 = tpu.vector_load_idx %arg14[%add3A_313] : memref<4096xf32, #tpu.memory_space<vmem>>[vector<16xi32>], vector<16xf32>,
      %add3A_315 = arith.addf %add3A_310, %gather3A_314 : vector<16xf32>
      %add3A_316 = arith.constant 7 : i32
      %add3A_317 = vector.broadcast %add3A_316 : i32 to vector<16xi32>
      %add3A_318 = arith.addi %mul3A_281, %add3A_317 : vector<16xi32>
      %gather3A_319 = tpu.vector_load_idx %arg14[%add3A_318] : memref<4096xf32, #tpu.memory_space<vmem>>[vector<16xi32>], vector<16xf32>,
      %add3A_320 = arith.addf %add3A_315, %gather3A_319 : vector<16xf32>
      %add3A_321 = arith.constant 8 : i32
      %add3A_322 = vector.broadcast %add3A_321 : i32 to vector<16xi32>
      %add3A_323 = arith.addi %mul3A_281, %add3A_322 : vector<16xi32>
      %gather3A_324 = tpu.vector_load_idx %arg14[%add3A_323] : memref<4096xf32, #tpu.memory_space<vmem>>[vector<16xi32>], vector<16xf32>,
      %add3A_325 = arith.addf %add3A_320, %gather3A_324 : vector<16xf32>
      %add3A_326 = arith.constant 9 : i32
      %add3A_327 = vector.broadcast %add3A_326 : i32 to vector<16xi32>
      %add3A_328 = arith.addi %mul3A_281, %add3A_327 : vector<16xi32>
      %gather3A_329 = tpu.vector_load_idx %arg14[%add3A_328] : memref<4096xf32, #tpu.memory_space<vmem>>[vector<16xi32>], vector<16xf32>,
      %add3A_330 = arith.addf %add3A_325, %gather3A_329 : vector<16xf32>
      %add3A_331 = arith.constant 10 : i32
      %add3A_332 = vector.broadcast %add3A_331 : i32 to vector<16xi32>
      %add3A_333 = arith.addi %mul3A_281, %add3A_332 : vector<16xi32>
      %gather3A_334 = tpu.vector_load_idx %arg14[%add3A_333] : memref<4096xf32, #tpu.memory_space<vmem>>[vector<16xi32>], vector<16xf32>,
      %add3A_335 = arith.addf %add3A_330, %gather3A_334 : vector<16xf32>
      %add3A_336 = arith.constant 11 : i32
      %add3A_337 = vector.broadcast %add3A_336 : i32 to vector<16xi32>
      %add3A_338 = arith.addi %mul3A_281, %add3A_337 : vector<16xi32>
      %gather3A_339 = tpu.vector_load_idx %arg14[%add3A_338] : memref<4096xf32, #tpu.memory_space<vmem>>[vector<16xi32>], vector<16xf32>,
      %add3A_340 = arith.addf %add3A_335, %gather3A_339 : vector<16xf32>
      %add3A_341 = arith.constant 12 : i32
      %add3A_342 = vector.broadcast %add3A_341 : i32 to vector<16xi32>
      %add3A_343 = arith.addi %mul3A_281, %add3A_342 : vector<16xi32>
      %gather3A_344 = tpu.vector_load_idx %arg14[%add3A_343] : memref<4096xf32, #tpu.memory_space<vmem>>[vector<16xi32>], vector<16xf32>,
      %add3A_345 = arith.addf %add3A_340, %gather3A_344 : vector<16xf32>
      %add3A_346 = arith.constant 13 : i32
      %add3A_347 = vector.broadcast %add3A_346 : i32 to vector<16xi32>
      %add3A_348 = arith.addi %mul3A_281, %add3A_347 : vector<16xi32>
      %gather3A_349 = tpu.vector_load_idx %arg14[%add3A_348] : memref<4096xf32, #tpu.memory_space<vmem>>[vector<16xi32>], vector<16xf32>,
      %add3A_350 = arith.addf %add3A_345, %gather3A_349 : vector<16xf32>
      %add3A_351 = arith.constant 14 : i32
      %add3A_352 = vector.broadcast %add3A_351 : i32 to vector<16xi32>
      %add3A_353 = arith.addi %mul3A_281, %add3A_352 : vector<16xi32>
      %gather3A_354 = tpu.vector_load_idx %arg14[%add3A_353] : memref<4096xf32, #tpu.memory_space<vmem>>[vector<16xi32>], vector<16xf32>,
      %add3A_355 = arith.addf %add3A_350, %gather3A_354 : vector<16xf32>
      %add3A_356 = arith.constant 15 : i32
      %add3A_357 = vector.broadcast %add3A_356 : i32 to vector<16xi32>
      %add3A_358 = arith.addi %mul3A_281, %add3A_357 : vector<16xi32>
      %gather3A_359 = tpu.vector_load_idx %arg14[%add3A_358] : memref<4096xf32, #tpu.memory_space<vmem>>[vector<16xi32>], vector<16xf32>,
      %add3A_360 = arith.addf %add3A_355, %gather3A_359 : vector<16xf32>
      %mul3A_361 = arith.constant 16 : i32
      %mul3A_362 = arith.muli %scan3A_272, %mul3A_361 : i32
      %add3A_363 = arith.constant 1024 : i32
      %add3A_364 = arith.addi %add3A_363, %mul3A_362 : i32
      %get3A = arith.index_cast %add3A_364 : i32 to index
      %get3A_365 = tpu.vector_load %arg9[%get3A] {strides = array<i32>} : memref<2048xf32, #tpu.memory_space<vmem>>, vector<16xf32>,
      %mul3A_366 = arith.mulf %get3A_365, %add3A_360 : vector<16xf32>
      %add3A_367 = arith.addf %scan3A_273, %mul3A_366 : vector<16xf32>
      %ge3A = arith.constant 0.000000e+00 : f32
      %ge3A_368 = vector.broadcast %ge3A : f32 to vector<16xf32>
      %ge3A_369 = arith.cmpf oge, %add3A_360, %ge3A_368 : vector<16xf32>
      %jit3A = arith.constant 1.000000e+00 : f32
      %jit3A_370 = arith.constant -1.000000e+00 : f32
      %broadcast_in_dim3A_371 = vector.broadcast %jit3A : f32 to vector<16xf32>
      %broadcast_in_dim3A_372 = vector.broadcast %jit3A_370 : f32 to vector<16xf32>
      %select_n3A = arith.select %ge3A_369, %broadcast_in_dim3A_371, %broadcast_in_dim3A_372 : vector<16xi1>, vector<16xf32>
      %add3A_373 = arith.addf %scan3A_274, %select_n3A : vector<16xf32>
      scf.yield %add3A_367, %add3A_373 : vector<16xf32>, vector<16xf32>
    }
    %scan3A_175 = arith.constant 16 : i32
    %dma_wait3A_176 = arith.constant 1280 : i32
    %dma_wait3A_177 = tpu.memref_slice %arg7[%dma_wait3A_176] : memref<2048xi32, #tpu.memory_space<vmem>> -> memref<256xi32, #tpu.memory_space<vmem>>
    %dma_wait3A_178 = arith.constant 0 : i32
    %dma_wait3A_179 = arith.constant 0 : i32
    %dma_wait3A_180 = tpu.memref_slice %arg2[%dma_wait3A_178, %dma_wait3A_179] : memref<4096x64xf32, #tpu.memory_space<hbm>> -> memref<4096x64xf32, #tpu.memory_space<hbm>>
    tpu.wait_indirect_dma semaphore(%arg18 : memref<!tpu.dma_semaphore, #tpu.memory_space<semaphore_mem>>) src(%dma_wait3A_180 : memref<4096x64xf32, #tpu.memory_space<hbm>>) dst(%arg12 : memref<256x64xf32, #tpu.memory_space<vmem>>)
    %dma_wait3A_181 = arith.constant 1280 : i32
    %dma_wait3A_182 = tpu.memref_slice %arg8[%dma_wait3A_181] : memref<2048xi32, #tpu.memory_space<vmem>> -> memref<256xi32, #tpu.memory_space<vmem>>
    %dma_wait3A_183 = arith.constant 0 : i32
    %dma_wait3A_184 = arith.constant 0 : i32
    %dma_wait3A_185 = tpu.memref_slice %arg2[%dma_wait3A_183, %dma_wait3A_184] : memref<4096x64xf32, #tpu.memory_space<hbm>> -> memref<4096x64xf32, #tpu.memory_space<hbm>>
    tpu.wait_indirect_dma semaphore(%arg19 : memref<!tpu.dma_semaphore, #tpu.memory_space<semaphore_mem>>) src(%dma_wait3A_185 : memref<4096x64xf32, #tpu.memory_space<hbm>>) dst(%arg13 : memref<256x64xf32, #tpu.memory_space<vmem>>)
    %dma_start3A_186 = arith.constant 1536 : i32
    %dma_start3A_187 = tpu.memref_slice %arg7[%dma_start3A_186] : memref<2048xi32, #tpu.memory_space<vmem>> -> memref<256xi32, #tpu.memory_space<vmem>>
    %dma_start3A_188 = arith.constant 0 : i32
    %dma_start3A_189 = arith.constant 0 : i32
    %dma_start3A_190 = tpu.memref_slice %arg2[%dma_start3A_188, %dma_start3A_189] : memref<4096x64xf32, #tpu.memory_space<hbm>> -> memref<4096x64xf32, #tpu.memory_space<hbm>>
    tpu.enqueue_indirect_dma source(%dma_start3A_190 : memref<4096x64xf32, #tpu.memory_space<hbm>>) target(%arg10 : memref<256x64xf32, #tpu.memory_space<vmem>>) offsets(%dma_start3A_187 : memref<256xi32, #tpu.memory_space<vmem>>) semaphore(%arg16 : memref<!tpu.dma_semaphore, #tpu.memory_space<semaphore_mem>>)
    %dma_start3A_191 = arith.constant 1536 : i32
    %dma_start3A_192 = tpu.memref_slice %arg8[%dma_start3A_191] : memref<2048xi32, #tpu.memory_space<vmem>> -> memref<256xi32, #tpu.memory_space<vmem>>
    %dma_start3A_193 = arith.constant 0 : i32
    %dma_start3A_194 = arith.constant 0 : i32
    %dma_start3A_195 = tpu.memref_slice %arg2[%dma_start3A_193, %dma_start3A_194] : memref<4096x64xf32, #tpu.memory_space<hbm>> -> memref<4096x64xf32, #tpu.memory_space<hbm>>
    tpu.enqueue_indirect_dma source(%dma_start3A_195 : memref<4096x64xf32, #tpu.memory_space<hbm>>) target(%arg11 : memref<256x64xf32, #tpu.memory_space<vmem>>) offsets(%dma_start3A_192 : memref<256xi32, #tpu.memory_space<vmem>>) semaphore(%arg17 : memref<!tpu.dma_semaphore, #tpu.memory_space<semaphore_mem>>)
    %scan3A_196 = arith.constant 0 : i32
    %scan3A_197 = arith.constant 0 : i32
    %scan3A_198 = arith.constant 64 : i32
    %scan3A_199 = arith.addi %scan3A_197, %scan3A_198 : i32
    %scan3A_200 = arith.constant 1 : i32
    %scan3A_201 = scf.for %scan3A_272 = %scan3A_197 to %scan3A_199 step %scan3A_200 iter_args(%scan3A_273 = %scan3A_196) -> (i32)  : i32 {
      %mul3A_274 = arith.constant 4 : i32
      %mul3A_275 = arith.muli %scan3A_272, %mul3A_274 : i32
      %add3A_276 = arith.constant 0 : i32
      %add3A_277 = arith.addi %mul3A_275, %add3A_276 : i32
      %get3A = arith.index_cast %add3A_277 : i32 to index
      %get3A_278 = arith.constant 0 : index
      %get3A_279 = tpu.vector_load %arg12[%get3A, %get3A_278] {strides = array<i32>} : memref<256x64xf32, #tpu.memory_space<vmem>>, vector<16xf32>,
      %get3A_280 = arith.index_cast %add3A_277 : i32 to index
      %get3A_281 = arith.constant 0 : index
      %get3A_282 = tpu.vector_load %arg13[%get3A_280, %get3A_281] {strides = array<i32>} : memref<256x64xf32, #tpu.memory_space<vmem>>, vector<16xf32>,
      %mul3A_283 = arith.mulf %get3A_279, %get3A_282 : vector<16xf32>
      %get3A_284 = arith.index_cast %add3A_277 : i32 to index
      %get3A_285 = arith.constant 16 : index
      %get3A_286 = tpu.vector_load %arg12[%get3A_284, %get3A_285] {strides = array<i32>} : memref<256x64xf32, #tpu.memory_space<vmem>>, vector<16xf32>,
      %get3A_287 = arith.index_cast %add3A_277 : i32 to index
      %get3A_288 = arith.constant 16 : index
      %get3A_289 = tpu.vector_load %arg13[%get3A_287, %get3A_288] {strides = array<i32>} : memref<256x64xf32, #tpu.memory_space<vmem>>, vector<16xf32>,
      %mul3A_290 = arith.mulf %get3A_286, %get3A_289 : vector<16xf32>
      %get3A_291 = arith.index_cast %add3A_277 : i32 to index
      %get3A_292 = arith.constant 32 : index
      %get3A_293 = tpu.vector_load %arg12[%get3A_291, %get3A_292] {strides = array<i32>} : memref<256x64xf32, #tpu.memory_space<vmem>>, vector<16xf32>,
      %get3A_294 = arith.index_cast %add3A_277 : i32 to index
      %get3A_295 = arith.constant 32 : index
      %get3A_296 = tpu.vector_load %arg13[%get3A_294, %get3A_295] {strides = array<i32>} : memref<256x64xf32, #tpu.memory_space<vmem>>, vector<16xf32>,
      %mul3A_297 = arith.mulf %get3A_293, %get3A_296 : vector<16xf32>
      %get3A_298 = arith.index_cast %add3A_277 : i32 to index
      %get3A_299 = arith.constant 48 : index
      %get3A_300 = tpu.vector_load %arg12[%get3A_298, %get3A_299] {strides = array<i32>} : memref<256x64xf32, #tpu.memory_space<vmem>>, vector<16xf32>,
      %get3A_301 = arith.index_cast %add3A_277 : i32 to index
      %get3A_302 = arith.constant 48 : index
      %get3A_303 = tpu.vector_load %arg13[%get3A_301, %get3A_302] {strides = array<i32>} : memref<256x64xf32, #tpu.memory_space<vmem>>, vector<16xf32>,
      %mul3A_304 = arith.mulf %get3A_300, %get3A_303 : vector<16xf32>
      %add3A_305 = arith.addf %mul3A_283, %mul3A_290 : vector<16xf32>
      %add3A_306 = arith.addf %mul3A_297, %mul3A_304 : vector<16xf32>
      %add3A_307 = arith.addf %add3A_305, %add3A_306 : vector<16xf32>
      %mul3A_308 = arith.constant 16 : i32
      %mul3A_309 = arith.muli %add3A_277, %mul3A_308 : i32
      %swap3A_310 = arith.index_cast %mul3A_309 : i32 to index
      %swap3A_311 = tpu.vector_load %arg14[%swap3A_310] {strides = array<i32>} : memref<4096xf32, #tpu.memory_space<vmem>>, vector<16xf32>,
      tpu.vector_store %arg14[%swap3A_310], %add3A_307 {strides = array<i32>} : memref<4096xf32, #tpu.memory_space<vmem>>, vector<16xf32>,
      %mul3A_312 = arith.constant 4 : i32
      %mul3A_313 = arith.muli %scan3A_272, %mul3A_312 : i32
      %add3A_314 = arith.constant 1 : i32
      %add3A_315 = arith.addi %mul3A_313, %add3A_314 : i32
      %get3A_316 = arith.index_cast %add3A_315 : i32 to index
      %get3A_317 = arith.constant 0 : index
      %get3A_318 = tpu.vector_load %arg12[%get3A_316, %get3A_317] {strides = array<i32>} : memref<256x64xf32, #tpu.memory_space<vmem>>, vector<16xf32>,
      %get3A_319 = arith.index_cast %add3A_315 : i32 to index
      %get3A_320 = arith.constant 0 : index
      %get3A_321 = tpu.vector_load %arg13[%get3A_319, %get3A_320] {strides = array<i32>} : memref<256x64xf32, #tpu.memory_space<vmem>>, vector<16xf32>,
      %mul3A_322 = arith.mulf %get3A_318, %get3A_321 : vector<16xf32>
      %get3A_323 = arith.index_cast %add3A_315 : i32 to index
      %get3A_324 = arith.constant 16 : index
      %get3A_325 = tpu.vector_load %arg12[%get3A_323, %get3A_324] {strides = array<i32>} : memref<256x64xf32, #tpu.memory_space<vmem>>, vector<16xf32>,
      %get3A_326 = arith.index_cast %add3A_315 : i32 to index
      %get3A_327 = arith.constant 16 : index
      %get3A_328 = tpu.vector_load %arg13[%get3A_326, %get3A_327] {strides = array<i32>} : memref<256x64xf32, #tpu.memory_space<vmem>>, vector<16xf32>,
      %mul3A_329 = arith.mulf %get3A_325, %get3A_328 : vector<16xf32>
      %get3A_330 = arith.index_cast %add3A_315 : i32 to index
      %get3A_331 = arith.constant 32 : index
      %get3A_332 = tpu.vector_load %arg12[%get3A_330, %get3A_331] {strides = array<i32>} : memref<256x64xf32, #tpu.memory_space<vmem>>, vector<16xf32>,
      %get3A_333 = arith.index_cast %add3A_315 : i32 to index
      %get3A_334 = arith.constant 32 : index
      %get3A_335 = tpu.vector_load %arg13[%get3A_333, %get3A_334] {strides = array<i32>} : memref<256x64xf32, #tpu.memory_space<vmem>>, vector<16xf32>,
      %mul3A_336 = arith.mulf %get3A_332, %get3A_335 : vector<16xf32>
      %get3A_337 = arith.index_cast %add3A_315 : i32 to index
      %get3A_338 = arith.constant 48 : index
      %get3A_339 = tpu.vector_load %arg12[%get3A_337, %get3A_338] {strides = array<i32>} : memref<256x64xf32, #tpu.memory_space<vmem>>, vector<16xf32>,
      %get3A_340 = arith.index_cast %add3A_315 : i32 to index
      %get3A_341 = arith.constant 48 : index
      %get3A_342 = tpu.vector_load %arg13[%get3A_340, %get3A_341] {strides = array<i32>} : memref<256x64xf32, #tpu.memory_space<vmem>>, vector<16xf32>,
      %mul3A_343 = arith.mulf %get3A_339, %get3A_342 : vector<16xf32>
      %add3A_344 = arith.addf %mul3A_322, %mul3A_329 : vector<16xf32>
      %add3A_345 = arith.addf %mul3A_336, %mul3A_343 : vector<16xf32>
      %add3A_346 = arith.addf %add3A_344, %add3A_345 : vector<16xf32>
      %mul3A_347 = arith.constant 16 : i32
      %mul3A_348 = arith.muli %add3A_315, %mul3A_347 : i32
      %swap3A_349 = arith.index_cast %mul3A_348 : i32 to index
      %swap3A_350 = tpu.vector_load %arg14[%swap3A_349] {strides = array<i32>} : memref<4096xf32, #tpu.memory_space<vmem>>, vector<16xf32>,
      tpu.vector_store %arg14[%swap3A_349], %add3A_346 {strides = array<i32>} : memref<4096xf32, #tpu.memory_space<vmem>>, vector<16xf32>,
      %mul3A_351 = arith.constant 4 : i32
      %mul3A_352 = arith.muli %scan3A_272, %mul3A_351 : i32
      %add3A_353 = arith.constant 2 : i32
      %add3A_354 = arith.addi %mul3A_352, %add3A_353 : i32
      %get3A_355 = arith.index_cast %add3A_354 : i32 to index
      %get3A_356 = arith.constant 0 : index
      %get3A_357 = tpu.vector_load %arg12[%get3A_355, %get3A_356] {strides = array<i32>} : memref<256x64xf32, #tpu.memory_space<vmem>>, vector<16xf32>,
      %get3A_358 = arith.index_cast %add3A_354 : i32 to index
      %get3A_359 = arith.constant 0 : index
      %get3A_360 = tpu.vector_load %arg13[%get3A_358, %get3A_359] {strides = array<i32>} : memref<256x64xf32, #tpu.memory_space<vmem>>, vector<16xf32>,
      %mul3A_361 = arith.mulf %get3A_357, %get3A_360 : vector<16xf32>
      %get3A_362 = arith.index_cast %add3A_354 : i32 to index
      %get3A_363 = arith.constant 16 : index
      %get3A_364 = tpu.vector_load %arg12[%get3A_362, %get3A_363] {strides = array<i32>} : memref<256x64xf32, #tpu.memory_space<vmem>>, vector<16xf32>,
      %get3A_365 = arith.index_cast %add3A_354 : i32 to index
      %get3A_366 = arith.constant 16 : index
      %get3A_367 = tpu.vector_load %arg13[%get3A_365, %get3A_366] {strides = array<i32>} : memref<256x64xf32, #tpu.memory_space<vmem>>, vector<16xf32>,
      %mul3A_368 = arith.mulf %get3A_364, %get3A_367 : vector<16xf32>
      %get3A_369 = arith.index_cast %add3A_354 : i32 to index
      %get3A_370 = arith.constant 32 : index
      %get3A_371 = tpu.vector_load %arg12[%get3A_369, %get3A_370] {strides = array<i32>} : memref<256x64xf32, #tpu.memory_space<vmem>>, vector<16xf32>,
      %get3A_372 = arith.index_cast %add3A_354 : i32 to index
      %get3A_373 = arith.constant 32 : index
      %get3A_374 = tpu.vector_load %arg13[%get3A_372, %get3A_373] {strides = array<i32>} : memref<256x64xf32, #tpu.memory_space<vmem>>, vector<16xf32>,
      %mul3A_375 = arith.mulf %get3A_371, %get3A_374 : vector<16xf32>
      %get3A_376 = arith.index_cast %add3A_354 : i32 to index
      %get3A_377 = arith.constant 48 : index
      %get3A_378 = tpu.vector_load %arg12[%get3A_376, %get3A_377] {strides = array<i32>} : memref<256x64xf32, #tpu.memory_space<vmem>>, vector<16xf32>,
      %get3A_379 = arith.index_cast %add3A_354 : i32 to index
      %get3A_380 = arith.constant 48 : index
      %get3A_381 = tpu.vector_load %arg13[%get3A_379, %get3A_380] {strides = array<i32>} : memref<256x64xf32, #tpu.memory_space<vmem>>, vector<16xf32>,
      %mul3A_382 = arith.mulf %get3A_378, %get3A_381 : vector<16xf32>
      %add3A_383 = arith.addf %mul3A_361, %mul3A_368 : vector<16xf32>
      %add3A_384 = arith.addf %mul3A_375, %mul3A_382 : vector<16xf32>
      %add3A_385 = arith.addf %add3A_383, %add3A_384 : vector<16xf32>
      %mul3A_386 = arith.constant 16 : i32
      %mul3A_387 = arith.muli %add3A_354, %mul3A_386 : i32
      %swap3A_388 = arith.index_cast %mul3A_387 : i32 to index
      %swap3A_389 = tpu.vector_load %arg14[%swap3A_388] {strides = array<i32>} : memref<4096xf32, #tpu.memory_space<vmem>>, vector<16xf32>,
      tpu.vector_store %arg14[%swap3A_388], %add3A_385 {strides = array<i32>} : memref<4096xf32, #tpu.memory_space<vmem>>, vector<16xf32>,
      %mul3A_390 = arith.constant 4 : i32
      %mul3A_391 = arith.muli %scan3A_272, %mul3A_390 : i32
      %add3A_392 = arith.constant 3 : i32
      %add3A_393 = arith.addi %mul3A_391, %add3A_392 : i32
      %get3A_394 = arith.index_cast %add3A_393 : i32 to index
      %get3A_395 = arith.constant 0 : index
      %get3A_396 = tpu.vector_load %arg12[%get3A_394, %get3A_395] {strides = array<i32>} : memref<256x64xf32, #tpu.memory_space<vmem>>, vector<16xf32>,
      %get3A_397 = arith.index_cast %add3A_393 : i32 to index
      %get3A_398 = arith.constant 0 : index
      %get3A_399 = tpu.vector_load %arg13[%get3A_397, %get3A_398] {strides = array<i32>} : memref<256x64xf32, #tpu.memory_space<vmem>>, vector<16xf32>,
      %mul3A_400 = arith.mulf %get3A_396, %get3A_399 : vector<16xf32>
      %get3A_401 = arith.index_cast %add3A_393 : i32 to index
      %get3A_402 = arith.constant 16 : index
      %get3A_403 = tpu.vector_load %arg12[%get3A_401, %get3A_402] {strides = array<i32>} : memref<256x64xf32, #tpu.memory_space<vmem>>, vector<16xf32>,
      %get3A_404 = arith.index_cast %add3A_393 : i32 to index
      %get3A_405 = arith.constant 16 : index
      %get3A_406 = tpu.vector_load %arg13[%get3A_404, %get3A_405] {strides = array<i32>} : memref<256x64xf32, #tpu.memory_space<vmem>>, vector<16xf32>,
      %mul3A_407 = arith.mulf %get3A_403, %get3A_406 : vector<16xf32>
      %get3A_408 = arith.index_cast %add3A_393 : i32 to index
      %get3A_409 = arith.constant 32 : index
      %get3A_410 = tpu.vector_load %arg12[%get3A_408, %get3A_409] {strides = array<i32>} : memref<256x64xf32, #tpu.memory_space<vmem>>, vector<16xf32>,
      %get3A_411 = arith.index_cast %add3A_393 : i32 to index
      %get3A_412 = arith.constant 32 : index
      %get3A_413 = tpu.vector_load %arg13[%get3A_411, %get3A_412] {strides = array<i32>} : memref<256x64xf32, #tpu.memory_space<vmem>>, vector<16xf32>,
      %mul3A_414 = arith.mulf %get3A_410, %get3A_413 : vector<16xf32>
      %get3A_415 = arith.index_cast %add3A_393 : i32 to index
      %get3A_416 = arith.constant 48 : index
      %get3A_417 = tpu.vector_load %arg12[%get3A_415, %get3A_416] {strides = array<i32>} : memref<256x64xf32, #tpu.memory_space<vmem>>, vector<16xf32>,
      %get3A_418 = arith.index_cast %add3A_393 : i32 to index
      %get3A_419 = arith.constant 48 : index
      %get3A_420 = tpu.vector_load %arg13[%get3A_418, %get3A_419] {strides = array<i32>} : memref<256x64xf32, #tpu.memory_space<vmem>>, vector<16xf32>,
      %mul3A_421 = arith.mulf %get3A_417, %get3A_420 : vector<16xf32>
      %add3A_422 = arith.addf %mul3A_400, %mul3A_407 : vector<16xf32>
      %add3A_423 = arith.addf %mul3A_414, %mul3A_421 : vector<16xf32>
      %add3A_424 = arith.addf %add3A_422, %add3A_423 : vector<16xf32>
      %mul3A_425 = arith.constant 16 : i32
      %mul3A_426 = arith.muli %add3A_393, %mul3A_425 : i32
      %swap3A_427 = arith.index_cast %mul3A_426 : i32 to index
      %swap3A_428 = tpu.vector_load %arg14[%swap3A_427] {strides = array<i32>} : memref<4096xf32, #tpu.memory_space<vmem>>, vector<16xf32>,
      tpu.vector_store %arg14[%swap3A_427], %add3A_424 {strides = array<i32>} : memref<4096xf32, #tpu.memory_space<vmem>>, vector<16xf32>,
      %scan3A_429 = arith.constant 0 : i32
      scf.yield %scan3A_429 : i32
    }
    %scan3A_202 = arith.constant 64 : i32
    %scan3A_203 = arith.constant 0 : i32
    %scan3A_204 = arith.constant 16 : i32
    %scan3A_205 = arith.addi %scan3A_203, %scan3A_204 : i32
    %scan3A_206 = arith.constant 1 : i32
    %scan3A_207:2 = scf.for %scan3A_272 = %scan3A_203 to %scan3A_205 step %scan3A_206 iter_args(%scan3A_273 = %scan3A_174#0, %scan3A_274 = %scan3A_174#1) -> (vector<16xf32>, vector<16xf32>)  : i32 {
      %mul3A_275 = arith.constant 16 : i32
      %mul3A_276 = arith.muli %scan3A_272, %mul3A_275 : i32
      %add3A_277 = vector.broadcast %mul3A_276 : i32 to vector<16xi32>
      %add3A_278 = arith.addi %add3A_277, %iota3A : vector<16xi32>
      %mul3A_279 = arith.constant 16 : i32
      %mul3A_280 = vector.broadcast %mul3A_279 : i32 to vector<16xi32>
      %mul3A_281 = arith.muli %add3A_278, %mul3A_280 : vector<16xi32>
      %add3A_282 = arith.constant 0 : i32
      %add3A_283 = vector.broadcast %add3A_282 : i32 to vector<16xi32>
      %add3A_284 = arith.addi %mul3A_281, %add3A_283 : vector<16xi32>
      %gather3A = tpu.vector_load_idx %arg14[%add3A_284] : memref<4096xf32, #tpu.memory_space<vmem>>[vector<16xi32>], vector<16xf32>,
      %add3A_285 = arith.addf %broadcast_in_dim3A_3, %gather3A : vector<16xf32>
      %add3A_286 = arith.constant 1 : i32
      %add3A_287 = vector.broadcast %add3A_286 : i32 to vector<16xi32>
      %add3A_288 = arith.addi %mul3A_281, %add3A_287 : vector<16xi32>
      %gather3A_289 = tpu.vector_load_idx %arg14[%add3A_288] : memref<4096xf32, #tpu.memory_space<vmem>>[vector<16xi32>], vector<16xf32>,
      %add3A_290 = arith.addf %add3A_285, %gather3A_289 : vector<16xf32>
      %add3A_291 = arith.constant 2 : i32
      %add3A_292 = vector.broadcast %add3A_291 : i32 to vector<16xi32>
      %add3A_293 = arith.addi %mul3A_281, %add3A_292 : vector<16xi32>
      %gather3A_294 = tpu.vector_load_idx %arg14[%add3A_293] : memref<4096xf32, #tpu.memory_space<vmem>>[vector<16xi32>], vector<16xf32>,
      %add3A_295 = arith.addf %add3A_290, %gather3A_294 : vector<16xf32>
      %add3A_296 = arith.constant 3 : i32
      %add3A_297 = vector.broadcast %add3A_296 : i32 to vector<16xi32>
      %add3A_298 = arith.addi %mul3A_281, %add3A_297 : vector<16xi32>
      %gather3A_299 = tpu.vector_load_idx %arg14[%add3A_298] : memref<4096xf32, #tpu.memory_space<vmem>>[vector<16xi32>], vector<16xf32>,
      %add3A_300 = arith.addf %add3A_295, %gather3A_299 : vector<16xf32>
      %add3A_301 = arith.constant 4 : i32
      %add3A_302 = vector.broadcast %add3A_301 : i32 to vector<16xi32>
      %add3A_303 = arith.addi %mul3A_281, %add3A_302 : vector<16xi32>
      %gather3A_304 = tpu.vector_load_idx %arg14[%add3A_303] : memref<4096xf32, #tpu.memory_space<vmem>>[vector<16xi32>], vector<16xf32>,
      %add3A_305 = arith.addf %add3A_300, %gather3A_304 : vector<16xf32>
      %add3A_306 = arith.constant 5 : i32
      %add3A_307 = vector.broadcast %add3A_306 : i32 to vector<16xi32>
      %add3A_308 = arith.addi %mul3A_281, %add3A_307 : vector<16xi32>
      %gather3A_309 = tpu.vector_load_idx %arg14[%add3A_308] : memref<4096xf32, #tpu.memory_space<vmem>>[vector<16xi32>], vector<16xf32>,
      %add3A_310 = arith.addf %add3A_305, %gather3A_309 : vector<16xf32>
      %add3A_311 = arith.constant 6 : i32
      %add3A_312 = vector.broadcast %add3A_311 : i32 to vector<16xi32>
      %add3A_313 = arith.addi %mul3A_281, %add3A_312 : vector<16xi32>
      %gather3A_314 = tpu.vector_load_idx %arg14[%add3A_313] : memref<4096xf32, #tpu.memory_space<vmem>>[vector<16xi32>], vector<16xf32>,
      %add3A_315 = arith.addf %add3A_310, %gather3A_314 : vector<16xf32>
      %add3A_316 = arith.constant 7 : i32
      %add3A_317 = vector.broadcast %add3A_316 : i32 to vector<16xi32>
      %add3A_318 = arith.addi %mul3A_281, %add3A_317 : vector<16xi32>
      %gather3A_319 = tpu.vector_load_idx %arg14[%add3A_318] : memref<4096xf32, #tpu.memory_space<vmem>>[vector<16xi32>], vector<16xf32>,
      %add3A_320 = arith.addf %add3A_315, %gather3A_319 : vector<16xf32>
      %add3A_321 = arith.constant 8 : i32
      %add3A_322 = vector.broadcast %add3A_321 : i32 to vector<16xi32>
      %add3A_323 = arith.addi %mul3A_281, %add3A_322 : vector<16xi32>
      %gather3A_324 = tpu.vector_load_idx %arg14[%add3A_323] : memref<4096xf32, #tpu.memory_space<vmem>>[vector<16xi32>], vector<16xf32>,
      %add3A_325 = arith.addf %add3A_320, %gather3A_324 : vector<16xf32>
      %add3A_326 = arith.constant 9 : i32
      %add3A_327 = vector.broadcast %add3A_326 : i32 to vector<16xi32>
      %add3A_328 = arith.addi %mul3A_281, %add3A_327 : vector<16xi32>
      %gather3A_329 = tpu.vector_load_idx %arg14[%add3A_328] : memref<4096xf32, #tpu.memory_space<vmem>>[vector<16xi32>], vector<16xf32>,
      %add3A_330 = arith.addf %add3A_325, %gather3A_329 : vector<16xf32>
      %add3A_331 = arith.constant 10 : i32
      %add3A_332 = vector.broadcast %add3A_331 : i32 to vector<16xi32>
      %add3A_333 = arith.addi %mul3A_281, %add3A_332 : vector<16xi32>
      %gather3A_334 = tpu.vector_load_idx %arg14[%add3A_333] : memref<4096xf32, #tpu.memory_space<vmem>>[vector<16xi32>], vector<16xf32>,
      %add3A_335 = arith.addf %add3A_330, %gather3A_334 : vector<16xf32>
      %add3A_336 = arith.constant 11 : i32
      %add3A_337 = vector.broadcast %add3A_336 : i32 to vector<16xi32>
      %add3A_338 = arith.addi %mul3A_281, %add3A_337 : vector<16xi32>
      %gather3A_339 = tpu.vector_load_idx %arg14[%add3A_338] : memref<4096xf32, #tpu.memory_space<vmem>>[vector<16xi32>], vector<16xf32>,
      %add3A_340 = arith.addf %add3A_335, %gather3A_339 : vector<16xf32>
      %add3A_341 = arith.constant 12 : i32
      %add3A_342 = vector.broadcast %add3A_341 : i32 to vector<16xi32>
      %add3A_343 = arith.addi %mul3A_281, %add3A_342 : vector<16xi32>
      %gather3A_344 = tpu.vector_load_idx %arg14[%add3A_343] : memref<4096xf32, #tpu.memory_space<vmem>>[vector<16xi32>], vector<16xf32>,
      %add3A_345 = arith.addf %add3A_340, %gather3A_344 : vector<16xf32>
      %add3A_346 = arith.constant 13 : i32
      %add3A_347 = vector.broadcast %add3A_346 : i32 to vector<16xi32>
      %add3A_348 = arith.addi %mul3A_281, %add3A_347 : vector<16xi32>
      %gather3A_349 = tpu.vector_load_idx %arg14[%add3A_348] : memref<4096xf32, #tpu.memory_space<vmem>>[vector<16xi32>], vector<16xf32>,
      %add3A_350 = arith.addf %add3A_345, %gather3A_349 : vector<16xf32>
      %add3A_351 = arith.constant 14 : i32
      %add3A_352 = vector.broadcast %add3A_351 : i32 to vector<16xi32>
      %add3A_353 = arith.addi %mul3A_281, %add3A_352 : vector<16xi32>
      %gather3A_354 = tpu.vector_load_idx %arg14[%add3A_353] : memref<4096xf32, #tpu.memory_space<vmem>>[vector<16xi32>], vector<16xf32>,
      %add3A_355 = arith.addf %add3A_350, %gather3A_354 : vector<16xf32>
      %add3A_356 = arith.constant 15 : i32
      %add3A_357 = vector.broadcast %add3A_356 : i32 to vector<16xi32>
      %add3A_358 = arith.addi %mul3A_281, %add3A_357 : vector<16xi32>
      %gather3A_359 = tpu.vector_load_idx %arg14[%add3A_358] : memref<4096xf32, #tpu.memory_space<vmem>>[vector<16xi32>], vector<16xf32>,
      %add3A_360 = arith.addf %add3A_355, %gather3A_359 : vector<16xf32>
      %mul3A_361 = arith.constant 16 : i32
      %mul3A_362 = arith.muli %scan3A_272, %mul3A_361 : i32
      %add3A_363 = arith.constant 1280 : i32
      %add3A_364 = arith.addi %add3A_363, %mul3A_362 : i32
      %get3A = arith.index_cast %add3A_364 : i32 to index
      %get3A_365 = tpu.vector_load %arg9[%get3A] {strides = array<i32>} : memref<2048xf32, #tpu.memory_space<vmem>>, vector<16xf32>,
      %mul3A_366 = arith.mulf %get3A_365, %add3A_360 : vector<16xf32>
      %add3A_367 = arith.addf %scan3A_273, %mul3A_366 : vector<16xf32>
      %ge3A = arith.constant 0.000000e+00 : f32
      %ge3A_368 = vector.broadcast %ge3A : f32 to vector<16xf32>
      %ge3A_369 = arith.cmpf oge, %add3A_360, %ge3A_368 : vector<16xf32>
      %jit3A = arith.constant 1.000000e+00 : f32
      %jit3A_370 = arith.constant -1.000000e+00 : f32
      %broadcast_in_dim3A_371 = vector.broadcast %jit3A : f32 to vector<16xf32>
      %broadcast_in_dim3A_372 = vector.broadcast %jit3A_370 : f32 to vector<16xf32>
      %select_n3A = arith.select %ge3A_369, %broadcast_in_dim3A_371, %broadcast_in_dim3A_372 : vector<16xi1>, vector<16xf32>
      %add3A_373 = arith.addf %scan3A_274, %select_n3A : vector<16xf32>
      scf.yield %add3A_367, %add3A_373 : vector<16xf32>, vector<16xf32>
    }
    %scan3A_208 = arith.constant 16 : i32
    %dma_wait3A_209 = arith.constant 1536 : i32
    %dma_wait3A_210 = tpu.memref_slice %arg7[%dma_wait3A_209] : memref<2048xi32, #tpu.memory_space<vmem>> -> memref<256xi32, #tpu.memory_space<vmem>>
    %dma_wait3A_211 = arith.constant 0 : i32
    %dma_wait3A_212 = arith.constant 0 : i32
    %dma_wait3A_213 = tpu.memref_slice %arg2[%dma_wait3A_211, %dma_wait3A_212] : memref<4096x64xf32, #tpu.memory_space<hbm>> -> memref<4096x64xf32, #tpu.memory_space<hbm>>
    tpu.wait_indirect_dma semaphore(%arg16 : memref<!tpu.dma_semaphore, #tpu.memory_space<semaphore_mem>>) src(%dma_wait3A_213 : memref<4096x64xf32, #tpu.memory_space<hbm>>) dst(%arg10 : memref<256x64xf32, #tpu.memory_space<vmem>>)
    %dma_wait3A_214 = arith.constant 1536 : i32
    %dma_wait3A_215 = tpu.memref_slice %arg8[%dma_wait3A_214] : memref<2048xi32, #tpu.memory_space<vmem>> -> memref<256xi32, #tpu.memory_space<vmem>>
    %dma_wait3A_216 = arith.constant 0 : i32
    %dma_wait3A_217 = arith.constant 0 : i32
    %dma_wait3A_218 = tpu.memref_slice %arg2[%dma_wait3A_216, %dma_wait3A_217] : memref<4096x64xf32, #tpu.memory_space<hbm>> -> memref<4096x64xf32, #tpu.memory_space<hbm>>
    tpu.wait_indirect_dma semaphore(%arg17 : memref<!tpu.dma_semaphore, #tpu.memory_space<semaphore_mem>>) src(%dma_wait3A_218 : memref<4096x64xf32, #tpu.memory_space<hbm>>) dst(%arg11 : memref<256x64xf32, #tpu.memory_space<vmem>>)
    %dma_start3A_219 = arith.constant 1792 : i32
    %dma_start3A_220 = tpu.memref_slice %arg7[%dma_start3A_219] : memref<2048xi32, #tpu.memory_space<vmem>> -> memref<256xi32, #tpu.memory_space<vmem>>
    %dma_start3A_221 = arith.constant 0 : i32
    %dma_start3A_222 = arith.constant 0 : i32
    %dma_start3A_223 = tpu.memref_slice %arg2[%dma_start3A_221, %dma_start3A_222] : memref<4096x64xf32, #tpu.memory_space<hbm>> -> memref<4096x64xf32, #tpu.memory_space<hbm>>
    tpu.enqueue_indirect_dma source(%dma_start3A_223 : memref<4096x64xf32, #tpu.memory_space<hbm>>) target(%arg12 : memref<256x64xf32, #tpu.memory_space<vmem>>) offsets(%dma_start3A_220 : memref<256xi32, #tpu.memory_space<vmem>>) semaphore(%arg18 : memref<!tpu.dma_semaphore, #tpu.memory_space<semaphore_mem>>)
    %dma_start3A_224 = arith.constant 1792 : i32
    %dma_start3A_225 = tpu.memref_slice %arg8[%dma_start3A_224] : memref<2048xi32, #tpu.memory_space<vmem>> -> memref<256xi32, #tpu.memory_space<vmem>>
    %dma_start3A_226 = arith.constant 0 : i32
    %dma_start3A_227 = arith.constant 0 : i32
    %dma_start3A_228 = tpu.memref_slice %arg2[%dma_start3A_226, %dma_start3A_227] : memref<4096x64xf32, #tpu.memory_space<hbm>> -> memref<4096x64xf32, #tpu.memory_space<hbm>>
    tpu.enqueue_indirect_dma source(%dma_start3A_228 : memref<4096x64xf32, #tpu.memory_space<hbm>>) target(%arg13 : memref<256x64xf32, #tpu.memory_space<vmem>>) offsets(%dma_start3A_225 : memref<256xi32, #tpu.memory_space<vmem>>) semaphore(%arg19 : memref<!tpu.dma_semaphore, #tpu.memory_space<semaphore_mem>>)
    %scan3A_229 = arith.constant 0 : i32
    %scan3A_230 = arith.constant 0 : i32
    %scan3A_231 = arith.constant 64 : i32
    %scan3A_232 = arith.addi %scan3A_230, %scan3A_231 : i32
    %scan3A_233 = arith.constant 1 : i32
    %scan3A_234 = scf.for %scan3A_272 = %scan3A_230 to %scan3A_232 step %scan3A_233 iter_args(%scan3A_273 = %scan3A_229) -> (i32)  : i32 {
      %mul3A_274 = arith.constant 4 : i32
      %mul3A_275 = arith.muli %scan3A_272, %mul3A_274 : i32
      %add3A_276 = arith.constant 0 : i32
      %add3A_277 = arith.addi %mul3A_275, %add3A_276 : i32
      %get3A = arith.index_cast %add3A_277 : i32 to index
      %get3A_278 = arith.constant 0 : index
      %get3A_279 = tpu.vector_load %arg10[%get3A, %get3A_278] {strides = array<i32>} : memref<256x64xf32, #tpu.memory_space<vmem>>, vector<16xf32>,
      %get3A_280 = arith.index_cast %add3A_277 : i32 to index
      %get3A_281 = arith.constant 0 : index
      %get3A_282 = tpu.vector_load %arg11[%get3A_280, %get3A_281] {strides = array<i32>} : memref<256x64xf32, #tpu.memory_space<vmem>>, vector<16xf32>,
      %mul3A_283 = arith.mulf %get3A_279, %get3A_282 : vector<16xf32>
      %get3A_284 = arith.index_cast %add3A_277 : i32 to index
      %get3A_285 = arith.constant 16 : index
      %get3A_286 = tpu.vector_load %arg10[%get3A_284, %get3A_285] {strides = array<i32>} : memref<256x64xf32, #tpu.memory_space<vmem>>, vector<16xf32>,
      %get3A_287 = arith.index_cast %add3A_277 : i32 to index
      %get3A_288 = arith.constant 16 : index
      %get3A_289 = tpu.vector_load %arg11[%get3A_287, %get3A_288] {strides = array<i32>} : memref<256x64xf32, #tpu.memory_space<vmem>>, vector<16xf32>,
      %mul3A_290 = arith.mulf %get3A_286, %get3A_289 : vector<16xf32>
      %get3A_291 = arith.index_cast %add3A_277 : i32 to index
      %get3A_292 = arith.constant 32 : index
      %get3A_293 = tpu.vector_load %arg10[%get3A_291, %get3A_292] {strides = array<i32>} : memref<256x64xf32, #tpu.memory_space<vmem>>, vector<16xf32>,
      %get3A_294 = arith.index_cast %add3A_277 : i32 to index
      %get3A_295 = arith.constant 32 : index
      %get3A_296 = tpu.vector_load %arg11[%get3A_294, %get3A_295] {strides = array<i32>} : memref<256x64xf32, #tpu.memory_space<vmem>>, vector<16xf32>,
      %mul3A_297 = arith.mulf %get3A_293, %get3A_296 : vector<16xf32>
      %get3A_298 = arith.index_cast %add3A_277 : i32 to index
      %get3A_299 = arith.constant 48 : index
      %get3A_300 = tpu.vector_load %arg10[%get3A_298, %get3A_299] {strides = array<i32>} : memref<256x64xf32, #tpu.memory_space<vmem>>, vector<16xf32>,
      %get3A_301 = arith.index_cast %add3A_277 : i32 to index
      %get3A_302 = arith.constant 48 : index
      %get3A_303 = tpu.vector_load %arg11[%get3A_301, %get3A_302] {strides = array<i32>} : memref<256x64xf32, #tpu.memory_space<vmem>>, vector<16xf32>,
      %mul3A_304 = arith.mulf %get3A_300, %get3A_303 : vector<16xf32>
      %add3A_305 = arith.addf %mul3A_283, %mul3A_290 : vector<16xf32>
      %add3A_306 = arith.addf %mul3A_297, %mul3A_304 : vector<16xf32>
      %add3A_307 = arith.addf %add3A_305, %add3A_306 : vector<16xf32>
      %mul3A_308 = arith.constant 16 : i32
      %mul3A_309 = arith.muli %add3A_277, %mul3A_308 : i32
      %swap3A_310 = arith.index_cast %mul3A_309 : i32 to index
      %swap3A_311 = tpu.vector_load %arg14[%swap3A_310] {strides = array<i32>} : memref<4096xf32, #tpu.memory_space<vmem>>, vector<16xf32>,
      tpu.vector_store %arg14[%swap3A_310], %add3A_307 {strides = array<i32>} : memref<4096xf32, #tpu.memory_space<vmem>>, vector<16xf32>,
      %mul3A_312 = arith.constant 4 : i32
      %mul3A_313 = arith.muli %scan3A_272, %mul3A_312 : i32
      %add3A_314 = arith.constant 1 : i32
      %add3A_315 = arith.addi %mul3A_313, %add3A_314 : i32
      %get3A_316 = arith.index_cast %add3A_315 : i32 to index
      %get3A_317 = arith.constant 0 : index
      %get3A_318 = tpu.vector_load %arg10[%get3A_316, %get3A_317] {strides = array<i32>} : memref<256x64xf32, #tpu.memory_space<vmem>>, vector<16xf32>,
      %get3A_319 = arith.index_cast %add3A_315 : i32 to index
      %get3A_320 = arith.constant 0 : index
      %get3A_321 = tpu.vector_load %arg11[%get3A_319, %get3A_320] {strides = array<i32>} : memref<256x64xf32, #tpu.memory_space<vmem>>, vector<16xf32>,
      %mul3A_322 = arith.mulf %get3A_318, %get3A_321 : vector<16xf32>
      %get3A_323 = arith.index_cast %add3A_315 : i32 to index
      %get3A_324 = arith.constant 16 : index
      %get3A_325 = tpu.vector_load %arg10[%get3A_323, %get3A_324] {strides = array<i32>} : memref<256x64xf32, #tpu.memory_space<vmem>>, vector<16xf32>,
      %get3A_326 = arith.index_cast %add3A_315 : i32 to index
      %get3A_327 = arith.constant 16 : index
      %get3A_328 = tpu.vector_load %arg11[%get3A_326, %get3A_327] {strides = array<i32>} : memref<256x64xf32, #tpu.memory_space<vmem>>, vector<16xf32>,
      %mul3A_329 = arith.mulf %get3A_325, %get3A_328 : vector<16xf32>
      %get3A_330 = arith.index_cast %add3A_315 : i32 to index
      %get3A_331 = arith.constant 32 : index
      %get3A_332 = tpu.vector_load %arg10[%get3A_330, %get3A_331] {strides = array<i32>} : memref<256x64xf32, #tpu.memory_space<vmem>>, vector<16xf32>,
      %get3A_333 = arith.index_cast %add3A_315 : i32 to index
      %get3A_334 = arith.constant 32 : index
      %get3A_335 = tpu.vector_load %arg11[%get3A_333, %get3A_334] {strides = array<i32>} : memref<256x64xf32, #tpu.memory_space<vmem>>, vector<16xf32>,
      %mul3A_336 = arith.mulf %get3A_332, %get3A_335 : vector<16xf32>
      %get3A_337 = arith.index_cast %add3A_315 : i32 to index
      %get3A_338 = arith.constant 48 : index
      %get3A_339 = tpu.vector_load %arg10[%get3A_337, %get3A_338] {strides = array<i32>} : memref<256x64xf32, #tpu.memory_space<vmem>>, vector<16xf32>,
      %get3A_340 = arith.index_cast %add3A_315 : i32 to index
      %get3A_341 = arith.constant 48 : index
      %get3A_342 = tpu.vector_load %arg11[%get3A_340, %get3A_341] {strides = array<i32>} : memref<256x64xf32, #tpu.memory_space<vmem>>, vector<16xf32>,
      %mul3A_343 = arith.mulf %get3A_339, %get3A_342 : vector<16xf32>
      %add3A_344 = arith.addf %mul3A_322, %mul3A_329 : vector<16xf32>
      %add3A_345 = arith.addf %mul3A_336, %mul3A_343 : vector<16xf32>
      %add3A_346 = arith.addf %add3A_344, %add3A_345 : vector<16xf32>
      %mul3A_347 = arith.constant 16 : i32
      %mul3A_348 = arith.muli %add3A_315, %mul3A_347 : i32
      %swap3A_349 = arith.index_cast %mul3A_348 : i32 to index
      %swap3A_350 = tpu.vector_load %arg14[%swap3A_349] {strides = array<i32>} : memref<4096xf32, #tpu.memory_space<vmem>>, vector<16xf32>,
      tpu.vector_store %arg14[%swap3A_349], %add3A_346 {strides = array<i32>} : memref<4096xf32, #tpu.memory_space<vmem>>, vector<16xf32>,
      %mul3A_351 = arith.constant 4 : i32
      %mul3A_352 = arith.muli %scan3A_272, %mul3A_351 : i32
      %add3A_353 = arith.constant 2 : i32
      %add3A_354 = arith.addi %mul3A_352, %add3A_353 : i32
      %get3A_355 = arith.index_cast %add3A_354 : i32 to index
      %get3A_356 = arith.constant 0 : index
      %get3A_357 = tpu.vector_load %arg10[%get3A_355, %get3A_356] {strides = array<i32>} : memref<256x64xf32, #tpu.memory_space<vmem>>, vector<16xf32>,
      %get3A_358 = arith.index_cast %add3A_354 : i32 to index
      %get3A_359 = arith.constant 0 : index
      %get3A_360 = tpu.vector_load %arg11[%get3A_358, %get3A_359] {strides = array<i32>} : memref<256x64xf32, #tpu.memory_space<vmem>>, vector<16xf32>,
      %mul3A_361 = arith.mulf %get3A_357, %get3A_360 : vector<16xf32>
      %get3A_362 = arith.index_cast %add3A_354 : i32 to index
      %get3A_363 = arith.constant 16 : index
      %get3A_364 = tpu.vector_load %arg10[%get3A_362, %get3A_363] {strides = array<i32>} : memref<256x64xf32, #tpu.memory_space<vmem>>, vector<16xf32>,
      %get3A_365 = arith.index_cast %add3A_354 : i32 to index
      %get3A_366 = arith.constant 16 : index
      %get3A_367 = tpu.vector_load %arg11[%get3A_365, %get3A_366] {strides = array<i32>} : memref<256x64xf32, #tpu.memory_space<vmem>>, vector<16xf32>,
      %mul3A_368 = arith.mulf %get3A_364, %get3A_367 : vector<16xf32>
      %get3A_369 = arith.index_cast %add3A_354 : i32 to index
      %get3A_370 = arith.constant 32 : index
      %get3A_371 = tpu.vector_load %arg10[%get3A_369, %get3A_370] {strides = array<i32>} : memref<256x64xf32, #tpu.memory_space<vmem>>, vector<16xf32>,
      %get3A_372 = arith.index_cast %add3A_354 : i32 to index
      %get3A_373 = arith.constant 32 : index
      %get3A_374 = tpu.vector_load %arg11[%get3A_372, %get3A_373] {strides = array<i32>} : memref<256x64xf32, #tpu.memory_space<vmem>>, vector<16xf32>,
      %mul3A_375 = arith.mulf %get3A_371, %get3A_374 : vector<16xf32>
      %get3A_376 = arith.index_cast %add3A_354 : i32 to index
      %get3A_377 = arith.constant 48 : index
      %get3A_378 = tpu.vector_load %arg10[%get3A_376, %get3A_377] {strides = array<i32>} : memref<256x64xf32, #tpu.memory_space<vmem>>, vector<16xf32>,
      %get3A_379 = arith.index_cast %add3A_354 : i32 to index
      %get3A_380 = arith.constant 48 : index
      %get3A_381 = tpu.vector_load %arg11[%get3A_379, %get3A_380] {strides = array<i32>} : memref<256x64xf32, #tpu.memory_space<vmem>>, vector<16xf32>,
      %mul3A_382 = arith.mulf %get3A_378, %get3A_381 : vector<16xf32>
      %add3A_383 = arith.addf %mul3A_361, %mul3A_368 : vector<16xf32>
      %add3A_384 = arith.addf %mul3A_375, %mul3A_382 : vector<16xf32>
      %add3A_385 = arith.addf %add3A_383, %add3A_384 : vector<16xf32>
      %mul3A_386 = arith.constant 16 : i32
      %mul3A_387 = arith.muli %add3A_354, %mul3A_386 : i32
      %swap3A_388 = arith.index_cast %mul3A_387 : i32 to index
      %swap3A_389 = tpu.vector_load %arg14[%swap3A_388] {strides = array<i32>} : memref<4096xf32, #tpu.memory_space<vmem>>, vector<16xf32>,
      tpu.vector_store %arg14[%swap3A_388], %add3A_385 {strides = array<i32>} : memref<4096xf32, #tpu.memory_space<vmem>>, vector<16xf32>,
      %mul3A_390 = arith.constant 4 : i32
      %mul3A_391 = arith.muli %scan3A_272, %mul3A_390 : i32
      %add3A_392 = arith.constant 3 : i32
      %add3A_393 = arith.addi %mul3A_391, %add3A_392 : i32
      %get3A_394 = arith.index_cast %add3A_393 : i32 to index
      %get3A_395 = arith.constant 0 : index
      %get3A_396 = tpu.vector_load %arg10[%get3A_394, %get3A_395] {strides = array<i32>} : memref<256x64xf32, #tpu.memory_space<vmem>>, vector<16xf32>,
      %get3A_397 = arith.index_cast %add3A_393 : i32 to index
      %get3A_398 = arith.constant 0 : index
      %get3A_399 = tpu.vector_load %arg11[%get3A_397, %get3A_398] {strides = array<i32>} : memref<256x64xf32, #tpu.memory_space<vmem>>, vector<16xf32>,
      %mul3A_400 = arith.mulf %get3A_396, %get3A_399 : vector<16xf32>
      %get3A_401 = arith.index_cast %add3A_393 : i32 to index
      %get3A_402 = arith.constant 16 : index
      %get3A_403 = tpu.vector_load %arg10[%get3A_401, %get3A_402] {strides = array<i32>} : memref<256x64xf32, #tpu.memory_space<vmem>>, vector<16xf32>,
      %get3A_404 = arith.index_cast %add3A_393 : i32 to index
      %get3A_405 = arith.constant 16 : index
      %get3A_406 = tpu.vector_load %arg11[%get3A_404, %get3A_405] {strides = array<i32>} : memref<256x64xf32, #tpu.memory_space<vmem>>, vector<16xf32>,
      %mul3A_407 = arith.mulf %get3A_403, %get3A_406 : vector<16xf32>
      %get3A_408 = arith.index_cast %add3A_393 : i32 to index
      %get3A_409 = arith.constant 32 : index
      %get3A_410 = tpu.vector_load %arg10[%get3A_408, %get3A_409] {strides = array<i32>} : memref<256x64xf32, #tpu.memory_space<vmem>>, vector<16xf32>,
      %get3A_411 = arith.index_cast %add3A_393 : i32 to index
      %get3A_412 = arith.constant 32 : index
      %get3A_413 = tpu.vector_load %arg11[%get3A_411, %get3A_412] {strides = array<i32>} : memref<256x64xf32, #tpu.memory_space<vmem>>, vector<16xf32>,
      %mul3A_414 = arith.mulf %get3A_410, %get3A_413 : vector<16xf32>
      %get3A_415 = arith.index_cast %add3A_393 : i32 to index
      %get3A_416 = arith.constant 48 : index
      %get3A_417 = tpu.vector_load %arg10[%get3A_415, %get3A_416] {strides = array<i32>} : memref<256x64xf32, #tpu.memory_space<vmem>>, vector<16xf32>,
      %get3A_418 = arith.index_cast %add3A_393 : i32 to index
      %get3A_419 = arith.constant 48 : index
      %get3A_420 = tpu.vector_load %arg11[%get3A_418, %get3A_419] {strides = array<i32>} : memref<256x64xf32, #tpu.memory_space<vmem>>, vector<16xf32>,
      %mul3A_421 = arith.mulf %get3A_417, %get3A_420 : vector<16xf32>
      %add3A_422 = arith.addf %mul3A_400, %mul3A_407 : vector<16xf32>
      %add3A_423 = arith.addf %mul3A_414, %mul3A_421 : vector<16xf32>
      %add3A_424 = arith.addf %add3A_422, %add3A_423 : vector<16xf32>
      %mul3A_425 = arith.constant 16 : i32
      %mul3A_426 = arith.muli %add3A_393, %mul3A_425 : i32
      %swap3A_427 = arith.index_cast %mul3A_426 : i32 to index
      %swap3A_428 = tpu.vector_load %arg14[%swap3A_427] {strides = array<i32>} : memref<4096xf32, #tpu.memory_space<vmem>>, vector<16xf32>,
      tpu.vector_store %arg14[%swap3A_427], %add3A_424 {strides = array<i32>} : memref<4096xf32, #tpu.memory_space<vmem>>, vector<16xf32>,
      %scan3A_429 = arith.constant 0 : i32
      scf.yield %scan3A_429 : i32
    }
    %scan3A_235 = arith.constant 64 : i32
    %scan3A_236 = arith.constant 0 : i32
    %scan3A_237 = arith.constant 16 : i32
    %scan3A_238 = arith.addi %scan3A_236, %scan3A_237 : i32
    %scan3A_239 = arith.constant 1 : i32
    %scan3A_240:2 = scf.for %scan3A_272 = %scan3A_236 to %scan3A_238 step %scan3A_239 iter_args(%scan3A_273 = %scan3A_207#0, %scan3A_274 = %scan3A_207#1) -> (vector<16xf32>, vector<16xf32>)  : i32 {
      %mul3A_275 = arith.constant 16 : i32
      %mul3A_276 = arith.muli %scan3A_272, %mul3A_275 : i32
      %add3A_277 = vector.broadcast %mul3A_276 : i32 to vector<16xi32>
      %add3A_278 = arith.addi %add3A_277, %iota3A : vector<16xi32>
      %mul3A_279 = arith.constant 16 : i32
      %mul3A_280 = vector.broadcast %mul3A_279 : i32 to vector<16xi32>
      %mul3A_281 = arith.muli %add3A_278, %mul3A_280 : vector<16xi32>
      %add3A_282 = arith.constant 0 : i32
      %add3A_283 = vector.broadcast %add3A_282 : i32 to vector<16xi32>
      %add3A_284 = arith.addi %mul3A_281, %add3A_283 : vector<16xi32>
      %gather3A = tpu.vector_load_idx %arg14[%add3A_284] : memref<4096xf32, #tpu.memory_space<vmem>>[vector<16xi32>], vector<16xf32>,
      %add3A_285 = arith.addf %broadcast_in_dim3A_3, %gather3A : vector<16xf32>
      %add3A_286 = arith.constant 1 : i32
      %add3A_287 = vector.broadcast %add3A_286 : i32 to vector<16xi32>
      %add3A_288 = arith.addi %mul3A_281, %add3A_287 : vector<16xi32>
      %gather3A_289 = tpu.vector_load_idx %arg14[%add3A_288] : memref<4096xf32, #tpu.memory_space<vmem>>[vector<16xi32>], vector<16xf32>,
      %add3A_290 = arith.addf %add3A_285, %gather3A_289 : vector<16xf32>
      %add3A_291 = arith.constant 2 : i32
      %add3A_292 = vector.broadcast %add3A_291 : i32 to vector<16xi32>
      %add3A_293 = arith.addi %mul3A_281, %add3A_292 : vector<16xi32>
      %gather3A_294 = tpu.vector_load_idx %arg14[%add3A_293] : memref<4096xf32, #tpu.memory_space<vmem>>[vector<16xi32>], vector<16xf32>,
      %add3A_295 = arith.addf %add3A_290, %gather3A_294 : vector<16xf32>
      %add3A_296 = arith.constant 3 : i32
      %add3A_297 = vector.broadcast %add3A_296 : i32 to vector<16xi32>
      %add3A_298 = arith.addi %mul3A_281, %add3A_297 : vector<16xi32>
      %gather3A_299 = tpu.vector_load_idx %arg14[%add3A_298] : memref<4096xf32, #tpu.memory_space<vmem>>[vector<16xi32>], vector<16xf32>,
      %add3A_300 = arith.addf %add3A_295, %gather3A_299 : vector<16xf32>
      %add3A_301 = arith.constant 4 : i32
      %add3A_302 = vector.broadcast %add3A_301 : i32 to vector<16xi32>
      %add3A_303 = arith.addi %mul3A_281, %add3A_302 : vector<16xi32>
      %gather3A_304 = tpu.vector_load_idx %arg14[%add3A_303] : memref<4096xf32, #tpu.memory_space<vmem>>[vector<16xi32>], vector<16xf32>,
      %add3A_305 = arith.addf %add3A_300, %gather3A_304 : vector<16xf32>
      %add3A_306 = arith.constant 5 : i32
      %add3A_307 = vector.broadcast %add3A_306 : i32 to vector<16xi32>
      %add3A_308 = arith.addi %mul3A_281, %add3A_307 : vector<16xi32>
      %gather3A_309 = tpu.vector_load_idx %arg14[%add3A_308] : memref<4096xf32, #tpu.memory_space<vmem>>[vector<16xi32>], vector<16xf32>,
      %add3A_310 = arith.addf %add3A_305, %gather3A_309 : vector<16xf32>
      %add3A_311 = arith.constant 6 : i32
      %add3A_312 = vector.broadcast %add3A_311 : i32 to vector<16xi32>
      %add3A_313 = arith.addi %mul3A_281, %add3A_312 : vector<16xi32>
      %gather3A_314 = tpu.vector_load_idx %arg14[%add3A_313] : memref<4096xf32, #tpu.memory_space<vmem>>[vector<16xi32>], vector<16xf32>,
      %add3A_315 = arith.addf %add3A_310, %gather3A_314 : vector<16xf32>
      %add3A_316 = arith.constant 7 : i32
      %add3A_317 = vector.broadcast %add3A_316 : i32 to vector<16xi32>
      %add3A_318 = arith.addi %mul3A_281, %add3A_317 : vector<16xi32>
      %gather3A_319 = tpu.vector_load_idx %arg14[%add3A_318] : memref<4096xf32, #tpu.memory_space<vmem>>[vector<16xi32>], vector<16xf32>,
      %add3A_320 = arith.addf %add3A_315, %gather3A_319 : vector<16xf32>
      %add3A_321 = arith.constant 8 : i32
      %add3A_322 = vector.broadcast %add3A_321 : i32 to vector<16xi32>
      %add3A_323 = arith.addi %mul3A_281, %add3A_322 : vector<16xi32>
      %gather3A_324 = tpu.vector_load_idx %arg14[%add3A_323] : memref<4096xf32, #tpu.memory_space<vmem>>[vector<16xi32>], vector<16xf32>,
      %add3A_325 = arith.addf %add3A_320, %gather3A_324 : vector<16xf32>
      %add3A_326 = arith.constant 9 : i32
      %add3A_327 = vector.broadcast %add3A_326 : i32 to vector<16xi32>
      %add3A_328 = arith.addi %mul3A_281, %add3A_327 : vector<16xi32>
      %gather3A_329 = tpu.vector_load_idx %arg14[%add3A_328] : memref<4096xf32, #tpu.memory_space<vmem>>[vector<16xi32>], vector<16xf32>,
      %add3A_330 = arith.addf %add3A_325, %gather3A_329 : vector<16xf32>
      %add3A_331 = arith.constant 10 : i32
      %add3A_332 = vector.broadcast %add3A_331 : i32 to vector<16xi32>
      %add3A_333 = arith.addi %mul3A_281, %add3A_332 : vector<16xi32>
      %gather3A_334 = tpu.vector_load_idx %arg14[%add3A_333] : memref<4096xf32, #tpu.memory_space<vmem>>[vector<16xi32>], vector<16xf32>,
      %add3A_335 = arith.addf %add3A_330, %gather3A_334 : vector<16xf32>
      %add3A_336 = arith.constant 11 : i32
      %add3A_337 = vector.broadcast %add3A_336 : i32 to vector<16xi32>
      %add3A_338 = arith.addi %mul3A_281, %add3A_337 : vector<16xi32>
      %gather3A_339 = tpu.vector_load_idx %arg14[%add3A_338] : memref<4096xf32, #tpu.memory_space<vmem>>[vector<16xi32>], vector<16xf32>,
      %add3A_340 = arith.addf %add3A_335, %gather3A_339 : vector<16xf32>
      %add3A_341 = arith.constant 12 : i32
      %add3A_342 = vector.broadcast %add3A_341 : i32 to vector<16xi32>
      %add3A_343 = arith.addi %mul3A_281, %add3A_342 : vector<16xi32>
      %gather3A_344 = tpu.vector_load_idx %arg14[%add3A_343] : memref<4096xf32, #tpu.memory_space<vmem>>[vector<16xi32>], vector<16xf32>,
      %add3A_345 = arith.addf %add3A_340, %gather3A_344 : vector<16xf32>
      %add3A_346 = arith.constant 13 : i32
      %add3A_347 = vector.broadcast %add3A_346 : i32 to vector<16xi32>
      %add3A_348 = arith.addi %mul3A_281, %add3A_347 : vector<16xi32>
      %gather3A_349 = tpu.vector_load_idx %arg14[%add3A_348] : memref<4096xf32, #tpu.memory_space<vmem>>[vector<16xi32>], vector<16xf32>,
      %add3A_350 = arith.addf %add3A_345, %gather3A_349 : vector<16xf32>
      %add3A_351 = arith.constant 14 : i32
      %add3A_352 = vector.broadcast %add3A_351 : i32 to vector<16xi32>
      %add3A_353 = arith.addi %mul3A_281, %add3A_352 : vector<16xi32>
      %gather3A_354 = tpu.vector_load_idx %arg14[%add3A_353] : memref<4096xf32, #tpu.memory_space<vmem>>[vector<16xi32>], vector<16xf32>,
      %add3A_355 = arith.addf %add3A_350, %gather3A_354 : vector<16xf32>
      %add3A_356 = arith.constant 15 : i32
      %add3A_357 = vector.broadcast %add3A_356 : i32 to vector<16xi32>
      %add3A_358 = arith.addi %mul3A_281, %add3A_357 : vector<16xi32>
      %gather3A_359 = tpu.vector_load_idx %arg14[%add3A_358] : memref<4096xf32, #tpu.memory_space<vmem>>[vector<16xi32>], vector<16xf32>,
      %add3A_360 = arith.addf %add3A_355, %gather3A_359 : vector<16xf32>
      %mul3A_361 = arith.constant 16 : i32
      %mul3A_362 = arith.muli %scan3A_272, %mul3A_361 : i32
      %add3A_363 = arith.constant 1536 : i32
      %add3A_364 = arith.addi %add3A_363, %mul3A_362 : i32
      %get3A = arith.index_cast %add3A_364 : i32 to index
      %get3A_365 = tpu.vector_load %arg9[%get3A] {strides = array<i32>} : memref<2048xf32, #tpu.memory_space<vmem>>, vector<16xf32>,
      %mul3A_366 = arith.mulf %get3A_365, %add3A_360 : vector<16xf32>
      %add3A_367 = arith.addf %scan3A_273, %mul3A_366 : vector<16xf32>
      %ge3A = arith.constant 0.000000e+00 : f32
      %ge3A_368 = vector.broadcast %ge3A : f32 to vector<16xf32>
      %ge3A_369 = arith.cmpf oge, %add3A_360, %ge3A_368 : vector<16xf32>
      %jit3A = arith.constant 1.000000e+00 : f32
      %jit3A_370 = arith.constant -1.000000e+00 : f32
      %broadcast_in_dim3A_371 = vector.broadcast %jit3A : f32 to vector<16xf32>
      %broadcast_in_dim3A_372 = vector.broadcast %jit3A_370 : f32 to vector<16xf32>
      %select_n3A = arith.select %ge3A_369, %broadcast_in_dim3A_371, %broadcast_in_dim3A_372 : vector<16xi1>, vector<16xf32>
      %add3A_373 = arith.addf %scan3A_274, %select_n3A : vector<16xf32>
      scf.yield %add3A_367, %add3A_373 : vector<16xf32>, vector<16xf32>
    }
    %scan3A_241 = arith.constant 16 : i32
    %dma_wait3A_242 = arith.constant 1792 : i32
    %dma_wait3A_243 = tpu.memref_slice %arg7[%dma_wait3A_242] : memref<2048xi32, #tpu.memory_space<vmem>> -> memref<256xi32, #tpu.memory_space<vmem>>
    %dma_wait3A_244 = arith.constant 0 : i32
    %dma_wait3A_245 = arith.constant 0 : i32
    %dma_wait3A_246 = tpu.memref_slice %arg2[%dma_wait3A_244, %dma_wait3A_245] : memref<4096x64xf32, #tpu.memory_space<hbm>> -> memref<4096x64xf32, #tpu.memory_space<hbm>>
    tpu.wait_indirect_dma semaphore(%arg18 : memref<!tpu.dma_semaphore, #tpu.memory_space<semaphore_mem>>) src(%dma_wait3A_246 : memref<4096x64xf32, #tpu.memory_space<hbm>>) dst(%arg12 : memref<256x64xf32, #tpu.memory_space<vmem>>)
    %dma_wait3A_247 = arith.constant 1792 : i32
    %dma_wait3A_248 = tpu.memref_slice %arg8[%dma_wait3A_247] : memref<2048xi32, #tpu.memory_space<vmem>> -> memref<256xi32, #tpu.memory_space<vmem>>
    %dma_wait3A_249 = arith.constant 0 : i32
    %dma_wait3A_250 = arith.constant 0 : i32
    %dma_wait3A_251 = tpu.memref_slice %arg2[%dma_wait3A_249, %dma_wait3A_250] : memref<4096x64xf32, #tpu.memory_space<hbm>> -> memref<4096x64xf32, #tpu.memory_space<hbm>>
    tpu.wait_indirect_dma semaphore(%arg19 : memref<!tpu.dma_semaphore, #tpu.memory_space<semaphore_mem>>) src(%dma_wait3A_251 : memref<4096x64xf32, #tpu.memory_space<hbm>>) dst(%arg13 : memref<256x64xf32, #tpu.memory_space<vmem>>)
    %scan3A_252 = arith.constant 0 : i32
    %scan3A_253 = arith.constant 0 : i32
    %scan3A_254 = arith.constant 64 : i32
    %scan3A_255 = arith.addi %scan3A_253, %scan3A_254 : i32
    %scan3A_256 = arith.constant 1 : i32
    %scan3A_257 = scf.for %scan3A_272 = %scan3A_253 to %scan3A_255 step %scan3A_256 iter_args(%scan3A_273 = %scan3A_252) -> (i32)  : i32 {
      %mul3A_274 = arith.constant 4 : i32
      %mul3A_275 = arith.muli %scan3A_272, %mul3A_274 : i32
      %add3A_276 = arith.constant 0 : i32
      %add3A_277 = arith.addi %mul3A_275, %add3A_276 : i32
      %get3A = arith.index_cast %add3A_277 : i32 to index
      %get3A_278 = arith.constant 0 : index
      %get3A_279 = tpu.vector_load %arg12[%get3A, %get3A_278] {strides = array<i32>} : memref<256x64xf32, #tpu.memory_space<vmem>>, vector<16xf32>,
      %get3A_280 = arith.index_cast %add3A_277 : i32 to index
      %get3A_281 = arith.constant 0 : index
      %get3A_282 = tpu.vector_load %arg13[%get3A_280, %get3A_281] {strides = array<i32>} : memref<256x64xf32, #tpu.memory_space<vmem>>, vector<16xf32>,
      %mul3A_283 = arith.mulf %get3A_279, %get3A_282 : vector<16xf32>
      %get3A_284 = arith.index_cast %add3A_277 : i32 to index
      %get3A_285 = arith.constant 16 : index
      %get3A_286 = tpu.vector_load %arg12[%get3A_284, %get3A_285] {strides = array<i32>} : memref<256x64xf32, #tpu.memory_space<vmem>>, vector<16xf32>,
      %get3A_287 = arith.index_cast %add3A_277 : i32 to index
      %get3A_288 = arith.constant 16 : index
      %get3A_289 = tpu.vector_load %arg13[%get3A_287, %get3A_288] {strides = array<i32>} : memref<256x64xf32, #tpu.memory_space<vmem>>, vector<16xf32>,
      %mul3A_290 = arith.mulf %get3A_286, %get3A_289 : vector<16xf32>
      %get3A_291 = arith.index_cast %add3A_277 : i32 to index
      %get3A_292 = arith.constant 32 : index
      %get3A_293 = tpu.vector_load %arg12[%get3A_291, %get3A_292] {strides = array<i32>} : memref<256x64xf32, #tpu.memory_space<vmem>>, vector<16xf32>,
      %get3A_294 = arith.index_cast %add3A_277 : i32 to index
      %get3A_295 = arith.constant 32 : index
      %get3A_296 = tpu.vector_load %arg13[%get3A_294, %get3A_295] {strides = array<i32>} : memref<256x64xf32, #tpu.memory_space<vmem>>, vector<16xf32>,
      %mul3A_297 = arith.mulf %get3A_293, %get3A_296 : vector<16xf32>
      %get3A_298 = arith.index_cast %add3A_277 : i32 to index
      %get3A_299 = arith.constant 48 : index
      %get3A_300 = tpu.vector_load %arg12[%get3A_298, %get3A_299] {strides = array<i32>} : memref<256x64xf32, #tpu.memory_space<vmem>>, vector<16xf32>,
      %get3A_301 = arith.index_cast %add3A_277 : i32 to index
      %get3A_302 = arith.constant 48 : index
      %get3A_303 = tpu.vector_load %arg13[%get3A_301, %get3A_302] {strides = array<i32>} : memref<256x64xf32, #tpu.memory_space<vmem>>, vector<16xf32>,
      %mul3A_304 = arith.mulf %get3A_300, %get3A_303 : vector<16xf32>
      %add3A_305 = arith.addf %mul3A_283, %mul3A_290 : vector<16xf32>
      %add3A_306 = arith.addf %mul3A_297, %mul3A_304 : vector<16xf32>
      %add3A_307 = arith.addf %add3A_305, %add3A_306 : vector<16xf32>
      %mul3A_308 = arith.constant 16 : i32
      %mul3A_309 = arith.muli %add3A_277, %mul3A_308 : i32
      %swap3A_310 = arith.index_cast %mul3A_309 : i32 to index
      %swap3A_311 = tpu.vector_load %arg14[%swap3A_310] {strides = array<i32>} : memref<4096xf32, #tpu.memory_space<vmem>>, vector<16xf32>,
      tpu.vector_store %arg14[%swap3A_310], %add3A_307 {strides = array<i32>} : memref<4096xf32, #tpu.memory_space<vmem>>, vector<16xf32>,
      %mul3A_312 = arith.constant 4 : i32
      %mul3A_313 = arith.muli %scan3A_272, %mul3A_312 : i32
      %add3A_314 = arith.constant 1 : i32
      %add3A_315 = arith.addi %mul3A_313, %add3A_314 : i32
      %get3A_316 = arith.index_cast %add3A_315 : i32 to index
      %get3A_317 = arith.constant 0 : index
      %get3A_318 = tpu.vector_load %arg12[%get3A_316, %get3A_317] {strides = array<i32>} : memref<256x64xf32, #tpu.memory_space<vmem>>, vector<16xf32>,
      %get3A_319 = arith.index_cast %add3A_315 : i32 to index
      %get3A_320 = arith.constant 0 : index
      %get3A_321 = tpu.vector_load %arg13[%get3A_319, %get3A_320] {strides = array<i32>} : memref<256x64xf32, #tpu.memory_space<vmem>>, vector<16xf32>,
      %mul3A_322 = arith.mulf %get3A_318, %get3A_321 : vector<16xf32>
      %get3A_323 = arith.index_cast %add3A_315 : i32 to index
      %get3A_324 = arith.constant 16 : index
      %get3A_325 = tpu.vector_load %arg12[%get3A_323, %get3A_324] {strides = array<i32>} : memref<256x64xf32, #tpu.memory_space<vmem>>, vector<16xf32>,
      %get3A_326 = arith.index_cast %add3A_315 : i32 to index
      %get3A_327 = arith.constant 16 : index
      %get3A_328 = tpu.vector_load %arg13[%get3A_326, %get3A_327] {strides = array<i32>} : memref<256x64xf32, #tpu.memory_space<vmem>>, vector<16xf32>,
      %mul3A_329 = arith.mulf %get3A_325, %get3A_328 : vector<16xf32>
      %get3A_330 = arith.index_cast %add3A_315 : i32 to index
      %get3A_331 = arith.constant 32 : index
      %get3A_332 = tpu.vector_load %arg12[%get3A_330, %get3A_331] {strides = array<i32>} : memref<256x64xf32, #tpu.memory_space<vmem>>, vector<16xf32>,
      %get3A_333 = arith.index_cast %add3A_315 : i32 to index
      %get3A_334 = arith.constant 32 : index
      %get3A_335 = tpu.vector_load %arg13[%get3A_333, %get3A_334] {strides = array<i32>} : memref<256x64xf32, #tpu.memory_space<vmem>>, vector<16xf32>,
      %mul3A_336 = arith.mulf %get3A_332, %get3A_335 : vector<16xf32>
      %get3A_337 = arith.index_cast %add3A_315 : i32 to index
      %get3A_338 = arith.constant 48 : index
      %get3A_339 = tpu.vector_load %arg12[%get3A_337, %get3A_338] {strides = array<i32>} : memref<256x64xf32, #tpu.memory_space<vmem>>, vector<16xf32>,
      %get3A_340 = arith.index_cast %add3A_315 : i32 to index
      %get3A_341 = arith.constant 48 : index
      %get3A_342 = tpu.vector_load %arg13[%get3A_340, %get3A_341] {strides = array<i32>} : memref<256x64xf32, #tpu.memory_space<vmem>>, vector<16xf32>,
      %mul3A_343 = arith.mulf %get3A_339, %get3A_342 : vector<16xf32>
      %add3A_344 = arith.addf %mul3A_322, %mul3A_329 : vector<16xf32>
      %add3A_345 = arith.addf %mul3A_336, %mul3A_343 : vector<16xf32>
      %add3A_346 = arith.addf %add3A_344, %add3A_345 : vector<16xf32>
      %mul3A_347 = arith.constant 16 : i32
      %mul3A_348 = arith.muli %add3A_315, %mul3A_347 : i32
      %swap3A_349 = arith.index_cast %mul3A_348 : i32 to index
      %swap3A_350 = tpu.vector_load %arg14[%swap3A_349] {strides = array<i32>} : memref<4096xf32, #tpu.memory_space<vmem>>, vector<16xf32>,
      tpu.vector_store %arg14[%swap3A_349], %add3A_346 {strides = array<i32>} : memref<4096xf32, #tpu.memory_space<vmem>>, vector<16xf32>,
      %mul3A_351 = arith.constant 4 : i32
      %mul3A_352 = arith.muli %scan3A_272, %mul3A_351 : i32
      %add3A_353 = arith.constant 2 : i32
      %add3A_354 = arith.addi %mul3A_352, %add3A_353 : i32
      %get3A_355 = arith.index_cast %add3A_354 : i32 to index
      %get3A_356 = arith.constant 0 : index
      %get3A_357 = tpu.vector_load %arg12[%get3A_355, %get3A_356] {strides = array<i32>} : memref<256x64xf32, #tpu.memory_space<vmem>>, vector<16xf32>,
      %get3A_358 = arith.index_cast %add3A_354 : i32 to index
      %get3A_359 = arith.constant 0 : index
      %get3A_360 = tpu.vector_load %arg13[%get3A_358, %get3A_359] {strides = array<i32>} : memref<256x64xf32, #tpu.memory_space<vmem>>, vector<16xf32>,
      %mul3A_361 = arith.mulf %get3A_357, %get3A_360 : vector<16xf32>
      %get3A_362 = arith.index_cast %add3A_354 : i32 to index
      %get3A_363 = arith.constant 16 : index
      %get3A_364 = tpu.vector_load %arg12[%get3A_362, %get3A_363] {strides = array<i32>} : memref<256x64xf32, #tpu.memory_space<vmem>>, vector<16xf32>,
      %get3A_365 = arith.index_cast %add3A_354 : i32 to index
      %get3A_366 = arith.constant 16 : index
      %get3A_367 = tpu.vector_load %arg13[%get3A_365, %get3A_366] {strides = array<i32>} : memref<256x64xf32, #tpu.memory_space<vmem>>, vector<16xf32>,
      %mul3A_368 = arith.mulf %get3A_364, %get3A_367 : vector<16xf32>
      %get3A_369 = arith.index_cast %add3A_354 : i32 to index
      %get3A_370 = arith.constant 32 : index
      %get3A_371 = tpu.vector_load %arg12[%get3A_369, %get3A_370] {strides = array<i32>} : memref<256x64xf32, #tpu.memory_space<vmem>>, vector<16xf32>,
      %get3A_372 = arith.index_cast %add3A_354 : i32 to index
      %get3A_373 = arith.constant 32 : index
      %get3A_374 = tpu.vector_load %arg13[%get3A_372, %get3A_373] {strides = array<i32>} : memref<256x64xf32, #tpu.memory_space<vmem>>, vector<16xf32>,
      %mul3A_375 = arith.mulf %get3A_371, %get3A_374 : vector<16xf32>
      %get3A_376 = arith.index_cast %add3A_354 : i32 to index
      %get3A_377 = arith.constant 48 : index
      %get3A_378 = tpu.vector_load %arg12[%get3A_376, %get3A_377] {strides = array<i32>} : memref<256x64xf32, #tpu.memory_space<vmem>>, vector<16xf32>,
      %get3A_379 = arith.index_cast %add3A_354 : i32 to index
      %get3A_380 = arith.constant 48 : index
      %get3A_381 = tpu.vector_load %arg13[%get3A_379, %get3A_380] {strides = array<i32>} : memref<256x64xf32, #tpu.memory_space<vmem>>, vector<16xf32>,
      %mul3A_382 = arith.mulf %get3A_378, %get3A_381 : vector<16xf32>
      %add3A_383 = arith.addf %mul3A_361, %mul3A_368 : vector<16xf32>
      %add3A_384 = arith.addf %mul3A_375, %mul3A_382 : vector<16xf32>
      %add3A_385 = arith.addf %add3A_383, %add3A_384 : vector<16xf32>
      %mul3A_386 = arith.constant 16 : i32
      %mul3A_387 = arith.muli %add3A_354, %mul3A_386 : i32
      %swap3A_388 = arith.index_cast %mul3A_387 : i32 to index
      %swap3A_389 = tpu.vector_load %arg14[%swap3A_388] {strides = array<i32>} : memref<4096xf32, #tpu.memory_space<vmem>>, vector<16xf32>,
      tpu.vector_store %arg14[%swap3A_388], %add3A_385 {strides = array<i32>} : memref<4096xf32, #tpu.memory_space<vmem>>, vector<16xf32>,
      %mul3A_390 = arith.constant 4 : i32
      %mul3A_391 = arith.muli %scan3A_272, %mul3A_390 : i32
      %add3A_392 = arith.constant 3 : i32
      %add3A_393 = arith.addi %mul3A_391, %add3A_392 : i32
      %get3A_394 = arith.index_cast %add3A_393 : i32 to index
      %get3A_395 = arith.constant 0 : index
      %get3A_396 = tpu.vector_load %arg12[%get3A_394, %get3A_395] {strides = array<i32>} : memref<256x64xf32, #tpu.memory_space<vmem>>, vector<16xf32>,
      %get3A_397 = arith.index_cast %add3A_393 : i32 to index
      %get3A_398 = arith.constant 0 : index
      %get3A_399 = tpu.vector_load %arg13[%get3A_397, %get3A_398] {strides = array<i32>} : memref<256x64xf32, #tpu.memory_space<vmem>>, vector<16xf32>,
      %mul3A_400 = arith.mulf %get3A_396, %get3A_399 : vector<16xf32>
      %get3A_401 = arith.index_cast %add3A_393 : i32 to index
      %get3A_402 = arith.constant 16 : index
      %get3A_403 = tpu.vector_load %arg12[%get3A_401, %get3A_402] {strides = array<i32>} : memref<256x64xf32, #tpu.memory_space<vmem>>, vector<16xf32>,
      %get3A_404 = arith.index_cast %add3A_393 : i32 to index
      %get3A_405 = arith.constant 16 : index
      %get3A_406 = tpu.vector_load %arg13[%get3A_404, %get3A_405] {strides = array<i32>} : memref<256x64xf32, #tpu.memory_space<vmem>>, vector<16xf32>,
      %mul3A_407 = arith.mulf %get3A_403, %get3A_406 : vector<16xf32>
      %get3A_408 = arith.index_cast %add3A_393 : i32 to index
      %get3A_409 = arith.constant 32 : index
      %get3A_410 = tpu.vector_load %arg12[%get3A_408, %get3A_409] {strides = array<i32>} : memref<256x64xf32, #tpu.memory_space<vmem>>, vector<16xf32>,
      %get3A_411 = arith.index_cast %add3A_393 : i32 to index
      %get3A_412 = arith.constant 32 : index
      %get3A_413 = tpu.vector_load %arg13[%get3A_411, %get3A_412] {strides = array<i32>} : memref<256x64xf32, #tpu.memory_space<vmem>>, vector<16xf32>,
      %mul3A_414 = arith.mulf %get3A_410, %get3A_413 : vector<16xf32>
      %get3A_415 = arith.index_cast %add3A_393 : i32 to index
      %get3A_416 = arith.constant 48 : index
      %get3A_417 = tpu.vector_load %arg12[%get3A_415, %get3A_416] {strides = array<i32>} : memref<256x64xf32, #tpu.memory_space<vmem>>, vector<16xf32>,
      %get3A_418 = arith.index_cast %add3A_393 : i32 to index
      %get3A_419 = arith.constant 48 : index
      %get3A_420 = tpu.vector_load %arg13[%get3A_418, %get3A_419] {strides = array<i32>} : memref<256x64xf32, #tpu.memory_space<vmem>>, vector<16xf32>,
      %mul3A_421 = arith.mulf %get3A_417, %get3A_420 : vector<16xf32>
      %add3A_422 = arith.addf %mul3A_400, %mul3A_407 : vector<16xf32>
      %add3A_423 = arith.addf %mul3A_414, %mul3A_421 : vector<16xf32>
      %add3A_424 = arith.addf %add3A_422, %add3A_423 : vector<16xf32>
      %mul3A_425 = arith.constant 16 : i32
      %mul3A_426 = arith.muli %add3A_393, %mul3A_425 : i32
      %swap3A_427 = arith.index_cast %mul3A_426 : i32 to index
      %swap3A_428 = tpu.vector_load %arg14[%swap3A_427] {strides = array<i32>} : memref<4096xf32, #tpu.memory_space<vmem>>, vector<16xf32>,
      tpu.vector_store %arg14[%swap3A_427], %add3A_424 {strides = array<i32>} : memref<4096xf32, #tpu.memory_space<vmem>>, vector<16xf32>,
      %scan3A_429 = arith.constant 0 : i32
      scf.yield %scan3A_429 : i32
    }
    %scan3A_258 = arith.constant 64 : i32
    %scan3A_259 = arith.constant 0 : i32
    %scan3A_260 = arith.constant 16 : i32
    %scan3A_261 = arith.addi %scan3A_259, %scan3A_260 : i32
    %scan3A_262 = arith.constant 1 : i32
    %scan3A_263:2 = scf.for %scan3A_272 = %scan3A_259 to %scan3A_261 step %scan3A_262 iter_args(%scan3A_273 = %scan3A_240#0, %scan3A_274 = %scan3A_240#1) -> (vector<16xf32>, vector<16xf32>)  : i32 {
      %mul3A_275 = arith.constant 16 : i32
      %mul3A_276 = arith.muli %scan3A_272, %mul3A_275 : i32
      %add3A_277 = vector.broadcast %mul3A_276 : i32 to vector<16xi32>
      %add3A_278 = arith.addi %add3A_277, %iota3A : vector<16xi32>
      %mul3A_279 = arith.constant 16 : i32
      %mul3A_280 = vector.broadcast %mul3A_279 : i32 to vector<16xi32>
      %mul3A_281 = arith.muli %add3A_278, %mul3A_280 : vector<16xi32>
      %add3A_282 = arith.constant 0 : i32
      %add3A_283 = vector.broadcast %add3A_282 : i32 to vector<16xi32>
      %add3A_284 = arith.addi %mul3A_281, %add3A_283 : vector<16xi32>
      %gather3A = tpu.vector_load_idx %arg14[%add3A_284] : memref<4096xf32, #tpu.memory_space<vmem>>[vector<16xi32>], vector<16xf32>,
      %add3A_285 = arith.addf %broadcast_in_dim3A_3, %gather3A : vector<16xf32>
      %add3A_286 = arith.constant 1 : i32
      %add3A_287 = vector.broadcast %add3A_286 : i32 to vector<16xi32>
      %add3A_288 = arith.addi %mul3A_281, %add3A_287 : vector<16xi32>
      %gather3A_289 = tpu.vector_load_idx %arg14[%add3A_288] : memref<4096xf32, #tpu.memory_space<vmem>>[vector<16xi32>], vector<16xf32>,
      %add3A_290 = arith.addf %add3A_285, %gather3A_289 : vector<16xf32>
      %add3A_291 = arith.constant 2 : i32
      %add3A_292 = vector.broadcast %add3A_291 : i32 to vector<16xi32>
      %add3A_293 = arith.addi %mul3A_281, %add3A_292 : vector<16xi32>
      %gather3A_294 = tpu.vector_load_idx %arg14[%add3A_293] : memref<4096xf32, #tpu.memory_space<vmem>>[vector<16xi32>], vector<16xf32>,
      %add3A_295 = arith.addf %add3A_290, %gather3A_294 : vector<16xf32>
      %add3A_296 = arith.constant 3 : i32
      %add3A_297 = vector.broadcast %add3A_296 : i32 to vector<16xi32>
      %add3A_298 = arith.addi %mul3A_281, %add3A_297 : vector<16xi32>
      %gather3A_299 = tpu.vector_load_idx %arg14[%add3A_298] : memref<4096xf32, #tpu.memory_space<vmem>>[vector<16xi32>], vector<16xf32>,
      %add3A_300 = arith.addf %add3A_295, %gather3A_299 : vector<16xf32>
      %add3A_301 = arith.constant 4 : i32
      %add3A_302 = vector.broadcast %add3A_301 : i32 to vector<16xi32>
      %add3A_303 = arith.addi %mul3A_281, %add3A_302 : vector<16xi32>
      %gather3A_304 = tpu.vector_load_idx %arg14[%add3A_303] : memref<4096xf32, #tpu.memory_space<vmem>>[vector<16xi32>], vector<16xf32>,
      %add3A_305 = arith.addf %add3A_300, %gather3A_304 : vector<16xf32>
      %add3A_306 = arith.constant 5 : i32
      %add3A_307 = vector.broadcast %add3A_306 : i32 to vector<16xi32>
      %add3A_308 = arith.addi %mul3A_281, %add3A_307 : vector<16xi32>
      %gather3A_309 = tpu.vector_load_idx %arg14[%add3A_308] : memref<4096xf32, #tpu.memory_space<vmem>>[vector<16xi32>], vector<16xf32>,
      %add3A_310 = arith.addf %add3A_305, %gather3A_309 : vector<16xf32>
      %add3A_311 = arith.constant 6 : i32
      %add3A_312 = vector.broadcast %add3A_311 : i32 to vector<16xi32>
      %add3A_313 = arith.addi %mul3A_281, %add3A_312 : vector<16xi32>
      %gather3A_314 = tpu.vector_load_idx %arg14[%add3A_313] : memref<4096xf32, #tpu.memory_space<vmem>>[vector<16xi32>], vector<16xf32>,
      %add3A_315 = arith.addf %add3A_310, %gather3A_314 : vector<16xf32>
      %add3A_316 = arith.constant 7 : i32
      %add3A_317 = vector.broadcast %add3A_316 : i32 to vector<16xi32>
      %add3A_318 = arith.addi %mul3A_281, %add3A_317 : vector<16xi32>
      %gather3A_319 = tpu.vector_load_idx %arg14[%add3A_318] : memref<4096xf32, #tpu.memory_space<vmem>>[vector<16xi32>], vector<16xf32>,
      %add3A_320 = arith.addf %add3A_315, %gather3A_319 : vector<16xf32>
      %add3A_321 = arith.constant 8 : i32
      %add3A_322 = vector.broadcast %add3A_321 : i32 to vector<16xi32>
      %add3A_323 = arith.addi %mul3A_281, %add3A_322 : vector<16xi32>
      %gather3A_324 = tpu.vector_load_idx %arg14[%add3A_323] : memref<4096xf32, #tpu.memory_space<vmem>>[vector<16xi32>], vector<16xf32>,
      %add3A_325 = arith.addf %add3A_320, %gather3A_324 : vector<16xf32>
      %add3A_326 = arith.constant 9 : i32
      %add3A_327 = vector.broadcast %add3A_326 : i32 to vector<16xi32>
      %add3A_328 = arith.addi %mul3A_281, %add3A_327 : vector<16xi32>
      %gather3A_329 = tpu.vector_load_idx %arg14[%add3A_328] : memref<4096xf32, #tpu.memory_space<vmem>>[vector<16xi32>], vector<16xf32>,
      %add3A_330 = arith.addf %add3A_325, %gather3A_329 : vector<16xf32>
      %add3A_331 = arith.constant 10 : i32
      %add3A_332 = vector.broadcast %add3A_331 : i32 to vector<16xi32>
      %add3A_333 = arith.addi %mul3A_281, %add3A_332 : vector<16xi32>
      %gather3A_334 = tpu.vector_load_idx %arg14[%add3A_333] : memref<4096xf32, #tpu.memory_space<vmem>>[vector<16xi32>], vector<16xf32>,
      %add3A_335 = arith.addf %add3A_330, %gather3A_334 : vector<16xf32>
      %add3A_336 = arith.constant 11 : i32
      %add3A_337 = vector.broadcast %add3A_336 : i32 to vector<16xi32>
      %add3A_338 = arith.addi %mul3A_281, %add3A_337 : vector<16xi32>
      %gather3A_339 = tpu.vector_load_idx %arg14[%add3A_338] : memref<4096xf32, #tpu.memory_space<vmem>>[vector<16xi32>], vector<16xf32>,
      %add3A_340 = arith.addf %add3A_335, %gather3A_339 : vector<16xf32>
      %add3A_341 = arith.constant 12 : i32
      %add3A_342 = vector.broadcast %add3A_341 : i32 to vector<16xi32>
      %add3A_343 = arith.addi %mul3A_281, %add3A_342 : vector<16xi32>
      %gather3A_344 = tpu.vector_load_idx %arg14[%add3A_343] : memref<4096xf32, #tpu.memory_space<vmem>>[vector<16xi32>], vector<16xf32>,
      %add3A_345 = arith.addf %add3A_340, %gather3A_344 : vector<16xf32>
      %add3A_346 = arith.constant 13 : i32
      %add3A_347 = vector.broadcast %add3A_346 : i32 to vector<16xi32>
      %add3A_348 = arith.addi %mul3A_281, %add3A_347 : vector<16xi32>
      %gather3A_349 = tpu.vector_load_idx %arg14[%add3A_348] : memref<4096xf32, #tpu.memory_space<vmem>>[vector<16xi32>], vector<16xf32>,
      %add3A_350 = arith.addf %add3A_345, %gather3A_349 : vector<16xf32>
      %add3A_351 = arith.constant 14 : i32
      %add3A_352 = vector.broadcast %add3A_351 : i32 to vector<16xi32>
      %add3A_353 = arith.addi %mul3A_281, %add3A_352 : vector<16xi32>
      %gather3A_354 = tpu.vector_load_idx %arg14[%add3A_353] : memref<4096xf32, #tpu.memory_space<vmem>>[vector<16xi32>], vector<16xf32>,
      %add3A_355 = arith.addf %add3A_350, %gather3A_354 : vector<16xf32>
      %add3A_356 = arith.constant 15 : i32
      %add3A_357 = vector.broadcast %add3A_356 : i32 to vector<16xi32>
      %add3A_358 = arith.addi %mul3A_281, %add3A_357 : vector<16xi32>
      %gather3A_359 = tpu.vector_load_idx %arg14[%add3A_358] : memref<4096xf32, #tpu.memory_space<vmem>>[vector<16xi32>], vector<16xf32>,
      %add3A_360 = arith.addf %add3A_355, %gather3A_359 : vector<16xf32>
      %mul3A_361 = arith.constant 16 : i32
      %mul3A_362 = arith.muli %scan3A_272, %mul3A_361 : i32
      %add3A_363 = arith.constant 1792 : i32
      %add3A_364 = arith.addi %add3A_363, %mul3A_362 : i32
      %get3A = arith.index_cast %add3A_364 : i32 to index
      %get3A_365 = tpu.vector_load %arg9[%get3A] {strides = array<i32>} : memref<2048xf32, #tpu.memory_space<vmem>>, vector<16xf32>,
      %mul3A_366 = arith.mulf %get3A_365, %add3A_360 : vector<16xf32>
      %add3A_367 = arith.addf %scan3A_273, %mul3A_366 : vector<16xf32>
      %ge3A = arith.constant 0.000000e+00 : f32
      %ge3A_368 = vector.broadcast %ge3A : f32 to vector<16xf32>
      %ge3A_369 = arith.cmpf oge, %add3A_360, %ge3A_368 : vector<16xf32>
      %jit3A = arith.constant 1.000000e+00 : f32
      %jit3A_370 = arith.constant -1.000000e+00 : f32
      %broadcast_in_dim3A_371 = vector.broadcast %jit3A : f32 to vector<16xf32>
      %broadcast_in_dim3A_372 = vector.broadcast %jit3A_370 : f32 to vector<16xf32>
      %select_n3A = arith.select %ge3A_369, %broadcast_in_dim3A_371, %broadcast_in_dim3A_372 : vector<16xi1>, vector<16xf32>
      %add3A_373 = arith.addf %scan3A_274, %select_n3A : vector<16xf32>
      scf.yield %add3A_367, %add3A_373 : vector<16xf32>, vector<16xf32>
    }
    %scan3A_264 = arith.constant 16 : i32
    %swap3A = arith.constant 0 : i32
    %swap3A_265 = arith.index_cast %swap3A : i32 to index
    %swap3A_266 = arith.constant 0 : index
    %swap3A_267 = tpu.vector_load %arg15[%swap3A_265, %swap3A_266] {strides = array<i32>} : memref<2x16xf32, #tpu.memory_space<vmem>>, vector<16xf32>,
    tpu.vector_store %arg15[%swap3A_265, %swap3A_266], %scan3A_263#0 {strides = array<i32>} : memref<2x16xf32, #tpu.memory_space<vmem>>, vector<16xf32>,
    %swap3A_268 = arith.constant 1 : i32
    %swap3A_269 = arith.index_cast %swap3A_268 : i32 to index
    %swap3A_270 = arith.constant 0 : index
    %swap3A_271 = tpu.vector_load %arg15[%swap3A_269, %swap3A_270] {strides = array<i32>} : memref<2x16xf32, #tpu.memory_space<vmem>>, vector<16xf32>,
    tpu.vector_store %arg15[%swap3A_269, %swap3A_270], %scan3A_263#1 {strides = array<i32>} : memref<2x16xf32, #tpu.memory_space<vmem>>, vector<16xf32>,
    "tpu.region"() ({
      %run_scoped3A = tpu.sem_alloc : memref<!tpu.dma_semaphore, #tpu.memory_space<semaphore_mem>>
      %dma_start3A_272 = arith.constant 0 : i32
      %dma_start3A_273 = arith.constant 0 : i32
      %dma_start3A_274 = tpu.memref_slice %arg6[%add3A, %dma_start3A_272, %dma_start3A_273] : memref<32x2x16xf32, #tpu.memory_space<hbm>> -> memref<1x2x16xf32, #tpu.memory_space<hbm>>
      %dma_start3A_275 = tpu.memref_squeeze %dma_start3A_274 : memref<1x2x16xf32, #tpu.memory_space<hbm>> -> memref<2x16xf32, #tpu.memory_space<hbm>>
      %dma_start3A_276 = arith.constant 0 : i32
      %dma_start3A_277 = arith.constant 0 : i32
      %dma_start3A_278 = tpu.memref_slice %arg6[%add3A, %dma_start3A_276, %dma_start3A_277] : memref<32x2x16xf32, #tpu.memory_space<hbm>> -> memref<1x2x16xf32, #tpu.memory_space<hbm>>
      %dma_start3A_279 = tpu.memref_squeeze %dma_start3A_278 : memref<1x2x16xf32, #tpu.memory_space<hbm>> -> memref<2x16xf32, #tpu.memory_space<hbm>>
      tpu.enqueue_dma source(%arg15 : memref<2x16xf32, #tpu.memory_space<vmem>>) target(%dma_start3A_279 : memref<2x16xf32, #tpu.memory_space<hbm>>) target_semaphore(%run_scoped3A : memref<!tpu.dma_semaphore, #tpu.memory_space<semaphore_mem>>)
      %dma_wait3A_280 = arith.constant 0 : i32
      %dma_wait3A_281 = arith.constant 0 : i32
      %dma_wait3A_282 = tpu.memref_slice %arg6[%add3A, %dma_wait3A_280, %dma_wait3A_281] : memref<32x2x16xf32, #tpu.memory_space<hbm>> -> memref<1x2x16xf32, #tpu.memory_space<hbm>>
      %dma_wait3A_283 = tpu.memref_squeeze %dma_wait3A_282 : memref<1x2x16xf32, #tpu.memory_space<hbm>> -> memref<2x16xf32, #tpu.memory_space<hbm>>
      %dma_wait3A_284 = arith.constant 0 : i32
      %dma_wait3A_285 = arith.constant 0 : i32
      %dma_wait3A_286 = tpu.memref_slice %arg6[%add3A, %dma_wait3A_284, %dma_wait3A_285] : memref<32x2x16xf32, #tpu.memory_space<hbm>> -> memref<1x2x16xf32, #tpu.memory_space<hbm>>
      %dma_wait3A_287 = tpu.memref_squeeze %dma_wait3A_286 : memref<1x2x16xf32, #tpu.memory_space<hbm>> -> memref<2x16xf32, #tpu.memory_space<hbm>>
      tpu.wait_dma2 semaphore(%run_scoped3A : memref<!tpu.dma_semaphore, #tpu.memory_space<semaphore_mem>>) src(%arg15 : memref<2x16xf32, #tpu.memory_space<vmem>>) dst(%dma_wait3A_287 : memref<2x16xf32, #tpu.memory_space<hbm>>)
      tpu.yield
    }) : () -> ()
    return
  }
}

module attributes {stable_mosaic.version = 14 : i64} {
  func.func @_matmul_bf16_kernel(%arg0: i32, %arg1: memref<512x256xf32, #tpu.memory_space<vmem>>, %arg2: memref<256x128xf32, #tpu.memory_space<vmem>>, %arg3: memref<512x128xbf16, #tpu.memory_space<vmem>>) attributes {dimension_semantics = [#tpu.dimension_semantics<arbitrary>], iteration_bounds = array<i64: 8>, scalar_prefetch = 0 : i64, scratch_operands = 0 : i64, tpu.core_type = #tpu.core_type<tc>, window_params = [{transform_indices = @transform_0, window_bounds = array<i64: 512, 256>}, {pipeline_mode = #tpu.pipeline_mode<synchronous>, transform_indices = @transform_1, window_bounds = array<i64: 256, 128>}, {transform_indices = @transform_2, window_bounds = array<i64: 512, 128>}]} {
    %get3A = arith.constant 0 : index
    %get3A_0 = arith.constant 0 : index
    %get3A_1 = vector.load %arg1[%get3A, %get3A_0] : memref<512x256xf32, #tpu.memory_space<vmem>>, vector<512x256xf32>
    %get3A_2 = arith.constant 0 : index
    %get3A_3 = arith.constant 0 : index
    %get3A_4 = vector.load %arg2[%get3A_2, %get3A_3] : memref<256x128xf32, #tpu.memory_space<vmem>>, vector<256x128xf32>
    %dot_general3A = arith.constant dense<0.000000e+00> : vector<512x128xf32>
    %dot_general3A_5 = tpu.matmul %get3A_1, %get3A_4, %dot_general3A {dimension_numbers = #tpu.dot_dimension_numbers<[1], [0], [0], [1], [0, 0, 1, 1], [], []>, transpose_lhs_hint = false} : vector<512x256xf32>, vector<256x128xf32>, vector<512x128xf32> -> vector<512x128xf32>
    %convert_element_type3A = arith.truncf %dot_general3A_5 : vector<512x128xf32> to vector<512x128xbf16>
    %swap3A = arith.constant 0 : index
    %swap3A_6 = arith.constant 0 : index
    %swap3A_7 = vector.load %arg3[%swap3A, %swap3A_6] : memref<512x128xbf16, #tpu.memory_space<vmem>>, vector<512x128xbf16>
    tpu.vector_store %arg3[%swap3A, %swap3A_6], %convert_element_type3A {strides = array<i32>} : memref<512x128xbf16, #tpu.memory_space<vmem>>, vector<512x128xbf16>,
    return
  }
  func.func @transform_0(%arg0: i32) -> (i32, i32) {
    %c0_i32 = arith.constant 0 : i32
    %c0_i32_0 = arith.constant 0 : i32
    return %arg0, %c0_i32 : i32, i32
  }
  func.func @transform_1(%arg0: i32) -> (i32, i32) {
    %c0_i32 = arith.constant 0 : i32
    %c0_i32_0 = arith.constant 0 : i32
    %c0_i32_1 = arith.constant 0 : i32
    return %c0_i32, %c0_i32_0 : i32, i32
  }
  func.func @transform_2(%arg0: i32) -> (i32, i32) {
    %c0_i32 = arith.constant 0 : i32
    %c0_i32_0 = arith.constant 0 : i32
    return %arg0, %c0_i32 : i32, i32
  }
}

module attributes {stable_mosaic.version = 14 : i64} {
  func.func @_gcn_kernel(%arg0: i32, %arg1: memref<512x4096xf32, #tpu.memory_space<vmem>>, %arg2: memref<4096x128xbf16, #tpu.memory_space<vmem>>, %arg3: memref<128x128xf32, #tpu.memory_space<vmem>>, %arg4: memref<512x64xf32, #tpu.memory_space<vmem>>, %arg5: memref<512x64xf32, #tpu.memory_space<vmem>>, %arg6: memref<512x64xf32, #tpu.memory_space<vmem>>, %arg7: memref<512x64xbf16, #tpu.memory_space<vmem>>, %arg8: memref<1x1xf32, #tpu.memory_space<vmem>>, %arg9: memref<4096x4096xbf16, #tpu.memory_space<vmem>>, %arg10: memref<4096x128xf32, #tpu.memory_space<vmem>>, %arg11: memref<4096x128xbf16, #tpu.memory_space<vmem>>, %arg12: memref<512x64xf32, #tpu.memory_space<vmem>>) attributes {dimension_semantics = [#tpu.dimension_semantics<arbitrary>], iteration_bounds = array<i64: 16>, scalar_prefetch = 0 : i64, scratch_operands = 4 : i64, tpu.core_type = #tpu.core_type<tc>, window_params = [{transform_indices = @transform_0, window_bounds = array<i64: 512, 4096>}, {pipeline_mode = #tpu.pipeline_mode<synchronous>, transform_indices = @transform_1, window_bounds = array<i64: 4096, 128>}, {pipeline_mode = #tpu.pipeline_mode<synchronous>, transform_indices = @transform_2, window_bounds = array<i64: 128, 128>}, {transform_indices = @transform_3, window_bounds = array<i64: 512, 64>}, {transform_indices = @transform_4, window_bounds = array<i64: 512, 64>}, {transform_indices = @transform_5, window_bounds = array<i64: 512, 64>}, {transform_indices = @transform_6, window_bounds = array<i64: 512, 64>}, {pipeline_mode = #tpu.pipeline_mode<synchronous>, transform_indices = @transform_7, window_bounds = array<i64: 1, 1>}]} {
    %lt3A = arith.constant 8 : i32
    %lt3A_0 = arith.cmpi slt, %arg0, %lt3A : i32
    %convert_element_type3A = arith.extui %lt3A_0 : i1 to i32
    %cond3A = arith.constant 0 : i32
    %cond3A_1 = arith.cmpi ne, %convert_element_type3A, %cond3A : i32
    scf.if %cond3A_1 {
      %get3A = arith.constant 0 : index
      %get3A_10 = arith.constant 0 : index
      %get3A_11 = vector.load %arg1[%get3A, %get3A_10] : memref<512x4096xf32, #tpu.memory_space<vmem>>, vector<512x4096xf32>
      %convert_element_type3A_12 = arith.truncf %get3A_11 : vector<512x4096xf32> to vector<512x4096xbf16>
      %get3A_13 = arith.constant 0 : index
      %get3A_14 = arith.constant 0 : index
      %get3A_15 = vector.load %arg2[%get3A_13, %get3A_14] : memref<4096x128xbf16, #tpu.memory_space<vmem>>, vector<4096x128xbf16>
      %dot_general3A = arith.constant dense<0.000000e+00> : vector<512x128xf32>
      %dot_general3A_16 = tpu.matmul %convert_element_type3A_12, %get3A_15, %dot_general3A {dimension_numbers = #tpu.dot_dimension_numbers<[1], [0], [0], [1], [0, 0, 1, 1], [], []>, transpose_lhs_hint = false} : vector<512x4096xbf16>, vector<4096x128xbf16>, vector<512x128xf32> -> vector<512x128xf32>
      %max3A = arith.constant 0.000000e+00 : f32
      %max3A_17 = vector.broadcast %max3A : f32 to vector<512x128xf32>
      %max3A_18 = arith.maximumf %dot_general3A_16, %max3A_17 : vector<512x128xf32>
      %mul3A = arith.constant 512 : i32
      %mul3A_19 = arith.muli %arg0, %mul3A : i32
      %swap3A = arith.index_cast %mul3A_19 : i32 to index
      %swap3A_20 = arith.constant 0 : index
      %swap3A_21 = vector.load %arg10[%swap3A, %swap3A_20] : memref<4096x128xf32, #tpu.memory_space<vmem>>, vector<512x128xf32>
      tpu.vector_store %arg10[%swap3A, %swap3A_20], %max3A_18 {strides = array<i32>} : memref<4096x128xf32, #tpu.memory_space<vmem>>, vector<512x128xf32>,
      %mul3A_22 = arith.constant 512 : i32
      %mul3A_23 = arith.muli %arg0, %mul3A_22 : i32
      %swap3A_24 = arith.index_cast %mul3A_23 : i32 to index
      %swap3A_25 = arith.constant 0 : index
      %swap3A_26 = vector.load %arg9[%swap3A_24, %swap3A_25] : memref<4096x4096xbf16, #tpu.memory_space<vmem>>, vector<512x4096xbf16>
      tpu.vector_store %arg9[%swap3A_24, %swap3A_25], %convert_element_type3A_12 {strides = array<i32>} : memref<4096x4096xbf16, #tpu.memory_space<vmem>>, vector<512x4096xbf16>,
    } else {
    }
    %eq3A = arith.constant 8 : i32
    %eq3A_2 = arith.cmpi eq, %arg0, %eq3A : i32
    %convert_element_type3A_3 = arith.extui %eq3A_2 : i1 to i32
    %cond3A_4 = arith.constant 0 : i32
    %cond3A_5 = arith.cmpi ne, %convert_element_type3A_3, %cond3A_4 : i32
    scf.if %cond3A_5 {
      %get3A = arith.constant 0 : index
      %get3A_10 = arith.constant 0 : index
      %get3A_11 = vector.load %arg10[%get3A, %get3A_10] : memref<4096x128xf32, #tpu.memory_space<vmem>>, vector<4096x128xf32>
      %get3A_12 = arith.constant 0 : index
      %get3A_13 = arith.constant 0 : index
      %get3A_14 = vector.load %arg3[%get3A_12, %get3A_13] : memref<128x128xf32, #tpu.memory_space<vmem>>, vector<128x128xf32>
      %dot_general3A = arith.constant dense<0.000000e+00> : vector<4096x128xf32>
      %dot_general3A_15 = tpu.matmul %get3A_11, %get3A_14, %dot_general3A {dimension_numbers = #tpu.dot_dimension_numbers<[1], [0], [0], [1], [0, 0, 1, 1], [], []>, transpose_lhs_hint = false} : vector<4096x128xf32>, vector<128x128xf32>, vector<4096x128xf32> -> vector<4096x128xf32>
      %convert_element_type3A_16 = arith.truncf %dot_general3A_15 : vector<4096x128xf32> to vector<4096x128xbf16>
      %swap3A = arith.constant 0 : index
      %swap3A_17 = arith.constant 0 : index
      %swap3A_18 = vector.load %arg11[%swap3A, %swap3A_17] : memref<4096x128xbf16, #tpu.memory_space<vmem>>, vector<4096x128xbf16>
      tpu.vector_store %arg11[%swap3A, %swap3A_17], %convert_element_type3A_16 {strides = array<i32>} : memref<4096x128xbf16, #tpu.memory_space<vmem>>, vector<4096x128xbf16>,
    } else {
    }
    %ge3A = arith.constant 8 : i32
    %ge3A_6 = arith.cmpi sge, %arg0, %ge3A : i32
    %convert_element_type3A_7 = arith.extui %ge3A_6 : i1 to i32
    %cond3A_8 = arith.constant 0 : i32
    %cond3A_9 = arith.cmpi ne, %convert_element_type3A_7, %cond3A_8 : i32
    scf.if %cond3A_9 {
      %sub3A = arith.constant 8 : i32
      %sub3A_10 = arith.subi %arg0, %sub3A : i32
      %max3A = arith.constant 0 : i32
      %max3A_11 = arith.maxsi %sub3A_10, %max3A : i32
      %mul3A = arith.constant 512 : i32
      %mul3A_12 = arith.muli %max3A_11, %mul3A : i32
      %get3A = arith.index_cast %mul3A_12 : i32 to index
      %get3A_13 = arith.constant 0 : index
      %get3A_14 = vector.load %arg9[%get3A, %get3A_13] : memref<4096x4096xbf16, #tpu.memory_space<vmem>>, vector<512x4096xbf16>
      %get3A_15 = arith.constant 0 : index
      %get3A_16 = arith.constant 0 : index
      %get3A_17 = vector.load %arg11[%get3A_15, %get3A_16] : memref<4096x128xbf16, #tpu.memory_space<vmem>>, vector<4096x128xbf16>
      %dot_general3A = arith.constant dense<0.000000e+00> : vector<512x128xf32>
      %dot_general3A_18 = tpu.matmul %get3A_14, %get3A_17, %dot_general3A {dimension_numbers = #tpu.dot_dimension_numbers<[1], [0], [0], [1], [0, 0, 1, 1], [], []>, transpose_lhs_hint = false} : vector<512x4096xbf16>, vector<4096x128xbf16>, vector<512x128xf32> -> vector<512x128xf32>
      %slice3A = vector.extract_strided_slice %dot_general3A_18 {offsets = [0, 0], sizes = [512, 64], strides = [1, 1]} : vector<512x128xf32> to vector<512x64xf32>
      %slice3A_19 = vector.extract_strided_slice %dot_general3A_18 {offsets = [0, 64], sizes = [512, 64], strides = [1, 1]} : vector<512x128xf32> to vector<512x64xf32>
      %exp3A = math.exp %slice3A_19 : vector<512x64xf32>
      %get3A_20 = arith.constant 0 : index
      %get3A_21 = arith.constant 0 : index
      %get3A_22 = vector.load %arg4[%get3A_20, %get3A_21] : memref<512x64xf32, #tpu.memory_space<vmem>>, vector<512x64xf32>
      %mul3A_23 = arith.mulf %get3A_22, %exp3A : vector<512x64xf32>
      %add3A = arith.addf %slice3A, %mul3A_23 : vector<512x64xf32>
      %swap3A = arith.constant 0 : index
      %swap3A_24 = arith.constant 0 : index
      %swap3A_25 = vector.load %arg5[%swap3A, %swap3A_24] : memref<512x64xf32, #tpu.memory_space<vmem>>, vector<512x64xf32>
      tpu.vector_store %arg5[%swap3A, %swap3A_24], %slice3A {strides = array<i32>} : memref<512x64xf32, #tpu.memory_space<vmem>>, vector<512x64xf32>,
      %swap3A_26 = arith.constant 0 : index
      %swap3A_27 = arith.constant 0 : index
      %swap3A_28 = vector.load %arg6[%swap3A_26, %swap3A_27] : memref<512x64xf32, #tpu.memory_space<vmem>>, vector<512x64xf32>
      tpu.vector_store %arg6[%swap3A_26, %swap3A_27], %add3A {strides = array<i32>} : memref<512x64xf32, #tpu.memory_space<vmem>>, vector<512x64xf32>,
      %convert_element_type3A_29 = arith.truncf %add3A : vector<512x64xf32> to vector<512x64xbf16>
      %swap3A_30 = arith.constant 0 : index
      %swap3A_31 = arith.constant 0 : index
      %swap3A_32 = vector.load %arg7[%swap3A_30, %swap3A_31] : memref<512x64xbf16, #tpu.memory_space<vmem>>, vector<512x64xbf16>
      tpu.vector_store %arg7[%swap3A_30, %swap3A_31], %convert_element_type3A_29 {strides = array<i32>} : memref<512x64xbf16, #tpu.memory_space<vmem>>, vector<512x64xbf16>,
      %mul3A_33 = arith.constant 2.000000e+00 : f32
      %mul3A_34 = vector.broadcast %mul3A_33 : f32 to vector<512x64xf32>
      %mul3A_35 = arith.mulf %mul3A_34, %slice3A_19 : vector<512x64xf32>
      %add3A_36 = arith.constant 1.000000e+00 : f32
      %add3A_37 = vector.broadcast %add3A_36 : f32 to vector<512x64xf32>
      %add3A_38 = arith.addf %add3A_37, %mul3A_35 : vector<512x64xf32>
      %mul3A_39 = arith.mulf %slice3A, %slice3A : vector<512x64xf32>
      %sub3A_40 = arith.subf %add3A_38, %mul3A_39 : vector<512x64xf32>
      %mul3A_41 = arith.mulf %exp3A, %exp3A : vector<512x64xf32>
      %sub3A_42 = arith.subf %sub3A_40, %mul3A_41 : vector<512x64xf32>
      %eq3A_43 = arith.constant 8 : i32
      %eq3A_44 = arith.cmpi eq, %arg0, %eq3A_43 : i32
      %convert_element_type3A_45 = arith.extui %eq3A_44 : i1 to i32
      %cond3A_46 = arith.constant 0 : i32
      %cond3A_47 = arith.cmpi ne, %convert_element_type3A_45, %cond3A_46 : i32
      scf.if %cond3A_47 {
        %swap3A_57 = arith.constant 0 : index
        %swap3A_58 = arith.constant 0 : index
        %swap3A_59 = vector.load %arg12[%swap3A_57, %swap3A_58] : memref<512x64xf32, #tpu.memory_space<vmem>>, vector<512x64xf32>
        tpu.vector_store %arg12[%swap3A_57, %swap3A_58], %sub3A_42 {strides = array<i32>} : memref<512x64xf32, #tpu.memory_space<vmem>>, vector<512x64xf32>,
      } else {
      }
      %gt3A = arith.constant 8 : i32
      %gt3A_48 = arith.cmpi sgt, %arg0, %gt3A : i32
      %convert_element_type3A_49 = arith.extui %gt3A_48 : i1 to i32
      %cond3A_50 = arith.constant 0 : i32
      %cond3A_51 = arith.cmpi ne, %convert_element_type3A_49, %cond3A_50 : i32
      scf.if %cond3A_51 {
        %get3A_57 = arith.constant 0 : index
        %get3A_58 = arith.constant 0 : index
        %get3A_59 = vector.load %arg12[%get3A_57, %get3A_58] : memref<512x64xf32, #tpu.memory_space<vmem>>, vector<512x64xf32>
        %add3A_60 = arith.addf %get3A_59, %sub3A_42 : vector<512x64xf32>
        %swap3A_61 = arith.constant 0 : index
        %swap3A_62 = arith.constant 0 : index
        %swap3A_63 = vector.load %arg12[%swap3A_61, %swap3A_62] : memref<512x64xf32, #tpu.memory_space<vmem>>, vector<512x64xf32>
        tpu.vector_store %arg12[%swap3A_61, %swap3A_62], %add3A_60 {strides = array<i32>} : memref<512x64xf32, #tpu.memory_space<vmem>>, vector<512x64xf32>,
      } else {
      }
      %eq3A_52 = arith.constant 15 : i32
      %eq3A_53 = arith.cmpi eq, %arg0, %eq3A_52 : i32
      %convert_element_type3A_54 = arith.extui %eq3A_53 : i1 to i32
      %cond3A_55 = arith.constant 0 : i32
      %cond3A_56 = arith.cmpi ne, %convert_element_type3A_54, %cond3A_55 : i32
      scf.if %cond3A_56 {
        %get3A_57 = arith.constant 0 : index
        %get3A_58 = arith.constant 0 : index
        %get3A_59 = vector.load %arg12[%get3A_57, %get3A_58] : memref<512x64xf32, #tpu.memory_space<vmem>>, vector<512x64xf32>
        %reduce_sum3A = vector.shape_cast %get3A_59 : vector<512x64xf32> to vector<1x512x64xf32>
        %reduce_sum3A_60 = arith.constant dense<0.000000e+00> : vector<1xf32>
        %reduce_sum3A_61 = vector.multi_reduction <add>, %reduce_sum3A, %reduce_sum3A_60 [1, 2] : vector<1x512x64xf32> to vector<1xf32>
        %reduce_sum3A_62 = vector.shape_cast %reduce_sum3A_61 : vector<1xf32> to vector<1x1x1xf32>
        %reduce_sum3A_63 = vector.extract %reduce_sum3A_62[0, 0, 0] : f32 from vector<1x1x1xf32>
        %broadcast_in_dim3A = vector.broadcast %reduce_sum3A_63 : f32 to vector<1x1xf32>
        %swap3A_64 = arith.constant 0 : index
        %swap3A_65 = arith.constant 0 : index
        %swap3A_66 = vector.load %arg8[%swap3A_64, %swap3A_65] : memref<1x1xf32, #tpu.memory_space<vmem>>, vector<1x1xf32>
        tpu.vector_store %arg8[%swap3A_64, %swap3A_65], %broadcast_in_dim3A {strides = array<i32>} : memref<1x1xf32, #tpu.memory_space<vmem>>, vector<1x1xf32>,
      } else {
      }
    } else {
    }
    return
  }
  func.func @transform_0(%arg0: i32) -> (i32, i32) {
    %min3A = arith.constant 7 : i32
    %min3A_0 = arith.minsi %arg0, %min3A : i32
    %c0_i32 = arith.constant 0 : i32
    %c0_i32_1 = arith.constant 0 : i32
    return %min3A_0, %c0_i32 : i32, i32
  }
  func.func @transform_1(%arg0: i32) -> (i32, i32) {
    %c0_i32 = arith.constant 0 : i32
    %c0_i32_0 = arith.constant 0 : i32
    %c0_i32_1 = arith.constant 0 : i32
    return %c0_i32, %c0_i32_0 : i32, i32
  }
  func.func @transform_2(%arg0: i32) -> (i32, i32) {
    %c0_i32 = arith.constant 0 : i32
    %c0_i32_0 = arith.constant 0 : i32
    %c0_i32_1 = arith.constant 0 : i32
    return %c0_i32, %c0_i32_0 : i32, i32
  }
  func.func @transform_3(%arg0: i32) -> (i32, i32) {
    %sub3A = arith.constant 8 : i32
    %sub3A_0 = arith.subi %arg0, %sub3A : i32
    %max3A = arith.constant 0 : i32
    %max3A_1 = arith.maxsi %sub3A_0, %max3A : i32
    %c0_i32 = arith.constant 0 : i32
    %c0_i32_2 = arith.constant 0 : i32
    return %max3A_1, %c0_i32 : i32, i32
  }
  func.func @transform_4(%arg0: i32) -> (i32, i32) {
    %sub3A = arith.constant 8 : i32
    %sub3A_0 = arith.subi %arg0, %sub3A : i32
    %max3A = arith.constant 0 : i32
    %max3A_1 = arith.maxsi %sub3A_0, %max3A : i32
    %c0_i32 = arith.constant 0 : i32
    %c0_i32_2 = arith.constant 0 : i32
    return %max3A_1, %c0_i32 : i32, i32
  }
  func.func @transform_5(%arg0: i32) -> (i32, i32) {
    %sub3A = arith.constant 8 : i32
    %sub3A_0 = arith.subi %arg0, %sub3A : i32
    %max3A = arith.constant 0 : i32
    %max3A_1 = arith.maxsi %sub3A_0, %max3A : i32
    %c0_i32 = arith.constant 0 : i32
    %c0_i32_2 = arith.constant 0 : i32
    return %max3A_1, %c0_i32 : i32, i32
  }
  func.func @transform_6(%arg0: i32) -> (i32, i32) {
    %sub3A = arith.constant 8 : i32
    %sub3A_0 = arith.subi %arg0, %sub3A : i32
    %max3A = arith.constant 0 : i32
    %max3A_1 = arith.maxsi %sub3A_0, %max3A : i32
    %c0_i32 = arith.constant 0 : i32
    %c0_i32_2 = arith.constant 0 : i32
    return %max3A_1, %c0_i32 : i32, i32
  }
  func.func @transform_7(%arg0: i32) -> (i32, i32) {
    %c0_i32 = arith.constant 0 : i32
    %c0_i32_0 = arith.constant 0 : i32
    %c0_i32_1 = arith.constant 0 : i32
    return %c0_i32, %c0_i32_0 : i32, i32
  }
}

module attributes {stable_mosaic.version = 14 : i64} {
  func.func @_decode_kernel(%arg0: i32, %arg1: i32, %arg2: memref<512x64xbf16, #tpu.memory_space<vmem>>, %arg3: memref<4096x64xbf16, #tpu.memory_space<vmem>>, %arg4: memref<1x1xf32, #tpu.memory_space<vmem>>, %arg5: memref<1x1xf32, #tpu.memory_space<vmem>>, %arg6: memref<1x512xf32, #tpu.memory_space<vmem>>, %arg7: memref<1x512xf32, #tpu.memory_space<vmem>>) attributes {dimension_semantics = [#tpu.dimension_semantics<arbitrary>, #tpu.dimension_semantics<arbitrary>], iteration_bounds = array<i64: 8, 8>, scalar_prefetch = 0 : i64, scratch_operands = 2 : i64, tpu.core_type = #tpu.core_type<tc>, window_params = [{transform_indices = @transform_0, window_bounds = array<i64: 512, 64>}, {pipeline_mode = #tpu.pipeline_mode<synchronous>, transform_indices = @transform_1, window_bounds = array<i64: 4096, 64>}, {pipeline_mode = #tpu.pipeline_mode<synchronous>, transform_indices = @transform_2, window_bounds = array<i64: 1, 1>}, {pipeline_mode = #tpu.pipeline_mode<synchronous>, transform_indices = @transform_3, window_bounds = array<i64: 1, 1>}]} {
    %eq3A = arith.constant 0 : i32
    %eq3A_0 = arith.cmpi eq, %arg0, %eq3A : i32
    %eq3A_1 = arith.constant 0 : i32
    %eq3A_2 = arith.cmpi eq, %arg1, %eq3A_1 : i32
    %and3A = arith.andi %eq3A_0, %eq3A_2 : i1
    %convert_element_type3A = arith.extui %and3A : i1 to i32
    %cond3A = arith.constant 0 : i32
    %cond3A_3 = arith.cmpi ne, %convert_element_type3A, %cond3A : i32
    scf.if %cond3A_3 {
      %broadcast_in_dim3A = arith.constant 0.000000e+00 : f32
      %broadcast_in_dim3A_15 = vector.broadcast %broadcast_in_dim3A : f32 to vector<1x512xf32>
      %swap3A = arith.constant 0 : index
      %swap3A_16 = arith.constant 0 : index
      %swap3A_17 = vector.load %arg6[%swap3A, %swap3A_16] : memref<1x512xf32, #tpu.memory_space<vmem>>, vector<1x512xf32>
      tpu.vector_store %arg6[%swap3A, %swap3A_16], %broadcast_in_dim3A_15 {strides = array<i32>} : memref<1x512xf32, #tpu.memory_space<vmem>>, vector<1x512xf32>,
      %broadcast_in_dim3A_18 = arith.constant 0.000000e+00 : f32
      %broadcast_in_dim3A_19 = vector.broadcast %broadcast_in_dim3A_18 : f32 to vector<1x512xf32>
      %swap3A_20 = arith.constant 0 : index
      %swap3A_21 = arith.constant 0 : index
      %swap3A_22 = vector.load %arg7[%swap3A_20, %swap3A_21] : memref<1x512xf32, #tpu.memory_space<vmem>>, vector<1x512xf32>
      tpu.vector_store %arg7[%swap3A_20, %swap3A_21], %broadcast_in_dim3A_19 {strides = array<i32>} : memref<1x512xf32, #tpu.memory_space<vmem>>, vector<1x512xf32>,
    } else {
    }
    %ge3A = arith.cmpi sge, %arg1, %arg0 : i32
    %convert_element_type3A_4 = arith.extui %ge3A : i1 to i32
    %cond3A_5 = arith.constant 0 : i32
    %cond3A_6 = arith.cmpi ne, %convert_element_type3A_4, %cond3A_5 : i32
    scf.if %cond3A_6 {
      %mul3A = arith.constant 512 : i32
      %mul3A_15 = arith.muli %arg1, %mul3A : i32
      %get3A = arith.index_cast %mul3A_15 : i32 to index
      %get3A_16 = arith.constant 0 : index
      %get3A_17 = vector.load %arg3[%get3A, %get3A_16] : memref<4096x64xbf16, #tpu.memory_space<vmem>>, vector<512x64xbf16>
      %get3A_18 = arith.constant 0 : index
      %get3A_19 = arith.constant 0 : index
      %get3A_20 = vector.load %arg2[%get3A_18, %get3A_19] : memref<512x64xbf16, #tpu.memory_space<vmem>>, vector<512x64xbf16>
      %dot_general3A = arith.constant dense<0.000000e+00> : vector<512x512xf32>
      %dot_general3A_21 = tpu.matmul %get3A_20, %get3A_17, %dot_general3A {dimension_numbers = #tpu.dot_dimension_numbers<[1], [1], [0], [0], [0, 0, 1, 0], [], []>, transpose_lhs_hint = false} : vector<512x64xbf16>, vector<512x64xbf16>, vector<512x512xf32> -> vector<512x512xf32>
      %max3A = arith.constant 0.000000e+00 : f32
      %max3A_22 = vector.broadcast %max3A : f32 to vector<512x512xf32>
      %max3A_23 = arith.maximumf %dot_general3A_21, %max3A_22 : vector<512x512xf32>
      %abs3A = math.absf %dot_general3A_21 : vector<512x512xf32>
      %neg3A = arith.constant 0.000000e+00 : f32
      %neg3A_24 = vector.broadcast %neg3A : f32 to vector<512x512xf32>
      %neg3A_25 = arith.subf %neg3A_24, %abs3A : vector<512x512xf32>
      %exp3A = math.exp %neg3A_25 : vector<512x512xf32>
      %log1p3A = math.log1p %exp3A : vector<512x512xf32>
      %add3A = arith.addf %max3A_23, %log1p3A : vector<512x512xf32>
      %ge3A_26 = arith.constant 0.000000e+00 : f32
      %ge3A_27 = vector.broadcast %ge3A_26 : f32 to vector<512x512xf32>
      %ge3A_28 = arith.cmpf oge, %dot_general3A_21, %ge3A_27 : vector<512x512xf32>
      %convert_element_type3A_29 = arith.extui %ge3A_28 : vector<512x512xi1> to vector<512x512xi32>
      %convert_element_type3A_30 = arith.sitofp %convert_element_type3A_29 : vector<512x512xi32> to vector<512x512xf32>
      %eq3A_31 = arith.cmpi eq, %arg0, %arg1 : i32
      %jit3A = arith.constant 1.000000e+00 : f32
      %jit3A_32 = arith.constant 2.000000e+00 : f32
      %select_n3A = arith.select %eq3A_31, %jit3A, %jit3A_32 : f32
      %get3A_33 = arith.constant 0 : index
      %get3A_34 = arith.constant 0 : index
      %get3A_35 = vector.load %arg6[%get3A_33, %get3A_34] : memref<1x512xf32, #tpu.memory_space<vmem>>, vector<1x512xf32>
      %reduce_sum3A = arith.constant dense<0.000000e+00> : vector<512xf32>
      %reduce_sum3A_36 = vector.multi_reduction <add>, %add3A, %reduce_sum3A [0] : vector<512x512xf32> to vector<512xf32>
      %broadcast_in_dim3A = vector.shape_cast %reduce_sum3A_36 : vector<512xf32> to vector<1x512xf32>
      %mul3A_37 = vector.broadcast %select_n3A : f32 to vector<1x512xf32>
      %mul3A_38 = arith.mulf %mul3A_37, %broadcast_in_dim3A : vector<1x512xf32>
      %add3A_39 = arith.addf %get3A_35, %mul3A_38 : vector<1x512xf32>
      %swap3A = arith.constant 0 : index
      %swap3A_40 = arith.constant 0 : index
      %swap3A_41 = vector.load %arg6[%swap3A, %swap3A_40] : memref<1x512xf32, #tpu.memory_space<vmem>>, vector<1x512xf32>
      tpu.vector_store %arg6[%swap3A, %swap3A_40], %add3A_39 {strides = array<i32>} : memref<1x512xf32, #tpu.memory_space<vmem>>, vector<1x512xf32>,
      %get3A_42 = arith.constant 0 : index
      %get3A_43 = arith.constant 0 : index
      %get3A_44 = vector.load %arg7[%get3A_42, %get3A_43] : memref<1x512xf32, #tpu.memory_space<vmem>>, vector<1x512xf32>
      %reduce_sum3A_45 = arith.constant dense<0.000000e+00> : vector<512xf32>
      %reduce_sum3A_46 = vector.multi_reduction <add>, %convert_element_type3A_30, %reduce_sum3A_45 [0] : vector<512x512xf32> to vector<512xf32>
      %broadcast_in_dim3A_47 = vector.shape_cast %reduce_sum3A_46 : vector<512xf32> to vector<1x512xf32>
      %mul3A_48 = vector.broadcast %select_n3A : f32 to vector<1x512xf32>
      %mul3A_49 = arith.mulf %mul3A_48, %broadcast_in_dim3A_47 : vector<1x512xf32>
      %add3A_50 = arith.addf %get3A_44, %mul3A_49 : vector<1x512xf32>
      %swap3A_51 = arith.constant 0 : index
      %swap3A_52 = arith.constant 0 : index
      %swap3A_53 = vector.load %arg7[%swap3A_51, %swap3A_52] : memref<1x512xf32, #tpu.memory_space<vmem>>, vector<1x512xf32>
      tpu.vector_store %arg7[%swap3A_51, %swap3A_52], %add3A_50 {strides = array<i32>} : memref<1x512xf32, #tpu.memory_space<vmem>>, vector<1x512xf32>,
    } else {
    }
    %eq3A_7 = arith.constant 7 : i32
    %eq3A_8 = arith.cmpi eq, %arg0, %eq3A_7 : i32
    %eq3A_9 = arith.constant 7 : i32
    %eq3A_10 = arith.cmpi eq, %arg1, %eq3A_9 : i32
    %and3A_11 = arith.andi %eq3A_8, %eq3A_10 : i1
    %convert_element_type3A_12 = arith.extui %and3A_11 : i1 to i32
    %cond3A_13 = arith.constant 0 : i32
    %cond3A_14 = arith.cmpi ne, %convert_element_type3A_12, %cond3A_13 : i32
    scf.if %cond3A_14 {
      %get3A = arith.constant 0 : index
      %get3A_15 = arith.constant 0 : index
      %get3A_16 = vector.load %arg6[%get3A, %get3A_15] : memref<1x512xf32, #tpu.memory_space<vmem>>, vector<1x512xf32>
      %reduce_sum3A = vector.shape_cast %get3A_16 : vector<1x512xf32> to vector<1x1x512xf32>
      %reduce_sum3A_17 = arith.constant dense<0.000000e+00> : vector<1xf32>
      %reduce_sum3A_18 = vector.multi_reduction <add>, %reduce_sum3A, %reduce_sum3A_17 [1, 2] : vector<1x1x512xf32> to vector<1xf32>
      %reduce_sum3A_19 = vector.shape_cast %reduce_sum3A_18 : vector<1xf32> to vector<1x1x1xf32>
      %reduce_sum3A_20 = vector.extract %reduce_sum3A_19[0, 0, 0] : f32 from vector<1x1x1xf32>
      %broadcast_in_dim3A = vector.broadcast %reduce_sum3A_20 : f32 to vector<1x1xf32>
      %swap3A = arith.constant 0 : index
      %swap3A_21 = arith.constant 0 : index
      %swap3A_22 = vector.load %arg4[%swap3A, %swap3A_21] : memref<1x1xf32, #tpu.memory_space<vmem>>, vector<1x1xf32>
      tpu.vector_store %arg4[%swap3A, %swap3A_21], %broadcast_in_dim3A {strides = array<i32>} : memref<1x1xf32, #tpu.memory_space<vmem>>, vector<1x1xf32>,
      %get3A_23 = arith.constant 0 : index
      %get3A_24 = arith.constant 0 : index
      %get3A_25 = vector.load %arg7[%get3A_23, %get3A_24] : memref<1x512xf32, #tpu.memory_space<vmem>>, vector<1x512xf32>
      %reduce_sum3A_26 = vector.shape_cast %get3A_25 : vector<1x512xf32> to vector<1x1x512xf32>
      %reduce_sum3A_27 = arith.constant dense<0.000000e+00> : vector<1xf32>
      %reduce_sum3A_28 = vector.multi_reduction <add>, %reduce_sum3A_26, %reduce_sum3A_27 [1, 2] : vector<1x1x512xf32> to vector<1xf32>
      %reduce_sum3A_29 = vector.shape_cast %reduce_sum3A_28 : vector<1xf32> to vector<1x1x1xf32>
      %reduce_sum3A_30 = vector.extract %reduce_sum3A_29[0, 0, 0] : f32 from vector<1x1x1xf32>
      %broadcast_in_dim3A_31 = vector.broadcast %reduce_sum3A_30 : f32 to vector<1x1xf32>
      %swap3A_32 = arith.constant 0 : index
      %swap3A_33 = arith.constant 0 : index
      %swap3A_34 = vector.load %arg5[%swap3A_32, %swap3A_33] : memref<1x1xf32, #tpu.memory_space<vmem>>, vector<1x1xf32>
      tpu.vector_store %arg5[%swap3A_32, %swap3A_33], %broadcast_in_dim3A_31 {strides = array<i32>} : memref<1x1xf32, #tpu.memory_space<vmem>>, vector<1x1xf32>,
    } else {
    }
    return
  }
  func.func @transform_0(%arg0: i32, %arg1: i32) -> (i32, i32) {
    %c0_i32 = arith.constant 0 : i32
    %c0_i32_0 = arith.constant 0 : i32
    return %arg0, %c0_i32 : i32, i32
  }
  func.func @transform_1(%arg0: i32, %arg1: i32) -> (i32, i32) {
    %c0_i32 = arith.constant 0 : i32
    %c0_i32_0 = arith.constant 0 : i32
    %c0_i32_1 = arith.constant 0 : i32
    return %c0_i32, %c0_i32_0 : i32, i32
  }
  func.func @transform_2(%arg0: i32, %arg1: i32) -> (i32, i32) {
    %c0_i32 = arith.constant 0 : i32
    %c0_i32_0 = arith.constant 0 : i32
    %c0_i32_1 = arith.constant 0 : i32
    return %c0_i32, %c0_i32_0 : i32, i32
  }
  func.func @transform_3(%arg0: i32, %arg1: i32) -> (i32, i32) {
    %c0_i32 = arith.constant 0 : i32
    %c0_i32_0 = arith.constant 0 : i32
    %c0_i32_1 = arith.constant 0 : i32
    return %c0_i32, %c0_i32_0 : i32, i32
  }
}

</mosaic_0001>

<sc_bundles>
// kernel: kernel.6.cloned.1.call-start
scs
__scs_entry_jumppad:
0x0: {  	(pc) =	sbr.rel $0x88, $3  }
0x1: {  	(tag) =	ssettag $0x0;
	lr =	simm.s32 $0x1  }
0x2: {  	[smem:$0x3F9A] =	sst lr;
	_ =	strace $0xD0000000  }
0x3: {  	_ = 	snop  }
0x4: {  	_ = 	snop  }
0x5: {  	_ = 	snop  }
0x6: {  	_ = 	snop  }
0x7: {  	_ = 	snop  }
__scs_overlays_trampoline_lowered:
0x8: {  	[smem:$0x3FA9] =	sst s0  }
0x9: {  	[smem:$0x3FAA] =	sst s1  }
0xa: {  	[smem:$0x3FAB] =	sst s2  }
0xb: {  	[smem:$0x3FAC] =	sst s3  }
0xc: {  	[smem:$0x3FAD] =	sst s4  }
0xd: {  	[smem:$0x3FAE] =	sst s5  }
0xe: {  	[smem:$0x3FAF] =	sst s6  }
0xf: {  	[smem:$0x3FB0] =	sst s7  }
0x10: {  	[smem:$0x3FB1] =	sst s8  }
0x11: {  	[smem:$0x3FB2] =	sst s9;
	s0 =	simm.s32 @!p0 $0x0  }
0x12: {  	s1 =	sld [smem:$0x3F98];
	s0 =	simm.s32 @p0 $0x1  }
0x13: {  	[smem:$0x3FB3] =	sst s0;
	s0 =	simm.s32 @!p1 $0x0  }
0x14: {  	s2 =	sld [smem:$0x3F97];
	s0 =	simm.s32 @p1 $0x1  }
0x15: {  	[smem:$0x3FB4] =	sst s0;
	s0 =	simm.s32 @!p2 $0x0  }
0x16: {  	s3 =	sld [smem:$0x3FDB];
	s0 =	simm.s32 @p2 $0x1  }
0x17: {  	s4 =	simm.s32 $0x1BF5;
	[smem:$0x3FB6] =	sst s0  }
0x18: {  	s0 =	sld [smem:$0x3F99];
	_ =	swait.ge [sflag:s4], $0x0  }
0x19: {  	s7 =	sld [smem:$0x3F9A]  }
0x1a: {  	s8 =	sadd.s32 $0xFFFFE003, lr  }
0x1b: {  	s9 =	sadd.s32 $0xFFFFFEF7, lr;
	s5 =	simm.s32 $0xFFFFFFFF;
	p2 =	slt.u32 s8, $0xFFFFF086  }
0x1c: {  	p1 =	slt.u32 s9, $0xF7A;
	s5 =	simm.s32 @!p2 $0x0  }
0x1d: {  	s5 =	simm.s32 @p1 $0x1;
	p0 =	seq.s32 s7, s2  }
0x1e: {  	s7 =	smul.u32 @!p0 $0xF7A, s2;
	p2 =	seq.s32 @!p0 s5, $0x0  }
0x1f: {  	s9 =	smul.u32 $0xF7A, s1;
	s8 =	simm.s32 @!p0 $0x1BF5;
	p2 =	por !p2, p0  }
0x20: {  	[sflag:s8] =	ssyncset.s32 @!p0 $0xFFFFF086;
	s6 =	sadd.s32 @!p0 s3, s7;
	s7 =	simm.s32 @!p0 $0x108  }
0x21: {  	s3 =	sadd.s32 s3, s9;
	s6 =	sadd.s32 @!p0 $0x88, s6;
	s7 =	simm.s32 @p2 $0x1082  }
0x22: {  	[simem:s7], [sflag:s8] =	dma.local @!p0 [hbm:s6], $0xF7A  }
0x23: {  	s9 =	sor.u32 $0xD0000000, s2;
	s6 =	simm.s32 $0x108;
	_ =	swait.ge @!p0 [sflag:s8], $0x0  }
0x24: {  	s3 =	sadd.s32 $0x88, s3;
	s6 =	simm.s32 @!p1 $0x1082;
	[sflag:s4] =	ssyncset.s32 $0xFFFFF086  }
0x25: {  	[simem:s6], [sflag:s4] =	dma.local [hbm:s3], $0xF7A  }
0x26: {  	[smem:$0x3F9A] =	sst s1;
	(tag) =	ssettag s2;
	_ =	strace s9  }
0x27: {  	s1 =	sld [smem:$0x3FAA]  }
0x28: {  	s2 =	sld [smem:$0x3FAB]  }
0x29: {  	s4 =	sld [smem:$0x3FAD]  }
0x2a: {  	p0 =	seq.s32 s5, $0x0;
	s5 =	sld [smem:$0x3FAE]  }
0x2b: {  	s6 =	sld [smem:$0x3FAF]  }
0x2c: {  	s7 =	sld [smem:$0x3FB0]  }
0x2d: {  	s3 =	simm.s32 $0x108;
	s8 =	sld [smem:$0x3FB1]  }
0x2e: {  	s3 =	simm.s32 @!p0 $0x1082;
	s9 =	sld [smem:$0x3FB2]  }
0x2f: {  	lr =	sadd.s32 s0, s3;
	s0 =	sld [smem:$0x3FA9]  }
0x30: {  	s3 =	sld [smem:$0x3FAC]  }
0x31: {  	[smem:$0x3FB5] =	sst s10  }
0x32: {  	s10 =	sld [smem:$0x3FB3];
	_ =	sdelay $0x3  }
0x33: {  	p0 =	seq.s32 s10, $0x1;
	s10 =	sld [smem:$0x3FB5];
	_ =	sdelay $0x3  }
0x34: {  	[smem:$0x3FB5] =	sst s10  }
0x35: {  	s10 =	sld [smem:$0x3FB4];
	_ =	sdelay $0x3  }
0x36: {  	p1 =	seq.s32 s10, $0x1;
	s10 =	sld [smem:$0x3FB5];
	_ =	sdelay $0x3  }
0x37: {  	[smem:$0x3FB5] =	sst s10  }
0x38: {  	s10 =	sld [smem:$0x3FB6]  }
0x39: {  	_ = 	snop;
	(pc) =	sbr.ind lr, $3  }
0x3a: {  	_ = 	snop  }
0x3b: {  	_ = 	snop  }
0x3c: {  	p2 =	seq.s32 s10, $0x1;
	s10 =	sld [smem:$0x3FB5]  }
0x3d: {  	_ =	shalt  }
0x3e: {  	_ =	shalt  }
0x3f: {  	_ =	shalt  }
0x40: {  	_ =	shalt  }
0x41: {  	_ =	shalt  }
0x42: {  	_ =	shalt  }
0x43: {  	_ =	shalt  }
0x44: {  	_ =	shalt  }
0x45: {  	_ =	shalt  }
0x46: {  	_ =	shalt  }
0x47: {  	_ =	shalt  }
0x48: {  	_ =	shalt  }
0x49: {  	_ =	shalt  }
0x4a: {  	_ =	shalt  }
0x4b: {  	_ =	shalt  }
0x4c: {  	_ =	shalt  }
0x4d: {  	_ =	shalt  }
0x4e: {  	_ =	shalt  }
0x4f: {  	_ =	shalt  }
0x50: {  	_ =	shalt  }
0x51: {  	_ =	shalt  }
0x52: {  	_ =	shalt  }
0x53: {  	_ =	shalt  }
0x54: {  	_ =	shalt  }
0x55: {  	_ =	shalt  }
0x56: {  	_ =	shalt  }
0x57: {  	_ =	shalt  }
0x58: {  	_ =	shalt  }
0x59: {  	_ =	shalt  }
0x5a: {  	_ =	shalt  }
0x5b: {  	_ =	shalt  }
0x5c: {  	_ =	shalt  }
0x5d: {  	_ =	shalt  }
0x5e: {  	_ =	shalt  }
0x5f: {  	_ =	shalt  }
0x60: {  	_ =	shalt  }
0x61: {  	_ =	shalt  }
0x62: {  	_ =	shalt  }
0x63: {  	_ =	shalt  }
0x64: {  	_ =	shalt  }
0x65: {  	_ =	shalt  }
0x66: {  	_ =	shalt  }
0x67: {  	_ =	shalt  }
0x68: {  	_ =	shalt  }
0x69: {  	_ =	shalt  }
0x6a: {  	_ =	shalt  }
0x6b: {  	_ =	shalt  }
0x6c: {  	_ =	shalt  }
0x6d: {  	_ =	shalt  }
0x6e: {  	_ =	shalt  }
0x6f: {  	_ =	shalt  }
0x70: {  	_ =	shalt  }
0x71: {  	_ =	shalt  }
0x72: {  	_ =	shalt  }
0x73: {  	_ =	shalt  }
0x74: {  	_ =	shalt  }
0x75: {  	_ =	shalt  }
0x76: {  	_ =	shalt  }
0x77: {  	_ =	shalt  }
0x78: {  	_ =	shalt  }
0x79: {  	_ =	shalt  }
0x7a: {  	_ =	shalt  }
0x7b: {  	_ =	shalt  }
0x7c: {  	_ =	shalt  }
0x7d: {  	_ =	shalt  }
0x7e: {  	_ =	shalt  }
0x7f: {  	_ =	shalt  }
0x80: {  	_ =	shalt  }
0x81: {  	_ =	shalt  }
0x82: {  	_ =	shalt  }
0x83: {  	_ =	shalt  }
0x84: {  	_ =	shalt  }
0x85: {  	_ =	shalt  }
0x86: {  	_ =	shalt  }
0x87: {  	_ =	shalt  }
.Lfunc_end0:
.L_simem_size_0:
called_computation_lowered:
.L_overlay_start_0:
0x88: {  	s2 =	sld [smem:$0x3FD9]  }
0x89: {  	s3 =	sld [smem:$0x3FFE];
	_ =	sdelay $0x1  }
0x8a: {  	s1 =	srdreg.scid  }
0x8b: {  	s0 =	sand.u32 $0x1, s1  }
0x8c: {  	s17 =	sshll.u32 s0, $0xA;
	s2 =	sadd.s32 s3, s2  }
0x8d: {  	s2 =	sadd.s32 s2, s17  }
0x8e: {  	[smem:$0x3FC1] =	sst s2  }
0x8f: {  	_ = 	snop  }
0x90: {  	s2 =	sld [smem:$0x3FC6];
	(tm) =	ssettm $0x1  }
0x91: {  	s18 =	sld [smem:$0x3FFB];
	_ =	sdelay $0x3  }
0x92: {  	_ =	strace s18  }
0x93: {  	s3 =	sld [smem:$0x3FFC];
	_ =	sdelay $0x3  }
0x94: {  	_ =	strace s3  }
0x95: {  	s3 =	sld [smem:$0x3FFD];
	_ =	sdelay $0x3  }
0x96: {  	_ =	strace s3  }
0x97: {  	_ =	strace $0x8FFFFFFF  }
0x98: {  	s19 =	sld [smem:$0x3FDB];
	_ =	sdelay $0x1  }
0x99: {  	s4 =	simm.s32 $_scs_section_size  }
0x9a: {  	s5 =	simm.s32 $_size__tile_overlayer_lowered;
	s6 =	simm.s32 $_tile_overlayer_lowered  }
0x9b: {  	s22 =	simm.s32 $0x1BFF;
	s21 =	sshll.u32 s6, $0x1;
	s3 =	sadd.s32 s4, s19  }
0x9c: {  	s7 =	simm.s32 $0x0;
	s20 =	sshll.u32 s5, $0x1;
	s5 =	sadd.s32 s21, s3  }
0x9d: {  	[timem:s7], [sflag:s22] =	dma.local [hbm:s5], s20  }
0x9e: {  	_ =	swait.ge [sflag:s22], s20  }
0x9f: {  	s4 =	ssub.s32 $0x0, s20;
	[sflag:s22] =	ssyncset.done $0x0  }
0xa0: {  	[sflag:s22] =	ssyncadd.s32 s4;
	_ =	sdelay $0x1  }
0xa1: {  	s23 =	simm.s32 $0x1B8B  }
0xa2: {  	_ =	swait.ge [sflag:s23], $0x1  }
0xa3: {  	[sflag:s23] =	ssyncset.done $0x0  }
0xa4: {  	s25 =	simm.s32 $0x1B8E;
	s24 =	sld [smem:$0x3FFE];
	[sflag:s23] =	ssyncadd.s32 $0xFFFFFFFF  }
0xa5: {  	s26 =	simm.s32 $execute0_lowered;
	[smem:$0x3FD2] =	sst s25  }
0xa6: {  	s5 =	sshll.u32 s26, $0x1;
	_ =	strace $0x80000046;
	[dreg:$0x1] =	wrdreg $0xFFFFFFFF  }
0xa7: {  	s28 =	simm.s32 $_size_execute0_lowered;
	s3 =	sadd.s32 s3, s5;
	[dreg:$0x0] =	wrdreg $0x0  }
0xa8: {  	s5 =	sshll.u32 s28, $0x1;
	[dreg:$0x2] =	wrdreg s3  }
0xa9: {  	[dreg:$0x3] =	wrdreg s5  }
0xaa: {  	[dreg:$0x4] =	wrdreg $0xC0  }
0xab: {  	_ =	task [dreg:s7], $0x5FFFF  }
0xac: {  	[dreg:$0x1] =	wrdreg $0xFFFFFFFF  }
0xad: {  	[dreg:$0x0] =	wrdreg $0x60  }
0xae: {  	[dreg:$0x2] =	wrdreg s24  }
0xaf: {  	[dreg:$0x3] =	wrdreg s2  }
0xb0: {  	[dreg:$0x4] =	wrdreg $0x9  }
0xb1: {  	_ =	task.clear_ibuf [dreg:s7], $0x5FFFF;
	_ =	strace $0x90000046  }
0xb2: {  	s29 =	simm.s32 $0x9;
	_ =	strace $0x80000048  }
0xb3: {  	_ =	swait.ge [sflag:s29], $0x1  }
0xb4: {  	[sflag:s29] =	ssyncadd.s32 $0xFFFFFFFF  }
0xb5: {  	_ =	strace $0x90000048  }
0xb6: {  	_ =	sfence  }
0xb7: {  	s30 =	sld [smem:$0x0];
	_ =	sdelay $0x2  }
0xb8: {  	s31 =	sshll.u32 s1, $0xD;
	s1 =	sshrl.u32 s1, $0x2  }
0xb9: {  	s3 =	sand.u32 $0x4000, s31;
	s1 =	sadd.s32 s1, s30  }
0xba: {  	s0 =	sor.u32 s3, s0;
	s1 =	sshll.u32 s1, $0x11  }
0xbb: {  	s0 =	sor.u32 s1, s0  }
0xbc: {  	s0 =	sadd.s32 $0x8F2B, s0  }
0xbd: {  	[sflag:s0] =	ssyncadd.remote.s32 $0x1  }
0xbe: {  	_ =	sfence.sel $0xFFFF  }
0xbf: {  	[dreg:$0x0] =	wrdreg $0xFFFFFFFF;
	(pc) =	sbr.abs _section_cstart, $3  }
0xc0: {  	[dreg:$0x1] =	wrdreg $0xFFFFFFFF  }
0xc1: {  	_ =	task.clear_ibuf [dreg:s7], $0x2FFFF;
	_ =	strace $0x9FFFFFFF  }
0xc2: {  	(tm) =	ssettm $0x7FFFFFFF  }
0xc3: {  	_ =	shalt  }
tec
execute0_lowered:
.L_overlay_start_1:
0x0: {  	(tag) =	ssettag $0x1  }
0x1: {  	s0 =	rddreg [dreg:$0x0]  }
0x2: {  	s1 =	rddreg [dreg:$0x1];
	s2 =	simm.s32 $0x0;
	s3 =	srdreg.scid  }
0x3: {  	s5 =	stileid.u32;
	s10 =	simm.s32 $0x800;
	s12 =	simm.s32 $0x100  }
0x4: {  	s13 =	simm.s32 $0x1800;
	s14 =	simm.s32 $0x5800;
	s15 =	simm.s32 $0x1  }
0x5: {  	s16 =	simm.s32 $0x2;
	s17 =	simm.s32 $0x9800;
	s19 =	simm.s32 $0xD800  }
0x6: {  	s20 =	simm.s32 $0x11800;
	s21 =	simm.s32 $0x3;
	s22 =	simm.s32 $0x4  }
0x7: {  	s30 =	simm.s32 $0x500;
	s31 =	simm.s32 $0xD00;
	s11 =	simm.s32 $0x700  }
0x8: {  	s18 =	simm.s32 $0xF00;
	s23 =	simm.s32 $0x12800;
	s24 =	simm.s32 $0x0  }
0x9: {  	[smem:$0x7FF] =	sst s2;
	s4 =	sand.u32 $0x1, s3;
	s5 =	sshll.u32 s5, $0x1  }
0xa: {  	s3 =	sadd.s32 $0x1000, s0;
	_ =	strace $0x80000047;
	s5 =	sor.u32 s4, s5  }
0xb: {  	s4 =	ssub.s32 $0x2, s4;
	s6 =	sshll.u32 s5, $0x8;
	s5 =	sshll.u32 s5, $0x2  }
0xc: {  	s7 =	sshrl.u32 s4, $0x1;
	s8 =	sadd.s32 s6, s0;
	s0 =	sadd.s32 s5, s0  }
0xd: {  	s9 =	ssub.s32 s4, s7;
	s6 =	sadd.s32 s1, s6;
	s1 =	simm.s32 $0xE00  }
0xe: {  	v0 =	vlaneseq.u32;
	s4 =	sadd.s32 $0xB000, s8;
	s5 =	sadd.s32 $0x9000, s8;
	s7 =	sadd.s32 $0xD000, s0  }
0xf: {  	v1 =	vimm.f32 $-1.000000000e+00;
	v0 =	vmul.u32 $0x10, v0;
	s8 =	smax.u32 s9, $0x1;
	s9 =	simm.s32 $0x5;
	s0 =	simm.s32 $0x600  }
.LBB2_1:
0x10: {  	[tilespmem:s2], [sflag:$0x5] =	stream.linear.gather [hbm4b:s4+s2], $0x800, $0x38;
	[tilespmem:$0x12820] =	vst v63  }
0x11: {  	_ =	swait.ge [sflag:s9], $0x800  }
0x12: {  	[sflag:s9] =	ssyncset.done $0x0  }
0x13: {  	[sflag:s9] =	ssyncadd.s32 $0xFFFFF800  }
0x14: {  	[tilespmem:s10], [sflag:$0x5] =	stream.linear.gather [hbm4b:s5+s2], $0x800, $0x38;
	[tilespmem:$0x12820] =	vst v63  }
0x15: {  	_ =	swait.ge [sflag:s9], $0x800  }
0x16: {  	[sflag:s9] =	ssyncset.done $0x0  }
0x17: {  	s25 =	simm.s32 $0x1000;
	[sflag:s9] =	ssyncadd.s32 $0xFFFFF800  }
0x18: {  	[tilespmem:s25], [sflag:$0x5] =	stream.linear.gather [hbm4b:s6+s2], $0x800, $0x38;
	[tilespmem:$0x12820] =	vst v63  }
0x19: {  	_ =	swait.ge [sflag:s9], $0x800  }
0x1a: {  	[sflag:s9] =	ssyncset.done $0x0  }
0x1b: {  	[sflag:s9] =	ssyncadd.s32 $0xFFFFF800  }
0x1c: {  	[tilespmem:s13], [sflag:$0x1] =	stream.indirect.gather [hbm4b:s3+s12], $0x40, s2, s12, $0xb8;
	[tilespmem:$0x12820] =	vst v63  }
0x1d: {  	_ = 	snop  }
0x1e: {  	[tilespmem:s14], [sflag:$0x2] =	stream.indirect.gather [hbm4b:s3+s12], $0x40, s10, s12, $0xb8;
	[tilespmem:$0x12820] =	vst v63  }
0x1f: {  	_ =	swait.ge [sflag:s15], $0x4000  }
0x20: {  	[sflag:s15] =	ssyncset.done $0x0  }
0x21: {  	[sflag:s15] =	ssyncadd.s32 $0xFFFFC000  }
0x22: {  	_ =	swait.ge [sflag:s16], $0x4000  }
0x23: {  	[sflag:s16] =	ssyncset.done $0x0  }
0x24: {  	[sflag:s16] =	ssyncadd.s32 $0xFFFFC000  }
0x25: {  	[tilespmem:s17], [sflag:$0x3] =	stream.indirect.gather [hbm4b:s3+s12], $0x40, s12, s12, $0xb8;
	[tilespmem:$0x12820] =	vst v63  }
0x26: {  	s29 =	simm.s32 $0x900;
	s26 =	simm.s32 $0x0;
	s25 =	simm.s32 $0x11820  }
0x27: {  	[tilespmem:s19], [sflag:$0x4] =	stream.indirect.gather [hbm4b:s3+s12], $0x40, s29, s12, $0xb8;
	[tilespmem:$0x12820] =	vst v63  }
.LBB2_2:
0x28: {  	s28 =	sshra.s32 s26, $0x2  }
0x29: {  	v2 =	vld [tilespmem:s28+$0x1800]  }
0x2a: {  	v3 =	vld [tilespmem:s28+$0x5800]  }
0x2b: {  	v4 =	vld [tilespmem:s28+$0x1810]  }
0x2c: {  	v5 =	vld [tilespmem:s28+$0x5810]  }
0x2d: {  	v6 =	vld [tilespmem:s28+$0x1820]  }
0x2e: {  	v7 =	vld [tilespmem:s28+$0x5820]  }
0x2f: {  	v8 =	vld [tilespmem:s28+$0x1830]  }
0x30: {  	v9 =	vld [tilespmem:s28+$0x5830];
	_ =	sdelay $0x3  }
0x31: {  	v2 =	vmul.f32 v3, v2;
	v3 =	vmul.f32 v5, v4  }
0x32: {  	v38 =	vmul.f32 v7, v6;
	v39 =	vmul.f32 v9, v8;
	_ =	sdelay $0x1  }
0x33: {  	v2 =	vadd.f32 v3, v2;
	v3 =	vadd.f32 v39, v38;
	_ =	sdelay $0x1  }
0x34: {  	v2 =	vadd.f32 v3, v2;
	_ =	sdelay $0x1  }
0x35: {  	[tilespmem:s25+$0xFFFFFFE0] =	vst v2  }
0x36: {  	v2 =	vld [tilespmem:s28+$0x1840]  }
0x37: {  	v3 =	vld [tilespmem:s28+$0x5840]  }
0x38: {  	v40 =	vld [tilespmem:s28+$0x1850]  }
0x39: {  	v41 =	vld [tilespmem:s28+$0x5850]  }
0x3a: {  	v42 =	vld [tilespmem:s28+$0x1860]  }
0x3b: {  	v43 =	vld [tilespmem:s28+$0x5860]  }
0x3c: {  	v44 =	vld [tilespmem:s28+$0x1870]  }
0x3d: {  	v45 =	vld [tilespmem:s28+$0x5870];
	_ =	sdelay $0x3  }
0x3e: {  	v2 =	vmul.f32 v3, v2;
	v3 =	vmul.f32 v41, v40  }
0x3f: {  	v46 =	vmul.f32 v43, v42;
	v47 =	vmul.f32 v45, v44;
	_ =	sdelay $0x1  }
0x40: {  	v2 =	vadd.f32 v3, v2;
	v3 =	vadd.f32 v47, v46;
	_ =	sdelay $0x1  }
0x41: {  	v2 =	vadd.f32 v3, v2;
	_ =	sdelay $0x1  }
0x42: {  	[tilespmem:s25+$0xFFFFFFF0] =	vst v2  }
0x43: {  	v2 =	vld [tilespmem:s28+$0x1880]  }
0x44: {  	v3 =	vld [tilespmem:s28+$0x5880]  }
0x45: {  	v48 =	vld [tilespmem:s28+$0x1890]  }
0x46: {  	v49 =	vld [tilespmem:s28+$0x5890]  }
0x47: {  	v50 =	vld [tilespmem:s28+$0x18A0]  }
0x48: {  	v51 =	vld [tilespmem:s28+$0x58A0]  }
0x49: {  	v52 =	vld [tilespmem:s28+$0x18B0]  }
0x4a: {  	v53 =	vld [tilespmem:s28+$0x58B0];
	_ =	sdelay $0x3  }
0x4b: {  	v2 =	vmul.f32 v3, v2;
	v3 =	vmul.f32 v49, v48  }
0x4c: {  	v54 =	vmul.f32 v51, v50;
	v55 =	vmul.f32 v53, v52;
	_ =	sdelay $0x1  }
0x4d: {  	v2 =	vadd.f32 v3, v2;
	v3 =	vadd.f32 v55, v54;
	_ =	sdelay $0x1  }
0x4e: {  	v2 =	vadd.f32 v3, v2;
	_ =	sdelay $0x1  }
0x4f: {  	[tilespmem:s25+$0x0] =	vst v2  }
0x50: {  	v2 =	vld [tilespmem:s28+$0x18C0]  }
0x51: {  	v3 =	vld [tilespmem:s28+$0x58C0]  }
0x52: {  	v56 =	vld [tilespmem:s28+$0x18D0]  }
0x53: {  	v57 =	vld [tilespmem:s28+$0x58D0]  }
0x54: {  	v58 =	vld [tilespmem:s28+$0x18E0]  }
0x55: {  	v59 =	vld [tilespmem:s28+$0x58E0]  }
0x56: {  	v60 =	vld [tilespmem:s28+$0x18F0]  }
0x57: {  	v61 =	vld [tilespmem:s28+$0x58F0];
	_ =	sdelay $0x3  }
0x58: {  	v2 =	vmul.f32 v3, v2;
	v3 =	vmul.f32 v57, v56  }
0x59: {  	v62 =	vmul.f32 v59, v58;
	v63 =	vmul.f32 v61, v60  }
0x5a: {  	p0 =	sne.s32 s26, $0xFC00  }
.Ltmp0:
0x5b: {  	v2 =	vadd.f32 v3, v2;
	v3 =	vadd.f32 v63, v62;
	(pc) =	sbr.rel @p0 .LBB2_2-.Ltmp0, $3  }
0x5c: {  	_ = 	snop  }
0x5d: {  	v2 =	vadd.f32 v3, v2;
	_ =	sdelay $0x1  }
0x5e: {  	s26 =	sadd.s32 $0x400, s26;
	[tilespmem:s25+$0x10] =	vst v2;
	s25 =	sadd.s32 $0x40, s25  }
0x5f: {  	s25 =	simm.s32 $0x0  }
0x60: {  	v2 =	vmov s25  }
0x61: {  	v2 =	vshll.u32 v2, $0x4  }
0x62: {  	v2 =	vor.u32 v0, v2;
	_ =	sdelay $0x1  }
0x63: {  	v3 =	vor.u32 $0x1, v2;
	_ =	sdelay $0x1  }
0x64: {  	v4 =	vor.u32 $0x2, v2  }
0x65: {  	v5 =	vld.idx.msk [tilespmem:v2+s20+$0x0], $0xffff  }
0x66: {  	v6 =	vor.u32 $0x3, v2  }
0x67: {  	v3 =	vld.idx.msk [tilespmem:v3+s20+$0x0], $0xffff  }
0x68: {  	v7 =	vor.u32 $0x4, v2  }
0x69: {  	v4 =	vld.idx.msk [tilespmem:v4+s20+$0x0], $0xffff  }
0x6a: {  	v8 =	vor.u32 $0x5, v2;
	v5 =	vadd.f32 $0.0e+00, v5  }
0x6b: {  	v6 =	vld.idx.msk [tilespmem:v6+s20+$0x0], $0xffff  }
0x6c: {  	v9 =	vor.u32 $0x6, v2;
	v3 =	vadd.f32 v3, v5  }
0x6d: {  	s28 =	simm.s32 $0x10;
	v13 =	vor.u32 $0xB, v2;
	v5 =	vld.idx.msk [tilespmem:v7+s20+$0x0], $0xffff  }
0x6e: {  	v10 =	vmov s28;
	v7 =	vor.u32 $0x7, v2;
	v3 =	vadd.f32 v4, v3  }
0x6f: {  	v8 =	vld.idx.msk [tilespmem:v8+s20+$0x0], $0xffff;
	v4 =	vshll.u32 v10, $0x4;
	v10 =	vor.u32 $0x8, v2  }
0x70: {  	v11 =	vor.u32 v0, v4;
	v3 =	vadd.f32 v6, v3  }
0x71: {  	v4 =	vor.u32 $0x9, v2;
	v6 =	vld.idx.msk [tilespmem:v9+s20+$0x0], $0xffff  }
0x72: {  	v13 =	vld.idx.msk [tilespmem:v13+s20+$0x0], $0xffff;
	v9 =	vor.u32 $0x1, v11;
	v3 =	vadd.f32 v5, v3  }
0x73: {  	v12 =	vor.u32 $0x2, v11;
	v5 =	vld.idx.msk [tilespmem:v7+s20+$0x0], $0xffff  }
0x74: {  	v7 =	vor.u32 $0xA, v2;
	v10 =	vld.idx.msk [tilespmem:v10+s20+$0x0], $0xffff;
	v3 =	vadd.f32 v8, v3  }
0x75: {  	v15 =	vor.u32 $0x4, v11;
	v8 =	vld.idx.msk [tilespmem:v11+s20+$0x0], $0xffff  }
0x76: {  	v14 =	vor.u32 $0x3, v11;
	v4 =	vld.idx.msk [tilespmem:v4+s20+$0x0], $0xffff;
	v3 =	vadd.f32 v6, v3  }
0x77: {  	v6 =	vld.idx.msk [tilespmem:v9+s20+$0x0], $0xffff;
	v9 =	vor.u32 $0xC, v2  }
0x78: {  	v3 =	vadd.f32 v5, v3;
	v5 =	vld.idx.msk [tilespmem:v12+s20+$0x0], $0xffff;
	v12 =	vor.u32 $0xD, v2  }
0x79: {  	v16 =	vor.u32 $0x5, v11;
	v7 =	vld.idx.msk [tilespmem:v7+s20+$0x0], $0xffff  }
0x7a: {  	v15 =	vld.idx.msk [tilespmem:v15+s20+$0x0], $0xffff;
	v8 =	vadd.f32 $0.0e+00, v8;
	v3 =	vadd.f32 v10, v3  }
0x7b: {  	v10 =	vld.idx.msk [tilespmem:v14+s20+$0x0], $0xffff;
	v14 =	vor.u32 $0xE, v2  }
0x7c: {  	v17 =	vor.u32 $0x6, v11;
	v9 =	vld.idx.msk [tilespmem:v9+s20+$0x0], $0xffff;
	v3 =	vadd.f32 v4, v3;
	v4 =	vadd.f32 v6, v8  }
0x7d: {  	s29 =	simm.s32 $0x20;
	v2 =	vor.u32 $0xF, v2;
	v6 =	vor.u32 $0x7, v11;
	v8 =	vld.idx.msk [tilespmem:v12+s20+$0x0], $0xffff  }
0x7e: {  	s25 =	simm.s32 $0x1000;
	v12 =	vld.idx.msk [tilespmem:v16+s20+$0x0], $0xffff;
	v3 =	vadd.f32 v7, v3;
	v7 =	vmov s29;
	v5 =	vadd.f32 v5, v4  }
0x7f: {  	v16 =	vld [tilespmem:s25+$0x0];
	v4 =	vshll.u32 v7, $0x4;
	v7 =	vor.u32 $0x8, v11  }
0x80: {  	v14 =	vld.idx.msk [tilespmem:v14+s20+$0x0], $0xffff;
	v3 =	vadd.f32 v13, v3;
	v4 =	vor.u32 v0, v4;
	v5 =	vadd.f32 v10, v5  }
0x81: {  	v13 =	vld.idx.msk [tilespmem:v17+s20+$0x0], $0xffff;
	v10 =	vor.u32 $0x9, v11  }
0x82: {  	v2 =	vld.idx.msk [tilespmem:v2+s20+$0x0], $0xffff;
	v3 =	vadd.f32 v9, v3;
	v9 =	vor.u32 $0x1, v4;
	v5 =	vadd.f32 v15, v5  }
0x83: {  	v6 =	vld.idx.msk [tilespmem:v6+s20+$0x0], $0xffff;
	v15 =	vor.u32 $0xA, v11  }
0x84: {  	v3 =	vadd.f32 v8, v3;
	v8 =	vor.u32 $0x2, v4;
	v7 =	vld.idx.msk [tilespmem:v7+s20+$0x0], $0xffff;
	v5 =	vadd.f32 v12, v5  }
0x85: {  	v17 =	vor.u32 $0xB, v11;
	v12 =	vld.idx.msk [tilespmem:v4+s20+$0x0], $0xffff  }
0x86: {  	v10 =	vld.idx.msk [tilespmem:v10+s20+$0x0], $0xffff;
	v3 =	vadd.f32 v14, v3;
	v14 =	vor.u32 $0x3, v4;
	v5 =	vadd.f32 v13, v5  }
0x87: {  	v13 =	vor.u32 $0xC, v11;
	v18 =	vld.idx.msk [tilespmem:v9+s20+$0x0], $0xffff  }
0x88: {  	v19 =	vld.idx.msk [tilespmem:v15+s20+$0x0], $0xffff;
	v2 =	vadd.f32 v2, v3;
	v3 =	vor.u32 $0x4, v4;
	v6 =	vadd.f32 v6, v5  }
0x89: {  	v21 =	vor.u32 $0x5, v4;
	v15 =	vimm.f32 $0.0e+00;
	v20 =	vld.idx.msk [tilespmem:v8+s20+$0x0], $0xffff;
	v8 =	vor.u32 $0xD, v11  }
0x8a: {  	v5 =	vld.idx.msk [tilespmem:v17+s20+$0x0], $0xffff;
	vm0 =	vge.f32 v2, $0.0e+00;
	v7 =	vadd.f32 v7, v6;
	v17 =	vadd.f32 $0.0e+00, v12  }
0x8b: {  	v12 =	vor.u32 $0xE, v11;
	v6 =	vsel vm0, $0x3F800000, v1;
	v9 =	vld.idx.msk [tilespmem:v14+s20+$0x0], $0xffff;
	v14 =	vmul.f32 v2, v16  }
0x8c: {  	v2 =	vadd.f32 v6, v15;
	v6 =	vld.idx.msk [tilespmem:v13+s20+$0x0], $0xffff;
	v13 =	vor.u32 $0x6, v4;
	v16 =	vadd.f32 v10, v7  }
0x8d: {  	v18 =	vadd.f32 v18, v17;
	v10 =	vld.idx.msk [tilespmem:v3+s20+$0x0], $0xffff;
	v3 =	vadd.f32 v14, v15;
	v15 =	vor.u32 $0xF, v11  }
0x8e: {  	s26 =	simm.s32 $0x30;
	v14 =	vor.u32 $0x7, v4;
	v7 =	vld.idx.msk [tilespmem:v8+s20+$0x0], $0xffff;
	v8 =	vadd.f32 v19, v16  }
0x8f: {  	v17 =	vmov s26;
	s26 =	simm.s32 $0x40;
	v11 =	vld.idx.msk [tilespmem:v21+s20+$0x0], $0xffff;
	v16 =	vadd.f32 v20, v18  }
.LBB2_4:
0x90: {  	p0 =	sne.s32 s26, $0xF0;
	v17 =	vshll.u32 v17, $0x4;
	v18 =	vor.u32 $0x8, v4;
	v5 =	vadd.f32 v5, v8;
	v8 =	vld.idx.msk [tilespmem:v12+s20+$0x0], $0xffff  }
0x91: {  	v17 =	vor.u32 v0, v17;
	v9 =	vadd.f32 v9, v16;
	v12 =	vld.idx.msk [tilespmem:v13+s20+$0x0], $0xffff  }
0x92: {  	v13 =	vor.u32 $0x9, v4;
	v5 =	vadd.f32 v6, v5;
	v6 =	vld.idx.msk [tilespmem:v15+s20+$0x0], $0xffff  }
0x93: {  	s25 =	sadd.s32 $0x10, s25;
	v15 =	vor.u32 $0x1, v17;
	v9 =	vadd.f32 v10, v9;
	v10 =	vld.idx.msk [tilespmem:v14+s20+$0x0], $0xffff  }
0x94: {  	v14 =	vor.u32 $0xA, v4;
	v5 =	vadd.f32 v7, v5;
	v7 =	vld [tilespmem:s25+$0x0]  }
0x95: {  	v16 =	vor.u32 $0x2, v17;
	v9 =	vadd.f32 v11, v9;
	v11 =	vld.idx.msk [tilespmem:v18+s20+$0x0], $0xffff  }
0x96: {  	v19 =	vor.u32 $0xB, v4;
	v18 =	vld.idx.msk [tilespmem:v17+s20+$0x0], $0xffff;
	v5 =	vadd.f32 v8, v5  }
0x97: {  	v8 =	vor.u32 $0x3, v17;
	v9 =	vadd.f32 v12, v9;
	v20 =	vld.idx.msk [tilespmem:v13+s20+$0x0], $0xffff  }
0x98: {  	v21 =	vor.u32 $0xC, v4;
	v15 =	vld.idx.msk [tilespmem:v15+s20+$0x0], $0xffff;
	v5 =	vadd.f32 v6, v5  }
0x99: {  	v22 =	vor.u32 $0x4, v17;
	v6 =	vadd.f32 v10, v9;
	v23 =	vld.idx.msk [tilespmem:v14+s20+$0x0], $0xffff  }
0x9a: {  	v24 =	vor.u32 $0xD, v4;
	v16 =	vld.idx.msk [tilespmem:v16+s20+$0x0], $0xffff;
	v7 =	vmul.f32 v5, v7;
	vm0 =	vge.f32 v5, $0.0e+00  }
0x9b: {  	v25 =	vor.u32 $0x5, v17;
	v6 =	vadd.f32 v11, v6;
	v5 =	vld.idx.msk [tilespmem:v19+s20+$0x0], $0xffff;
	v10 =	vsel vm0, $0x3F800000, v1  }
.Ltmp1:
0x9c: {  	v12 =	vor.u32 $0xE, v4;
	v11 =	vadd.f32 $0.0e+00, v18;
	v9 =	vld.idx.msk [tilespmem:v8+s20+$0x0], $0xffff;
	v2 =	vadd.f32 v10, v2;
	(pc) =	sbr.rel @p0 .LBB2_4-.Ltmp1, $4  }
0x9d: {  	v13 =	vor.u32 $0x6, v17;
	v3 =	vadd.f32 v7, v3;
	v8 =	vadd.f32 v20, v6;
	v6 =	vld.idx.msk [tilespmem:v21+s20+$0x0], $0xffff  }
0x9e: {  	v11 =	vadd.f32 v15, v11;
	v15 =	vor.u32 $0xF, v4;
	v4 =	vmov v17;
	v10 =	vld.idx.msk [tilespmem:v22+s20+$0x0], $0xffff  }
0x9f: {  	v14 =	vor.u32 $0x7, v4;
	v8 =	vadd.f32 v23, v8;
	v7 =	vld.idx.msk [tilespmem:v24+s20+$0x0], $0xffff  }
0xa0: {  	v17 =	vmov s26;
	s26 =	sadd.s32 $0x10, s26;
	v16 =	vadd.f32 v16, v11;
	v11 =	vld.idx.msk [tilespmem:v25+s20+$0x0], $0xffff  }
0xa1: {  	v17 =	vshll.u32 v17, $0x4  }
0xa2: {  	v17 =	vor.u32 v0, v17;
	_ =	sdelay $0x1  }
0xa3: {  	v18 =	vor.u32 $0x1, v17;
	_ =	sdelay $0x1  }
0xa4: {  	v19 =	vor.u32 $0x2, v17  }
0xa5: {  	v20 =	vld.idx.msk [tilespmem:v17+s20+$0x0], $0xffff  }
0xa6: {  	v21 =	vor.u32 $0x3, v17  }
0xa7: {  	v18 =	vld.idx.msk [tilespmem:v18+s20+$0x0], $0xffff  }
0xa8: {  	v12 =	vld.idx.msk [tilespmem:v12+s20+$0x0], $0xffff;
	v23 =	vor.u32 $0x4, v17  }
0xa9: {  	v19 =	vld.idx.msk [tilespmem:v19+s20+$0x0], $0xffff  }
0xaa: {  	v13 =	vld.idx.msk [tilespmem:v13+s20+$0x0], $0xffff;
	v26 =	vor.u32 $0x5, v17;
	v20 =	vadd.f32 $0.0e+00, v20  }
0xab: {  	v21 =	vld.idx.msk [tilespmem:v21+s20+$0x0], $0xffff  }
0xac: {  	v15 =	vld.idx.msk [tilespmem:v15+s20+$0x0], $0xffff;
	v37 =	vor.u32 $0x6, v17;
	v18 =	vadd.f32 v18, v20  }
0xad: {  	v22 =	vor.u32 $0x8, v4;
	v9 =	vadd.f32 v9, v16;
	v23 =	vld.idx.msk [tilespmem:v23+s20+$0x0], $0xffff  }
0xae: {  	v14 =	vld.idx.msk [tilespmem:v14+s20+$0x0], $0xffff;
	v39 =	vor.u32 $0x7, v17;
	v18 =	vadd.f32 v19, v18  }
0xaf: {  	v24 =	vor.u32 $0x9, v4;
	s25 =	sadd.s32 $0x10, s25;
	v9 =	vadd.f32 v10, v9;
	v26 =	vld.idx.msk [tilespmem:v26+s20+$0x0], $0xffff  }
0xb0: {  	v25 =	vld [tilespmem:s25+$0x0];
	v41 =	vor.u32 $0x8, v17;
	v18 =	vadd.f32 v21, v18  }
0xb1: {  	v27 =	vor.u32 $0xA, v4;
	v9 =	vadd.f32 v11, v9;
	v20 =	vld.idx.msk [tilespmem:v37+s20+$0x0], $0xffff  }
0xb2: {  	v43 =	vor.u32 $0x9, v17;
	v22 =	vld.idx.msk [tilespmem:v22+s20+$0x0], $0xffff;
	v18 =	vadd.f32 v23, v18  }
0xb3: {  	v38 =	vor.u32 $0xB, v4;
	v9 =	vadd.f32 v13, v9;
	v19 =	vld.idx.msk [tilespmem:v39+s20+$0x0], $0xffff  }
0xb4: {  	v45 =	vor.u32 $0xA, v17;
	v24 =	vld.idx.msk [tilespmem:v24+s20+$0x0], $0xffff;
	v18 =	vadd.f32 v26, v18  }
0xb5: {  	v40 =	vor.u32 $0xC, v4;
	v46 =	vld.idx.msk [tilespmem:v41+s20+$0x0], $0xffff;
	v9 =	vadd.f32 v14, v9  }
0xb6: {  	v47 =	vor.u32 $0xB, v17;
	v27 =	vld.idx.msk [tilespmem:v27+s20+$0x0], $0xffff;
	v18 =	vadd.f32 v20, v18  }
0xb7: {  	v42 =	vor.u32 $0xD, v4;
	v48 =	vld.idx.msk [tilespmem:v43+s20+$0x0], $0xffff;
	v9 =	vadd.f32 v22, v9  }
0xb8: {  	v49 =	vor.u32 $0xC, v17;
	v16 =	vld.idx.msk [tilespmem:v38+s20+$0x0], $0xffff;
	v18 =	vadd.f32 v19, v18  }
0xb9: {  	v44 =	vor.u32 $0xE, v4;
	v50 =	vld.idx.msk [tilespmem:v45+s20+$0x0], $0xffff;
	v9 =	vadd.f32 v24, v9  }
0xba: {  	v51 =	vor.u32 $0xD, v17;
	v10 =	vld.idx.msk [tilespmem:v40+s20+$0x0], $0xffff;
	v14 =	vadd.f32 v46, v18  }
0xbb: {  	v4 =	vor.u32 $0xF, v4;
	v5 =	vadd.f32 v5, v8;
	v54 =	vld.idx.msk [tilespmem:v47+s20+$0x0], $0xffff;
	v53 =	vadd.f32 v27, v9  }
0xbc: {  	v52 =	vor.u32 $0xE, v17;
	v11 =	vld.idx.msk [tilespmem:v42+s20+$0x0], $0xffff;
	v14 =	vadd.f32 v48, v14  }
0xbd: {  	v5 =	vadd.f32 v6, v5;
	v57 =	vld.idx.msk [tilespmem:v49+s20+$0x0], $0xffff;
	v56 =	vadd.f32 v16, v53  }
0xbe: {  	v17 =	vor.u32 $0xF, v17;
	v13 =	vld.idx.msk [tilespmem:v44+s20+$0x0], $0xffff;
	v14 =	vadd.f32 v50, v14  }
0xbf: {  	v5 =	vadd.f32 v7, v5;
	v58 =	vld.idx.msk [tilespmem:v51+s20+$0x0], $0xffff;
	v6 =	vadd.f32 v10, v56  }
0xc0: {  	v4 =	vld.idx.msk [tilespmem:v4+s20+$0x0], $0xffff;
	v9 =	vadd.f32 v54, v14  }
0xc1: {  	s25 =	sadd.s32 $0x10, s25;
	v5 =	vadd.f32 v12, v5;
	v59 =	vld.idx.msk [tilespmem:v52+s20+$0x0], $0xffff;
	v6 =	vadd.f32 v11, v6  }
0xc2: {  	v55 =	vld [tilespmem:s25+$0x0];
	v8 =	vadd.f32 v57, v9  }
0xc3: {  	s25 =	sadd.s32 $0x10, s25;
	v5 =	vadd.f32 v15, v5;
	v60 =	vld.idx.msk [tilespmem:v17+s20+$0x0], $0xffff;
	v6 =	vadd.f32 v13, v6  }
0xc4: {  	v61 =	vld [tilespmem:s25+$0x0];
	_ =	swait.ge [sflag:s21], $0x4000;
	v8 =	vadd.f32 v58, v8  }
0xc5: {  	v62 =	vmul.f32 v5, v25;
	vm0 =	vge.f32 v5, $0.0e+00;
	[sflag:s21] =	ssyncset.done $0x0;
	v4 =	vadd.f32 v4, v6  }
0xc6: {  	v5 =	vsel vm0, $0x3F800000, v1;
	[sflag:s21] =	ssyncadd.s32 $0xFFFFC000;
	v63 =	vadd.f32 v59, v8  }
0xc7: {  	v2 =	vadd.f32 v5, v2;
	v3 =	vadd.f32 v62, v3;
	_ =	swait.ge [sflag:s22], $0x4000;
	vm14 =	vge.f32 v4, $0.0e+00  }
0xc8: {  	[sflag:s22] =	ssyncset.done $0x0;
	v4 =	vmul.f32 v4, v55;
	v5 =	vsel vm14, $0x3F800000, v1;
	v6 =	vadd.f32 v60, v63  }
0xc9: {  	s26 =	simm.s32 $0x200;
	s29 =	simm.s32 $0xA00;
	[sflag:s22] =	ssyncadd.s32 $0xFFFFC000;
	v2 =	vadd.f32 v5, v2  }
0xca: {  	[tilespmem:s13], [sflag:$0x1] =	stream.indirect.gather [hbm4b:s3+s12], $0x40, s26, s12, $0xb8;
	v3 =	vadd.f32 v4, v3;
	v4 =	vmul.f32 v6, v61;
	vm15 =	vge.f32 v6, $0.0e+00;
	[tilespmem:$0x12820] =	vst v63  }
0xcb: {  	s28 =	simm.s32 $0x0;
	s25 =	simm.s32 $0x0;
	s26 =	simm.s32 $0x11820;
	v5 =	vsel vm15, $0x3F800000, v1  }
0xcc: {  	[tilespmem:s14], [sflag:$0x2] =	stream.indirect.gather [hbm4b:s3+s12], $0x40, s29, s12, $0xb8;
	v2 =	vadd.f32 v5, v2;
	v3 =	vadd.f32 v4, v3;
	[tilespmem:$0x12820] =	vst v63  }
.LBB2_6:
0xcd: {  	s29 =	sshra.s32 s28, $0x2  }
0xce: {  	v4 =	vld [tilespmem:s29+$0x9800]  }
0xcf: {  	v5 =	vld [tilespmem:s29+$0xD800]  }
0xd0: {  	v6 =	vld [tilespmem:s29+$0x9810]  }
0xd1: {  	v7 =	vld [tilespmem:s29+$0xD810]  }
0xd2: {  	v8 =	vld [tilespmem:s29+$0x9820]  }
0xd3: {  	v9 =	vld [tilespmem:s29+$0xD820]  }
0xd4: {  	v10 =	vld [tilespmem:s29+$0x9830]  }
0xd5: {  	v11 =	vld [tilespmem:s29+$0xD830];
	_ =	sdelay $0x3  }
0xd6: {  	v4 =	vmul.f32 v5, v4;
	v5 =	vmul.f32 v7, v6  }
0xd7: {  	v38 =	vmul.f32 v9, v8;
	v39 =	vmul.f32 v11, v10;
	_ =	sdelay $0x1  }
0xd8: {  	v4 =	vadd.f32 v5, v4;
	v5 =	vadd.f32 v39, v38;
	_ =	sdelay $0x1  }
0xd9: {  	v4 =	vadd.f32 v5, v4;
	_ =	sdelay $0x1  }
0xda: {  	[tilespmem:s26+$0xFFFFFFE0] =	vst v4  }
0xdb: {  	v4 =	vld [tilespmem:s29+$0x9840]  }
0xdc: {  	v5 =	vld [tilespmem:s29+$0xD840]  }
0xdd: {  	v40 =	vld [tilespmem:s29+$0x9850]  }
0xde: {  	v41 =	vld [tilespmem:s29+$0xD850]  }
0xdf: {  	v42 =	vld [tilespmem:s29+$0x9860]  }
0xe0: {  	v43 =	vld [tilespmem:s29+$0xD860]  }
0xe1: {  	v44 =	vld [tilespmem:s29+$0x9870]  }
0xe2: {  	v45 =	vld [tilespmem:s29+$0xD870];
	_ =	sdelay $0x3  }
0xe3: {  	v4 =	vmul.f32 v5, v4;
	v5 =	vmul.f32 v41, v40  }
0xe4: {  	v46 =	vmul.f32 v43, v42;
	v47 =	vmul.f32 v45, v44;
	_ =	sdelay $0x1  }
0xe5: {  	v4 =	vadd.f32 v5, v4;
	v5 =	vadd.f32 v47, v46;
	_ =	sdelay $0x1  }
0xe6: {  	v4 =	vadd.f32 v5, v4;
	_ =	sdelay $0x1  }
0xe7: {  	[tilespmem:s26+$0xFFFFFFF0] =	vst v4  }
0xe8: {  	v4 =	vld [tilespmem:s29+$0x9880]  }
0xe9: {  	v5 =	vld [tilespmem:s29+$0xD880]  }
0xea: {  	v48 =	vld [tilespmem:s29+$0x9890]  }
0xeb: {  	v49 =	vld [tilespmem:s29+$0xD890]  }
0xec: {  	v50 =	vld [tilespmem:s29+$0x98A0]  }
0xed: {  	v51 =	vld [tilespmem:s29+$0xD8A0]  }
0xee: {  	v52 =	vld [tilespmem:s29+$0x98B0]  }
0xef: {  	v53 =	vld [tilespmem:s29+$0xD8B0];
	_ =	sdelay $0x3  }
0xf0: {  	v4 =	vmul.f32 v5, v4;
	v5 =	vmul.f32 v49, v48  }
0xf1: {  	v54 =	vmul.f32 v51, v50;
	v55 =	vmul.f32 v53, v52;
	_ =	sdelay $0x1  }
0xf2: {  	v4 =	vadd.f32 v5, v4;
	v5 =	vadd.f32 v55, v54;
	_ =	sdelay $0x1  }
0xf3: {  	v4 =	vadd.f32 v5, v4;
	_ =	sdelay $0x1  }
0xf4: {  	[tilespmem:s26+$0x0] =	vst v4  }
0xf5: {  	v4 =	vld [tilespmem:s29+$0x98C0]  }
0xf6: {  	v5 =	vld [tilespmem:s29+$0xD8C0]  }
0xf7: {  	v56 =	vld [tilespmem:s29+$0x98D0]  }
0xf8: {  	v57 =	vld [tilespmem:s29+$0xD8D0]  }
0xf9: {  	v58 =	vld [tilespmem:s29+$0x98E0]  }
0xfa: {  	v59 =	vld [tilespmem:s29+$0xD8E0]  }
0xfb: {  	v60 =	vld [tilespmem:s29+$0x98F0]  }
0xfc: {  	v61 =	vld [tilespmem:s29+$0xD8F0];
	_ =	sdelay $0x3  }
0xfd: {  	v4 =	vmul.f32 v5, v4;
	v5 =	vmul.f32 v57, v56  }
0xfe: {  	v62 =	vmul.f32 v59, v58;
	v63 =	vmul.f32 v61, v60  }
0xff: {  	p0 =	sne.s32 s28, $0xFC00  }
.Ltmp2:
0x100: {  	v4 =	vadd.f32 v5, v4;
	v5 =	vadd.f32 v63, v62;
	(pc) =	sbr.rel @p0 .LBB2_6-.Ltmp2, $3  }
0x101: {  	_ = 	snop  }
0x102: {  	v4 =	vadd.f32 v5, v4;
	_ =	sdelay $0x1  }
0x103: {  	s28 =	sadd.s32 $0x400, s28;
	[tilespmem:s26+$0x10] =	vst v4;
	s26 =	sadd.s32 $0x40, s26  }
0x104: {  	v4 =	vmov s25  }
0x105: {  	v4 =	vshll.u32 v4, $0x4  }
0x106: {  	v4 =	vor.u32 v0, v4;
	_ =	sdelay $0x1  }
0x107: {  	v5 =	vor.u32 $0x1, v4;
	_ =	sdelay $0x1  }
0x108: {  	v6 =	vor.u32 $0x2, v4  }
0x109: {  	v7 =	vld.idx.msk [tilespmem:v4+s20+$0x0], $0xffff  }
0x10a: {  	v8 =	vor.u32 $0x3, v4  }
0x10b: {  	v5 =	vld.idx.msk [tilespmem:v5+s20+$0x0], $0xffff  }
0x10c: {  	v9 =	vor.u32 $0x4, v4  }
0x10d: {  	v6 =	vld.idx.msk [tilespmem:v6+s20+$0x0], $0xffff  }
0x10e: {  	v10 =	vor.u32 $0x5, v4;
	v7 =	vadd.f32 $0.0e+00, v7  }
0x10f: {  	v8 =	vld.idx.msk [tilespmem:v8+s20+$0x0], $0xffff  }
0x110: {  	v11 =	vor.u32 $0x6, v4;
	v5 =	vadd.f32 v5, v7  }
0x111: {  	s28 =	simm.s32 $0x10;
	v15 =	vor.u32 $0xB, v4;
	v7 =	vld.idx.msk [tilespmem:v9+s20+$0x0], $0xffff  }
0x112: {  	v12 =	vmov s28;
	v9 =	vor.u32 $0x7, v4;
	v5 =	vadd.f32 v6, v5  }
0x113: {  	v10 =	vld.idx.msk [tilespmem:v10+s20+$0x0], $0xffff;
	v6 =	vshll.u32 v12, $0x4;
	v12 =	vor.u32 $0x8, v4  }
0x114: {  	v14 =	vor.u32 v0, v6;
	v5 =	vadd.f32 v8, v5  }
0x115: {  	v8 =	vld.idx.msk [tilespmem:v11+s20+$0x0], $0xffff;
	v11 =	vor.u32 $0x1, v14  }
0x116: {  	v15 =	vld.idx.msk [tilespmem:v15+s20+$0x0], $0xffff;
	v6 =	vor.u32 $0x9, v4;
	v5 =	vadd.f32 v7, v5  }
0x117: {  	v13 =	vor.u32 $0x2, v14;
	v7 =	vld.idx.msk [tilespmem:v9+s20+$0x0], $0xffff  }
0x118: {  	v9 =	vor.u32 $0xA, v4;
	v12 =	vld.idx.msk [tilespmem:v12+s20+$0x0], $0xffff;
	v5 =	vadd.f32 v10, v5  }
0x119: {  	v16 =	vor.u32 $0x3, v14;
	v10 =	vld.idx.msk [tilespmem:v14+s20+$0x0], $0xffff  }
0x11a: {  	v5 =	vadd.f32 v8, v5;
	v8 =	vld.idx.msk [tilespmem:v11+s20+$0x0], $0xffff;
	v11 =	vor.u32 $0xC, v4  }
0x11b: {  	v17 =	vor.u32 $0x4, v14;
	v6 =	vld.idx.msk [tilespmem:v6+s20+$0x0], $0xffff  }
0x11c: {  	v5 =	vadd.f32 v7, v5;
	v7 =	vld.idx.msk [tilespmem:v13+s20+$0x0], $0xffff;
	v13 =	vor.u32 $0xD, v4  }
0x11d: {  	v18 =	vor.u32 $0x5, v14;
	v9 =	vld.idx.msk [tilespmem:v9+s20+$0x0], $0xffff  }
0x11e: {  	v10 =	vadd.f32 $0.0e+00, v10;
	v5 =	vadd.f32 v12, v5;
	v12 =	vld.idx.msk [tilespmem:v16+s20+$0x0], $0xffff  }
0x11f: {  	v19 =	vor.u32 $0x6, v14;
	v16 =	vor.u32 $0xE, v4;
	v11 =	vld.idx.msk [tilespmem:v11+s20+$0x0], $0xffff  }
0x120: {  	v5 =	vadd.f32 v6, v5;
	v6 =	vld.idx.msk [tilespmem:v17+s20+$0x0], $0xffff;
	v17 =	vor.u32 $0xF, v4;
	v4 =	vadd.f32 v8, v10  }
0x121: {  	s29 =	simm.s32 $0x20;
	v8 =	vor.u32 $0x7, v14;
	v10 =	vld.idx.msk [tilespmem:v13+s20+$0x0], $0xffff  }
0x122: {  	s25 =	simm.s32 $0x1100;
	v13 =	vld.idx.msk [tilespmem:v18+s20+$0x0], $0xffff;
	v5 =	vadd.f32 v9, v5;
	v9 =	vmov s29;
	v7 =	vadd.f32 v7, v4  }
0x123: {  	v18 =	vld [tilespmem:s25+$0x0];
	v4 =	vshll.u32 v9, $0x4;
	v9 =	vor.u32 $0x8, v14  }
0x124: {  	v16 =	vld.idx.msk [tilespmem:v16+s20+$0x0], $0xffff;
	v5 =	vadd.f32 v15, v5;
	v4 =	vor.u32 v0, v4;
	v7 =	vadd.f32 v12, v7  }
0x125: {  	v15 =	vld.idx.msk [tilespmem:v19+s20+$0x0], $0xffff;
	v12 =	vor.u32 $0x9, v14  }
0x126: {  	v17 =	vld.idx.msk [tilespmem:v17+s20+$0x0], $0xffff;
	v5 =	vadd.f32 v11, v5;
	v11 =	vor.u32 $0x1, v4;
	v6 =	vadd.f32 v6, v7  }
0x127: {  	v8 =	vld.idx.msk [tilespmem:v8+s20+$0x0], $0xffff;
	v7 =	vor.u32 $0xA, v14  }
0x128: {  	v19 =	vor.u32 $0xB, v14;
	v5 =	vadd.f32 v10, v5;
	v9 =	vld.idx.msk [tilespmem:v9+s20+$0x0], $0xffff;
	v6 =	vadd.f32 v13, v6  }
0x129: {  	v10 =	vor.u32 $0x2, v4;
	v13 =	vld.idx.msk [tilespmem:v4+s20+$0x0], $0xffff  }
0x12a: {  	v20 =	vld.idx.msk [tilespmem:v12+s20+$0x0], $0xffff;
	v5 =	vadd.f32 v16, v5;
	v16 =	vor.u32 $0x3, v4;
	v6 =	vadd.f32 v15, v6  }
0x12b: {  	v15 =	vor.u32 $0xC, v14;
	v11 =	vld.idx.msk [tilespmem:v11+s20+$0x0], $0xffff  }
0x12c: {  	v21 =	vld.idx.msk [tilespmem:v7+s20+$0x0], $0xffff;
	v7 =	vor.u32 $0xD, v14;
	v12 =	vadd.f32 v17, v5;
	v6 =	vadd.f32 v8, v6  }
0x12d: {  	v23 =	vor.u32 $0x5, v4;
	v17 =	vor.u32 $0x4, v4;
	v5 =	vld.idx.msk [tilespmem:v19+s20+$0x0], $0xffff  }
0x12e: {  	v22 =	vld.idx.msk [tilespmem:v10+s20+$0x0], $0xffff;
	vm0 =	vge.f32 v12, $0.0e+00;
	v8 =	vadd.f32 v9, v6;
	v10 =	vadd.f32 $0.0e+00, v13  }
0x12f: {  	v6 =	vsel vm0, $0x3F800000, v1;
	v9 =	vld.idx.msk [tilespmem:v16+s20+$0x0], $0xffff;
	v16 =	vmul.f32 v12, v18;
	v12 =	vor.u32 $0xE, v14  }
0x130: {  	v13 =	vor.u32 $0x6, v4;
	v2 =	vadd.f32 v6, v2;
	v6 =	vld.idx.msk [tilespmem:v15+s20+$0x0], $0xffff;
	v8 =	vadd.f32 v20, v8  }
0x131: {  	v11 =	vadd.f32 v11, v10;
	v15 =	vor.u32 $0xF, v14;
	v7 =	vld.idx.msk [tilespmem:v7+s20+$0x0], $0xffff  }
0x132: {  	s26 =	simm.s32 $0x30;
	v14 =	vor.u32 $0x7, v4;
	v10 =	vld.idx.msk [tilespmem:v17+s20+$0x0], $0xffff;
	v8 =	vadd.f32 v21, v8  }
0x133: {  	v3 =	vadd.f32 v16, v3;
	v17 =	vmov s26;
	s26 =	simm.s32 $0x40;
	v16 =	vadd.f32 v22, v11;
	v11 =	vld.idx.msk [tilespmem:v23+s20+$0x0], $0xffff  }
.LBB2_8:
0x134: {  	p0 =	sne.s32 s26, $0xF0;
	v17 =	vshll.u32 v17, $0x4;
	v18 =	vor.u32 $0x8, v4;
	v5 =	vadd.f32 v5, v8;
	v8 =	vld.idx.msk [tilespmem:v12+s20+$0x0], $0xffff  }
0x135: {  	v17 =	vor.u32 v0, v17;
	v9 =	vadd.f32 v9, v16;
	v12 =	vld.idx.msk [tilespmem:v13+s20+$0x0], $0xffff  }
0x136: {  	v13 =	vor.u32 $0x9, v4;
	v5 =	vadd.f32 v6, v5;
	v6 =	vld.idx.msk [tilespmem:v15+s20+$0x0], $0xffff  }
0x137: {  	s25 =	sadd.s32 $0x10, s25;
	v15 =	vor.u32 $0x1, v17;
	v9 =	vadd.f32 v10, v9;
	v10 =	vld.idx.msk [tilespmem:v14+s20+$0x0], $0xffff  }
0x138: {  	v14 =	vor.u32 $0xA, v4;
	v5 =	vadd.f32 v7, v5;
	v7 =	vld [tilespmem:s25+$0x0]  }
0x139: {  	v16 =	vor.u32 $0x2, v17;
	v9 =	vadd.f32 v11, v9;
	v11 =	vld.idx.msk [tilespmem:v18+s20+$0x0], $0xffff  }
0x13a: {  	v19 =	vor.u32 $0xB, v4;
	v18 =	vld.idx.msk [tilespmem:v17+s20+$0x0], $0xffff;
	v5 =	vadd.f32 v8, v5  }
0x13b: {  	v8 =	vor.u32 $0x3, v17;
	v9 =	vadd.f32 v12, v9;
	v20 =	vld.idx.msk [tilespmem:v13+s20+$0x0], $0xffff  }
0x13c: {  	v21 =	vor.u32 $0xC, v4;
	v15 =	vld.idx.msk [tilespmem:v15+s20+$0x0], $0xffff;
	v5 =	vadd.f32 v6, v5  }
0x13d: {  	v22 =	vor.u32 $0x4, v17;
	v6 =	vadd.f32 v10, v9;
	v23 =	vld.idx.msk [tilespmem:v14+s20+$0x0], $0xffff  }
0x13e: {  	v24 =	vor.u32 $0xD, v4;
	v16 =	vld.idx.msk [tilespmem:v16+s20+$0x0], $0xffff;
	v7 =	vmul.f32 v5, v7;
	vm0 =	vge.f32 v5, $0.0e+00  }
0x13f: {  	v25 =	vor.u32 $0x5, v17;
	v6 =	vadd.f32 v11, v6;
	v5 =	vld.idx.msk [tilespmem:v19+s20+$0x0], $0xffff;
	v10 =	vsel vm0, $0x3F800000, v1  }
.Ltmp3:
0x140: {  	v12 =	vor.u32 $0xE, v4;
	v11 =	vadd.f32 $0.0e+00, v18;
	v9 =	vld.idx.msk [tilespmem:v8+s20+$0x0], $0xffff;
	v2 =	vadd.f32 v10, v2;
	(pc) =	sbr.rel @p0 .LBB2_8-.Ltmp3, $4  }
0x141: {  	v13 =	vor.u32 $0x6, v17;
	v3 =	vadd.f32 v7, v3;
	v8 =	vadd.f32 v20, v6;
	v6 =	vld.idx.msk [tilespmem:v21+s20+$0x0], $0xffff  }
0x142: {  	v11 =	vadd.f32 v15, v11;
	v15 =	vor.u32 $0xF, v4;
	v4 =	vmov v17;
	v10 =	vld.idx.msk [tilespmem:v22+s20+$0x0], $0xffff  }
0x143: {  	v14 =	vor.u32 $0x7, v4;
	v8 =	vadd.f32 v23, v8;
	v7 =	vld.idx.msk [tilespmem:v24+s20+$0x0], $0xffff  }
0x144: {  	v17 =	vmov s26;
	s26 =	sadd.s32 $0x10, s26;
	v16 =	vadd.f32 v16, v11;
	v11 =	vld.idx.msk [tilespmem:v25+s20+$0x0], $0xffff  }
0x145: {  	v17 =	vshll.u32 v17, $0x4  }
0x146: {  	v17 =	vor.u32 v0, v17;
	_ =	sdelay $0x1  }
0x147: {  	v18 =	vor.u32 $0x1, v17;
	_ =	sdelay $0x1  }
0x148: {  	v19 =	vor.u32 $0x2, v17  }
0x149: {  	v20 =	vld.idx.msk [tilespmem:v17+s20+$0x0], $0xffff  }
0x14a: {  	v21 =	vor.u32 $0x3, v17  }
0x14b: {  	v18 =	vld.idx.msk [tilespmem:v18+s20+$0x0], $0xffff  }
0x14c: {  	v12 =	vld.idx.msk [tilespmem:v12+s20+$0x0], $0xffff;
	v23 =	vor.u32 $0x4, v17  }
0x14d: {  	v19 =	vld.idx.msk [tilespmem:v19+s20+$0x0], $0xffff  }
0x14e: {  	v13 =	vld.idx.msk [tilespmem:v13+s20+$0x0], $0xffff;
	v26 =	vor.u32 $0x5, v17;
	v20 =	vadd.f32 $0.0e+00, v20  }
0x14f: {  	v21 =	vld.idx.msk [tilespmem:v21+s20+$0x0], $0xffff  }
0x150: {  	v15 =	vld.idx.msk [tilespmem:v15+s20+$0x0], $0xffff;
	v37 =	vor.u32 $0x6, v17;
	v18 =	vadd.f32 v18, v20  }
0x151: {  	v22 =	vor.u32 $0x8, v4;
	v9 =	vadd.f32 v9, v16;
	v23 =	vld.idx.msk [tilespmem:v23+s20+$0x0], $0xffff  }
0x152: {  	v14 =	vld.idx.msk [tilespmem:v14+s20+$0x0], $0xffff;
	v39 =	vor.u32 $0x7, v17;
	v18 =	vadd.f32 v19, v18  }
0x153: {  	v24 =	vor.u32 $0x9, v4;
	s25 =	sadd.s32 $0x10, s25;
	v9 =	vadd.f32 v10, v9;
	v26 =	vld.idx.msk [tilespmem:v26+s20+$0x0], $0xffff  }
0x154: {  	v25 =	vld [tilespmem:s25+$0x0];
	v41 =	vor.u32 $0x8, v17;
	v18 =	vadd.f32 v21, v18  }
0x155: {  	v27 =	vor.u32 $0xA, v4;
	v9 =	vadd.f32 v11, v9;
	v20 =	vld.idx.msk [tilespmem:v37+s20+$0x0], $0xffff  }
0x156: {  	v43 =	vor.u32 $0x9, v17;
	v22 =	vld.idx.msk [tilespmem:v22+s20+$0x0], $0xffff;
	v18 =	vadd.f32 v23, v18  }
0x157: {  	v38 =	vor.u32 $0xB, v4;
	v9 =	vadd.f32 v13, v9;
	v19 =	vld.idx.msk [tilespmem:v39+s20+$0x0], $0xffff  }
0x158: {  	v45 =	vor.u32 $0xA, v17;
	v24 =	vld.idx.msk [tilespmem:v24+s20+$0x0], $0xffff;
	v18 =	vadd.f32 v26, v18  }
0x159: {  	v40 =	vor.u32 $0xC, v4;
	v46 =	vld.idx.msk [tilespmem:v41+s20+$0x0], $0xffff;
	v9 =	vadd.f32 v14, v9  }
0x15a: {  	v47 =	vor.u32 $0xB, v17;
	v27 =	vld.idx.msk [tilespmem:v27+s20+$0x0], $0xffff;
	v18 =	vadd.f32 v20, v18  }
0x15b: {  	v42 =	vor.u32 $0xD, v4;
	v48 =	vld.idx.msk [tilespmem:v43+s20+$0x0], $0xffff;
	v9 =	vadd.f32 v22, v9  }
0x15c: {  	v49 =	vor.u32 $0xC, v17;
	v16 =	vld.idx.msk [tilespmem:v38+s20+$0x0], $0xffff;
	v18 =	vadd.f32 v19, v18  }
0x15d: {  	v44 =	vor.u32 $0xE, v4;
	v50 =	vld.idx.msk [tilespmem:v45+s20+$0x0], $0xffff;
	v9 =	vadd.f32 v24, v9  }
0x15e: {  	v51 =	vor.u32 $0xD, v17;
	v10 =	vld.idx.msk [tilespmem:v40+s20+$0x0], $0xffff;
	v14 =	vadd.f32 v46, v18  }
0x15f: {  	v4 =	vor.u32 $0xF, v4;
	v5 =	vadd.f32 v5, v8;
	v54 =	vld.idx.msk [tilespmem:v47+s20+$0x0], $0xffff;
	v53 =	vadd.f32 v27, v9  }
0x160: {  	v52 =	vor.u32 $0xE, v17;
	v11 =	vld.idx.msk [tilespmem:v42+s20+$0x0], $0xffff;
	v14 =	vadd.f32 v48, v14  }
0x161: {  	v5 =	vadd.f32 v6, v5;
	v57 =	vld.idx.msk [tilespmem:v49+s20+$0x0], $0xffff;
	v56 =	vadd.f32 v16, v53  }
0x162: {  	v17 =	vor.u32 $0xF, v17;
	v13 =	vld.idx.msk [tilespmem:v44+s20+$0x0], $0xffff;
	v14 =	vadd.f32 v50, v14  }
0x163: {  	v5 =	vadd.f32 v7, v5;
	v58 =	vld.idx.msk [tilespmem:v51+s20+$0x0], $0xffff;
	v6 =	vadd.f32 v10, v56  }
0x164: {  	v4 =	vld.idx.msk [tilespmem:v4+s20+$0x0], $0xffff;
	v9 =	vadd.f32 v54, v14  }
0x165: {  	s25 =	sadd.s32 $0x10, s25;
	v5 =	vadd.f32 v12, v5;
	v59 =	vld.idx.msk [tilespmem:v52+s20+$0x0], $0xffff;
	v6 =	vadd.f32 v11, v6  }
0x166: {  	v55 =	vld [tilespmem:s25+$0x0];
	v8 =	vadd.f32 v57, v9  }
0x167: {  	s25 =	sadd.s32 $0x10, s25;
	v5 =	vadd.f32 v15, v5;
	v60 =	vld.idx.msk [tilespmem:v17+s20+$0x0], $0xffff;
	v6 =	vadd.f32 v13, v6  }
0x168: {  	v61 =	vld [tilespmem:s25+$0x0];
	_ =	swait.ge [sflag:s15], $0x4000;
	v8 =	vadd.f32 v58, v8  }
0x169: {  	v62 =	vmul.f32 v5, v25;
	vm0 =	vge.f32 v5, $0.0e+00;
	[sflag:s15] =	ssyncset.done $0x0;
	v4 =	vadd.f32 v4, v6  }
0x16a: {  	v5 =	vsel vm0, $0x3F800000, v1;
	[sflag:s15] =	ssyncadd.s32 $0xFFFFC000;
	v63 =	vadd.f32 v59, v8  }
0x16b: {  	v2 =	vadd.f32 v5, v2;
	v3 =	vadd.f32 v62, v3;
	_ =	swait.ge [sflag:s16], $0x4000;
	vm14 =	vge.f32 v4, $0.0e+00  }
0x16c: {  	[sflag:s16] =	ssyncset.done $0x0;
	v4 =	vmul.f32 v4, v55;
	v5 =	vsel vm14, $0x3F800000, v1;
	v6 =	vadd.f32 v60, v63  }
0x16d: {  	s26 =	simm.s32 $0x300;
	s29 =	simm.s32 $0xB00;
	[sflag:s16] =	ssyncadd.s32 $0xFFFFC000;
	v2 =	vadd.f32 v5, v2  }
0x16e: {  	[tilespmem:s17], [sflag:$0x3] =	stream.indirect.gather [hbm4b:s3+s12], $0x40, s26, s12, $0xb8;
	v3 =	vadd.f32 v4, v3;
	v4 =	vmul.f32 v6, v61;
	vm15 =	vge.f32 v6, $0.0e+00;
	[tilespmem:$0x12820] =	vst v63  }
0x16f: {  	s28 =	simm.s32 $0x0;
	s25 =	simm.s32 $0x0;
	s26 =	simm.s32 $0x11820;
	v5 =	vsel vm15, $0x3F800000, v1  }
0x170: {  	[tilespmem:s19], [sflag:$0x4] =	stream.indirect.gather [hbm4b:s3+s12], $0x40, s29, s12, $0xb8;
	v2 =	vadd.f32 v5, v2;
	v3 =	vadd.f32 v4, v3;
	[tilespmem:$0x12820] =	vst v63  }
.LBB2_10:
0x171: {  	s29 =	sshra.s32 s28, $0x2  }
0x172: {  	v4 =	vld [tilespmem:s29+$0x1800]  }
0x173: {  	v5 =	vld [tilespmem:s29+$0x5800]  }
0x174: {  	v6 =	vld [tilespmem:s29+$0x1810]  }
0x175: {  	v7 =	vld [tilespmem:s29+$0x5810]  }
0x176: {  	v8 =	vld [tilespmem:s29+$0x1820]  }
0x177: {  	v9 =	vld [tilespmem:s29+$0x5820]  }
0x178: {  	v10 =	vld [tilespmem:s29+$0x1830]  }
0x179: {  	v11 =	vld [tilespmem:s29+$0x5830];
	_ =	sdelay $0x3  }
0x17a: {  	v4 =	vmul.f32 v5, v4;
	v5 =	vmul.f32 v7, v6  }
0x17b: {  	v38 =	vmul.f32 v9, v8;
	v39 =	vmul.f32 v11, v10;
	_ =	sdelay $0x1  }
0x17c: {  	v4 =	vadd.f32 v5, v4;
	v5 =	vadd.f32 v39, v38;
	_ =	sdelay $0x1  }
0x17d: {  	v4 =	vadd.f32 v5, v4;
	_ =	sdelay $0x1  }
0x17e: {  	[tilespmem:s26+$0xFFFFFFE0] =	vst v4  }
0x17f: {  	v4 =	vld [tilespmem:s29+$0x1840]  }
0x180: {  	v5 =	vld [tilespmem:s29+$0x5840]  }
0x181: {  	v40 =	vld [tilespmem:s29+$0x1850]  }
0x182: {  	v41 =	vld [tilespmem:s29+$0x5850]  }
0x183: {  	v42 =	vld [tilespmem:s29+$0x1860]  }
0x184: {  	v43 =	vld [tilespmem:s29+$0x5860]  }
0x185: {  	v44 =	vld [tilespmem:s29+$0x1870]  }
0x186: {  	v45 =	vld [tilespmem:s29+$0x5870];
	_ =	sdelay $0x3  }
0x187: {  	v4 =	vmul.f32 v5, v4;
	v5 =	vmul.f32 v41, v40  }
0x188: {  	v46 =	vmul.f32 v43, v42;
	v47 =	vmul.f32 v45, v44;
	_ =	sdelay $0x1  }
0x189: {  	v4 =	vadd.f32 v5, v4;
	v5 =	vadd.f32 v47, v46;
	_ =	sdelay $0x1  }
0x18a: {  	v4 =	vadd.f32 v5, v4;
	_ =	sdelay $0x1  }
0x18b: {  	[tilespmem:s26+$0xFFFFFFF0] =	vst v4  }
0x18c: {  	v4 =	vld [tilespmem:s29+$0x1880]  }
0x18d: {  	v5 =	vld [tilespmem:s29+$0x5880]  }
0x18e: {  	v48 =	vld [tilespmem:s29+$0x1890]  }
0x18f: {  	v49 =	vld [tilespmem:s29+$0x5890]  }
0x190: {  	v50 =	vld [tilespmem:s29+$0x18A0]  }
0x191: {  	v51 =	vld [tilespmem:s29+$0x58A0]  }
0x192: {  	v52 =	vld [tilespmem:s29+$0x18B0]  }
0x193: {  	v53 =	vld [tilespmem:s29+$0x58B0];
	_ =	sdelay $0x3  }
0x194: {  	v4 =	vmul.f32 v5, v4;
	v5 =	vmul.f32 v49, v48  }
0x195: {  	v54 =	vmul.f32 v51, v50;
	v55 =	vmul.f32 v53, v52;
	_ =	sdelay $0x1  }
0x196: {  	v4 =	vadd.f32 v5, v4;
	v5 =	vadd.f32 v55, v54;
	_ =	sdelay $0x1  }
0x197: {  	v4 =	vadd.f32 v5, v4;
	_ =	sdelay $0x1  }
0x198: {  	[tilespmem:s26+$0x0] =	vst v4  }
0x199: {  	v4 =	vld [tilespmem:s29+$0x18C0]  }
0x19a: {  	v5 =	vld [tilespmem:s29+$0x58C0]  }
0x19b: {  	v56 =	vld [tilespmem:s29+$0x18D0]  }
0x19c: {  	v57 =	vld [tilespmem:s29+$0x58D0]  }
0x19d: {  	v58 =	vld [tilespmem:s29+$0x18E0]  }
0x19e: {  	v59 =	vld [tilespmem:s29+$0x58E0]  }
0x19f: {  	v60 =	vld [tilespmem:s29+$0x18F0]  }
0x1a0: {  	v61 =	vld [tilespmem:s29+$0x58F0];
	_ =	sdelay $0x3  }
0x1a1: {  	v4 =	vmul.f32 v5, v4;
	v5 =	vmul.f32 v57, v56  }
0x1a2: {  	v62 =	vmul.f32 v59, v58;
	v63 =	vmul.f32 v61, v60  }
0x1a3: {  	p0 =	sne.s32 s28, $0xFC00  }
.Ltmp4:
0x1a4: {  	v4 =	vadd.f32 v5, v4;
	v5 =	vadd.f32 v63, v62;
	(pc) =	sbr.rel @p0 .LBB2_10-.Ltmp4, $3  }
0x1a5: {  	_ = 	snop  }
0x1a6: {  	v4 =	vadd.f32 v5, v4;
	_ =	sdelay $0x1  }
0x1a7: {  	s28 =	sadd.s32 $0x400, s28;
	[tilespmem:s26+$0x10] =	vst v4;
	s26 =	sadd.s32 $0x40, s26  }
0x1a8: {  	v4 =	vmov s25  }
0x1a9: {  	v4 =	vshll.u32 v4, $0x4  }
0x1aa: {  	v4 =	vor.u32 v0, v4;
	_ =	sdelay $0x1  }
0x1ab: {  	v5 =	vor.u32 $0x1, v4;
	_ =	sdelay $0x1  }
0x1ac: {  	v6 =	vor.u32 $0x2, v4  }
0x1ad: {  	v7 =	vld.idx.msk [tilespmem:v4+s20+$0x0], $0xffff  }
0x1ae: {  	v8 =	vor.u32 $0x3, v4  }
0x1af: {  	v5 =	vld.idx.msk [tilespmem:v5+s20+$0x0], $0xffff  }
0x1b0: {  	v9 =	vor.u32 $0x4, v4  }
0x1b1: {  	v6 =	vld.idx.msk [tilespmem:v6+s20+$0x0], $0xffff  }
0x1b2: {  	v10 =	vor.u32 $0x5, v4;
	v7 =	vadd.f32 $0.0e+00, v7  }
0x1b3: {  	v8 =	vld.idx.msk [tilespmem:v8+s20+$0x0], $0xffff  }
0x1b4: {  	v11 =	vor.u32 $0x6, v4;
	v5 =	vadd.f32 v5, v7  }
0x1b5: {  	s28 =	simm.s32 $0x10;
	v15 =	vor.u32 $0xB, v4;
	v7 =	vld.idx.msk [tilespmem:v9+s20+$0x0], $0xffff  }
0x1b6: {  	v12 =	vmov s28;
	v9 =	vor.u32 $0x7, v4;
	v5 =	vadd.f32 v6, v5  }
0x1b7: {  	v10 =	vld.idx.msk [tilespmem:v10+s20+$0x0], $0xffff;
	v6 =	vshll.u32 v12, $0x4;
	v12 =	vor.u32 $0x8, v4  }
0x1b8: {  	v14 =	vor.u32 v0, v6;
	v5 =	vadd.f32 v8, v5  }
0x1b9: {  	v8 =	vld.idx.msk [tilespmem:v11+s20+$0x0], $0xffff;
	v11 =	vor.u32 $0x1, v14  }
0x1ba: {  	v15 =	vld.idx.msk [tilespmem:v15+s20+$0x0], $0xffff;
	v6 =	vor.u32 $0x9, v4;
	v5 =	vadd.f32 v7, v5  }
0x1bb: {  	v13 =	vor.u32 $0x2, v14;
	v7 =	vld.idx.msk [tilespmem:v9+s20+$0x0], $0xffff  }
0x1bc: {  	v9 =	vor.u32 $0xA, v4;
	v12 =	vld.idx.msk [tilespmem:v12+s20+$0x0], $0xffff;
	v5 =	vadd.f32 v10, v5  }
0x1bd: {  	v16 =	vor.u32 $0x3, v14;
	v10 =	vld.idx.msk [tilespmem:v14+s20+$0x0], $0xffff  }
0x1be: {  	v5 =	vadd.f32 v8, v5;
	v8 =	vld.idx.msk [tilespmem:v11+s20+$0x0], $0xffff;
	v11 =	vor.u32 $0xC, v4  }
0x1bf: {  	v17 =	vor.u32 $0x4, v14;
	v6 =	vld.idx.msk [tilespmem:v6+s20+$0x0], $0xffff  }
0x1c0: {  	v5 =	vadd.f32 v7, v5;
	v7 =	vld.idx.msk [tilespmem:v13+s20+$0x0], $0xffff;
	v13 =	vor.u32 $0xD, v4  }
0x1c1: {  	v18 =	vor.u32 $0x5, v14;
	v9 =	vld.idx.msk [tilespmem:v9+s20+$0x0], $0xffff  }
0x1c2: {  	v10 =	vadd.f32 $0.0e+00, v10;
	v5 =	vadd.f32 v12, v5;
	v12 =	vld.idx.msk [tilespmem:v16+s20+$0x0], $0xffff  }
0x1c3: {  	v19 =	vor.u32 $0x6, v14;
	v16 =	vor.u32 $0xE, v4;
	v11 =	vld.idx.msk [tilespmem:v11+s20+$0x0], $0xffff  }
0x1c4: {  	v5 =	vadd.f32 v6, v5;
	v6 =	vld.idx.msk [tilespmem:v17+s20+$0x0], $0xffff;
	v17 =	vor.u32 $0xF, v4;
	v4 =	vadd.f32 v8, v10  }
0x1c5: {  	s29 =	simm.s32 $0x20;
	v8 =	vor.u32 $0x7, v14;
	v10 =	vld.idx.msk [tilespmem:v13+s20+$0x0], $0xffff  }
0x1c6: {  	s25 =	simm.s32 $0x1200;
	v13 =	vld.idx.msk [tilespmem:v18+s20+$0x0], $0xffff;
	v5 =	vadd.f32 v9, v5;
	v9 =	vmov s29;
	v7 =	vadd.f32 v7, v4  }
0x1c7: {  	v18 =	vld [tilespmem:s25+$0x0];
	v4 =	vshll.u32 v9, $0x4;
	v9 =	vor.u32 $0x8, v14  }
0x1c8: {  	v16 =	vld.idx.msk [tilespmem:v16+s20+$0x0], $0xffff;
	v5 =	vadd.f32 v15, v5;
	v4 =	vor.u32 v0, v4;
	v7 =	vadd.f32 v12, v7  }
0x1c9: {  	v15 =	vld.idx.msk [tilespmem:v19+s20+$0x0], $0xffff;
	v12 =	vor.u32 $0x9, v14  }
0x1ca: {  	v17 =	vld.idx.msk [tilespmem:v17+s20+$0x0], $0xffff;
	v5 =	vadd.f32 v11, v5;
	v11 =	vor.u32 $0x1, v4;
	v6 =	vadd.f32 v6, v7  }
0x1cb: {  	v8 =	vld.idx.msk [tilespmem:v8+s20+$0x0], $0xffff;
	v7 =	vor.u32 $0xA, v14  }
0x1cc: {  	v19 =	vor.u32 $0xB, v14;
	v5 =	vadd.f32 v10, v5;
	v9 =	vld.idx.msk [tilespmem:v9+s20+$0x0], $0xffff;
	v6 =	vadd.f32 v13, v6  }
0x1cd: {  	v10 =	vor.u32 $0x2, v4;
	v13 =	vld.idx.msk [tilespmem:v4+s20+$0x0], $0xffff  }
0x1ce: {  	v20 =	vld.idx.msk [tilespmem:v12+s20+$0x0], $0xffff;
	v5 =	vadd.f32 v16, v5;
	v16 =	vor.u32 $0x3, v4;
	v6 =	vadd.f32 v15, v6  }
0x1cf: {  	v15 =	vor.u32 $0xC, v14;
	v11 =	vld.idx.msk [tilespmem:v11+s20+$0x0], $0xffff  }
0x1d0: {  	v21 =	vld.idx.msk [tilespmem:v7+s20+$0x0], $0xffff;
	v7 =	vor.u32 $0xD, v14;
	v12 =	vadd.f32 v17, v5;
	v6 =	vadd.f32 v8, v6  }
0x1d1: {  	v23 =	vor.u32 $0x5, v4;
	v17 =	vor.u32 $0x4, v4;
	v5 =	vld.idx.msk [tilespmem:v19+s20+$0x0], $0xffff  }
0x1d2: {  	v22 =	vld.idx.msk [tilespmem:v10+s20+$0x0], $0xffff;
	vm0 =	vge.f32 v12, $0.0e+00;
	v8 =	vadd.f32 v9, v6;
	v10 =	vadd.f32 $0.0e+00, v13  }
0x1d3: {  	v6 =	vsel vm0, $0x3F800000, v1;
	v9 =	vld.idx.msk [tilespmem:v16+s20+$0x0], $0xffff;
	v16 =	vmul.f32 v12, v18;
	v12 =	vor.u32 $0xE, v14  }
0x1d4: {  	v13 =	vor.u32 $0x6, v4;
	v2 =	vadd.f32 v6, v2;
	v6 =	vld.idx.msk [tilespmem:v15+s20+$0x0], $0xffff;
	v8 =	vadd.f32 v20, v8  }
0x1d5: {  	v11 =	vadd.f32 v11, v10;
	v15 =	vor.u32 $0xF, v14;
	v7 =	vld.idx.msk [tilespmem:v7+s20+$0x0], $0xffff  }
0x1d6: {  	s26 =	simm.s32 $0x30;
	v14 =	vor.u32 $0x7, v4;
	v10 =	vld.idx.msk [tilespmem:v17+s20+$0x0], $0xffff;
	v8 =	vadd.f32 v21, v8  }
0x1d7: {  	v3 =	vadd.f32 v16, v3;
	v17 =	vmov s26;
	s26 =	simm.s32 $0x40;
	v16 =	vadd.f32 v22, v11;
	v11 =	vld.idx.msk [tilespmem:v23+s20+$0x0], $0xffff  }
.LBB2_12:
0x1d8: {  	p0 =	sne.s32 s26, $0xF0;
	v17 =	vshll.u32 v17, $0x4;
	v18 =	vor.u32 $0x8, v4;
	v5 =	vadd.f32 v5, v8;
	v8 =	vld.idx.msk [tilespmem:v12+s20+$0x0], $0xffff  }
0x1d9: {  	v17 =	vor.u32 v0, v17;
	v9 =	vadd.f32 v9, v16;
	v12 =	vld.idx.msk [tilespmem:v13+s20+$0x0], $0xffff  }
0x1da: {  	v13 =	vor.u32 $0x9, v4;
	v5 =	vadd.f32 v6, v5;
	v6 =	vld.idx.msk [tilespmem:v15+s20+$0x0], $0xffff  }
0x1db: {  	s25 =	sadd.s32 $0x10, s25;
	v15 =	vor.u32 $0x1, v17;
	v9 =	vadd.f32 v10, v9;
	v10 =	vld.idx.msk [tilespmem:v14+s20+$0x0], $0xffff  }
0x1dc: {  	v14 =	vor.u32 $0xA, v4;
	v5 =	vadd.f32 v7, v5;
	v7 =	vld [tilespmem:s25+$0x0]  }
0x1dd: {  	v16 =	vor.u32 $0x2, v17;
	v9 =	vadd.f32 v11, v9;
	v11 =	vld.idx.msk [tilespmem:v18+s20+$0x0], $0xffff  }
0x1de: {  	v19 =	vor.u32 $0xB, v4;
	v18 =	vld.idx.msk [tilespmem:v17+s20+$0x0], $0xffff;
	v5 =	vadd.f32 v8, v5  }
0x1df: {  	v8 =	vor.u32 $0x3, v17;
	v9 =	vadd.f32 v12, v9;
	v20 =	vld.idx.msk [tilespmem:v13+s20+$0x0], $0xffff  }
0x1e0: {  	v21 =	vor.u32 $0xC, v4;
	v15 =	vld.idx.msk [tilespmem:v15+s20+$0x0], $0xffff;
	v5 =	vadd.f32 v6, v5  }
0x1e1: {  	v22 =	vor.u32 $0x4, v17;
	v6 =	vadd.f32 v10, v9;
	v23 =	vld.idx.msk [tilespmem:v14+s20+$0x0], $0xffff  }
0x1e2: {  	v24 =	vor.u32 $0xD, v4;
	v16 =	vld.idx.msk [tilespmem:v16+s20+$0x0], $0xffff;
	v7 =	vmul.f32 v5, v7;
	vm0 =	vge.f32 v5, $0.0e+00  }
0x1e3: {  	v25 =	vor.u32 $0x5, v17;
	v6 =	vadd.f32 v11, v6;
	v5 =	vld.idx.msk [tilespmem:v19+s20+$0x0], $0xffff;
	v10 =	vsel vm0, $0x3F800000, v1  }
.Ltmp5:
0x1e4: {  	v12 =	vor.u32 $0xE, v4;
	v11 =	vadd.f32 $0.0e+00, v18;
	v9 =	vld.idx.msk [tilespmem:v8+s20+$0x0], $0xffff;
	v2 =	vadd.f32 v10, v2;
	(pc) =	sbr.rel @p0 .LBB2_12-.Ltmp5, $4  }
0x1e5: {  	v13 =	vor.u32 $0x6, v17;
	v3 =	vadd.f32 v7, v3;
	v8 =	vadd.f32 v20, v6;
	v6 =	vld.idx.msk [tilespmem:v21+s20+$0x0], $0xffff  }
0x1e6: {  	v11 =	vadd.f32 v15, v11;
	v15 =	vor.u32 $0xF, v4;
	v4 =	vmov v17;
	v10 =	vld.idx.msk [tilespmem:v22+s20+$0x0], $0xffff  }
0x1e7: {  	v14 =	vor.u32 $0x7, v4;
	v8 =	vadd.f32 v23, v8;
	v7 =	vld.idx.msk [tilespmem:v24+s20+$0x0], $0xffff  }
0x1e8: {  	v17 =	vmov s26;
	s26 =	sadd.s32 $0x10, s26;
	v16 =	vadd.f32 v16, v11;
	v11 =	vld.idx.msk [tilespmem:v25+s20+$0x0], $0xffff  }
0x1e9: {  	v17 =	vshll.u32 v17, $0x4  }
0x1ea: {  	v17 =	vor.u32 v0, v17;
	_ =	sdelay $0x1  }
0x1eb: {  	v18 =	vor.u32 $0x1, v17;
	_ =	sdelay $0x1  }
0x1ec: {  	v19 =	vor.u32 $0x2, v17  }
0x1ed: {  	v20 =	vld.idx.msk [tilespmem:v17+s20+$0x0], $0xffff  }
0x1ee: {  	v21 =	vor.u32 $0x3, v17  }
0x1ef: {  	v18 =	vld.idx.msk [tilespmem:v18+s20+$0x0], $0xffff  }
0x1f0: {  	v12 =	vld.idx.msk [tilespmem:v12+s20+$0x0], $0xffff;
	v23 =	vor.u32 $0x4, v17  }
0x1f1: {  	v19 =	vld.idx.msk [tilespmem:v19+s20+$0x0], $0xffff  }
0x1f2: {  	v13 =	vld.idx.msk [tilespmem:v13+s20+$0x0], $0xffff;
	v26 =	vor.u32 $0x5, v17;
	v20 =	vadd.f32 $0.0e+00, v20  }
0x1f3: {  	v21 =	vld.idx.msk [tilespmem:v21+s20+$0x0], $0xffff  }
0x1f4: {  	v15 =	vld.idx.msk [tilespmem:v15+s20+$0x0], $0xffff;
	v37 =	vor.u32 $0x6, v17;
	v18 =	vadd.f32 v18, v20  }
0x1f5: {  	v22 =	vor.u32 $0x8, v4;
	v9 =	vadd.f32 v9, v16;
	v23 =	vld.idx.msk [tilespmem:v23+s20+$0x0], $0xffff  }
0x1f6: {  	v14 =	vld.idx.msk [tilespmem:v14+s20+$0x0], $0xffff;
	v39 =	vor.u32 $0x7, v17;
	v18 =	vadd.f32 v19, v18  }
0x1f7: {  	v24 =	vor.u32 $0x9, v4;
	s25 =	sadd.s32 $0x10, s25;
	v9 =	vadd.f32 v10, v9;
	v26 =	vld.idx.msk [tilespmem:v26+s20+$0x0], $0xffff  }
0x1f8: {  	v25 =	vld [tilespmem:s25+$0x0];
	v41 =	vor.u32 $0x8, v17;
	v18 =	vadd.f32 v21, v18  }
0x1f9: {  	v27 =	vor.u32 $0xA, v4;
	v9 =	vadd.f32 v11, v9;
	v20 =	vld.idx.msk [tilespmem:v37+s20+$0x0], $0xffff  }
0x1fa: {  	v43 =	vor.u32 $0x9, v17;
	v22 =	vld.idx.msk [tilespmem:v22+s20+$0x0], $0xffff;
	v18 =	vadd.f32 v23, v18  }
0x1fb: {  	v38 =	vor.u32 $0xB, v4;
	v9 =	vadd.f32 v13, v9;
	v19 =	vld.idx.msk [tilespmem:v39+s20+$0x0], $0xffff  }
0x1fc: {  	v45 =	vor.u32 $0xA, v17;
	v24 =	vld.idx.msk [tilespmem:v24+s20+$0x0], $0xffff;
	v18 =	vadd.f32 v26, v18  }
0x1fd: {  	v40 =	vor.u32 $0xC, v4;
	v46 =	vld.idx.msk [tilespmem:v41+s20+$0x0], $0xffff;
	v9 =	vadd.f32 v14, v9  }
0x1fe: {  	v47 =	vor.u32 $0xB, v17;
	v27 =	vld.idx.msk [tilespmem:v27+s20+$0x0], $0xffff;
	v18 =	vadd.f32 v20, v18  }
0x1ff: {  	v42 =	vor.u32 $0xD, v4;
	v48 =	vld.idx.msk [tilespmem:v43+s20+$0x0], $0xffff;
	v9 =	vadd.f32 v22, v9  }
0x200: {  	v49 =	vor.u32 $0xC, v17;
	v16 =	vld.idx.msk [tilespmem:v38+s20+$0x0], $0xffff;
	v18 =	vadd.f32 v19, v18  }
0x201: {  	v44 =	vor.u32 $0xE, v4;
	v50 =	vld.idx.msk [tilespmem:v45+s20+$0x0], $0xffff;
	v9 =	vadd.f32 v24, v9  }
0x202: {  	v51 =	vor.u32 $0xD, v17;
	v10 =	vld.idx.msk [tilespmem:v40+s20+$0x0], $0xffff;
	v14 =	vadd.f32 v46, v18  }
0x203: {  	v4 =	vor.u32 $0xF, v4;
	v5 =	vadd.f32 v5, v8;
	v54 =	vld.idx.msk [tilespmem:v47+s20+$0x0], $0xffff;
	v53 =	vadd.f32 v27, v9  }
0x204: {  	v52 =	vor.u32 $0xE, v17;
	v11 =	vld.idx.msk [tilespmem:v42+s20+$0x0], $0xffff;
	v14 =	vadd.f32 v48, v14  }
0x205: {  	v5 =	vadd.f32 v6, v5;
	v57 =	vld.idx.msk [tilespmem:v49+s20+$0x0], $0xffff;
	v56 =	vadd.f32 v16, v53  }
0x206: {  	v17 =	vor.u32 $0xF, v17;
	v13 =	vld.idx.msk [tilespmem:v44+s20+$0x0], $0xffff;
	v14 =	vadd.f32 v50, v14  }
0x207: {  	v5 =	vadd.f32 v7, v5;
	v58 =	vld.idx.msk [tilespmem:v51+s20+$0x0], $0xffff;
	v6 =	vadd.f32 v10, v56  }
0x208: {  	v4 =	vld.idx.msk [tilespmem:v4+s20+$0x0], $0xffff;
	v9 =	vadd.f32 v54, v14  }
0x209: {  	s25 =	sadd.s32 $0x10, s25;
	v5 =	vadd.f32 v12, v5;
	v59 =	vld.idx.msk [tilespmem:v52+s20+$0x0], $0xffff;
	v6 =	vadd.f32 v11, v6  }
0x20a: {  	v55 =	vld [tilespmem:s25+$0x0];
	v8 =	vadd.f32 v57, v9  }
0x20b: {  	s25 =	sadd.s32 $0x10, s25;
	v5 =	vadd.f32 v15, v5;
	v60 =	vld.idx.msk [tilespmem:v17+s20+$0x0], $0xffff;
	v6 =	vadd.f32 v13, v6  }
0x20c: {  	v61 =	vld [tilespmem:s25+$0x0];
	_ =	swait.ge [sflag:s21], $0x4000;
	v8 =	vadd.f32 v58, v8  }
0x20d: {  	v62 =	vmul.f32 v5, v25;
	vm0 =	vge.f32 v5, $0.0e+00;
	[sflag:s21] =	ssyncset.done $0x0;
	v4 =	vadd.f32 v4, v6  }
0x20e: {  	v5 =	vsel vm0, $0x3F800000, v1;
	[sflag:s21] =	ssyncadd.s32 $0xFFFFC000;
	v63 =	vadd.f32 v59, v8  }
0x20f: {  	v2 =	vadd.f32 v5, v2;
	v3 =	vadd.f32 v62, v3;
	_ =	swait.ge [sflag:s22], $0x4000;
	vm14 =	vge.f32 v4, $0.0e+00  }
0x210: {  	[sflag:s22] =	ssyncset.done $0x0;
	v4 =	vmul.f32 v4, v55;
	v5 =	vsel vm14, $0x3F800000, v1;
	v6 =	vadd.f32 v60, v63  }
0x211: {  	s26 =	simm.s32 $0x400;
	s29 =	simm.s32 $0xC00;
	[sflag:s22] =	ssyncadd.s32 $0xFFFFC000;
	v2 =	vadd.f32 v5, v2  }
0x212: {  	[tilespmem:s13], [sflag:$0x1] =	stream.indirect.gather [hbm4b:s3+s12], $0x40, s26, s12, $0xb8;
	v3 =	vadd.f32 v4, v3;
	v4 =	vmul.f32 v6, v61;
	vm15 =	vge.f32 v6, $0.0e+00;
	[tilespmem:$0x12820] =	vst v63  }
0x213: {  	s28 =	simm.s32 $0x0;
	s25 =	simm.s32 $0x0;
	s26 =	simm.s32 $0x11820;
	v5 =	vsel vm15, $0x3F800000, v1  }
0x214: {  	[tilespmem:s14], [sflag:$0x2] =	stream.indirect.gather [hbm4b:s3+s12], $0x40, s29, s12, $0xb8;
	v2 =	vadd.f32 v5, v2;
	v3 =	vadd.f32 v4, v3;
	[tilespmem:$0x12820] =	vst v63  }
.LBB2_14:
0x215: {  	s29 =	sshra.s32 s28, $0x2  }
0x216: {  	v4 =	vld [tilespmem:s29+$0x9800]  }
0x217: {  	v5 =	vld [tilespmem:s29+$0xD800]  }
0x218: {  	v6 =	vld [tilespmem:s29+$0x9810]  }
0x219: {  	v7 =	vld [tilespmem:s29+$0xD810]  }
0x21a: {  	v8 =	vld [tilespmem:s29+$0x9820]  }
0x21b: {  	v9 =	vld [tilespmem:s29+$0xD820]  }
0x21c: {  	v10 =	vld [tilespmem:s29+$0x9830]  }
0x21d: {  	v11 =	vld [tilespmem:s29+$0xD830];
	_ =	sdelay $0x3  }
0x21e: {  	v4 =	vmul.f32 v5, v4;
	v5 =	vmul.f32 v7, v6  }
0x21f: {  	v38 =	vmul.f32 v9, v8;
	v39 =	vmul.f32 v11, v10;
	_ =	sdelay $0x1  }
0x220: {  	v4 =	vadd.f32 v5, v4;
	v5 =	vadd.f32 v39, v38;
	_ =	sdelay $0x1  }
0x221: {  	v4 =	vadd.f32 v5, v4;
	_ =	sdelay $0x1  }
0x222: {  	[tilespmem:s26+$0xFFFFFFE0] =	vst v4  }
0x223: {  	v4 =	vld [tilespmem:s29+$0x9840]  }
0x224: {  	v5 =	vld [tilespmem:s29+$0xD840]  }
0x225: {  	v40 =	vld [tilespmem:s29+$0x9850]  }
0x226: {  	v41 =	vld [tilespmem:s29+$0xD850]  }
0x227: {  	v42 =	vld [tilespmem:s29+$0x9860]  }
0x228: {  	v43 =	vld [tilespmem:s29+$0xD860]  }
0x229: {  	v44 =	vld [tilespmem:s29+$0x9870]  }
0x22a: {  	v45 =	vld [tilespmem:s29+$0xD870];
	_ =	sdelay $0x3  }
0x22b: {  	v4 =	vmul.f32 v5, v4;
	v5 =	vmul.f32 v41, v40  }
0x22c: {  	v46 =	vmul.f32 v43, v42;
	v47 =	vmul.f32 v45, v44;
	_ =	sdelay $0x1  }
0x22d: {  	v4 =	vadd.f32 v5, v4;
	v5 =	vadd.f32 v47, v46;
	_ =	sdelay $0x1  }
0x22e: {  	v4 =	vadd.f32 v5, v4;
	_ =	sdelay $0x1  }
0x22f: {  	[tilespmem:s26+$0xFFFFFFF0] =	vst v4  }
0x230: {  	v4 =	vld [tilespmem:s29+$0x9880]  }
0x231: {  	v5 =	vld [tilespmem:s29+$0xD880]  }
0x232: {  	v48 =	vld [tilespmem:s29+$0x9890]  }
0x233: {  	v49 =	vld [tilespmem:s29+$0xD890]  }
0x234: {  	v50 =	vld [tilespmem:s29+$0x98A0]  }
0x235: {  	v51 =	vld [tilespmem:s29+$0xD8A0]  }
0x236: {  	v52 =	vld [tilespmem:s29+$0x98B0]  }
0x237: {  	v53 =	vld [tilespmem:s29+$0xD8B0];
	_ =	sdelay $0x3  }
0x238: {  	v4 =	vmul.f32 v5, v4;
	v5 =	vmul.f32 v49, v48  }
0x239: {  	v54 =	vmul.f32 v51, v50;
	v55 =	vmul.f32 v53, v52;
	_ =	sdelay $0x1  }
0x23a: {  	v4 =	vadd.f32 v5, v4;
	v5 =	vadd.f32 v55, v54;
	_ =	sdelay $0x1  }
0x23b: {  	v4 =	vadd.f32 v5, v4;
	_ =	sdelay $0x1  }
0x23c: {  	[tilespmem:s26+$0x0] =	vst v4  }
0x23d: {  	v4 =	vld [tilespmem:s29+$0x98C0]  }
0x23e: {  	v5 =	vld [tilespmem:s29+$0xD8C0]  }
0x23f: {  	v56 =	vld [tilespmem:s29+$0x98D0]  }
0x240: {  	v57 =	vld [tilespmem:s29+$0xD8D0]  }
0x241: {  	v58 =	vld [tilespmem:s29+$0x98E0]  }
0x242: {  	v59 =	vld [tilespmem:s29+$0xD8E0]  }
0x243: {  	v60 =	vld [tilespmem:s29+$0x98F0]  }
0x244: {  	v61 =	vld [tilespmem:s29+$0xD8F0];
	_ =	sdelay $0x3  }
0x245: {  	v4 =	vmul.f32 v5, v4;
	v5 =	vmul.f32 v57, v56  }
0x246: {  	v62 =	vmul.f32 v59, v58;
	v63 =	vmul.f32 v61, v60  }
0x247: {  	p0 =	sne.s32 s28, $0xFC00  }
.Ltmp6:
0x248: {  	v4 =	vadd.f32 v5, v4;
	v5 =	vadd.f32 v63, v62;
	(pc) =	sbr.rel @p0 .LBB2_14-.Ltmp6, $3  }
0x249: {  	_ = 	snop  }
0x24a: {  	v4 =	vadd.f32 v5, v4;
	_ =	sdelay $0x1  }
0x24b: {  	s28 =	sadd.s32 $0x400, s28;
	[tilespmem:s26+$0x10] =	vst v4;
	s26 =	sadd.s32 $0x40, s26  }
0x24c: {  	v4 =	vmov s25  }
0x24d: {  	v4 =	vshll.u32 v4, $0x4  }
0x24e: {  	v4 =	vor.u32 v0, v4;
	_ =	sdelay $0x1  }
0x24f: {  	v5 =	vor.u32 $0x1, v4;
	_ =	sdelay $0x1  }
0x250: {  	v6 =	vor.u32 $0x2, v4  }
0x251: {  	v7 =	vld.idx.msk [tilespmem:v4+s20+$0x0], $0xffff  }
0x252: {  	v8 =	vor.u32 $0x3, v4  }
0x253: {  	v5 =	vld.idx.msk [tilespmem:v5+s20+$0x0], $0xffff  }
0x254: {  	v9 =	vor.u32 $0x4, v4  }
0x255: {  	v6 =	vld.idx.msk [tilespmem:v6+s20+$0x0], $0xffff  }
0x256: {  	v10 =	vor.u32 $0x5, v4;
	v7 =	vadd.f32 $0.0e+00, v7  }
0x257: {  	v8 =	vld.idx.msk [tilespmem:v8+s20+$0x0], $0xffff  }
0x258: {  	v11 =	vor.u32 $0x6, v4;
	v5 =	vadd.f32 v5, v7  }
0x259: {  	s28 =	simm.s32 $0x10;
	v15 =	vor.u32 $0xB, v4;
	v7 =	vld.idx.msk [tilespmem:v9+s20+$0x0], $0xffff  }
0x25a: {  	v12 =	vmov s28;
	v9 =	vor.u32 $0x7, v4;
	v5 =	vadd.f32 v6, v5  }
0x25b: {  	v10 =	vld.idx.msk [tilespmem:v10+s20+$0x0], $0xffff;
	v6 =	vshll.u32 v12, $0x4;
	v12 =	vor.u32 $0x8, v4  }
0x25c: {  	v14 =	vor.u32 v0, v6;
	v5 =	vadd.f32 v8, v5  }
0x25d: {  	v8 =	vld.idx.msk [tilespmem:v11+s20+$0x0], $0xffff;
	v11 =	vor.u32 $0x1, v14  }
0x25e: {  	v15 =	vld.idx.msk [tilespmem:v15+s20+$0x0], $0xffff;
	v6 =	vor.u32 $0x9, v4;
	v5 =	vadd.f32 v7, v5  }
0x25f: {  	v13 =	vor.u32 $0x2, v14;
	v7 =	vld.idx.msk [tilespmem:v9+s20+$0x0], $0xffff  }
0x260: {  	v9 =	vor.u32 $0xA, v4;
	v12 =	vld.idx.msk [tilespmem:v12+s20+$0x0], $0xffff;
	v5 =	vadd.f32 v10, v5  }
0x261: {  	v16 =	vor.u32 $0x3, v14;
	v10 =	vld.idx.msk [tilespmem:v14+s20+$0x0], $0xffff  }
0x262: {  	v5 =	vadd.f32 v8, v5;
	v8 =	vld.idx.msk [tilespmem:v11+s20+$0x0], $0xffff;
	v11 =	vor.u32 $0xC, v4  }
0x263: {  	v17 =	vor.u32 $0x4, v14;
	v6 =	vld.idx.msk [tilespmem:v6+s20+$0x0], $0xffff  }
0x264: {  	v5 =	vadd.f32 v7, v5;
	v7 =	vld.idx.msk [tilespmem:v13+s20+$0x0], $0xffff;
	v13 =	vor.u32 $0xD, v4  }
0x265: {  	v18 =	vor.u32 $0x5, v14;
	v9 =	vld.idx.msk [tilespmem:v9+s20+$0x0], $0xffff  }
0x266: {  	v10 =	vadd.f32 $0.0e+00, v10;
	v5 =	vadd.f32 v12, v5;
	v12 =	vld.idx.msk [tilespmem:v16+s20+$0x0], $0xffff  }
0x267: {  	v19 =	vor.u32 $0x6, v14;
	v16 =	vor.u32 $0xE, v4;
	v11 =	vld.idx.msk [tilespmem:v11+s20+$0x0], $0xffff  }
0x268: {  	v5 =	vadd.f32 v6, v5;
	v6 =	vld.idx.msk [tilespmem:v17+s20+$0x0], $0xffff;
	v17 =	vor.u32 $0xF, v4;
	v4 =	vadd.f32 v8, v10  }
0x269: {  	s29 =	simm.s32 $0x20;
	v8 =	vor.u32 $0x7, v14;
	v10 =	vld.idx.msk [tilespmem:v13+s20+$0x0], $0xffff  }
0x26a: {  	s25 =	simm.s32 $0x1300;
	v13 =	vld.idx.msk [tilespmem:v18+s20+$0x0], $0xffff;
	v5 =	vadd.f32 v9, v5;
	v9 =	vmov s29;
	v7 =	vadd.f32 v7, v4  }
0x26b: {  	v18 =	vld [tilespmem:s25+$0x0];
	v4 =	vshll.u32 v9, $0x4;
	v9 =	vor.u32 $0x8, v14  }
0x26c: {  	v16 =	vld.idx.msk [tilespmem:v16+s20+$0x0], $0xffff;
	v5 =	vadd.f32 v15, v5;
	v4 =	vor.u32 v0, v4;
	v7 =	vadd.f32 v12, v7  }
0x26d: {  	v15 =	vld.idx.msk [tilespmem:v19+s20+$0x0], $0xffff;
	v12 =	vor.u32 $0x9, v14  }
0x26e: {  	v17 =	vld.idx.msk [tilespmem:v17+s20+$0x0], $0xffff;
	v5 =	vadd.f32 v11, v5;
	v11 =	vor.u32 $0x1, v4;
	v6 =	vadd.f32 v6, v7  }
0x26f: {  	v8 =	vld.idx.msk [tilespmem:v8+s20+$0x0], $0xffff;
	v7 =	vor.u32 $0xA, v14  }
0x270: {  	v19 =	vor.u32 $0xB, v14;
	v5 =	vadd.f32 v10, v5;
	v9 =	vld.idx.msk [tilespmem:v9+s20+$0x0], $0xffff;
	v6 =	vadd.f32 v13, v6  }
0x271: {  	v10 =	vor.u32 $0x2, v4;
	v13 =	vld.idx.msk [tilespmem:v4+s20+$0x0], $0xffff  }
0x272: {  	v20 =	vld.idx.msk [tilespmem:v12+s20+$0x0], $0xffff;
	v5 =	vadd.f32 v16, v5;
	v16 =	vor.u32 $0x3, v4;
	v6 =	vadd.f32 v15, v6  }
0x273: {  	v15 =	vor.u32 $0xC, v14;
	v11 =	vld.idx.msk [tilespmem:v11+s20+$0x0], $0xffff  }
0x274: {  	v21 =	vld.idx.msk [tilespmem:v7+s20+$0x0], $0xffff;
	v7 =	vor.u32 $0xD, v14;
	v12 =	vadd.f32 v17, v5;
	v6 =	vadd.f32 v8, v6  }
0x275: {  	v23 =	vor.u32 $0x5, v4;
	v17 =	vor.u32 $0x4, v4;
	v5 =	vld.idx.msk [tilespmem:v19+s20+$0x0], $0xffff  }
0x276: {  	v22 =	vld.idx.msk [tilespmem:v10+s20+$0x0], $0xffff;
	vm0 =	vge.f32 v12, $0.0e+00;
	v8 =	vadd.f32 v9, v6;
	v10 =	vadd.f32 $0.0e+00, v13  }
0x277: {  	v6 =	vsel vm0, $0x3F800000, v1;
	v9 =	vld.idx.msk [tilespmem:v16+s20+$0x0], $0xffff;
	v16 =	vmul.f32 v12, v18;
	v12 =	vor.u32 $0xE, v14  }
0x278: {  	v13 =	vor.u32 $0x6, v4;
	v2 =	vadd.f32 v6, v2;
	v6 =	vld.idx.msk [tilespmem:v15+s20+$0x0], $0xffff;
	v8 =	vadd.f32 v20, v8  }
0x279: {  	v11 =	vadd.f32 v11, v10;
	v15 =	vor.u32 $0xF, v14;
	v7 =	vld.idx.msk [tilespmem:v7+s20+$0x0], $0xffff  }
0x27a: {  	s26 =	simm.s32 $0x30;
	v14 =	vor.u32 $0x7, v4;
	v10 =	vld.idx.msk [tilespmem:v17+s20+$0x0], $0xffff;
	v8 =	vadd.f32 v21, v8  }
0x27b: {  	v3 =	vadd.f32 v16, v3;
	v17 =	vmov s26;
	s26 =	simm.s32 $0x40;
	v16 =	vadd.f32 v22, v11;
	v11 =	vld.idx.msk [tilespmem:v23+s20+$0x0], $0xffff  }
.LBB2_16:
0x27c: {  	p0 =	sne.s32 s26, $0xF0;
	v17 =	vshll.u32 v17, $0x4;
	v18 =	vor.u32 $0x8, v4;
	v5 =	vadd.f32 v5, v8;
	v8 =	vld.idx.msk [tilespmem:v12+s20+$0x0], $0xffff  }
0x27d: {  	v17 =	vor.u32 v0, v17;
	v9 =	vadd.f32 v9, v16;
	v12 =	vld.idx.msk [tilespmem:v13+s20+$0x0], $0xffff  }
0x27e: {  	v13 =	vor.u32 $0x9, v4;
	v5 =	vadd.f32 v6, v5;
	v6 =	vld.idx.msk [tilespmem:v15+s20+$0x0], $0xffff  }
0x27f: {  	s25 =	sadd.s32 $0x10, s25;
	v15 =	vor.u32 $0x1, v17;
	v9 =	vadd.f32 v10, v9;
	v10 =	vld.idx.msk [tilespmem:v14+s20+$0x0], $0xffff  }
0x280: {  	v14 =	vor.u32 $0xA, v4;
	v5 =	vadd.f32 v7, v5;
	v7 =	vld [tilespmem:s25+$0x0]  }
0x281: {  	v16 =	vor.u32 $0x2, v17;
	v9 =	vadd.f32 v11, v9;
	v11 =	vld.idx.msk [tilespmem:v18+s20+$0x0], $0xffff  }
0x282: {  	v19 =	vor.u32 $0xB, v4;
	v18 =	vld.idx.msk [tilespmem:v17+s20+$0x0], $0xffff;
	v5 =	vadd.f32 v8, v5  }
0x283: {  	v8 =	vor.u32 $0x3, v17;
	v9 =	vadd.f32 v12, v9;
	v20 =	vld.idx.msk [tilespmem:v13+s20+$0x0], $0xffff  }
0x284: {  	v21 =	vor.u32 $0xC, v4;
	v15 =	vld.idx.msk [tilespmem:v15+s20+$0x0], $0xffff;
	v5 =	vadd.f32 v6, v5  }
0x285: {  	v22 =	vor.u32 $0x4, v17;
	v6 =	vadd.f32 v10, v9;
	v23 =	vld.idx.msk [tilespmem:v14+s20+$0x0], $0xffff  }
0x286: {  	v24 =	vor.u32 $0xD, v4;
	v16 =	vld.idx.msk [tilespmem:v16+s20+$0x0], $0xffff;
	v7 =	vmul.f32 v5, v7;
	vm0 =	vge.f32 v5, $0.0e+00  }
0x287: {  	v25 =	vor.u32 $0x5, v17;
	v6 =	vadd.f32 v11, v6;
	v5 =	vld.idx.msk [tilespmem:v19+s20+$0x0], $0xffff;
	v10 =	vsel vm0, $0x3F800000, v1  }
.Ltmp7:
0x288: {  	v12 =	vor.u32 $0xE, v4;
	v11 =	vadd.f32 $0.0e+00, v18;
	v9 =	vld.idx.msk [tilespmem:v8+s20+$0x0], $0xffff;
	v2 =	vadd.f32 v10, v2;
	(pc) =	sbr.rel @p0 .LBB2_16-.Ltmp7, $4  }
0x289: {  	v13 =	vor.u32 $0x6, v17;
	v3 =	vadd.f32 v7, v3;
	v8 =	vadd.f32 v20, v6;
	v6 =	vld.idx.msk [tilespmem:v21+s20+$0x0], $0xffff  }
0x28a: {  	v11 =	vadd.f32 v15, v11;
	v15 =	vor.u32 $0xF, v4;
	v4 =	vmov v17;
	v10 =	vld.idx.msk [tilespmem:v22+s20+$0x0], $0xffff  }
0x28b: {  	v14 =	vor.u32 $0x7, v4;
	v8 =	vadd.f32 v23, v8;
	v7 =	vld.idx.msk [tilespmem:v24+s20+$0x0], $0xffff  }
0x28c: {  	v17 =	vmov s26;
	s26 =	sadd.s32 $0x10, s26;
	v16 =	vadd.f32 v16, v11;
	v11 =	vld.idx.msk [tilespmem:v25+s20+$0x0], $0xffff  }
0x28d: {  	v17 =	vshll.u32 v17, $0x4  }
0x28e: {  	v17 =	vor.u32 v0, v17;
	_ =	sdelay $0x1  }
0x28f: {  	v18 =	vor.u32 $0x1, v17;
	_ =	sdelay $0x1  }
0x290: {  	v19 =	vor.u32 $0x2, v17  }
0x291: {  	v20 =	vld.idx.msk [tilespmem:v17+s20+$0x0], $0xffff  }
0x292: {  	v21 =	vor.u32 $0x3, v17  }
0x293: {  	v18 =	vld.idx.msk [tilespmem:v18+s20+$0x0], $0xffff  }
0x294: {  	v12 =	vld.idx.msk [tilespmem:v12+s20+$0x0], $0xffff;
	v23 =	vor.u32 $0x4, v17  }
0x295: {  	v19 =	vld.idx.msk [tilespmem:v19+s20+$0x0], $0xffff  }
0x296: {  	v13 =	vld.idx.msk [tilespmem:v13+s20+$0x0], $0xffff;
	v26 =	vor.u32 $0x5, v17;
	v20 =	vadd.f32 $0.0e+00, v20  }
0x297: {  	v21 =	vld.idx.msk [tilespmem:v21+s20+$0x0], $0xffff  }
0x298: {  	v15 =	vld.idx.msk [tilespmem:v15+s20+$0x0], $0xffff;
	v37 =	vor.u32 $0x6, v17;
	v18 =	vadd.f32 v18, v20  }
0x299: {  	v22 =	vor.u32 $0x8, v4;
	v9 =	vadd.f32 v9, v16;
	v23 =	vld.idx.msk [tilespmem:v23+s20+$0x0], $0xffff  }
0x29a: {  	v14 =	vld.idx.msk [tilespmem:v14+s20+$0x0], $0xffff;
	v39 =	vor.u32 $0x7, v17;
	v18 =	vadd.f32 v19, v18  }
0x29b: {  	v24 =	vor.u32 $0x9, v4;
	s25 =	sadd.s32 $0x10, s25;
	v9 =	vadd.f32 v10, v9;
	v26 =	vld.idx.msk [tilespmem:v26+s20+$0x0], $0xffff  }
0x29c: {  	v25 =	vld [tilespmem:s25+$0x0];
	v41 =	vor.u32 $0x8, v17;
	v18 =	vadd.f32 v21, v18  }
0x29d: {  	v27 =	vor.u32 $0xA, v4;
	v9 =	vadd.f32 v11, v9;
	v20 =	vld.idx.msk [tilespmem:v37+s20+$0x0], $0xffff  }
0x29e: {  	v43 =	vor.u32 $0x9, v17;
	v22 =	vld.idx.msk [tilespmem:v22+s20+$0x0], $0xffff;
	v18 =	vadd.f32 v23, v18  }
0x29f: {  	v38 =	vor.u32 $0xB, v4;
	v9 =	vadd.f32 v13, v9;
	v19 =	vld.idx.msk [tilespmem:v39+s20+$0x0], $0xffff  }
0x2a0: {  	v45 =	vor.u32 $0xA, v17;
	v24 =	vld.idx.msk [tilespmem:v24+s20+$0x0], $0xffff;
	v18 =	vadd.f32 v26, v18  }
0x2a1: {  	v40 =	vor.u32 $0xC, v4;
	v46 =	vld.idx.msk [tilespmem:v41+s20+$0x0], $0xffff;
	v9 =	vadd.f32 v14, v9  }
0x2a2: {  	v47 =	vor.u32 $0xB, v17;
	v27 =	vld.idx.msk [tilespmem:v27+s20+$0x0], $0xffff;
	v18 =	vadd.f32 v20, v18  }
0x2a3: {  	v42 =	vor.u32 $0xD, v4;
	v48 =	vld.idx.msk [tilespmem:v43+s20+$0x0], $0xffff;
	v9 =	vadd.f32 v22, v9  }
0x2a4: {  	v49 =	vor.u32 $0xC, v17;
	v16 =	vld.idx.msk [tilespmem:v38+s20+$0x0], $0xffff;
	v18 =	vadd.f32 v19, v18  }
0x2a5: {  	v44 =	vor.u32 $0xE, v4;
	v50 =	vld.idx.msk [tilespmem:v45+s20+$0x0], $0xffff;
	v9 =	vadd.f32 v24, v9  }
0x2a6: {  	v51 =	vor.u32 $0xD, v17;
	v10 =	vld.idx.msk [tilespmem:v40+s20+$0x0], $0xffff;
	v14 =	vadd.f32 v46, v18  }
0x2a7: {  	v4 =	vor.u32 $0xF, v4;
	v5 =	vadd.f32 v5, v8;
	v54 =	vld.idx.msk [tilespmem:v47+s20+$0x0], $0xffff;
	v53 =	vadd.f32 v27, v9  }
0x2a8: {  	v52 =	vor.u32 $0xE, v17;
	v11 =	vld.idx.msk [tilespmem:v42+s20+$0x0], $0xffff;
	v14 =	vadd.f32 v48, v14  }
0x2a9: {  	v5 =	vadd.f32 v6, v5;
	v57 =	vld.idx.msk [tilespmem:v49+s20+$0x0], $0xffff;
	v56 =	vadd.f32 v16, v53  }
0x2aa: {  	v17 =	vor.u32 $0xF, v17;
	v13 =	vld.idx.msk [tilespmem:v44+s20+$0x0], $0xffff;
	v14 =	vadd.f32 v50, v14  }
0x2ab: {  	v5 =	vadd.f32 v7, v5;
	v58 =	vld.idx.msk [tilespmem:v51+s20+$0x0], $0xffff;
	v6 =	vadd.f32 v10, v56  }
0x2ac: {  	v4 =	vld.idx.msk [tilespmem:v4+s20+$0x0], $0xffff;
	v9 =	vadd.f32 v54, v14  }
0x2ad: {  	s25 =	sadd.s32 $0x10, s25;
	v5 =	vadd.f32 v12, v5;
	v59 =	vld.idx.msk [tilespmem:v52+s20+$0x0], $0xffff;
	v6 =	vadd.f32 v11, v6  }
0x2ae: {  	v55 =	vld [tilespmem:s25+$0x0];
	v8 =	vadd.f32 v57, v9  }
0x2af: {  	s25 =	sadd.s32 $0x10, s25;
	v5 =	vadd.f32 v15, v5;
	v60 =	vld.idx.msk [tilespmem:v17+s20+$0x0], $0xffff;
	v6 =	vadd.f32 v13, v6  }
0x2b0: {  	v61 =	vld [tilespmem:s25+$0x0];
	_ =	swait.ge [sflag:s15], $0x4000;
	v8 =	vadd.f32 v58, v8  }
0x2b1: {  	v62 =	vmul.f32 v5, v25;
	vm0 =	vge.f32 v5, $0.0e+00;
	[sflag:s15] =	ssyncset.done $0x0;
	v4 =	vadd.f32 v4, v6  }
0x2b2: {  	v5 =	vsel vm0, $0x3F800000, v1;
	[sflag:s15] =	ssyncadd.s32 $0xFFFFC000;
	v63 =	vadd.f32 v59, v8  }
0x2b3: {  	v2 =	vadd.f32 v5, v2;
	v3 =	vadd.f32 v62, v3;
	_ =	swait.ge [sflag:s16], $0x4000;
	vm14 =	vge.f32 v4, $0.0e+00  }
0x2b4: {  	[sflag:s16] =	ssyncset.done $0x0;
	v4 =	vmul.f32 v4, v55;
	v5 =	vsel vm14, $0x3F800000, v1;
	v6 =	vadd.f32 v60, v63  }
0x2b5: {  	[sflag:s16] =	ssyncadd.s32 $0xFFFFC000;
	v2 =	vadd.f32 v5, v2  }
0x2b6: {  	[tilespmem:s17], [sflag:$0x3] =	stream.indirect.gather [hbm4b:s3+s12], $0x40, s30, s12, $0xb8;
	v3 =	vadd.f32 v4, v3;
	v4 =	vmul.f32 v6, v61;
	vm15 =	vge.f32 v6, $0.0e+00;
	[tilespmem:$0x12820] =	vst v63  }
0x2b7: {  	s26 =	simm.s32 $0x11820;
	s28 =	simm.s32 $0x0;
	s25 =	simm.s32 $0x0;
	v5 =	vsel vm15, $0x3F800000, v1  }
0x2b8: {  	[tilespmem:s19], [sflag:$0x4] =	stream.indirect.gather [hbm4b:s3+s12], $0x40, s31, s12, $0xb8;
	v2 =	vadd.f32 v5, v2;
	v3 =	vadd.f32 v4, v3;
	[tilespmem:$0x12820] =	vst v63  }
.LBB2_18:
0x2b9: {  	s29 =	sshra.s32 s28, $0x2  }
0x2ba: {  	v4 =	vld [tilespmem:s29+$0x1800]  }
0x2bb: {  	v5 =	vld [tilespmem:s29+$0x5800]  }
0x2bc: {  	v6 =	vld [tilespmem:s29+$0x1810]  }
0x2bd: {  	v7 =	vld [tilespmem:s29+$0x5810]  }
0x2be: {  	v8 =	vld [tilespmem:s29+$0x1820]  }
0x2bf: {  	v9 =	vld [tilespmem:s29+$0x5820]  }
0x2c0: {  	v10 =	vld [tilespmem:s29+$0x1830]  }
0x2c1: {  	v11 =	vld [tilespmem:s29+$0x5830];
	_ =	sdelay $0x3  }
0x2c2: {  	v4 =	vmul.f32 v5, v4;
	v5 =	vmul.f32 v7, v6  }
0x2c3: {  	v38 =	vmul.f32 v9, v8;
	v39 =	vmul.f32 v11, v10;
	_ =	sdelay $0x1  }
0x2c4: {  	v4 =	vadd.f32 v5, v4;
	v5 =	vadd.f32 v39, v38;
	_ =	sdelay $0x1  }
0x2c5: {  	v4 =	vadd.f32 v5, v4;
	_ =	sdelay $0x1  }
0x2c6: {  	[tilespmem:s26+$0xFFFFFFE0] =	vst v4  }
0x2c7: {  	v4 =	vld [tilespmem:s29+$0x1840]  }
0x2c8: {  	v5 =	vld [tilespmem:s29+$0x5840]  }
0x2c9: {  	v40 =	vld [tilespmem:s29+$0x1850]  }
0x2ca: {  	v41 =	vld [tilespmem:s29+$0x5850]  }
0x2cb: {  	v42 =	vld [tilespmem:s29+$0x1860]  }
0x2cc: {  	v43 =	vld [tilespmem:s29+$0x5860]  }
0x2cd: {  	v44 =	vld [tilespmem:s29+$0x1870]  }
0x2ce: {  	v45 =	vld [tilespmem:s29+$0x5870];
	_ =	sdelay $0x3  }
0x2cf: {  	v4 =	vmul.f32 v5, v4;
	v5 =	vmul.f32 v41, v40  }
0x2d0: {  	v46 =	vmul.f32 v43, v42;
	v47 =	vmul.f32 v45, v44;
	_ =	sdelay $0x1  }
0x2d1: {  	v4 =	vadd.f32 v5, v4;
	v5 =	vadd.f32 v47, v46;
	_ =	sdelay $0x1  }
0x2d2: {  	v4 =	vadd.f32 v5, v4;
	_ =	sdelay $0x1  }
0x2d3: {  	[tilespmem:s26+$0xFFFFFFF0] =	vst v4  }
0x2d4: {  	v4 =	vld [tilespmem:s29+$0x1880]  }
0x2d5: {  	v5 =	vld [tilespmem:s29+$0x5880]  }
0x2d6: {  	v48 =	vld [tilespmem:s29+$0x1890]  }
0x2d7: {  	v49 =	vld [tilespmem:s29+$0x5890]  }
0x2d8: {  	v50 =	vld [tilespmem:s29+$0x18A0]  }
0x2d9: {  	v51 =	vld [tilespmem:s29+$0x58A0]  }
0x2da: {  	v52 =	vld [tilespmem:s29+$0x18B0]  }
0x2db: {  	v53 =	vld [tilespmem:s29+$0x58B0];
	_ =	sdelay $0x3  }
0x2dc: {  	v4 =	vmul.f32 v5, v4;
	v5 =	vmul.f32 v49, v48  }
0x2dd: {  	v54 =	vmul.f32 v51, v50;
	v55 =	vmul.f32 v53, v52;
	_ =	sdelay $0x1  }
0x2de: {  	v4 =	vadd.f32 v5, v4;
	v5 =	vadd.f32 v55, v54;
	_ =	sdelay $0x1  }
0x2df: {  	v4 =	vadd.f32 v5, v4;
	_ =	sdelay $0x1  }
0x2e0: {  	[tilespmem:s26+$0x0] =	vst v4  }
0x2e1: {  	v4 =	vld [tilespmem:s29+$0x18C0]  }
0x2e2: {  	v5 =	vld [tilespmem:s29+$0x58C0]  }
0x2e3: {  	v56 =	vld [tilespmem:s29+$0x18D0]  }
0x2e4: {  	v57 =	vld [tilespmem:s29+$0x58D0]  }
0x2e5: {  	v58 =	vld [tilespmem:s29+$0x18E0]  }
0x2e6: {  	v59 =	vld [tilespmem:s29+$0x58E0]  }
0x2e7: {  	v60 =	vld [tilespmem:s29+$0x18F0]  }
0x2e8: {  	v61 =	vld [tilespmem:s29+$0x58F0];
	_ =	sdelay $0x3  }
0x2e9: {  	v4 =	vmul.f32 v5, v4;
	v5 =	vmul.f32 v57, v56  }
0x2ea: {  	v62 =	vmul.f32 v59, v58;
	v63 =	vmul.f32 v61, v60  }
0x2eb: {  	p0 =	sne.s32 s28, $0xFC00  }
.Ltmp8:
0x2ec: {  	v4 =	vadd.f32 v5, v4;
	v5 =	vadd.f32 v63, v62;
	(pc) =	sbr.rel @p0 .LBB2_18-.Ltmp8, $3  }
0x2ed: {  	_ = 	snop  }
0x2ee: {  	v4 =	vadd.f32 v5, v4;
	_ =	sdelay $0x1  }
0x2ef: {  	s28 =	sadd.s32 $0x400, s28;
	[tilespmem:s26+$0x10] =	vst v4;
	s26 =	sadd.s32 $0x40, s26  }
0x2f0: {  	v4 =	vmov s25  }
0x2f1: {  	v4 =	vshll.u32 v4, $0x4  }
0x2f2: {  	v4 =	vor.u32 v0, v4;
	_ =	sdelay $0x1  }
0x2f3: {  	v5 =	vor.u32 $0x1, v4;
	_ =	sdelay $0x1  }
0x2f4: {  	v6 =	vor.u32 $0x2, v4  }
0x2f5: {  	v7 =	vld.idx.msk [tilespmem:v4+s20+$0x0], $0xffff  }
0x2f6: {  	v8 =	vor.u32 $0x3, v4  }
0x2f7: {  	v5 =	vld.idx.msk [tilespmem:v5+s20+$0x0], $0xffff  }
0x2f8: {  	v9 =	vor.u32 $0x4, v4  }
0x2f9: {  	v6 =	vld.idx.msk [tilespmem:v6+s20+$0x0], $0xffff  }
0x2fa: {  	v10 =	vor.u32 $0x5, v4;
	v7 =	vadd.f32 $0.0e+00, v7  }
0x2fb: {  	v8 =	vld.idx.msk [tilespmem:v8+s20+$0x0], $0xffff  }
0x2fc: {  	v11 =	vor.u32 $0x6, v4;
	v5 =	vadd.f32 v5, v7  }
0x2fd: {  	s28 =	simm.s32 $0x10;
	v15 =	vor.u32 $0xB, v4;
	v7 =	vld.idx.msk [tilespmem:v9+s20+$0x0], $0xffff  }
0x2fe: {  	v12 =	vmov s28;
	v9 =	vor.u32 $0x7, v4;
	v5 =	vadd.f32 v6, v5  }
0x2ff: {  	v10 =	vld.idx.msk [tilespmem:v10+s20+$0x0], $0xffff;
	v6 =	vshll.u32 v12, $0x4;
	v12 =	vor.u32 $0x8, v4  }
0x300: {  	v14 =	vor.u32 v0, v6;
	v5 =	vadd.f32 v8, v5  }
0x301: {  	v8 =	vld.idx.msk [tilespmem:v11+s20+$0x0], $0xffff;
	v11 =	vor.u32 $0x1, v14  }
0x302: {  	v15 =	vld.idx.msk [tilespmem:v15+s20+$0x0], $0xffff;
	v6 =	vor.u32 $0x9, v4;
	v5 =	vadd.f32 v7, v5  }
0x303: {  	v13 =	vor.u32 $0x2, v14;
	v7 =	vld.idx.msk [tilespmem:v9+s20+$0x0], $0xffff  }
0x304: {  	v9 =	vor.u32 $0xA, v4;
	v12 =	vld.idx.msk [tilespmem:v12+s20+$0x0], $0xffff;
	v5 =	vadd.f32 v10, v5  }
0x305: {  	v16 =	vor.u32 $0x3, v14;
	v10 =	vld.idx.msk [tilespmem:v14+s20+$0x0], $0xffff  }
0x306: {  	v5 =	vadd.f32 v8, v5;
	v8 =	vld.idx.msk [tilespmem:v11+s20+$0x0], $0xffff;
	v11 =	vor.u32 $0xC, v4  }
0x307: {  	v17 =	vor.u32 $0x4, v14;
	v6 =	vld.idx.msk [tilespmem:v6+s20+$0x0], $0xffff  }
0x308: {  	v5 =	vadd.f32 v7, v5;
	v7 =	vld.idx.msk [tilespmem:v13+s20+$0x0], $0xffff;
	v13 =	vor.u32 $0xD, v4  }
0x309: {  	v18 =	vor.u32 $0x5, v14;
	v9 =	vld.idx.msk [tilespmem:v9+s20+$0x0], $0xffff  }
0x30a: {  	v10 =	vadd.f32 $0.0e+00, v10;
	v5 =	vadd.f32 v12, v5;
	v12 =	vld.idx.msk [tilespmem:v16+s20+$0x0], $0xffff  }
0x30b: {  	v19 =	vor.u32 $0x6, v14;
	v16 =	vor.u32 $0xE, v4;
	v11 =	vld.idx.msk [tilespmem:v11+s20+$0x0], $0xffff  }
0x30c: {  	v5 =	vadd.f32 v6, v5;
	v6 =	vld.idx.msk [tilespmem:v17+s20+$0x0], $0xffff;
	v17 =	vor.u32 $0xF, v4;
	v4 =	vadd.f32 v8, v10  }
0x30d: {  	s29 =	simm.s32 $0x20;
	v8 =	vor.u32 $0x7, v14;
	v10 =	vld.idx.msk [tilespmem:v13+s20+$0x0], $0xffff  }
0x30e: {  	s25 =	simm.s32 $0x1400;
	v13 =	vld.idx.msk [tilespmem:v18+s20+$0x0], $0xffff;
	v5 =	vadd.f32 v9, v5;
	v9 =	vmov s29;
	v7 =	vadd.f32 v7, v4  }
0x30f: {  	v18 =	vld [tilespmem:s25+$0x0];
	v4 =	vshll.u32 v9, $0x4;
	v9 =	vor.u32 $0x8, v14  }
0x310: {  	v16 =	vld.idx.msk [tilespmem:v16+s20+$0x0], $0xffff;
	v5 =	vadd.f32 v15, v5;
	v4 =	vor.u32 v0, v4;
	v7 =	vadd.f32 v12, v7  }
0x311: {  	v15 =	vld.idx.msk [tilespmem:v19+s20+$0x0], $0xffff;
	v12 =	vor.u32 $0x9, v14  }
0x312: {  	v17 =	vld.idx.msk [tilespmem:v17+s20+$0x0], $0xffff;
	v5 =	vadd.f32 v11, v5;
	v11 =	vor.u32 $0x1, v4;
	v6 =	vadd.f32 v6, v7  }
0x313: {  	v8 =	vld.idx.msk [tilespmem:v8+s20+$0x0], $0xffff;
	v7 =	vor.u32 $0xA, v14  }
0x314: {  	v19 =	vor.u32 $0xB, v14;
	v5 =	vadd.f32 v10, v5;
	v9 =	vld.idx.msk [tilespmem:v9+s20+$0x0], $0xffff;
	v6 =	vadd.f32 v13, v6  }
0x315: {  	v10 =	vor.u32 $0x2, v4;
	v13 =	vld.idx.msk [tilespmem:v4+s20+$0x0], $0xffff  }
0x316: {  	v20 =	vld.idx.msk [tilespmem:v12+s20+$0x0], $0xffff;
	v5 =	vadd.f32 v16, v5;
	v16 =	vor.u32 $0x3, v4;
	v6 =	vadd.f32 v15, v6  }
0x317: {  	v15 =	vor.u32 $0xC, v14;
	v11 =	vld.idx.msk [tilespmem:v11+s20+$0x0], $0xffff  }
0x318: {  	v21 =	vld.idx.msk [tilespmem:v7+s20+$0x0], $0xffff;
	v7 =	vor.u32 $0xD, v14;
	v12 =	vadd.f32 v17, v5;
	v6 =	vadd.f32 v8, v6  }
0x319: {  	v23 =	vor.u32 $0x5, v4;
	v17 =	vor.u32 $0x4, v4;
	v5 =	vld.idx.msk [tilespmem:v19+s20+$0x0], $0xffff  }
0x31a: {  	v22 =	vld.idx.msk [tilespmem:v10+s20+$0x0], $0xffff;
	vm0 =	vge.f32 v12, $0.0e+00;
	v8 =	vadd.f32 v9, v6;
	v10 =	vadd.f32 $0.0e+00, v13  }
0x31b: {  	v6 =	vsel vm0, $0x3F800000, v1;
	v9 =	vld.idx.msk [tilespmem:v16+s20+$0x0], $0xffff;
	v16 =	vmul.f32 v12, v18;
	v12 =	vor.u32 $0xE, v14  }
0x31c: {  	v13 =	vor.u32 $0x6, v4;
	v2 =	vadd.f32 v6, v2;
	v6 =	vld.idx.msk [tilespmem:v15+s20+$0x0], $0xffff;
	v8 =	vadd.f32 v20, v8  }
0x31d: {  	v11 =	vadd.f32 v11, v10;
	v15 =	vor.u32 $0xF, v14;
	v7 =	vld.idx.msk [tilespmem:v7+s20+$0x0], $0xffff  }
0x31e: {  	s26 =	simm.s32 $0x30;
	v14 =	vor.u32 $0x7, v4;
	v10 =	vld.idx.msk [tilespmem:v17+s20+$0x0], $0xffff;
	v8 =	vadd.f32 v21, v8  }
0x31f: {  	v3 =	vadd.f32 v16, v3;
	v17 =	vmov s26;
	s26 =	simm.s32 $0x40;
	v16 =	vadd.f32 v22, v11;
	v11 =	vld.idx.msk [tilespmem:v23+s20+$0x0], $0xffff  }
.LBB2_20:
0x320: {  	p0 =	sne.s32 s26, $0xF0;
	v17 =	vshll.u32 v17, $0x4;
	v18 =	vor.u32 $0x8, v4;
	v5 =	vadd.f32 v5, v8;
	v8 =	vld.idx.msk [tilespmem:v12+s20+$0x0], $0xffff  }
0x321: {  	v17 =	vor.u32 v0, v17;
	v9 =	vadd.f32 v9, v16;
	v12 =	vld.idx.msk [tilespmem:v13+s20+$0x0], $0xffff  }
0x322: {  	v13 =	vor.u32 $0x9, v4;
	v5 =	vadd.f32 v6, v5;
	v6 =	vld.idx.msk [tilespmem:v15+s20+$0x0], $0xffff  }
0x323: {  	s25 =	sadd.s32 $0x10, s25;
	v15 =	vor.u32 $0x1, v17;
	v9 =	vadd.f32 v10, v9;
	v10 =	vld.idx.msk [tilespmem:v14+s20+$0x0], $0xffff  }
0x324: {  	v14 =	vor.u32 $0xA, v4;
	v5 =	vadd.f32 v7, v5;
	v7 =	vld [tilespmem:s25+$0x0]  }
0x325: {  	v16 =	vor.u32 $0x2, v17;
	v9 =	vadd.f32 v11, v9;
	v11 =	vld.idx.msk [tilespmem:v18+s20+$0x0], $0xffff  }
0x326: {  	v19 =	vor.u32 $0xB, v4;
	v18 =	vld.idx.msk [tilespmem:v17+s20+$0x0], $0xffff;
	v5 =	vadd.f32 v8, v5  }
0x327: {  	v8 =	vor.u32 $0x3, v17;
	v9 =	vadd.f32 v12, v9;
	v20 =	vld.idx.msk [tilespmem:v13+s20+$0x0], $0xffff  }
0x328: {  	v21 =	vor.u32 $0xC, v4;
	v15 =	vld.idx.msk [tilespmem:v15+s20+$0x0], $0xffff;
	v5 =	vadd.f32 v6, v5  }
0x329: {  	v22 =	vor.u32 $0x4, v17;
	v6 =	vadd.f32 v10, v9;
	v23 =	vld.idx.msk [tilespmem:v14+s20+$0x0], $0xffff  }
0x32a: {  	v24 =	vor.u32 $0xD, v4;
	v16 =	vld.idx.msk [tilespmem:v16+s20+$0x0], $0xffff;
	v7 =	vmul.f32 v5, v7;
	vm0 =	vge.f32 v5, $0.0e+00  }
0x32b: {  	v25 =	vor.u32 $0x5, v17;
	v6 =	vadd.f32 v11, v6;
	v5 =	vld.idx.msk [tilespmem:v19+s20+$0x0], $0xffff;
	v10 =	vsel vm0, $0x3F800000, v1  }
.Ltmp9:
0x32c: {  	v12 =	vor.u32 $0xE, v4;
	v11 =	vadd.f32 $0.0e+00, v18;
	v9 =	vld.idx.msk [tilespmem:v8+s20+$0x0], $0xffff;
	v2 =	vadd.f32 v10, v2;
	(pc) =	sbr.rel @p0 .LBB2_20-.Ltmp9, $4  }
0x32d: {  	v13 =	vor.u32 $0x6, v17;
	v3 =	vadd.f32 v7, v3;
	v8 =	vadd.f32 v20, v6;
	v6 =	vld.idx.msk [tilespmem:v21+s20+$0x0], $0xffff  }
0x32e: {  	v11 =	vadd.f32 v15, v11;
	v15 =	vor.u32 $0xF, v4;
	v4 =	vmov v17;
	v10 =	vld.idx.msk [tilespmem:v22+s20+$0x0], $0xffff  }
0x32f: {  	v14 =	vor.u32 $0x7, v4;
	v8 =	vadd.f32 v23, v8;
	v7 =	vld.idx.msk [tilespmem:v24+s20+$0x0], $0xffff  }
0x330: {  	v17 =	vmov s26;
	s26 =	sadd.s32 $0x10, s26;
	v16 =	vadd.f32 v16, v11;
	v11 =	vld.idx.msk [tilespmem:v25+s20+$0x0], $0xffff  }
0x331: {  	v17 =	vshll.u32 v17, $0x4  }
0x332: {  	v17 =	vor.u32 v0, v17;
	_ =	sdelay $0x1  }
0x333: {  	v18 =	vor.u32 $0x1, v17;
	_ =	sdelay $0x1  }
0x334: {  	v19 =	vor.u32 $0x2, v17  }
0x335: {  	v20 =	vld.idx.msk [tilespmem:v17+s20+$0x0], $0xffff  }
0x336: {  	v21 =	vor.u32 $0x3, v17  }
0x337: {  	v18 =	vld.idx.msk [tilespmem:v18+s20+$0x0], $0xffff  }
0x338: {  	v12 =	vld.idx.msk [tilespmem:v12+s20+$0x0], $0xffff;
	v23 =	vor.u32 $0x4, v17  }
0x339: {  	v19 =	vld.idx.msk [tilespmem:v19+s20+$0x0], $0xffff  }
0x33a: {  	v13 =	vld.idx.msk [tilespmem:v13+s20+$0x0], $0xffff;
	v26 =	vor.u32 $0x5, v17;
	v20 =	vadd.f32 $0.0e+00, v20  }
0x33b: {  	v21 =	vld.idx.msk [tilespmem:v21+s20+$0x0], $0xffff  }
0x33c: {  	v15 =	vld.idx.msk [tilespmem:v15+s20+$0x0], $0xffff;
	v37 =	vor.u32 $0x6, v17;
	v18 =	vadd.f32 v18, v20  }
0x33d: {  	v22 =	vor.u32 $0x8, v4;
	v9 =	vadd.f32 v9, v16;
	v23 =	vld.idx.msk [tilespmem:v23+s20+$0x0], $0xffff  }
0x33e: {  	v14 =	vld.idx.msk [tilespmem:v14+s20+$0x0], $0xffff;
	v39 =	vor.u32 $0x7, v17;
	v18 =	vadd.f32 v19, v18  }
0x33f: {  	v24 =	vor.u32 $0x9, v4;
	s25 =	sadd.s32 $0x10, s25;
	v9 =	vadd.f32 v10, v9;
	v26 =	vld.idx.msk [tilespmem:v26+s20+$0x0], $0xffff  }
0x340: {  	v25 =	vld [tilespmem:s25+$0x0];
	v41 =	vor.u32 $0x8, v17;
	v18 =	vadd.f32 v21, v18  }
0x341: {  	v27 =	vor.u32 $0xA, v4;
	v9 =	vadd.f32 v11, v9;
	v20 =	vld.idx.msk [tilespmem:v37+s20+$0x0], $0xffff  }
0x342: {  	v43 =	vor.u32 $0x9, v17;
	v22 =	vld.idx.msk [tilespmem:v22+s20+$0x0], $0xffff;
	v18 =	vadd.f32 v23, v18  }
0x343: {  	v38 =	vor.u32 $0xB, v4;
	v9 =	vadd.f32 v13, v9;
	v19 =	vld.idx.msk [tilespmem:v39+s20+$0x0], $0xffff  }
0x344: {  	v45 =	vor.u32 $0xA, v17;
	v24 =	vld.idx.msk [tilespmem:v24+s20+$0x0], $0xffff;
	v18 =	vadd.f32 v26, v18  }
0x345: {  	v40 =	vor.u32 $0xC, v4;
	v46 =	vld.idx.msk [tilespmem:v41+s20+$0x0], $0xffff;
	v9 =	vadd.f32 v14, v9  }
0x346: {  	v47 =	vor.u32 $0xB, v17;
	v27 =	vld.idx.msk [tilespmem:v27+s20+$0x0], $0xffff;
	v18 =	vadd.f32 v20, v18  }
0x347: {  	v42 =	vor.u32 $0xD, v4;
	v48 =	vld.idx.msk [tilespmem:v43+s20+$0x0], $0xffff;
	v9 =	vadd.f32 v22, v9  }
0x348: {  	v49 =	vor.u32 $0xC, v17;
	v16 =	vld.idx.msk [tilespmem:v38+s20+$0x0], $0xffff;
	v18 =	vadd.f32 v19, v18  }
0x349: {  	v44 =	vor.u32 $0xE, v4;
	v50 =	vld.idx.msk [tilespmem:v45+s20+$0x0], $0xffff;
	v9 =	vadd.f32 v24, v9  }
0x34a: {  	v51 =	vor.u32 $0xD, v17;
	v10 =	vld.idx.msk [tilespmem:v40+s20+$0x0], $0xffff;
	v14 =	vadd.f32 v46, v18  }
0x34b: {  	v4 =	vor.u32 $0xF, v4;
	v5 =	vadd.f32 v5, v8;
	v54 =	vld.idx.msk [tilespmem:v47+s20+$0x0], $0xffff;
	v53 =	vadd.f32 v27, v9  }
0x34c: {  	v52 =	vor.u32 $0xE, v17;
	v11 =	vld.idx.msk [tilespmem:v42+s20+$0x0], $0xffff;
	v14 =	vadd.f32 v48, v14  }
0x34d: {  	v5 =	vadd.f32 v6, v5;
	v57 =	vld.idx.msk [tilespmem:v49+s20+$0x0], $0xffff;
	v56 =	vadd.f32 v16, v53  }
0x34e: {  	v17 =	vor.u32 $0xF, v17;
	v13 =	vld.idx.msk [tilespmem:v44+s20+$0x0], $0xffff;
	v14 =	vadd.f32 v50, v14  }
0x34f: {  	v5 =	vadd.f32 v7, v5;
	v58 =	vld.idx.msk [tilespmem:v51+s20+$0x0], $0xffff;
	v6 =	vadd.f32 v10, v56  }
0x350: {  	v4 =	vld.idx.msk [tilespmem:v4+s20+$0x0], $0xffff;
	v9 =	vadd.f32 v54, v14  }
0x351: {  	s25 =	sadd.s32 $0x10, s25;
	v5 =	vadd.f32 v12, v5;
	v59 =	vld.idx.msk [tilespmem:v52+s20+$0x0], $0xffff;
	v6 =	vadd.f32 v11, v6  }
0x352: {  	v55 =	vld [tilespmem:s25+$0x0];
	v8 =	vadd.f32 v57, v9  }
0x353: {  	s25 =	sadd.s32 $0x10, s25;
	v5 =	vadd.f32 v15, v5;
	v60 =	vld.idx.msk [tilespmem:v17+s20+$0x0], $0xffff;
	v6 =	vadd.f32 v13, v6  }
0x354: {  	v61 =	vld [tilespmem:s25+$0x0];
	_ =	swait.ge [sflag:s21], $0x4000;
	v8 =	vadd.f32 v58, v8  }
0x355: {  	v62 =	vmul.f32 v5, v25;
	vm0 =	vge.f32 v5, $0.0e+00;
	[sflag:s21] =	ssyncset.done $0x0;
	v4 =	vadd.f32 v4, v6  }
0x356: {  	v5 =	vsel vm0, $0x3F800000, v1;
	[sflag:s21] =	ssyncadd.s32 $0xFFFFC000;
	v63 =	vadd.f32 v59, v8  }
0x357: {  	v2 =	vadd.f32 v5, v2;
	v3 =	vadd.f32 v62, v3;
	_ =	swait.ge [sflag:s22], $0x4000;
	vm14 =	vge.f32 v4, $0.0e+00  }
0x358: {  	[sflag:s22] =	ssyncset.done $0x0;
	v4 =	vmul.f32 v4, v55;
	v5 =	vsel vm14, $0x3F800000, v1;
	v6 =	vadd.f32 v60, v63  }
0x359: {  	[sflag:s22] =	ssyncadd.s32 $0xFFFFC000;
	v2 =	vadd.f32 v5, v2  }
0x35a: {  	[tilespmem:s13], [sflag:$0x1] =	stream.indirect.gather [hbm4b:s3+s12], $0x40, s0, s12, $0xb8;
	v3 =	vadd.f32 v4, v3;
	v4 =	vmul.f32 v6, v61;
	vm15 =	vge.f32 v6, $0.0e+00;
	[tilespmem:$0x12820] =	vst v63  }
0x35b: {  	s26 =	simm.s32 $0x11820;
	s28 =	simm.s32 $0x0;
	s25 =	simm.s32 $0x0;
	v5 =	vsel vm15, $0x3F800000, v1  }
0x35c: {  	[tilespmem:s14], [sflag:$0x2] =	stream.indirect.gather [hbm4b:s3+s12], $0x40, s1, s12, $0xb8;
	v2 =	vadd.f32 v5, v2;
	v3 =	vadd.f32 v4, v3;
	[tilespmem:$0x12820] =	vst v63  }
.LBB2_22:
0x35d: {  	s29 =	sshra.s32 s28, $0x2  }
0x35e: {  	v4 =	vld [tilespmem:s29+$0x9800]  }
0x35f: {  	v5 =	vld [tilespmem:s29+$0xD800]  }
0x360: {  	v6 =	vld [tilespmem:s29+$0x9810]  }
0x361: {  	v7 =	vld [tilespmem:s29+$0xD810]  }
0x362: {  	v8 =	vld [tilespmem:s29+$0x9820]  }
0x363: {  	v9 =	vld [tilespmem:s29+$0xD820]  }
0x364: {  	v10 =	vld [tilespmem:s29+$0x9830]  }
0x365: {  	v11 =	vld [tilespmem:s29+$0xD830];
	_ =	sdelay $0x3  }
0x366: {  	v4 =	vmul.f32 v5, v4;
	v5 =	vmul.f32 v7, v6  }
0x367: {  	v38 =	vmul.f32 v9, v8;
	v39 =	vmul.f32 v11, v10;
	_ =	sdelay $0x1  }
0x368: {  	v4 =	vadd.f32 v5, v4;
	v5 =	vadd.f32 v39, v38;
	_ =	sdelay $0x1  }
0x369: {  	v4 =	vadd.f32 v5, v4;
	_ =	sdelay $0x1  }
0x36a: {  	[tilespmem:s26+$0xFFFFFFE0] =	vst v4  }
0x36b: {  	v4 =	vld [tilespmem:s29+$0x9840]  }
0x36c: {  	v5 =	vld [tilespmem:s29+$0xD840]  }
0x36d: {  	v40 =	vld [tilespmem:s29+$0x9850]  }
0x36e: {  	v41 =	vld [tilespmem:s29+$0xD850]  }
0x36f: {  	v42 =	vld [tilespmem:s29+$0x9860]  }
0x370: {  	v43 =	vld [tilespmem:s29+$0xD860]  }
0x371: {  	v44 =	vld [tilespmem:s29+$0x9870]  }
0x372: {  	v45 =	vld [tilespmem:s29+$0xD870];
	_ =	sdelay $0x3  }
0x373: {  	v4 =	vmul.f32 v5, v4;
	v5 =	vmul.f32 v41, v40  }
0x374: {  	v46 =	vmul.f32 v43, v42;
	v47 =	vmul.f32 v45, v44;
	_ =	sdelay $0x1  }
0x375: {  	v4 =	vadd.f32 v5, v4;
	v5 =	vadd.f32 v47, v46;
	_ =	sdelay $0x1  }
0x376: {  	v4 =	vadd.f32 v5, v4;
	_ =	sdelay $0x1  }
0x377: {  	[tilespmem:s26+$0xFFFFFFF0] =	vst v4  }
0x378: {  	v4 =	vld [tilespmem:s29+$0x9880]  }
0x379: {  	v5 =	vld [tilespmem:s29+$0xD880]  }
0x37a: {  	v48 =	vld [tilespmem:s29+$0x9890]  }
0x37b: {  	v49 =	vld [tilespmem:s29+$0xD890]  }
0x37c: {  	v50 =	vld [tilespmem:s29+$0x98A0]  }
0x37d: {  	v51 =	vld [tilespmem:s29+$0xD8A0]  }
0x37e: {  	v52 =	vld [tilespmem:s29+$0x98B0]  }
0x37f: {  	v53 =	vld [tilespmem:s29+$0xD8B0];
	_ =	sdelay $0x3  }
0x380: {  	v4 =	vmul.f32 v5, v4;
	v5 =	vmul.f32 v49, v48  }
0x381: {  	v54 =	vmul.f32 v51, v50;
	v55 =	vmul.f32 v53, v52;
	_ =	sdelay $0x1  }
0x382: {  	v4 =	vadd.f32 v5, v4;
	v5 =	vadd.f32 v55, v54;
	_ =	sdelay $0x1  }
0x383: {  	v4 =	vadd.f32 v5, v4;
	_ =	sdelay $0x1  }
0x384: {  	[tilespmem:s26+$0x0] =	vst v4  }
0x385: {  	v4 =	vld [tilespmem:s29+$0x98C0]  }
0x386: {  	v5 =	vld [tilespmem:s29+$0xD8C0]  }
0x387: {  	v56 =	vld [tilespmem:s29+$0x98D0]  }
0x388: {  	v57 =	vld [tilespmem:s29+$0xD8D0]  }
0x389: {  	v58 =	vld [tilespmem:s29+$0x98E0]  }
0x38a: {  	v59 =	vld [tilespmem:s29+$0xD8E0]  }
0x38b: {  	v60 =	vld [tilespmem:s29+$0x98F0]  }
0x38c: {  	v61 =	vld [tilespmem:s29+$0xD8F0];
	_ =	sdelay $0x3  }
0x38d: {  	v4 =	vmul.f32 v5, v4;
	v5 =	vmul.f32 v57, v56  }
0x38e: {  	v62 =	vmul.f32 v59, v58;
	v63 =	vmul.f32 v61, v60  }
0x38f: {  	p0 =	sne.s32 s28, $0xFC00  }
.Ltmp10:
0x390: {  	v4 =	vadd.f32 v5, v4;
	v5 =	vadd.f32 v63, v62;
	(pc) =	sbr.rel @p0 .LBB2_22-.Ltmp10, $3  }
0x391: {  	_ = 	snop  }
0x392: {  	v4 =	vadd.f32 v5, v4;
	_ =	sdelay $0x1  }
0x393: {  	s28 =	sadd.s32 $0x400, s28;
	[tilespmem:s26+$0x10] =	vst v4;
	s26 =	sadd.s32 $0x40, s26  }
0x394: {  	v4 =	vmov s25  }
0x395: {  	v4 =	vshll.u32 v4, $0x4  }
0x396: {  	v4 =	vor.u32 v0, v4;
	_ =	sdelay $0x1  }
0x397: {  	v5 =	vor.u32 $0x1, v4;
	_ =	sdelay $0x1  }
0x398: {  	v6 =	vor.u32 $0x2, v4  }
0x399: {  	v7 =	vld.idx.msk [tilespmem:v4+s20+$0x0], $0xffff  }
0x39a: {  	v8 =	vor.u32 $0x3, v4  }
0x39b: {  	v5 =	vld.idx.msk [tilespmem:v5+s20+$0x0], $0xffff  }
0x39c: {  	v9 =	vor.u32 $0x4, v4  }
0x39d: {  	v6 =	vld.idx.msk [tilespmem:v6+s20+$0x0], $0xffff  }
0x39e: {  	v10 =	vor.u32 $0x5, v4;
	v7 =	vadd.f32 $0.0e+00, v7  }
0x39f: {  	v8 =	vld.idx.msk [tilespmem:v8+s20+$0x0], $0xffff  }
0x3a0: {  	v11 =	vor.u32 $0x6, v4;
	v5 =	vadd.f32 v5, v7  }
0x3a1: {  	s28 =	simm.s32 $0x10;
	v15 =	vor.u32 $0xB, v4;
	v7 =	vld.idx.msk [tilespmem:v9+s20+$0x0], $0xffff  }
0x3a2: {  	v12 =	vmov s28;
	v9 =	vor.u32 $0x7, v4;
	v5 =	vadd.f32 v6, v5  }
0x3a3: {  	v10 =	vld.idx.msk [tilespmem:v10+s20+$0x0], $0xffff;
	v6 =	vshll.u32 v12, $0x4;
	v12 =	vor.u32 $0x8, v4  }
0x3a4: {  	v14 =	vor.u32 v0, v6;
	v5 =	vadd.f32 v8, v5  }
0x3a5: {  	v8 =	vld.idx.msk [tilespmem:v11+s20+$0x0], $0xffff;
	v11 =	vor.u32 $0x1, v14  }
0x3a6: {  	v15 =	vld.idx.msk [tilespmem:v15+s20+$0x0], $0xffff;
	v6 =	vor.u32 $0x9, v4;
	v5 =	vadd.f32 v7, v5  }
0x3a7: {  	v13 =	vor.u32 $0x2, v14;
	v7 =	vld.idx.msk [tilespmem:v9+s20+$0x0], $0xffff  }
0x3a8: {  	v9 =	vor.u32 $0xA, v4;
	v12 =	vld.idx.msk [tilespmem:v12+s20+$0x0], $0xffff;
	v5 =	vadd.f32 v10, v5  }
0x3a9: {  	v16 =	vor.u32 $0x3, v14;
	v10 =	vld.idx.msk [tilespmem:v14+s20+$0x0], $0xffff  }
0x3aa: {  	v5 =	vadd.f32 v8, v5;
	v8 =	vld.idx.msk [tilespmem:v11+s20+$0x0], $0xffff;
	v11 =	vor.u32 $0xC, v4  }
0x3ab: {  	v17 =	vor.u32 $0x4, v14;
	v6 =	vld.idx.msk [tilespmem:v6+s20+$0x0], $0xffff  }
0x3ac: {  	v5 =	vadd.f32 v7, v5;
	v7 =	vld.idx.msk [tilespmem:v13+s20+$0x0], $0xffff;
	v13 =	vor.u32 $0xD, v4  }
0x3ad: {  	v18 =	vor.u32 $0x5, v14;
	v9 =	vld.idx.msk [tilespmem:v9+s20+$0x0], $0xffff  }
0x3ae: {  	v10 =	vadd.f32 $0.0e+00, v10;
	v5 =	vadd.f32 v12, v5;
	v12 =	vld.idx.msk [tilespmem:v16+s20+$0x0], $0xffff  }
0x3af: {  	v19 =	vor.u32 $0x6, v14;
	v16 =	vor.u32 $0xE, v4;
	v11 =	vld.idx.msk [tilespmem:v11+s20+$0x0], $0xffff  }
0x3b0: {  	v5 =	vadd.f32 v6, v5;
	v6 =	vld.idx.msk [tilespmem:v17+s20+$0x0], $0xffff;
	v17 =	vor.u32 $0xF, v4;
	v4 =	vadd.f32 v8, v10  }
0x3b1: {  	s29 =	simm.s32 $0x20;
	v8 =	vor.u32 $0x7, v14;
	v10 =	vld.idx.msk [tilespmem:v13+s20+$0x0], $0xffff  }
0x3b2: {  	s25 =	simm.s32 $0x1500;
	v13 =	vld.idx.msk [tilespmem:v18+s20+$0x0], $0xffff;
	v5 =	vadd.f32 v9, v5;
	v9 =	vmov s29;
	v7 =	vadd.f32 v7, v4  }
0x3b3: {  	v18 =	vld [tilespmem:s25+$0x0];
	v4 =	vshll.u32 v9, $0x4;
	v9 =	vor.u32 $0x8, v14  }
0x3b4: {  	v16 =	vld.idx.msk [tilespmem:v16+s20+$0x0], $0xffff;
	v5 =	vadd.f32 v15, v5;
	v4 =	vor.u32 v0, v4;
	v7 =	vadd.f32 v12, v7  }
0x3b5: {  	v15 =	vld.idx.msk [tilespmem:v19+s20+$0x0], $0xffff;
	v12 =	vor.u32 $0x9, v14  }
0x3b6: {  	v17 =	vld.idx.msk [tilespmem:v17+s20+$0x0], $0xffff;
	v5 =	vadd.f32 v11, v5;
	v11 =	vor.u32 $0x1, v4;
	v6 =	vadd.f32 v6, v7  }
0x3b7: {  	v8 =	vld.idx.msk [tilespmem:v8+s20+$0x0], $0xffff;
	v7 =	vor.u32 $0xA, v14  }
0x3b8: {  	v19 =	vor.u32 $0xB, v14;
	v5 =	vadd.f32 v10, v5;
	v9 =	vld.idx.msk [tilespmem:v9+s20+$0x0], $0xffff;
	v6 =	vadd.f32 v13, v6  }
0x3b9: {  	v10 =	vor.u32 $0x2, v4;
	v13 =	vld.idx.msk [tilespmem:v4+s20+$0x0], $0xffff  }
0x3ba: {  	v20 =	vld.idx.msk [tilespmem:v12+s20+$0x0], $0xffff;
	v5 =	vadd.f32 v16, v5;
	v16 =	vor.u32 $0x3, v4;
	v6 =	vadd.f32 v15, v6  }
0x3bb: {  	v15 =	vor.u32 $0xC, v14;
	v11 =	vld.idx.msk [tilespmem:v11+s20+$0x0], $0xffff  }
0x3bc: {  	v21 =	vld.idx.msk [tilespmem:v7+s20+$0x0], $0xffff;
	v7 =	vor.u32 $0xD, v14;
	v12 =	vadd.f32 v17, v5;
	v6 =	vadd.f32 v8, v6  }
0x3bd: {  	v23 =	vor.u32 $0x5, v4;
	v17 =	vor.u32 $0x4, v4;
	v5 =	vld.idx.msk [tilespmem:v19+s20+$0x0], $0xffff  }
0x3be: {  	v22 =	vld.idx.msk [tilespmem:v10+s20+$0x0], $0xffff;
	vm0 =	vge.f32 v12, $0.0e+00;
	v8 =	vadd.f32 v9, v6;
	v10 =	vadd.f32 $0.0e+00, v13  }
0x3bf: {  	v6 =	vsel vm0, $0x3F800000, v1;
	v9 =	vld.idx.msk [tilespmem:v16+s20+$0x0], $0xffff;
	v16 =	vmul.f32 v12, v18;
	v12 =	vor.u32 $0xE, v14  }
0x3c0: {  	v13 =	vor.u32 $0x6, v4;
	v2 =	vadd.f32 v6, v2;
	v6 =	vld.idx.msk [tilespmem:v15+s20+$0x0], $0xffff;
	v8 =	vadd.f32 v20, v8  }
0x3c1: {  	v11 =	vadd.f32 v11, v10;
	v15 =	vor.u32 $0xF, v14;
	v7 =	vld.idx.msk [tilespmem:v7+s20+$0x0], $0xffff  }
0x3c2: {  	s26 =	simm.s32 $0x30;
	v14 =	vor.u32 $0x7, v4;
	v10 =	vld.idx.msk [tilespmem:v17+s20+$0x0], $0xffff;
	v8 =	vadd.f32 v21, v8  }
0x3c3: {  	v3 =	vadd.f32 v16, v3;
	v17 =	vmov s26;
	s26 =	simm.s32 $0x40;
	v16 =	vadd.f32 v22, v11;
	v11 =	vld.idx.msk [tilespmem:v23+s20+$0x0], $0xffff  }
.LBB2_24:
0x3c4: {  	p0 =	sne.s32 s26, $0xF0;
	v17 =	vshll.u32 v17, $0x4;
	v18 =	vor.u32 $0x8, v4;
	v5 =	vadd.f32 v5, v8;
	v8 =	vld.idx.msk [tilespmem:v12+s20+$0x0], $0xffff  }
0x3c5: {  	v17 =	vor.u32 v0, v17;
	v9 =	vadd.f32 v9, v16;
	v12 =	vld.idx.msk [tilespmem:v13+s20+$0x0], $0xffff  }
0x3c6: {  	v13 =	vor.u32 $0x9, v4;
	v5 =	vadd.f32 v6, v5;
	v6 =	vld.idx.msk [tilespmem:v15+s20+$0x0], $0xffff  }
0x3c7: {  	s25 =	sadd.s32 $0x10, s25;
	v15 =	vor.u32 $0x1, v17;
	v9 =	vadd.f32 v10, v9;
	v10 =	vld.idx.msk [tilespmem:v14+s20+$0x0], $0xffff  }
0x3c8: {  	v14 =	vor.u32 $0xA, v4;
	v5 =	vadd.f32 v7, v5;
	v7 =	vld [tilespmem:s25+$0x0]  }
0x3c9: {  	v16 =	vor.u32 $0x2, v17;
	v9 =	vadd.f32 v11, v9;
	v11 =	vld.idx.msk [tilespmem:v18+s20+$0x0], $0xffff  }
0x3ca: {  	v19 =	vor.u32 $0xB, v4;
	v18 =	vld.idx.msk [tilespmem:v17+s20+$0x0], $0xffff;
	v5 =	vadd.f32 v8, v5  }
0x3cb: {  	v8 =	vor.u32 $0x3, v17;
	v9 =	vadd.f32 v12, v9;
	v20 =	vld.idx.msk [tilespmem:v13+s20+$0x0], $0xffff  }
0x3cc: {  	v21 =	vor.u32 $0xC, v4;
	v15 =	vld.idx.msk [tilespmem:v15+s20+$0x0], $0xffff;
	v5 =	vadd.f32 v6, v5  }
0x3cd: {  	v22 =	vor.u32 $0x4, v17;
	v6 =	vadd.f32 v10, v9;
	v23 =	vld.idx.msk [tilespmem:v14+s20+$0x0], $0xffff  }
0x3ce: {  	v24 =	vor.u32 $0xD, v4;
	v16 =	vld.idx.msk [tilespmem:v16+s20+$0x0], $0xffff;
	v7 =	vmul.f32 v5, v7;
	vm0 =	vge.f32 v5, $0.0e+00  }
0x3cf: {  	v25 =	vor.u32 $0x5, v17;
	v6 =	vadd.f32 v11, v6;
	v5 =	vld.idx.msk [tilespmem:v19+s20+$0x0], $0xffff;
	v10 =	vsel vm0, $0x3F800000, v1  }
.Ltmp11:
0x3d0: {  	v12 =	vor.u32 $0xE, v4;
	v11 =	vadd.f32 $0.0e+00, v18;
	v9 =	vld.idx.msk [tilespmem:v8+s20+$0x0], $0xffff;
	v2 =	vadd.f32 v10, v2;
	(pc) =	sbr.rel @p0 .LBB2_24-.Ltmp11, $4  }
0x3d1: {  	v13 =	vor.u32 $0x6, v17;
	v3 =	vadd.f32 v7, v3;
	v8 =	vadd.f32 v20, v6;
	v6 =	vld.idx.msk [tilespmem:v21+s20+$0x0], $0xffff  }
0x3d2: {  	v11 =	vadd.f32 v15, v11;
	v15 =	vor.u32 $0xF, v4;
	v4 =	vmov v17;
	v10 =	vld.idx.msk [tilespmem:v22+s20+$0x0], $0xffff  }
0x3d3: {  	v14 =	vor.u32 $0x7, v4;
	v8 =	vadd.f32 v23, v8;
	v7 =	vld.idx.msk [tilespmem:v24+s20+$0x0], $0xffff  }
0x3d4: {  	v17 =	vmov s26;
	s26 =	sadd.s32 $0x10, s26;
	v16 =	vadd.f32 v16, v11;
	v11 =	vld.idx.msk [tilespmem:v25+s20+$0x0], $0xffff  }
0x3d5: {  	v17 =	vshll.u32 v17, $0x4  }
0x3d6: {  	v17 =	vor.u32 v0, v17;
	_ =	sdelay $0x1  }
0x3d7: {  	v18 =	vor.u32 $0x1, v17;
	_ =	sdelay $0x1  }
0x3d8: {  	v19 =	vor.u32 $0x2, v17  }
0x3d9: {  	v20 =	vld.idx.msk [tilespmem:v17+s20+$0x0], $0xffff  }
0x3da: {  	v21 =	vor.u32 $0x3, v17  }
0x3db: {  	v18 =	vld.idx.msk [tilespmem:v18+s20+$0x0], $0xffff  }
0x3dc: {  	v12 =	vld.idx.msk [tilespmem:v12+s20+$0x0], $0xffff;
	v23 =	vor.u32 $0x4, v17  }
0x3dd: {  	v19 =	vld.idx.msk [tilespmem:v19+s20+$0x0], $0xffff  }
0x3de: {  	v13 =	vld.idx.msk [tilespmem:v13+s20+$0x0], $0xffff;
	v26 =	vor.u32 $0x5, v17;
	v20 =	vadd.f32 $0.0e+00, v20  }
0x3df: {  	v21 =	vld.idx.msk [tilespmem:v21+s20+$0x0], $0xffff  }
0x3e0: {  	v15 =	vld.idx.msk [tilespmem:v15+s20+$0x0], $0xffff;
	v40 =	vor.u32 $0x6, v17;
	v18 =	vadd.f32 v18, v20  }
0x3e1: {  	v22 =	vor.u32 $0x8, v4;
	v9 =	vadd.f32 v9, v16;
	v23 =	vld.idx.msk [tilespmem:v23+s20+$0x0], $0xffff  }
0x3e2: {  	v14 =	vld.idx.msk [tilespmem:v14+s20+$0x0], $0xffff;
	v42 =	vor.u32 $0x7, v17;
	v18 =	vadd.f32 v19, v18  }
0x3e3: {  	v24 =	vor.u32 $0x9, v4;
	s25 =	sadd.s32 $0x10, s25;
	v9 =	vadd.f32 v10, v9;
	v26 =	vld.idx.msk [tilespmem:v26+s20+$0x0], $0xffff  }
0x3e4: {  	v25 =	vld [tilespmem:s25+$0x0];
	v44 =	vor.u32 $0x8, v17;
	v18 =	vadd.f32 v21, v18  }
0x3e5: {  	v27 =	vor.u32 $0xA, v4;
	v9 =	vadd.f32 v11, v9;
	v20 =	vld.idx.msk [tilespmem:v40+s20+$0x0], $0xffff  }
0x3e6: {  	v46 =	vor.u32 $0x9, v17;
	v22 =	vld.idx.msk [tilespmem:v22+s20+$0x0], $0xffff;
	v18 =	vadd.f32 v23, v18  }
0x3e7: {  	v41 =	vor.u32 $0xB, v4;
	v9 =	vadd.f32 v13, v9;
	v19 =	vld.idx.msk [tilespmem:v42+s20+$0x0], $0xffff  }
0x3e8: {  	v48 =	vor.u32 $0xA, v17;
	v24 =	vld.idx.msk [tilespmem:v24+s20+$0x0], $0xffff;
	v18 =	vadd.f32 v26, v18  }
0x3e9: {  	v43 =	vor.u32 $0xC, v4;
	v49 =	vld.idx.msk [tilespmem:v44+s20+$0x0], $0xffff;
	v9 =	vadd.f32 v14, v9  }
0x3ea: {  	v50 =	vor.u32 $0xB, v17;
	v27 =	vld.idx.msk [tilespmem:v27+s20+$0x0], $0xffff;
	v18 =	vadd.f32 v20, v18  }
0x3eb: {  	v45 =	vor.u32 $0xD, v4;
	v51 =	vld.idx.msk [tilespmem:v46+s20+$0x0], $0xffff;
	v9 =	vadd.f32 v22, v9  }
0x3ec: {  	v52 =	vor.u32 $0xC, v17;
	v16 =	vld.idx.msk [tilespmem:v41+s20+$0x0], $0xffff;
	v18 =	vadd.f32 v19, v18  }
0x3ed: {  	v47 =	vor.u32 $0xE, v4;
	v53 =	vld.idx.msk [tilespmem:v48+s20+$0x0], $0xffff;
	v9 =	vadd.f32 v24, v9  }
0x3ee: {  	v54 =	vor.u32 $0xD, v17;
	v10 =	vld.idx.msk [tilespmem:v43+s20+$0x0], $0xffff;
	v14 =	vadd.f32 v49, v18  }
0x3ef: {  	v4 =	vor.u32 $0xF, v4;
	v5 =	vadd.f32 v5, v8;
	v57 =	vld.idx.msk [tilespmem:v50+s20+$0x0], $0xffff;
	v56 =	vadd.f32 v27, v9  }
0x3f0: {  	v55 =	vor.u32 $0xE, v17;
	v11 =	vld.idx.msk [tilespmem:v45+s20+$0x0], $0xffff;
	v14 =	vadd.f32 v51, v14  }
0x3f1: {  	v5 =	vadd.f32 v6, v5;
	v59 =	vld.idx.msk [tilespmem:v52+s20+$0x0], $0xffff;
	v6 =	vadd.f32 v16, v56  }
0x3f2: {  	v17 =	vor.u32 $0xF, v17;
	v13 =	vld.idx.msk [tilespmem:v47+s20+$0x0], $0xffff;
	v14 =	vadd.f32 v53, v14  }
0x3f3: {  	v5 =	vadd.f32 v7, v5;
	v60 =	vld.idx.msk [tilespmem:v54+s20+$0x0], $0xffff;
	v6 =	vadd.f32 v10, v6  }
0x3f4: {  	v4 =	vld.idx.msk [tilespmem:v4+s20+$0x0], $0xffff;
	v9 =	vadd.f32 v57, v14  }
0x3f5: {  	s25 =	sadd.s32 $0x10, s25;
	v5 =	vadd.f32 v12, v5;
	v7 =	vld.idx.msk [tilespmem:v55+s20+$0x0], $0xffff;
	v6 =	vadd.f32 v11, v6  }
0x3f6: {  	v58 =	vld [tilespmem:s25+$0x0];
	v8 =	vadd.f32 v59, v9  }
0x3f7: {  	s25 =	sadd.s32 $0x10, s25;
	v5 =	vadd.f32 v15, v5;
	v61 =	vld.idx.msk [tilespmem:v17+s20+$0x0], $0xffff;
	v6 =	vadd.f32 v13, v6  }
0x3f8: {  	v62 =	vld [tilespmem:s25+$0x0];
	_ =	swait.ge [sflag:s15], $0x4000;
	v8 =	vadd.f32 v60, v8  }
0x3f9: {  	v63 =	vmul.f32 v5, v25;
	vm0 =	vge.f32 v5, $0.0e+00;
	[sflag:s15] =	ssyncset.done $0x0;
	v4 =	vadd.f32 v4, v6  }
0x3fa: {  	v5 =	vsel vm0, $0x3F800000, v1;
	[sflag:s15] =	ssyncadd.s32 $0xFFFFC000;
	v6 =	vadd.f32 v7, v8  }
0x3fb: {  	v2 =	vadd.f32 v5, v2;
	v3 =	vadd.f32 v63, v3;
	_ =	swait.ge [sflag:s16], $0x4000;
	vm14 =	vge.f32 v4, $0.0e+00  }
0x3fc: {  	[sflag:s16] =	ssyncset.done $0x0;
	v4 =	vmul.f32 v4, v58;
	v5 =	vsel vm14, $0x3F800000, v1;
	v6 =	vadd.f32 v61, v6  }
0x3fd: {  	[sflag:s16] =	ssyncadd.s32 $0xFFFFC000;
	v2 =	vadd.f32 v5, v2  }
0x3fe: {  	[tilespmem:s17], [sflag:$0x3] =	stream.indirect.gather [hbm4b:s3+s12], $0x40, s11, s12, $0xb8;
	v4 =	vadd.f32 v4, v3;
	v5 =	vmul.f32 v6, v62;
	vm15 =	vge.f32 v6, $0.0e+00;
	[tilespmem:$0x12820] =	vst v63  }
0x3ff: {  	s26 =	simm.s32 $0x11820;
	s28 =	simm.s32 $0x0;
	s25 =	simm.s32 $0x0;
	v3 =	vsel vm15, $0x3F800000, v1  }
0x400: {  	[tilespmem:s19], [sflag:$0x4] =	stream.indirect.gather [hbm4b:s3+s12], $0x40, s18, s12, $0xb8;
	v3 =	vadd.f32 v3, v2;
	v4 =	vadd.f32 v5, v4;
	[tilespmem:$0x12820] =	vst v63  }
.LBB2_26:
0x401: {  	s29 =	sshra.s32 s28, $0x2  }
0x402: {  	v2 =	vld [tilespmem:s29+$0x1800]  }
0x403: {  	v5 =	vld [tilespmem:s29+$0x5800]  }
0x404: {  	v6 =	vld [tilespmem:s29+$0x1810]  }
0x405: {  	v7 =	vld [tilespmem:s29+$0x5810]  }
0x406: {  	v8 =	vld [tilespmem:s29+$0x1820]  }
0x407: {  	v9 =	vld [tilespmem:s29+$0x5820]  }
0x408: {  	v10 =	vld [tilespmem:s29+$0x1830]  }
0x409: {  	v11 =	vld [tilespmem:s29+$0x5830];
	_ =	sdelay $0x3  }
0x40a: {  	v2 =	vmul.f32 v5, v2;
	v5 =	vmul.f32 v7, v6  }
0x40b: {  	v6 =	vmul.f32 v9, v8;
	v7 =	vmul.f32 v11, v10;
	_ =	sdelay $0x1  }
0x40c: {  	v2 =	vadd.f32 v5, v2;
	v5 =	vadd.f32 v7, v6;
	_ =	sdelay $0x1  }
0x40d: {  	v2 =	vadd.f32 v5, v2;
	_ =	sdelay $0x1  }
0x40e: {  	[tilespmem:s26+$0xFFFFFFE0] =	vst v2  }
0x40f: {  	v2 =	vld [tilespmem:s29+$0x1840]  }
0x410: {  	v5 =	vld [tilespmem:s29+$0x5840]  }
0x411: {  	v6 =	vld [tilespmem:s29+$0x1850]  }
0x412: {  	v7 =	vld [tilespmem:s29+$0x5850]  }
0x413: {  	v52 =	vld [tilespmem:s29+$0x1860]  }
0x414: {  	v53 =	vld [tilespmem:s29+$0x5860]  }
0x415: {  	v54 =	vld [tilespmem:s29+$0x1870]  }
0x416: {  	v55 =	vld [tilespmem:s29+$0x5870];
	_ =	sdelay $0x3  }
0x417: {  	v2 =	vmul.f32 v5, v2;
	v5 =	vmul.f32 v7, v6  }
0x418: {  	v6 =	vmul.f32 v53, v52;
	v7 =	vmul.f32 v55, v54;
	_ =	sdelay $0x1  }
0x419: {  	v2 =	vadd.f32 v5, v2;
	v5 =	vadd.f32 v7, v6;
	_ =	sdelay $0x1  }
0x41a: {  	v2 =	vadd.f32 v5, v2;
	_ =	sdelay $0x1  }
0x41b: {  	[tilespmem:s26+$0xFFFFFFF0] =	vst v2  }
0x41c: {  	v2 =	vld [tilespmem:s29+$0x1880]  }
0x41d: {  	v5 =	vld [tilespmem:s29+$0x5880]  }
0x41e: {  	v6 =	vld [tilespmem:s29+$0x1890]  }
0x41f: {  	v7 =	vld [tilespmem:s29+$0x5890]  }
0x420: {  	v56 =	vld [tilespmem:s29+$0x18A0]  }
0x421: {  	v57 =	vld [tilespmem:s29+$0x58A0]  }
0x422: {  	v58 =	vld [tilespmem:s29+$0x18B0]  }
0x423: {  	v59 =	vld [tilespmem:s29+$0x58B0];
	_ =	sdelay $0x3  }
0x424: {  	v2 =	vmul.f32 v5, v2;
	v5 =	vmul.f32 v7, v6  }
0x425: {  	v6 =	vmul.f32 v57, v56;
	v7 =	vmul.f32 v59, v58;
	_ =	sdelay $0x1  }
0x426: {  	v2 =	vadd.f32 v5, v2;
	v5 =	vadd.f32 v7, v6;
	_ =	sdelay $0x1  }
0x427: {  	v2 =	vadd.f32 v5, v2;
	_ =	sdelay $0x1  }
0x428: {  	[tilespmem:s26+$0x0] =	vst v2  }
0x429: {  	v2 =	vld [tilespmem:s29+$0x18C0]  }
0x42a: {  	v5 =	vld [tilespmem:s29+$0x58C0]  }
0x42b: {  	v6 =	vld [tilespmem:s29+$0x18D0]  }
0x42c: {  	v7 =	vld [tilespmem:s29+$0x58D0]  }
0x42d: {  	v60 =	vld [tilespmem:s29+$0x18E0]  }
0x42e: {  	v61 =	vld [tilespmem:s29+$0x58E0]  }
0x42f: {  	v62 =	vld [tilespmem:s29+$0x18F0]  }
0x430: {  	v63 =	vld [tilespmem:s29+$0x58F0];
	_ =	sdelay $0x3  }
0x431: {  	v2 =	vmul.f32 v5, v2;
	v5 =	vmul.f32 v7, v6  }
0x432: {  	v6 =	vmul.f32 v61, v60;
	v7 =	vmul.f32 v63, v62  }
0x433: {  	p0 =	sne.s32 s28, $0xFC00  }
.Ltmp12:
0x434: {  	v2 =	vadd.f32 v5, v2;
	v5 =	vadd.f32 v7, v6;
	(pc) =	sbr.rel @p0 .LBB2_26-.Ltmp12, $3  }
0x435: {  	_ = 	snop  }
0x436: {  	v2 =	vadd.f32 v5, v2;
	_ =	sdelay $0x1  }
0x437: {  	s28 =	sadd.s32 $0x400, s28;
	[tilespmem:s26+$0x10] =	vst v2;
	s26 =	sadd.s32 $0x40, s26  }
0x438: {  	v2 =	vmov s25  }
0x439: {  	v2 =	vshll.u32 v2, $0x4  }
0x43a: {  	v2 =	vor.u32 v0, v2;
	_ =	sdelay $0x1  }
0x43b: {  	v5 =	vor.u32 $0x1, v2;
	_ =	sdelay $0x1  }
0x43c: {  	v6 =	vor.u32 $0x2, v2  }
0x43d: {  	v7 =	vld.idx.msk [tilespmem:v2+s20+$0x0], $0xffff  }
0x43e: {  	v8 =	vor.u32 $0x3, v2  }
0x43f: {  	v5 =	vld.idx.msk [tilespmem:v5+s20+$0x0], $0xffff  }
0x440: {  	v9 =	vor.u32 $0x4, v2  }
0x441: {  	v6 =	vld.idx.msk [tilespmem:v6+s20+$0x0], $0xffff  }
0x442: {  	v10 =	vor.u32 $0x5, v2;
	v7 =	vadd.f32 $0.0e+00, v7  }
0x443: {  	v8 =	vld.idx.msk [tilespmem:v8+s20+$0x0], $0xffff  }
0x444: {  	v11 =	vor.u32 $0x6, v2;
	v5 =	vadd.f32 v5, v7  }
0x445: {  	s28 =	simm.s32 $0x10;
	v14 =	vor.u32 $0xB, v2;
	v7 =	vld.idx.msk [tilespmem:v9+s20+$0x0], $0xffff  }
0x446: {  	v12 =	vmov s28;
	v9 =	vor.u32 $0x7, v2;
	v5 =	vadd.f32 v6, v5  }
0x447: {  	v10 =	vld.idx.msk [tilespmem:v10+s20+$0x0], $0xffff;
	v6 =	vshll.u32 v12, $0x4;
	v12 =	vor.u32 $0x8, v2  }
0x448: {  	v15 =	vor.u32 v0, v6;
	v5 =	vadd.f32 v8, v5  }
0x449: {  	v8 =	vld.idx.msk [tilespmem:v11+s20+$0x0], $0xffff;
	v11 =	vor.u32 $0x1, v15  }
0x44a: {  	v14 =	vld.idx.msk [tilespmem:v14+s20+$0x0], $0xffff;
	v6 =	vor.u32 $0x9, v2;
	v5 =	vadd.f32 v7, v5  }
0x44b: {  	v13 =	vor.u32 $0x2, v15;
	v7 =	vld.idx.msk [tilespmem:v9+s20+$0x0], $0xffff  }
0x44c: {  	v9 =	vor.u32 $0xA, v2;
	v12 =	vld.idx.msk [tilespmem:v12+s20+$0x0], $0xffff;
	v5 =	vadd.f32 v10, v5  }
0x44d: {  	v16 =	vor.u32 $0x3, v15;
	v10 =	vld.idx.msk [tilespmem:v15+s20+$0x0], $0xffff  }
0x44e: {  	v5 =	vadd.f32 v8, v5;
	v8 =	vld.idx.msk [tilespmem:v11+s20+$0x0], $0xffff;
	v11 =	vor.u32 $0xC, v2  }
0x44f: {  	v17 =	vor.u32 $0x4, v15;
	v6 =	vld.idx.msk [tilespmem:v6+s20+$0x0], $0xffff  }
0x450: {  	v5 =	vadd.f32 v7, v5;
	v7 =	vld.idx.msk [tilespmem:v13+s20+$0x0], $0xffff;
	v13 =	vor.u32 $0xD, v2  }
0x451: {  	v18 =	vor.u32 $0x5, v15;
	v9 =	vld.idx.msk [tilespmem:v9+s20+$0x0], $0xffff  }
0x452: {  	v10 =	vadd.f32 $0.0e+00, v10;
	v5 =	vadd.f32 v12, v5;
	v12 =	vld.idx.msk [tilespmem:v16+s20+$0x0], $0xffff  }
0x453: {  	v19 =	vor.u32 $0x6, v15;
	v16 =	vor.u32 $0xE, v2;
	v11 =	vld.idx.msk [tilespmem:v11+s20+$0x0], $0xffff  }
0x454: {  	v5 =	vadd.f32 v6, v5;
	v6 =	vld.idx.msk [tilespmem:v17+s20+$0x0], $0xffff;
	v17 =	vor.u32 $0xF, v2;
	v2 =	vadd.f32 v8, v10  }
0x455: {  	s29 =	simm.s32 $0x20;
	v8 =	vor.u32 $0x7, v15;
	v10 =	vld.idx.msk [tilespmem:v13+s20+$0x0], $0xffff  }
0x456: {  	s25 =	simm.s32 $0x1600;
	v13 =	vld.idx.msk [tilespmem:v18+s20+$0x0], $0xffff;
	v5 =	vadd.f32 v9, v5;
	v9 =	vmov s29;
	v7 =	vadd.f32 v7, v2  }
0x457: {  	v18 =	vld [tilespmem:s25+$0x0];
	v2 =	vshll.u32 v9, $0x4;
	v9 =	vor.u32 $0x8, v15  }
0x458: {  	v16 =	vld.idx.msk [tilespmem:v16+s20+$0x0], $0xffff;
	v5 =	vadd.f32 v14, v5;
	v2 =	vor.u32 v0, v2;
	v7 =	vadd.f32 v12, v7  }
0x459: {  	v14 =	vld.idx.msk [tilespmem:v19+s20+$0x0], $0xffff;
	v12 =	vor.u32 $0x9, v15  }
0x45a: {  	v17 =	vld.idx.msk [tilespmem:v17+s20+$0x0], $0xffff;
	v5 =	vadd.f32 v11, v5;
	v11 =	vor.u32 $0x1, v2;
	v6 =	vadd.f32 v6, v7  }
0x45b: {  	v8 =	vld.idx.msk [tilespmem:v8+s20+$0x0], $0xffff;
	v7 =	vor.u32 $0xA, v15  }
0x45c: {  	v19 =	vor.u32 $0xB, v15;
	v5 =	vadd.f32 v10, v5;
	v9 =	vld.idx.msk [tilespmem:v9+s20+$0x0], $0xffff;
	v6 =	vadd.f32 v13, v6  }
0x45d: {  	v10 =	vor.u32 $0x2, v2;
	v13 =	vld.idx.msk [tilespmem:v2+s20+$0x0], $0xffff  }
0x45e: {  	v12 =	vld.idx.msk [tilespmem:v12+s20+$0x0], $0xffff;
	v5 =	vadd.f32 v16, v5;
	v16 =	vor.u32 $0x3, v2;
	v6 =	vadd.f32 v14, v6  }
0x45f: {  	v20 =	vor.u32 $0xC, v15;
	v11 =	vld.idx.msk [tilespmem:v11+s20+$0x0], $0xffff  }
0x460: {  	v21 =	vld.idx.msk [tilespmem:v7+s20+$0x0], $0xffff;
	v7 =	vor.u32 $0xD, v15;
	v14 =	vadd.f32 v17, v5;
	v6 =	vadd.f32 v8, v6  }
0x461: {  	v23 =	vor.u32 $0x5, v2;
	v17 =	vor.u32 $0x4, v2;
	v5 =	vld.idx.msk [tilespmem:v19+s20+$0x0], $0xffff  }
0x462: {  	v22 =	vld.idx.msk [tilespmem:v10+s20+$0x0], $0xffff;
	vm0 =	vge.f32 v14, $0.0e+00;
	v8 =	vadd.f32 v9, v6;
	v10 =	vadd.f32 $0.0e+00, v13  }
0x463: {  	v6 =	vsel vm0, $0x3F800000, v1;
	v9 =	vld.idx.msk [tilespmem:v16+s20+$0x0], $0xffff;
	v16 =	vmul.f32 v14, v18;
	v14 =	vor.u32 $0xE, v15  }
0x464: {  	v13 =	vor.u32 $0x6, v2;
	v3 =	vadd.f32 v6, v3;
	v6 =	vld.idx.msk [tilespmem:v20+s20+$0x0], $0xffff;
	v8 =	vadd.f32 v12, v8  }
0x465: {  	v15 =	vor.u32 $0xF, v15;
	v11 =	vadd.f32 v11, v10;
	v7 =	vld.idx.msk [tilespmem:v7+s20+$0x0], $0xffff  }
0x466: {  	s26 =	simm.s32 $0x30;
	v12 =	vor.u32 $0x7, v2;
	v10 =	vld.idx.msk [tilespmem:v17+s20+$0x0], $0xffff;
	v8 =	vadd.f32 v21, v8  }
0x467: {  	v4 =	vadd.f32 v16, v4;
	v17 =	vmov s26;
	s26 =	simm.s32 $0x40;
	v16 =	vadd.f32 v22, v11;
	v11 =	vld.idx.msk [tilespmem:v23+s20+$0x0], $0xffff  }
.LBB2_28:
0x468: {  	p0 =	sne.s32 s26, $0xF0;
	v17 =	vshll.u32 v17, $0x4;
	v18 =	vor.u32 $0x8, v2;
	v5 =	vadd.f32 v5, v8;
	v8 =	vld.idx.msk [tilespmem:v14+s20+$0x0], $0xffff  }
0x469: {  	v17 =	vor.u32 v0, v17;
	v9 =	vadd.f32 v9, v16;
	v13 =	vld.idx.msk [tilespmem:v13+s20+$0x0], $0xffff  }
0x46a: {  	v14 =	vor.u32 $0x9, v2;
	v5 =	vadd.f32 v6, v5;
	v6 =	vld.idx.msk [tilespmem:v15+s20+$0x0], $0xffff  }
0x46b: {  	s25 =	sadd.s32 $0x10, s25;
	v15 =	vor.u32 $0x1, v17;
	v9 =	vadd.f32 v10, v9;
	v10 =	vld.idx.msk [tilespmem:v12+s20+$0x0], $0xffff  }
0x46c: {  	v12 =	vor.u32 $0xA, v2;
	v5 =	vadd.f32 v7, v5;
	v7 =	vld [tilespmem:s25+$0x0]  }
0x46d: {  	v16 =	vor.u32 $0x2, v17;
	v9 =	vadd.f32 v11, v9;
	v11 =	vld.idx.msk [tilespmem:v18+s20+$0x0], $0xffff  }
0x46e: {  	v19 =	vor.u32 $0xB, v2;
	v18 =	vld.idx.msk [tilespmem:v17+s20+$0x0], $0xffff;
	v5 =	vadd.f32 v8, v5  }
0x46f: {  	v8 =	vor.u32 $0x3, v17;
	v9 =	vadd.f32 v13, v9;
	v20 =	vld.idx.msk [tilespmem:v14+s20+$0x0], $0xffff  }
0x470: {  	v21 =	vor.u32 $0xC, v2;
	v15 =	vld.idx.msk [tilespmem:v15+s20+$0x0], $0xffff;
	v5 =	vadd.f32 v6, v5  }
0x471: {  	v22 =	vor.u32 $0x4, v17;
	v6 =	vadd.f32 v10, v9;
	v23 =	vld.idx.msk [tilespmem:v12+s20+$0x0], $0xffff  }
0x472: {  	v24 =	vor.u32 $0xD, v2;
	v16 =	vld.idx.msk [tilespmem:v16+s20+$0x0], $0xffff;
	v7 =	vmul.f32 v5, v7;
	vm0 =	vge.f32 v5, $0.0e+00  }
0x473: {  	v25 =	vor.u32 $0x5, v17;
	v6 =	vadd.f32 v11, v6;
	v5 =	vld.idx.msk [tilespmem:v19+s20+$0x0], $0xffff;
	v10 =	vsel vm0, $0x3F800000, v1  }
.Ltmp13:
0x474: {  	v14 =	vor.u32 $0xE, v2;
	v11 =	vadd.f32 $0.0e+00, v18;
	v9 =	vld.idx.msk [tilespmem:v8+s20+$0x0], $0xffff;
	v3 =	vadd.f32 v10, v3;
	(pc) =	sbr.rel @p0 .LBB2_28-.Ltmp13, $4  }
0x475: {  	v13 =	vor.u32 $0x6, v17;
	v4 =	vadd.f32 v7, v4;
	v8 =	vadd.f32 v20, v6;
	v6 =	vld.idx.msk [tilespmem:v21+s20+$0x0], $0xffff  }
0x476: {  	v11 =	vadd.f32 v15, v11;
	v15 =	vor.u32 $0xF, v2;
	v2 =	vmov v17;
	v10 =	vld.idx.msk [tilespmem:v22+s20+$0x0], $0xffff  }
0x477: {  	v12 =	vor.u32 $0x7, v2;
	v8 =	vadd.f32 v23, v8;
	v7 =	vld.idx.msk [tilespmem:v24+s20+$0x0], $0xffff  }
0x478: {  	v17 =	vmov s26;
	s26 =	sadd.s32 $0x10, s26;
	v16 =	vadd.f32 v16, v11;
	v11 =	vld.idx.msk [tilespmem:v25+s20+$0x0], $0xffff  }
0x479: {  	v17 =	vshll.u32 v17, $0x4  }
0x47a: {  	v17 =	vor.u32 v0, v17;
	_ =	sdelay $0x1  }
0x47b: {  	v18 =	vor.u32 $0x1, v17;
	_ =	sdelay $0x1  }
0x47c: {  	v19 =	vor.u32 $0x2, v17  }
0x47d: {  	v20 =	vld.idx.msk [tilespmem:v17+s20+$0x0], $0xffff  }
0x47e: {  	v21 =	vor.u32 $0x3, v17  }
0x47f: {  	v18 =	vld.idx.msk [tilespmem:v18+s20+$0x0], $0xffff  }
0x480: {  	v14 =	vld.idx.msk [tilespmem:v14+s20+$0x0], $0xffff;
	v22 =	vor.u32 $0x4, v17  }
0x481: {  	v19 =	vld.idx.msk [tilespmem:v19+s20+$0x0], $0xffff  }
0x482: {  	v13 =	vld.idx.msk [tilespmem:v13+s20+$0x0], $0xffff;
	v23 =	vor.u32 $0x5, v17;
	v20 =	vadd.f32 $0.0e+00, v20  }
0x483: {  	v21 =	vld.idx.msk [tilespmem:v21+s20+$0x0], $0xffff  }
0x484: {  	v15 =	vld.idx.msk [tilespmem:v15+s20+$0x0], $0xffff;
	v24 =	vor.u32 $0x6, v17;
	v18 =	vadd.f32 v18, v20  }
0x485: {  	v37 =	vor.u32 $0x8, v2;
	v9 =	vadd.f32 v9, v16;
	v38 =	vld.idx.msk [tilespmem:v22+s20+$0x0], $0xffff  }
0x486: {  	v12 =	vld.idx.msk [tilespmem:v12+s20+$0x0], $0xffff;
	v39 =	vor.u32 $0x7, v17;
	v18 =	vadd.f32 v19, v18  }
0x487: {  	v40 =	vor.u32 $0x9, v2;
	s25 =	sadd.s32 $0x10, s25;
	v9 =	vadd.f32 v10, v9;
	v41 =	vld.idx.msk [tilespmem:v23+s20+$0x0], $0xffff  }
0x488: {  	v42 =	vld [tilespmem:s25+$0x0];
	v43 =	vor.u32 $0x8, v17;
	v18 =	vadd.f32 v21, v18  }
0x489: {  	v44 =	vor.u32 $0xA, v2;
	v9 =	vadd.f32 v11, v9;
	v24 =	vld.idx.msk [tilespmem:v24+s20+$0x0], $0xffff  }
0x48a: {  	v45 =	vor.u32 $0x9, v17;
	v20 =	vld.idx.msk [tilespmem:v37+s20+$0x0], $0xffff;
	v16 =	vadd.f32 v38, v18  }
0x48b: {  	v46 =	vor.u32 $0xB, v2;
	v9 =	vadd.f32 v13, v9;
	v22 =	vld.idx.msk [tilespmem:v39+s20+$0x0], $0xffff  }
0x48c: {  	v47 =	vor.u32 $0xA, v17;
	v19 =	vld.idx.msk [tilespmem:v40+s20+$0x0], $0xffff;
	v10 =	vadd.f32 v41, v16  }
0x48d: {  	v48 =	vor.u32 $0xC, v2;
	v9 =	vadd.f32 v12, v9;
	v21 =	vld.idx.msk [tilespmem:v43+s20+$0x0], $0xffff  }
0x48e: {  	v49 =	vor.u32 $0xB, v17;
	v11 =	vld.idx.msk [tilespmem:v44+s20+$0x0], $0xffff;
	v10 =	vadd.f32 v24, v10  }
0x48f: {  	v50 =	vor.u32 $0xD, v2;
	v9 =	vadd.f32 v20, v9;
	v18 =	vld.idx.msk [tilespmem:v45+s20+$0x0], $0xffff  }
0x490: {  	v51 =	vor.u32 $0xC, v17;
	v13 =	vld.idx.msk [tilespmem:v46+s20+$0x0], $0xffff;
	v10 =	vadd.f32 v22, v10  }
0x491: {  	v52 =	vor.u32 $0xE, v2;
	v9 =	vadd.f32 v19, v9;
	v16 =	vld.idx.msk [tilespmem:v47+s20+$0x0], $0xffff  }
0x492: {  	v53 =	vor.u32 $0xD, v17;
	v12 =	vld.idx.msk [tilespmem:v48+s20+$0x0], $0xffff;
	v10 =	vadd.f32 v21, v10  }
0x493: {  	v5 =	vadd.f32 v5, v8;
	v2 =	vor.u32 $0xF, v2;
	v55 =	vld.idx.msk [tilespmem:v49+s20+$0x0], $0xffff;
	v54 =	vadd.f32 v11, v9  }
0x494: {  	v57 =	vor.u32 $0xE, v17;
	v56 =	vld.idx.msk [tilespmem:v50+s20+$0x0], $0xffff;
	v10 =	vadd.f32 v18, v10  }
0x495: {  	v5 =	vadd.f32 v6, v5;
	v58 =	vld.idx.msk [tilespmem:v51+s20+$0x0], $0xffff;
	v6 =	vadd.f32 v13, v54  }
0x496: {  	v59 =	vld.idx.msk [tilespmem:v52+s20+$0x0], $0xffff;
	v17 =	vor.u32 $0xF, v17;
	v10 =	vadd.f32 v16, v10  }
0x497: {  	v5 =	vadd.f32 v7, v5;
	v7 =	vld.idx.msk [tilespmem:v53+s20+$0x0], $0xffff;
	v6 =	vadd.f32 v12, v6  }
0x498: {  	v2 =	vld.idx.msk [tilespmem:v2+s20+$0x0], $0xffff;
	v9 =	vadd.f32 v55, v10  }
0x499: {  	s25 =	sadd.s32 $0x10, s25;
	v5 =	vadd.f32 v14, v5;
	v60 =	vld.idx.msk [tilespmem:v57+s20+$0x0], $0xffff;
	v6 =	vadd.f32 v56, v6  }
0x49a: {  	v61 =	vld [tilespmem:s25+$0x0];
	v8 =	vadd.f32 v58, v9  }
0x49b: {  	v5 =	vadd.f32 v15, v5;
	v62 =	vld.idx.msk [tilespmem:v17+s20+$0x0], $0xffff;
	v6 =	vadd.f32 v59, v6  }
0x49c: {  	s25 =	sadd.s32 $0x10, s25;
	v7 =	vadd.f32 v7, v8  }
0x49d: {  	v63 =	vmul.f32 v5, v42;
	vm0 =	vge.f32 v5, $0.0e+00;
	v5 =	vld [tilespmem:s25+$0x0];
	v2 =	vadd.f32 v2, v6  }
0x49e: {  	v6 =	vsel vm0, $0x3F800000, v1;
	v7 =	vadd.f32 v60, v7  }
0x49f: {  	v4 =	vadd.f32 v63, v4;
	_ =	swait.ge [sflag:s21], $0x4000;
	v3 =	vadd.f32 v6, v3;
	vm14 =	vge.f32 v2, $0.0e+00  }
0x4a0: {  	[sflag:s21] =	ssyncset.done $0x0;
	v2 =	vmul.f32 v2, v61;
	v6 =	vsel vm14, $0x3F800000, v1;
	v7 =	vadd.f32 v62, v7  }
0x4a1: {  	[sflag:s21] =	ssyncadd.s32 $0xFFFFC000;
	v3 =	vadd.f32 v6, v3  }
0x4a2: {  	_ =	swait.ge [sflag:s22], $0x4000;
	v2 =	vadd.f32 v2, v4;
	v4 =	vmul.f32 v7, v5;
	vm15 =	vge.f32 v7, $0.0e+00  }
0x4a3: {  	s26 =	simm.s32 $0x11820;
	[sflag:s22] =	ssyncset.done $0x0;
	v5 =	vsel vm15, $0x3F800000, v1  }
0x4a4: {  	s28 =	simm.s32 $0x0;
	s25 =	simm.s32 $0x0;
	[sflag:s22] =	ssyncadd.s32 $0xFFFFC000;
	v3 =	vadd.f32 v5, v3;
	v4 =	vadd.f32 v4, v2  }
.LBB2_30:
0x4a5: {  	s29 =	sshra.s32 s28, $0x2  }
0x4a6: {  	v2 =	vld [tilespmem:s29+$0x9800]  }
0x4a7: {  	v5 =	vld [tilespmem:s29+$0xD800]  }
0x4a8: {  	v6 =	vld [tilespmem:s29+$0x9810]  }
0x4a9: {  	v7 =	vld [tilespmem:s29+$0xD810]  }
0x4aa: {  	v8 =	vld [tilespmem:s29+$0x9820]  }
0x4ab: {  	v9 =	vld [tilespmem:s29+$0xD820]  }
0x4ac: {  	v10 =	vld [tilespmem:s29+$0x9830]  }
0x4ad: {  	v11 =	vld [tilespmem:s29+$0xD830];
	_ =	sdelay $0x3  }
0x4ae: {  	v2 =	vmul.f32 v5, v2;
	v5 =	vmul.f32 v7, v6  }
0x4af: {  	v6 =	vmul.f32 v9, v8;
	v7 =	vmul.f32 v11, v10;
	_ =	sdelay $0x1  }
0x4b0: {  	v2 =	vadd.f32 v5, v2;
	v5 =	vadd.f32 v7, v6;
	_ =	sdelay $0x1  }
0x4b1: {  	v2 =	vadd.f32 v5, v2;
	_ =	sdelay $0x1  }
0x4b2: {  	[tilespmem:s26+$0xFFFFFFE0] =	vst v2  }
0x4b3: {  	v2 =	vld [tilespmem:s29+$0x9840]  }
0x4b4: {  	v5 =	vld [tilespmem:s29+$0xD840]  }
0x4b5: {  	v6 =	vld [tilespmem:s29+$0x9850]  }
0x4b6: {  	v7 =	vld [tilespmem:s29+$0xD850]  }
0x4b7: {  	v52 =	vld [tilespmem:s29+$0x9860]  }
0x4b8: {  	v53 =	vld [tilespmem:s29+$0xD860]  }
0x4b9: {  	v54 =	vld [tilespmem:s29+$0x9870]  }
0x4ba: {  	v55 =	vld [tilespmem:s29+$0xD870];
	_ =	sdelay $0x3  }
0x4bb: {  	v2 =	vmul.f32 v5, v2;
	v5 =	vmul.f32 v7, v6  }
0x4bc: {  	v6 =	vmul.f32 v53, v52;
	v7 =	vmul.f32 v55, v54;
	_ =	sdelay $0x1  }
0x4bd: {  	v2 =	vadd.f32 v5, v2;
	v5 =	vadd.f32 v7, v6;
	_ =	sdelay $0x1  }
0x4be: {  	v2 =	vadd.f32 v5, v2;
	_ =	sdelay $0x1  }
0x4bf: {  	[tilespmem:s26+$0xFFFFFFF0] =	vst v2  }
0x4c0: {  	v2 =	vld [tilespmem:s29+$0x9880]  }
0x4c1: {  	v5 =	vld [tilespmem:s29+$0xD880]  }
0x4c2: {  	v6 =	vld [tilespmem:s29+$0x9890]  }
0x4c3: {  	v7 =	vld [tilespmem:s29+$0xD890]  }
0x4c4: {  	v56 =	vld [tilespmem:s29+$0x98A0]  }
0x4c5: {  	v57 =	vld [tilespmem:s29+$0xD8A0]  }
0x4c6: {  	v58 =	vld [tilespmem:s29+$0x98B0]  }
0x4c7: {  	v59 =	vld [tilespmem:s29+$0xD8B0];
	_ =	sdelay $0x3  }
0x4c8: {  	v2 =	vmul.f32 v5, v2;
	v5 =	vmul.f32 v7, v6  }
0x4c9: {  	v6 =	vmul.f32 v57, v56;
	v7 =	vmul.f32 v59, v58;
	_ =	sdelay $0x1  }
0x4ca: {  	v2 =	vadd.f32 v5, v2;
	v5 =	vadd.f32 v7, v6;
	_ =	sdelay $0x1  }
0x4cb: {  	v2 =	vadd.f32 v5, v2;
	_ =	sdelay $0x1  }
0x4cc: {  	[tilespmem:s26+$0x0] =	vst v2  }
0x4cd: {  	v2 =	vld [tilespmem:s29+$0x98C0]  }
0x4ce: {  	v5 =	vld [tilespmem:s29+$0xD8C0]  }
0x4cf: {  	v6 =	vld [tilespmem:s29+$0x98D0]  }
0x4d0: {  	v7 =	vld [tilespmem:s29+$0xD8D0]  }
0x4d1: {  	v60 =	vld [tilespmem:s29+$0x98E0]  }
0x4d2: {  	v61 =	vld [tilespmem:s29+$0xD8E0]  }
0x4d3: {  	v62 =	vld [tilespmem:s29+$0x98F0]  }
0x4d4: {  	v63 =	vld [tilespmem:s29+$0xD8F0];
	_ =	sdelay $0x3  }
0x4d5: {  	v2 =	vmul.f32 v5, v2;
	v5 =	vmul.f32 v7, v6  }
0x4d6: {  	v6 =	vmul.f32 v61, v60;
	v7 =	vmul.f32 v63, v62  }
0x4d7: {  	p0 =	sne.s32 s28, $0xFC00  }
.Ltmp14:
0x4d8: {  	v2 =	vadd.f32 v5, v2;
	v5 =	vadd.f32 v7, v6;
	(pc) =	sbr.rel @p0 .LBB2_30-.Ltmp14, $3  }
0x4d9: {  	_ = 	snop  }
0x4da: {  	v2 =	vadd.f32 v5, v2;
	_ =	sdelay $0x1  }
0x4db: {  	s28 =	sadd.s32 $0x400, s28;
	[tilespmem:s26+$0x10] =	vst v2;
	s26 =	sadd.s32 $0x40, s26  }
0x4dc: {  	v2 =	vmov s25  }
0x4dd: {  	v2 =	vshll.u32 v2, $0x4  }
0x4de: {  	v2 =	vor.u32 v0, v2;
	_ =	sdelay $0x1  }
0x4df: {  	v5 =	vor.u32 $0x1, v2;
	_ =	sdelay $0x1  }
0x4e0: {  	v6 =	vor.u32 $0x2, v2  }
0x4e1: {  	v7 =	vld.idx.msk [tilespmem:v2+s20+$0x0], $0xffff  }
0x4e2: {  	v8 =	vor.u32 $0x3, v2  }
0x4e3: {  	v5 =	vld.idx.msk [tilespmem:v5+s20+$0x0], $0xffff  }
0x4e4: {  	v9 =	vor.u32 $0x4, v2  }
0x4e5: {  	v6 =	vld.idx.msk [tilespmem:v6+s20+$0x0], $0xffff  }
0x4e6: {  	v10 =	vor.u32 $0x5, v2;
	v7 =	vadd.f32 $0.0e+00, v7  }
0x4e7: {  	v8 =	vld.idx.msk [tilespmem:v8+s20+$0x0], $0xffff  }
0x4e8: {  	v11 =	vor.u32 $0x6, v2;
	v5 =	vadd.f32 v5, v7  }
0x4e9: {  	s28 =	simm.s32 $0x10;
	v14 =	vor.u32 $0xB, v2;
	v7 =	vld.idx.msk [tilespmem:v9+s20+$0x0], $0xffff  }
0x4ea: {  	v12 =	vmov s28;
	v9 =	vor.u32 $0x7, v2;
	v5 =	vadd.f32 v6, v5  }
0x4eb: {  	v10 =	vld.idx.msk [tilespmem:v10+s20+$0x0], $0xffff;
	v6 =	vshll.u32 v12, $0x4;
	v12 =	vor.u32 $0x8, v2  }
0x4ec: {  	v15 =	vor.u32 v0, v6;
	v5 =	vadd.f32 v8, v5  }
0x4ed: {  	v8 =	vld.idx.msk [tilespmem:v11+s20+$0x0], $0xffff;
	v11 =	vor.u32 $0x1, v15  }
0x4ee: {  	v14 =	vld.idx.msk [tilespmem:v14+s20+$0x0], $0xffff;
	v6 =	vor.u32 $0x9, v2;
	v5 =	vadd.f32 v7, v5  }
0x4ef: {  	v13 =	vor.u32 $0x2, v15;
	v7 =	vld.idx.msk [tilespmem:v9+s20+$0x0], $0xffff  }
0x4f0: {  	v9 =	vor.u32 $0xA, v2;
	v12 =	vld.idx.msk [tilespmem:v12+s20+$0x0], $0xffff;
	v5 =	vadd.f32 v10, v5  }
0x4f1: {  	v16 =	vor.u32 $0x3, v15;
	v10 =	vld.idx.msk [tilespmem:v15+s20+$0x0], $0xffff  }
0x4f2: {  	v5 =	vadd.f32 v8, v5;
	v8 =	vld.idx.msk [tilespmem:v11+s20+$0x0], $0xffff;
	v11 =	vor.u32 $0xC, v2  }
0x4f3: {  	v17 =	vor.u32 $0x4, v15;
	v6 =	vld.idx.msk [tilespmem:v6+s20+$0x0], $0xffff  }
0x4f4: {  	v5 =	vadd.f32 v7, v5;
	v7 =	vld.idx.msk [tilespmem:v13+s20+$0x0], $0xffff;
	v13 =	vor.u32 $0xD, v2  }
0x4f5: {  	v18 =	vor.u32 $0x5, v15;
	v9 =	vld.idx.msk [tilespmem:v9+s20+$0x0], $0xffff  }
0x4f6: {  	v10 =	vadd.f32 $0.0e+00, v10;
	v5 =	vadd.f32 v12, v5;
	v12 =	vld.idx.msk [tilespmem:v16+s20+$0x0], $0xffff  }
0x4f7: {  	v19 =	vor.u32 $0x6, v15;
	v16 =	vor.u32 $0xE, v2;
	v11 =	vld.idx.msk [tilespmem:v11+s20+$0x0], $0xffff  }
0x4f8: {  	v5 =	vadd.f32 v6, v5;
	v6 =	vld.idx.msk [tilespmem:v17+s20+$0x0], $0xffff;
	v17 =	vor.u32 $0xF, v2;
	v2 =	vadd.f32 v8, v10  }
0x4f9: {  	s29 =	simm.s32 $0x20;
	v8 =	vor.u32 $0x7, v15;
	v10 =	vld.idx.msk [tilespmem:v13+s20+$0x0], $0xffff  }
0x4fa: {  	s25 =	simm.s32 $0x1700;
	v13 =	vld.idx.msk [tilespmem:v18+s20+$0x0], $0xffff;
	v5 =	vadd.f32 v9, v5;
	v9 =	vmov s29;
	v7 =	vadd.f32 v7, v2  }
0x4fb: {  	v18 =	vld [tilespmem:s25+$0x0];
	v2 =	vshll.u32 v9, $0x4;
	v9 =	vor.u32 $0x8, v15  }
0x4fc: {  	v16 =	vld.idx.msk [tilespmem:v16+s20+$0x0], $0xffff;
	v5 =	vadd.f32 v14, v5;
	v2 =	vor.u32 v0, v2;
	v7 =	vadd.f32 v12, v7  }
0x4fd: {  	v14 =	vld.idx.msk [tilespmem:v19+s20+$0x0], $0xffff;
	v12 =	vor.u32 $0x9, v15  }
0x4fe: {  	v17 =	vld.idx.msk [tilespmem:v17+s20+$0x0], $0xffff;
	v5 =	vadd.f32 v11, v5;
	v11 =	vor.u32 $0x1, v2;
	v6 =	vadd.f32 v6, v7  }
0x4ff: {  	v8 =	vld.idx.msk [tilespmem:v8+s20+$0x0], $0xffff;
	v7 =	vor.u32 $0xA, v15  }
0x500: {  	v19 =	vor.u32 $0xB, v15;
	v5 =	vadd.f32 v10, v5;
	v9 =	vld.idx.msk [tilespmem:v9+s20+$0x0], $0xffff;
	v6 =	vadd.f32 v13, v6  }
0x501: {  	v10 =	vor.u32 $0x2, v2;
	v13 =	vld.idx.msk [tilespmem:v2+s20+$0x0], $0xffff  }
0x502: {  	v12 =	vld.idx.msk [tilespmem:v12+s20+$0x0], $0xffff;
	v5 =	vadd.f32 v16, v5;
	v16 =	vor.u32 $0x3, v2;
	v6 =	vadd.f32 v14, v6  }
0x503: {  	v20 =	vor.u32 $0xC, v15;
	v11 =	vld.idx.msk [tilespmem:v11+s20+$0x0], $0xffff  }
0x504: {  	v21 =	vld.idx.msk [tilespmem:v7+s20+$0x0], $0xffff;
	v7 =	vor.u32 $0xD, v15;
	v14 =	vadd.f32 v17, v5;
	v6 =	vadd.f32 v8, v6  }
0x505: {  	v23 =	vor.u32 $0x5, v2;
	v17 =	vor.u32 $0x4, v2;
	v5 =	vld.idx.msk [tilespmem:v19+s20+$0x0], $0xffff  }
0x506: {  	v22 =	vld.idx.msk [tilespmem:v10+s20+$0x0], $0xffff;
	vm0 =	vge.f32 v14, $0.0e+00;
	v8 =	vadd.f32 v9, v6;
	v10 =	vadd.f32 $0.0e+00, v13  }
0x507: {  	v6 =	vsel vm0, $0x3F800000, v1;
	v9 =	vld.idx.msk [tilespmem:v16+s20+$0x0], $0xffff;
	v16 =	vmul.f32 v14, v18;
	v14 =	vor.u32 $0xE, v15  }
0x508: {  	v13 =	vor.u32 $0x6, v2;
	v3 =	vadd.f32 v6, v3;
	v6 =	vld.idx.msk [tilespmem:v20+s20+$0x0], $0xffff;
	v8 =	vadd.f32 v12, v8  }
0x509: {  	v15 =	vor.u32 $0xF, v15;
	v11 =	vadd.f32 v11, v10;
	v7 =	vld.idx.msk [tilespmem:v7+s20+$0x0], $0xffff  }
0x50a: {  	s26 =	simm.s32 $0x30;
	v12 =	vor.u32 $0x7, v2;
	v10 =	vld.idx.msk [tilespmem:v17+s20+$0x0], $0xffff;
	v8 =	vadd.f32 v21, v8  }
0x50b: {  	v4 =	vadd.f32 v16, v4;
	v17 =	vmov s26;
	s26 =	simm.s32 $0x40;
	v16 =	vadd.f32 v22, v11;
	v11 =	vld.idx.msk [tilespmem:v23+s20+$0x0], $0xffff  }
.LBB2_32:
0x50c: {  	p0 =	sne.s32 s26, $0xF0;
	v17 =	vshll.u32 v17, $0x4;
	v18 =	vor.u32 $0x8, v2;
	v5 =	vadd.f32 v5, v8;
	v8 =	vld.idx.msk [tilespmem:v14+s20+$0x0], $0xffff  }
0x50d: {  	v17 =	vor.u32 v0, v17;
	v9 =	vadd.f32 v9, v16;
	v13 =	vld.idx.msk [tilespmem:v13+s20+$0x0], $0xffff  }
0x50e: {  	v14 =	vor.u32 $0x9, v2;
	v5 =	vadd.f32 v6, v5;
	v6 =	vld.idx.msk [tilespmem:v15+s20+$0x0], $0xffff  }
0x50f: {  	s25 =	sadd.s32 $0x10, s25;
	v15 =	vor.u32 $0x1, v17;
	v9 =	vadd.f32 v10, v9;
	v10 =	vld.idx.msk [tilespmem:v12+s20+$0x0], $0xffff  }
0x510: {  	v12 =	vor.u32 $0xA, v2;
	v5 =	vadd.f32 v7, v5;
	v7 =	vld [tilespmem:s25+$0x0]  }
0x511: {  	v16 =	vor.u32 $0x2, v17;
	v9 =	vadd.f32 v11, v9;
	v11 =	vld.idx.msk [tilespmem:v18+s20+$0x0], $0xffff  }
0x512: {  	v19 =	vor.u32 $0xB, v2;
	v18 =	vld.idx.msk [tilespmem:v17+s20+$0x0], $0xffff;
	v5 =	vadd.f32 v8, v5  }
0x513: {  	v8 =	vor.u32 $0x3, v17;
	v9 =	vadd.f32 v13, v9;
	v20 =	vld.idx.msk [tilespmem:v14+s20+$0x0], $0xffff  }
0x514: {  	v21 =	vor.u32 $0xC, v2;
	v15 =	vld.idx.msk [tilespmem:v15+s20+$0x0], $0xffff;
	v5 =	vadd.f32 v6, v5  }
0x515: {  	v22 =	vor.u32 $0x4, v17;
	v6 =	vadd.f32 v10, v9;
	v23 =	vld.idx.msk [tilespmem:v12+s20+$0x0], $0xffff  }
0x516: {  	v24 =	vor.u32 $0xD, v2;
	v16 =	vld.idx.msk [tilespmem:v16+s20+$0x0], $0xffff;
	v7 =	vmul.f32 v5, v7;
	vm0 =	vge.f32 v5, $0.0e+00  }
0x517: {  	v25 =	vor.u32 $0x5, v17;
	v6 =	vadd.f32 v11, v6;
	v5 =	vld.idx.msk [tilespmem:v19+s20+$0x0], $0xffff;
	v10 =	vsel vm0, $0x3F800000, v1  }
.Ltmp15:
0x518: {  	v14 =	vor.u32 $0xE, v2;
	v11 =	vadd.f32 $0.0e+00, v18;
	v9 =	vld.idx.msk [tilespmem:v8+s20+$0x0], $0xffff;
	v3 =	vadd.f32 v10, v3;
	(pc) =	sbr.rel @p0 .LBB2_32-.Ltmp15, $4  }
0x519: {  	v13 =	vor.u32 $0x6, v17;
	v4 =	vadd.f32 v7, v4;
	v8 =	vadd.f32 v20, v6;
	v6 =	vld.idx.msk [tilespmem:v21+s20+$0x0], $0xffff  }
0x51a: {  	v11 =	vadd.f32 v15, v11;
	v15 =	vor.u32 $0xF, v2;
	v2 =	vmov v17;
	v10 =	vld.idx.msk [tilespmem:v22+s20+$0x0], $0xffff  }
0x51b: {  	v12 =	vor.u32 $0x7, v2;
	v8 =	vadd.f32 v23, v8;
	v7 =	vld.idx.msk [tilespmem:v24+s20+$0x0], $0xffff  }
0x51c: {  	v17 =	vmov s26;
	s26 =	sadd.s32 $0x10, s26;
	v16 =	vadd.f32 v16, v11;
	v11 =	vld.idx.msk [tilespmem:v25+s20+$0x0], $0xffff  }
0x51d: {  	v17 =	vshll.u32 v17, $0x4  }
0x51e: {  	v17 =	vor.u32 v0, v17;
	_ =	sdelay $0x1  }
0x51f: {  	v18 =	vor.u32 $0x1, v17;
	_ =	sdelay $0x1  }
0x520: {  	v19 =	vor.u32 $0x2, v17  }
0x521: {  	v20 =	vld.idx.msk [tilespmem:v17+s20+$0x0], $0xffff  }
0x522: {  	v21 =	vor.u32 $0x3, v17  }
0x523: {  	v18 =	vld.idx.msk [tilespmem:v18+s20+$0x0], $0xffff  }
0x524: {  	v14 =	vld.idx.msk [tilespmem:v14+s20+$0x0], $0xffff;
	v22 =	vor.u32 $0x4, v17  }
0x525: {  	v19 =	vld.idx.msk [tilespmem:v19+s20+$0x0], $0xffff  }
0x526: {  	v13 =	vld.idx.msk [tilespmem:v13+s20+$0x0], $0xffff;
	v23 =	vor.u32 $0x5, v17;
	v20 =	vadd.f32 $0.0e+00, v20  }
0x527: {  	v21 =	vld.idx.msk [tilespmem:v21+s20+$0x0], $0xffff  }
0x528: {  	v15 =	vld.idx.msk [tilespmem:v15+s20+$0x0], $0xffff;
	v24 =	vor.u32 $0x6, v17;
	v18 =	vadd.f32 v18, v20  }
0x529: {  	v30 =	vor.u32 $0x8, v2;
	v22 =	vld.idx.msk [tilespmem:v22+s20+$0x0], $0xffff  }
0x52a: {  	v12 =	vld.idx.msk [tilespmem:v12+s20+$0x0], $0xffff;
	v9 =	vadd.f32 v9, v16;
	v31 =	vor.u32 $0x7, v17;
	v18 =	vadd.f32 v19, v18  }
0x52b: {  	v32 =	vor.u32 $0x9, v2;
	s25 =	sadd.s32 $0x10, s25;
	v23 =	vld.idx.msk [tilespmem:v23+s20+$0x0], $0xffff  }
0x52c: {  	v33 =	vld [tilespmem:s25+$0x0];
	v25 =	vor.u32 $0x8, v17;
	v9 =	vadd.f32 v10, v9;
	v18 =	vadd.f32 v21, v18  }
0x52d: {  	v34 =	vor.u32 $0xA, v2;
	v24 =	vld.idx.msk [tilespmem:v24+s20+$0x0], $0xffff  }
0x52e: {  	v36 =	vor.u32 $0x9, v17;
	v9 =	vadd.f32 v11, v9;
	v35 =	vld.idx.msk [tilespmem:v30+s20+$0x0], $0xffff;
	v18 =	vadd.f32 v22, v18  }
0x52f: {  	v37 =	vor.u32 $0xB, v2;
	v16 =	vld.idx.msk [tilespmem:v31+s20+$0x0], $0xffff  }
0x530: {  	v39 =	vor.u32 $0xA, v17;
	v38 =	vld.idx.msk [tilespmem:v32+s20+$0x0], $0xffff;
	v9 =	vadd.f32 v13, v9;
	v18 =	vadd.f32 v23, v18  }
0x531: {  	v40 =	vor.u32 $0xC, v2;
	v25 =	vld.idx.msk [tilespmem:v25+s20+$0x0], $0xffff  }
0x532: {  	v42 =	vor.u32 $0xB, v17;
	v41 =	vld.idx.msk [tilespmem:v34+s20+$0x0], $0xffff;
	v9 =	vadd.f32 v12, v9;
	v18 =	vadd.f32 v24, v18  }
0x533: {  	v43 =	vor.u32 $0xD, v2;
	v20 =	vld.idx.msk [tilespmem:v36+s20+$0x0], $0xffff  }
0x534: {  	v45 =	vor.u32 $0xC, v17;
	v44 =	vld.idx.msk [tilespmem:v37+s20+$0x0], $0xffff;
	v9 =	vadd.f32 v35, v9;
	v16 =	vadd.f32 v16, v18  }
0x535: {  	v46 =	vor.u32 $0xE, v2;
	v19 =	vld.idx.msk [tilespmem:v39+s20+$0x0], $0xffff  }
0x536: {  	v48 =	vor.u32 $0xD, v17;
	v47 =	vld.idx.msk [tilespmem:v40+s20+$0x0], $0xffff;
	v9 =	vadd.f32 v38, v9;
	v16 =	vadd.f32 v25, v16  }
0x537: {  	v5 =	vadd.f32 v5, v8;
	v2 =	vor.u32 $0xF, v2;
	v49 =	vld.idx.msk [tilespmem:v42+s20+$0x0], $0xffff  }
0x538: {  	v51 =	vor.u32 $0xE, v17;
	v50 =	vld.idx.msk [tilespmem:v43+s20+$0x0], $0xffff;
	v9 =	vadd.f32 v41, v9;
	v16 =	vadd.f32 v20, v16  }
0x539: {  	v5 =	vadd.f32 v6, v5;
	v52 =	vld.idx.msk [tilespmem:v45+s20+$0x0], $0xffff  }
0x53a: {  	v53 =	vld.idx.msk [tilespmem:v46+s20+$0x0], $0xffff;
	v17 =	vor.u32 $0xF, v17;
	v9 =	vadd.f32 v44, v9;
	v16 =	vadd.f32 v19, v16  }
0x53b: {  	v5 =	vadd.f32 v7, v5;
	v54 =	vld.idx.msk [tilespmem:v48+s20+$0x0], $0xffff  }
0x53c: {  	v2 =	vld.idx.msk [tilespmem:v2+s20+$0x0], $0xffff;
	v9 =	vadd.f32 v47, v9;
	v8 =	vadd.f32 v49, v16  }
0x53d: {  	s25 =	sadd.s32 $0x10, s25;
	v5 =	vadd.f32 v14, v5;
	v55 =	vld.idx.msk [tilespmem:v51+s20+$0x0], $0xffff  }
0x53e: {  	v56 =	vld [tilespmem:s25+$0x0];
	v9 =	vadd.f32 v50, v9;
	v6 =	vadd.f32 v52, v8  }
0x53f: {  	v5 =	vadd.f32 v15, v5;
	v57 =	vld.idx.msk [tilespmem:v17+s20+$0x0], $0xffff  }
0x540: {  	s25 =	sadd.s32 $0x10, s25;
	v9 =	vadd.f32 v53, v9;
	v6 =	vadd.f32 v54, v6  }
0x541: {  	v59 =	vld [tilespmem:s25+$0x0];
	v58 =	vmul.f32 v5, v33  }
0x542: {  	vm0 =	vge.f32 v5, $0.0e+00;
	v2 =	vadd.f32 v2, v9;
	v60 =	vadd.f32 v55, v6  }
0x543: {  	v61 =	vsel vm0, $0x3F800000, v1  }
0x544: {  	v4 =	vadd.f32 v58, v4;
	v62 =	vmul.f32 v2, v56;
	v5 =	vadd.f32 v57, v60  }
0x545: {  	v3 =	vadd.f32 v61, v3;
	vm14 =	vge.f32 v2, $0.0e+00  }
0x546: {  	v2 =	vsel vm14, $0x3F800000, v1;
	v4 =	vadd.f32 v62, v4;
	v63 =	vmul.f32 v5, v59  }
0x547: {  	v2 =	vadd.f32 v2, v3;
	vm15 =	vge.f32 v5, $0.0e+00  }
0x548: {  	v3 =	vsel vm15, $0x3F800000, v1;
	v4 =	vadd.f32 v63, v4  }
0x549: {  	s24 =	sadd.s32 $0x1, s24;
	v2 =	vadd.f32 v3, v2  }
0x54a: {  	p0 =	sne.s32 s24, s8;
	[tilespmem:$0x12800] =	vst v4  }
.Ltmp16:
0x54b: {  	[tilespmem:$0x12810] =	vst v2;
	(pc) =	sbr.rel @p0 .LBB2_1-.Ltmp16, $4  }
0x54c: {  	[hbm4b:s7+s2] =	stream.linear.scatter [tilespmem:s23], [sflag:$0x5], $0x20, $0x38;
	[tilespmem:$0x12820] =	vst v63  }
0x54d: {  	_ =	swait.ge [sflag:s9], $0x20  }
0x54e: {  	[sflag:s9] =	ssyncset.done $0x0  }
0x54f: {  	[sflag:s9] =	ssyncadd.s32 $0xFFFFFFE0  }
0x550: {  	_ =	sfence.sel $0x180000  }
0x551: {  	[bflag:$0x0] =	sbarrier.arrive $0xFFFF  }
0x552: {  	_ =	strace $0x90000047  }
0x553: {  	s0 =	stileid.u32;
	[bflag:$0x2] =	sbarrier.arrive $0xFFFF  }
0x554: {  	p0 =	sne.s32 s0, $0x0;
	s0 =	rddreg [dreg:$0x2]  }
0x555: {  	s0 =	sadd.s32 @!p0 $0x100000, s0  }
0x556: {  	[sflag:s0] =	ssyncadd.tile.s32 @!p0 $0x1;
	_ =	shalt  }
.Lfunc_end2:
_tile_overlayer_lowered:
.L_overlay_start_2:
0x557: {  	(tag) =	ssettag $0x2  }
0x558: {  	s0 =	rddreg [dreg:$0x0];
	s2 =	stileid.u32  }
0x559: {  	s1 =	rddreg [dreg:$0x1];
	p0 =	sne.s32 s2, $0x0  }
0x55a: {  	s3 =	rddreg [dreg:$0x2];
	[bflag:$0x3] =	sbarrier.arrive $0xFFFF;
	s2 =	simm.s32 @!p0 $0x1C05  }
0x55b: {  	[timem:s3], [sflag:s2] =	dma.local @!p0 [hbm:s0], s1  }
0x55c: {  	s0 =	simm.s32 @!p0 $0x5  }
0x55d: {  	_ =	swait.ge @!p0 [sflag:s0], s1  }
0x55e: {  	s1 =	ssub.s32 @!p0 $0x0, s1;
	[sflag:s0] =	ssyncset.done @!p0 $0x0  }
0x55f: {  	[sflag:s0] =	ssyncadd.s32 @!p0 s1  }
0x560: {  	[bflag:$0x3] =	sbarrier.arrive $0xFFFF  }
0x561: {  	_ =	shalt  }

</sc_bundles>
